<compile_context>
chip_gen: v7x
topology: tpu7x:2x2x1
jax: 0.10.2.dev20260603
libtpu: 0.0.44.dev20260713+nightly
codegen_flags: <defaults>
</compile_context>

<pallas_src>
import functools

import jax
import jax.numpy as jnp
from jax import lax
from jax.experimental import pallas as pl
from jax.experimental.pallas import tpu as pltpu
from jax.experimental.pallas import tpu_sc as plsc

_N = 10000
_E = 320000
_D = 128

_NC = 2
_NS = 16
_NW = _NC * _NS
_CHUNK = 120
_NCHUNK = 86
_EPW = _NCHUNK * _CHUNK
_EP = _EPW * _NW
_NPAD = 10112
_RPT = _NPAD // _NS
_NB = 3
_NI = 6
_IPD = 4


def _sc_segment_sum(x, edges4, zeros):
    mesh = plsc.VectorSubcoreMesh(core_axis_name="c", subcore_axis_name="s")

    @functools.partial(
        pl.kernel,
        out_type=jax.ShapeDtypeStruct((_NC, _NPAD, _D), jnp.float32),
        mesh=mesh,
        scratch_types=[
            pltpu.VMEM((_NI, 2, _CHUNK), jnp.int32),
            pltpu.VMEM((_NB, _CHUNK, _D), jnp.float32),
            pltpu.VMEM_SHARED((_NPAD, _D), jnp.float32),
            pltpu.SemaphoreType.DMA((_NI,)),
            pltpu.SemaphoreType.DMA((_NB,)),
            pltpu.SemaphoreType.DMA,
        ],
    )
    def k(x_hbm, e_hbm, z_hbm, out_hbm, idx_v, rows_v, agg_s,
          sem_i, sem_g, sem_s):
        cid = lax.axis_index("c")
        sid = lax.axis_index("s")
        wid = cid * _NS + sid

        def start_idx(c):
            bi = lax.rem(c, _NI)
            pltpu.async_copy(e_hbm.at[wid, c], idx_v.at[bi], sem_i.at[bi])

        def wait_idx(c):
            bi = lax.rem(c, _NI)
            pltpu.make_async_copy(
                e_hbm.at[wid, c], idx_v.at[bi], sem_i.at[bi]).wait()

        def start_gather(c, b):
            bi = lax.rem(c, _NI)
            pltpu.async_copy(
                x_hbm.at[idx_v.at[bi, 0]], rows_v.at[b], sem_g.at[b])

        def wait_gather(c, b):
            bi = lax.rem(c, _NI)
            pltpu.make_async_copy(
                x_hbm.at[idx_v.at[bi, 0]], rows_v.at[b], sem_g.at[b]).wait()

        def start_scatter(c, b):
            bi = lax.rem(c, _NI)
            pltpu.async_copy(
                rows_v.at[b], agg_s.at[idx_v.at[bi, 1]], sem_s, add=True)

        def wait_scatter(c, b):
            bi = lax.rem(c, _NI)
            pltpu.make_async_copy(
                rows_v.at[b], agg_s.at[idx_v.at[bi, 1]], sem_s).wait()

        for c0 in range(_IPD):
            start_idx(c0)
        pltpu.sync_copy(
            z_hbm.at[pl.ds(sid * _RPT, _RPT)],
            agg_s.at[pl.ds(sid * _RPT, _RPT)],
        )
        plsc.subcore_barrier()
        for c0 in range(_NB - 1):
            wait_idx(c0)
            start_gather(c0, c0)

        def body(c, carry):
            b = lax.rem(c, _NB)
            wait_gather(c, b)
            start_scatter(c, b)

            @pl.when(c + _IPD < _NCHUNK)
            def _():
                start_idx(c + _IPD)

            @pl.when(c >= 1)
            def _():
                wait_scatter(c - 1, lax.rem(c - 1, _NB))

            @pl.when(c + _NB - 1 < _NCHUNK)
            def _():
                wait_idx(c + _NB - 1)
                start_gather(c + _NB - 1, lax.rem(c + _NB - 1, _NB))

            return carry

        lax.fori_loop(0, _NCHUNK, body, 0)
        wait_scatter(_NCHUNK - 1, (_NCHUNK - 1) % _NB)
        plsc.subcore_barrier()

        pltpu.sync_copy(
            agg_s.at[pl.ds(sid * _RPT, _RPT)],
            out_hbm.at[cid, pl.ds(sid * _RPT, _RPT)],
        )

    return k(x, edges4, zeros)


def _pad_edges(edge_index):
    pad = _EP - _E
    ar = jnp.arange(pad, dtype=jnp.int32)
    pad_src = ar % _N
    pad_dst = _N + (ar % (_NPAD - _N))
    src = jnp.concatenate([edge_index[0], pad_src])
    dst = jnp.concatenate([edge_index[1], pad_dst])
    e4 = jnp.stack([src, dst]).reshape(2, _NW, _NCHUNK, _CHUNK)
    return e4.transpose(1, 2, 0, 3)


_BLK = 2000
_GRID = _N // _BLK


def _bn(X, imp, gamma, beta):
    def body(x_ref, imp_ref, g_ref, b_ref, o_ref, st_ref):
        p = pl.program_id(0)
        i = pl.program_id(1)
        xp = x_ref[...] * imp_ref[...]

        @pl.when(p == 0)
        def _():
            s1 = jnp.sum(xp, axis=0, keepdims=True)
            s2 = jnp.sum(xp * xp, axis=0, keepdims=True)

            @pl.when(i == 0)
            def _():
                st_ref[0:1] = s1
                st_ref[1:2] = s2

            @pl.when(i != 0)
            def _():
                st_ref[0:1] += s1
                st_ref[1:2] += s2

        @pl.when(p == 1)
        def _():
            inv_n = 1.0 / _N
            mean = st_ref[0:1] * inv_n
            var = st_ref[1:2] * inv_n - mean * mean
            rstd = lax.rsqrt(var + 1e-5)
            scale = rstd * g_ref[...]
            shift = b_ref[...] - mean * scale
            o_ref[...] = xp * scale + shift

    return pl.pallas_call(
        body,
        grid=(2, _GRID),
        in_specs=[
            pl.BlockSpec((_BLK, _D), lambda p, i: (i, 0)),
            pl.BlockSpec((_BLK, 1), lambda p, i: (i, 0)),
            pl.BlockSpec((1, _D), lambda p, i: (0, 0)),
            pl.BlockSpec((1, _D), lambda p, i: (0, 0)),
        ],
        out_specs=pl.BlockSpec((_BLK, _D),
                               lambda p, i: (jnp.where(p == 0, 0, i), 0)),
        out_shape=jax.ShapeDtypeStruct((_N, _D), jnp.float32),
        scratch_shapes=[pltpu.VMEM((2, _D), jnp.float32)],
    )(X, imp, gamma, beta)


_NOUT = 6 * _D


def _gin_first(x, agg, W, b):
    def body(x_ref, a0_ref, a1_ref, w_ref, b_ref, ox_ref, obig_ref):
        h = x_ref[...] + a0_ref[0] + a1_ref[0]
        y = lax.dot_general(h, w_ref[...], (((1,), (1,)), ((), ())),
                            preferred_element_type=jnp.float32)
        y = jnp.tanh(y + b_ref[...])
        ox_ref[...] = y
        obig_ref[...] = y

    return pl.pallas_call(
        body,
        grid=(_GRID,),
        in_specs=[
            pl.BlockSpec((_BLK, _D), lambda i: (i, 0)),
            pl.BlockSpec((1, _BLK, _D), lambda i: (0, i, 0)),
            pl.BlockSpec((1, _BLK, _D), lambda i: (1, i, 0)),
            pl.BlockSpec((_D, _D), lambda i: (0, 0)),
            pl.BlockSpec((1, _D), lambda i: (0, 0)),
        ],
        out_specs=[
            pl.BlockSpec((_BLK, _D), lambda i: (i, 0)),
            pl.BlockSpec((_BLK, _D), lambda i: (i, 0)),
        ],
        out_shape=[
            jax.ShapeDtypeStruct((_N, _D), jnp.float32),
            jax.ShapeDtypeStruct((_N, _NOUT), jnp.float32),
        ],
    )(x, agg, agg, W, b)


def _gin_mid(x, agg, W, b, big, col):
    def body(x_ref, a0_ref, a1_ref, w_ref, b_ref, big_ref, ox_ref, obig_ref):
        h = x_ref[...] + a0_ref[0] + a1_ref[0]
        y = lax.dot_general(h, w_ref[...], (((1,), (1,)), ((), ())),
                            preferred_element_type=jnp.float32)
        y = jnp.tanh(y + b_ref[...])
        ox_ref[...] = y
        obig_ref[...] = y

    return pl.pallas_call(
        body,
        grid=(_GRID,),
        in_specs=[
            pl.BlockSpec((_BLK, _D), lambda i: (i, 0)),
            pl.BlockSpec((1, _BLK, _D), lambda i: (0, i, 0)),
            pl.BlockSpec((1, _BLK, _D), lambda i: (1, i, 0)),
            pl.BlockSpec((_D, _D), lambda i: (0, 0)),
            pl.BlockSpec((1, _D), lambda i: (0, 0)),
            pl.BlockSpec(memory_space=pl.ANY),
        ],
        out_specs=[
            pl.BlockSpec((_BLK, _D), lambda i: (i, 0)),
            pl.BlockSpec((_BLK, _D), lambda i, c=col: (i, c)),
        ],
        out_shape=[
            jax.ShapeDtypeStruct((_N, _D), jnp.float32),
            jax.ShapeDtypeStruct((_N, _NOUT), jnp.float32),
        ],
        input_output_aliases={5: 1},
    )(x, agg, agg, W, b, big)


def _gin_last(x, agg, W, b, Wfc, big):
    def body(x_ref, a0_ref, a1_ref, w_ref, b_ref, wfc_ref, big_ref, obig_ref):
        h = x_ref[...] + a0_ref[0] + a1_ref[0]
        y5 = lax.dot_general(h, w_ref[...], (((1,), (1,)), ((), ())),
                             preferred_element_type=jnp.float32)
        y5 = jnp.tanh(y5 + b_ref[...])
        y6 = lax.dot_general(y5, wfc_ref[...], (((1,), (1,)), ((), ())),
                             preferred_element_type=jnp.float32)
        y6 = jnp.tanh(y6)
        obig_ref[...] = jnp.concatenate([y5, y6], axis=-1)

    return pl.pallas_call(
        body,
        grid=(_GRID,),
        in_specs=[
            pl.BlockSpec((_BLK, _D), lambda i: (i, 0)),
            pl.BlockSpec((1, _BLK, _D), lambda i: (0, i, 0)),
            pl.BlockSpec((1, _BLK, _D), lambda i: (1, i, 0)),
            pl.BlockSpec((_D, _D), lambda i: (0, 0)),
            pl.BlockSpec((1, _D), lambda i: (0, 0)),
            pl.BlockSpec((_D, _D), lambda i: (0, 0)),
            pl.BlockSpec(memory_space=pl.ANY),
        ],
        out_specs=pl.BlockSpec((_BLK, 2 * _D), lambda i: (i, 2)),
        out_shape=jax.ShapeDtypeStruct((_N, _NOUT), jnp.float32),
        input_output_aliases={6: 0},
    )(x, agg, agg, W, b, Wfc, big)


def kernel(X, X_importance, edge_index, bn_gamma, bn_beta,
           W1, b1, W2, b2, W3, b3, W4, b4, W5, b5, Wfc):
    x = _bn(X, X_importance,
            bn_gamma.reshape(1, _D), bn_beta.reshape(1, _D))
    zeros = jnp.zeros((_NPAD, _D), jnp.float32)
    edges4 = _pad_edges(edge_index)
    agg = _sc_segment_sum(x, edges4, zeros)
    x, big = _gin_first(x, agg, W1, b1.reshape(1, _D))
    for col, (W, b) in enumerate(((W2, b2), (W3, b3), (W4, b4)), start=1):
        agg = _sc_segment_sum(x, edges4, zeros)
        x, big = _gin_mid(x, agg, W, b.reshape(1, _D), big, col)
    agg = _sc_segment_sum(x, edges4, zeros)
    return _gin_last(x, agg, W5, b5.reshape(1, _D), Wfc, big)

# --- scband reference (transcript-rebuilt; emitter-appended) ---
"""Pipeline reference for scband-gin-13426067767700 (READ-ONLY COPY).

The authoritative reference and input builder live on the scoring server;
editing this copy changes nothing except your own understanding.
"""

import jax, jax.numpy as jnp
import numpy as np

N = 10000
E = 320000
D = 128


def setup_inputs(seed: int = 0) -> dict:
    key = jax.random.key(seed)
    ks = jax.random.split(key, 20)
    inp = {}
    inp["X"] = jax.random.normal(ks[0], (N, D), dtype=jnp.float32)
    inp["X_importance"] = jax.random.uniform(ks[1], (N, 1), dtype=jnp.float32)
    inp["edge_index"] = jax.random.randint(ks[2], (2, E), 0, N, dtype=jnp.int32)
    # BatchNorm1d(in_channels) affine params (bn1..bn5 exist in torch module but are unused in forward)
    inp["bn_gamma"] = jnp.ones((D,), dtype=jnp.float32)
    inp["bn_beta"] = jnp.zeros((D,), dtype=jnp.float32)
    # Five GINConv MLPs: Linear(D, D) with bias, torch layout W[out, in]
    s = 1.0 / np.sqrt(D)
    for i in range(1, 6):
        inp[f"W{i}"] = jax.random.uniform(ks[2 + 2 * i], (D, D), minval=-s, maxval=s, dtype=jnp.float32)
        inp[f"b{i}"] = jax.random.uniform(ks[3 + 2 * i], (D,), minval=-s, maxval=s, dtype=jnp.float32)
    # fc1: Linear(dim, out_channels, bias=False)
    inp["Wfc"] = jax.random.uniform(ks[15], (D, D), minval=-s, maxval=s, dtype=jnp.float32)
    return inp


def _batchnorm(x, gamma, beta):
    # torch BatchNorm1d in training mode: batch stats, biased variance, eps=1e-5
    mean = jnp.mean(x, axis=0)
    var = jnp.var(x, axis=0)
    return (x - mean) / jnp.sqrt(var + 1e-5) * gamma + beta


def _gin_conv(x, src, dst, W, b):
    # GINConv with eps=0, sum aggregation: nn((1+eps)*x + sum_{j in N(i)} x_j), nn = Linear -> Tanh
    agg = jnp.zeros_like(x).at[dst].add(x[src])
    return jnp.tanh((x + agg) @ W.T + b)


def reference(X, X_importance, edge_index, bn_gamma, bn_beta, W1, b1, W2, b2, W3, b3, W4, b4, W5, b5, Wfc):
    src = edge_index[0]
    dst = edge_index[1]
    x = _batchnorm(X * X_importance, bn_gamma, bn_beta)
    xs = [x]
    for W, b in ((W1, b1), (W2, b2), (W3, b3), (W4, b4), (W5, b5)):
        xs.append(_gin_conv(xs[-1], src, dst, W, b))
    xs.append(jnp.tanh(xs[-1] @ Wfc.T))
    return jnp.concatenate(xs[1:], axis=-1)

if __name__ == "__main__":
    import jax
    _d = setup_inputs()
    print(jax.jit(kernel)(*tuple(_d.values())))

</pallas_src>

<mosaic_0001>
#map = affine_map<(d0, d1) -> (0, 0)>
#map1 = affine_map<(d0, d1) -> (0, 0, 0, 0)>
#map2 = affine_map<(d0, d1) -> (0, 0, 0)>
module attributes {stable_mosaic.version = 14 : i64} {
  func.func @k(%arg0: i32, %arg1: i32, %arg2: memref<10000x128xf32, #tpu.memory_space<hbm>>, %arg3: memref<32x86x2x120xi32, #tpu.memory_space<hbm>>, %arg4: memref<10112x128xf32, #tpu.memory_space<hbm>>, %arg5: memref<2x10112x128xf32, #tpu.memory_space<hbm>>, %arg6: memref<6x2x120xi32, #tpu.memory_space<vmem>>, %arg7: memref<3x120x128xf32, #tpu.memory_space<vmem>>, %arg8: memref<10112x128xf32, #tpu.memory_space<vmem_shared>>, %arg9: memref<6x!tpu.dma_semaphore, #tpu.memory_space<semaphore_mem>>, %arg10: memref<3x!tpu.dma_semaphore, #tpu.memory_space<semaphore_mem>>, %arg11: memref<!tpu.dma_semaphore, #tpu.memory_space<semaphore_mem>>) attributes {dimension_semantics = [#tpu.dimension_semantics<core_parallel>, #tpu.dimension_semantics<subcore_parallel>], iteration_bounds = array<i64: 2, 16>, scalar_prefetch = 0 : i64, scratch_operands = 6 : i64, tpu.core_type = #tpu.core_type<sc_vector_subcore>, window_params = [{transform_indices = #map}, {transform_indices = #map1}, {transform_indices = #map}, {transform_indices = #map2}]} {
    %mul3A = arith.constant 16 : i32
    %mul3A_0 = arith.muli %arg0, %mul3A : i32
    %add3A = arith.addi %mul3A_0, %arg1 : i32
    %rem3A = arith.constant 0 : i32
    %rem3A_1 = arith.constant 6 : i32
    %rem3A_2 = arith.remsi %rem3A, %rem3A_1 : i32
    %dma_start3A = arith.constant 0 : i32
    %dma_start3A_3 = arith.constant 0 : i32
    %dma_start3A_4 = arith.constant 0 : i32
    %dma_start3A_5 = tpu.memref_slice %arg6[%rem3A_2, %dma_start3A_3, %dma_start3A_4] : memref<6x2x120xi32, #tpu.memory_space<vmem>> -> memref<1x2x120xi32, #tpu.memory_space<vmem>>
    %dma_start3A_6 = tpu.memref_squeeze %dma_start3A_5 : memref<1x2x120xi32, #tpu.memory_space<vmem>> -> memref<2x120xi32, #tpu.memory_space<vmem>>
    %dma_start3A_7 = arith.constant 0 : i32
    %dma_start3A_8 = arith.constant 0 : i32
    %dma_start3A_9 = tpu.memref_slice %arg3[%add3A, %dma_start3A, %dma_start3A_7, %dma_start3A_8] : memref<32x86x2x120xi32, #tpu.memory_space<hbm>> -> memref<1x1x2x120xi32, #tpu.memory_space<hbm>>
    %dma_start3A_10 = tpu.memref_squeeze %dma_start3A_9 : memref<1x1x2x120xi32, #tpu.memory_space<hbm>> -> memref<2x120xi32, #tpu.memory_space<hbm>>
    %dma_start3A_11 = tpu.memref_slice %arg9[%rem3A_2] : memref<6x!tpu.dma_semaphore, #tpu.memory_space<semaphore_mem>> -> memref<1x!tpu.dma_semaphore, #tpu.memory_space<semaphore_mem>>
    %dma_start3A_12 = tpu.memref_squeeze %dma_start3A_11 : memref<1x!tpu.dma_semaphore, #tpu.memory_space<semaphore_mem>> -> memref<!tpu.dma_semaphore, #tpu.memory_space<semaphore_mem>>
    %dma_start3A_13 = arith.constant 0 : i32
    %dma_start3A_14 = arith.constant 0 : i32
    %dma_start3A_15 = tpu.memref_slice %arg6[%rem3A_2, %dma_start3A_13, %dma_start3A_14] : memref<6x2x120xi32, #tpu.memory_space<vmem>> -> memref<1x2x120xi32, #tpu.memory_space<vmem>>
    %dma_start3A_16 = tpu.memref_squeeze %dma_start3A_15 : memref<1x2x120xi32, #tpu.memory_space<vmem>> -> memref<2x120xi32, #tpu.memory_space<vmem>>
    %dma_start3A_17 = arith.constant 0 : i32
    %dma_start3A_18 = arith.constant 0 : i32
    %dma_start3A_19 = tpu.memref_slice %arg3[%add3A, %dma_start3A, %dma_start3A_17, %dma_start3A_18] : memref<32x86x2x120xi32, #tpu.memory_space<hbm>> -> memref<1x1x2x120xi32, #tpu.memory_space<hbm>>
    %dma_start3A_20 = tpu.memref_squeeze %dma_start3A_19 : memref<1x1x2x120xi32, #tpu.memory_space<hbm>> -> memref<2x120xi32, #tpu.memory_space<hbm>>
    tpu.enqueue_dma source(%dma_start3A_20 : memref<2x120xi32, #tpu.memory_space<hbm>>) target(%dma_start3A_16 : memref<2x120xi32, #tpu.memory_space<vmem>>) target_semaphore(%dma_start3A_12 : memref<!tpu.dma_semaphore, #tpu.memory_space<semaphore_mem>>)
    %rem3A_21 = arith.constant 1 : i32
    %rem3A_22 = arith.constant 6 : i32
    %rem3A_23 = arith.remsi %rem3A_21, %rem3A_22 : i32
    %dma_start3A_24 = arith.constant 1 : i32
    %dma_start3A_25 = arith.constant 0 : i32
    %dma_start3A_26 = arith.constant 0 : i32
    %dma_start3A_27 = tpu.memref_slice %arg6[%rem3A_23, %dma_start3A_25, %dma_start3A_26] : memref<6x2x120xi32, #tpu.memory_space<vmem>> -> memref<1x2x120xi32, #tpu.memory_space<vmem>>
    %dma_start3A_28 = tpu.memref_squeeze %dma_start3A_27 : memref<1x2x120xi32, #tpu.memory_space<vmem>> -> memref<2x120xi32, #tpu.memory_space<vmem>>
    %dma_start3A_29 = arith.constant 0 : i32
    %dma_start3A_30 = arith.constant 0 : i32
    %dma_start3A_31 = tpu.memref_slice %arg3[%add3A, %dma_start3A_24, %dma_start3A_29, %dma_start3A_30] : memref<32x86x2x120xi32, #tpu.memory_space<hbm>> -> memref<1x1x2x120xi32, #tpu.memory_space<hbm>>
    %dma_start3A_32 = tpu.memref_squeeze %dma_start3A_31 : memref<1x1x2x120xi32, #tpu.memory_space<hbm>> -> memref<2x120xi32, #tpu.memory_space<hbm>>
    %dma_start3A_33 = tpu.memref_slice %arg9[%rem3A_23] : memref<6x!tpu.dma_semaphore, #tpu.memory_space<semaphore_mem>> -> memref<1x!tpu.dma_semaphore, #tpu.memory_space<semaphore_mem>>
    %dma_start3A_34 = tpu.memref_squeeze %dma_start3A_33 : memref<1x!tpu.dma_semaphore, #tpu.memory_space<semaphore_mem>> -> memref<!tpu.dma_semaphore, #tpu.memory_space<semaphore_mem>>
    %dma_start3A_35 = arith.constant 0 : i32
    %dma_start3A_36 = arith.constant 0 : i32
    %dma_start3A_37 = tpu.memref_slice %arg6[%rem3A_23, %dma_start3A_35, %dma_start3A_36] : memref<6x2x120xi32, #tpu.memory_space<vmem>> -> memref<1x2x120xi32, #tpu.memory_space<vmem>>
    %dma_start3A_38 = tpu.memref_squeeze %dma_start3A_37 : memref<1x2x120xi32, #tpu.memory_space<vmem>> -> memref<2x120xi32, #tpu.memory_space<vmem>>
    %dma_start3A_39 = arith.constant 0 : i32
    %dma_start3A_40 = arith.constant 0 : i32
    %dma_start3A_41 = tpu.memref_slice %arg3[%add3A, %dma_start3A_24, %dma_start3A_39, %dma_start3A_40] : memref<32x86x2x120xi32, #tpu.memory_space<hbm>> -> memref<1x1x2x120xi32, #tpu.memory_space<hbm>>
    %dma_start3A_42 = tpu.memref_squeeze %dma_start3A_41 : memref<1x1x2x120xi32, #tpu.memory_space<hbm>> -> memref<2x120xi32, #tpu.memory_space<hbm>>
    tpu.enqueue_dma source(%dma_start3A_42 : memref<2x120xi32, #tpu.memory_space<hbm>>) target(%dma_start3A_38 : memref<2x120xi32, #tpu.memory_space<vmem>>) target_semaphore(%dma_start3A_34 : memref<!tpu.dma_semaphore, #tpu.memory_space<semaphore_mem>>)
    %rem3A_43 = arith.constant 2 : i32
    %rem3A_44 = arith.constant 6 : i32
    %rem3A_45 = arith.remsi %rem3A_43, %rem3A_44 : i32
    %dma_start3A_46 = arith.constant 2 : i32
    %dma_start3A_47 = arith.constant 0 : i32
    %dma_start3A_48 = arith.constant 0 : i32
    %dma_start3A_49 = tpu.memref_slice %arg6[%rem3A_45, %dma_start3A_47, %dma_start3A_48] : memref<6x2x120xi32, #tpu.memory_space<vmem>> -> memref<1x2x120xi32, #tpu.memory_space<vmem>>
    %dma_start3A_50 = tpu.memref_squeeze %dma_start3A_49 : memref<1x2x120xi32, #tpu.memory_space<vmem>> -> memref<2x120xi32, #tpu.memory_space<vmem>>
    %dma_start3A_51 = arith.constant 0 : i32
    %dma_start3A_52 = arith.constant 0 : i32
    %dma_start3A_53 = tpu.memref_slice %arg3[%add3A, %dma_start3A_46, %dma_start3A_51, %dma_start3A_52] : memref<32x86x2x120xi32, #tpu.memory_space<hbm>> -> memref<1x1x2x120xi32, #tpu.memory_space<hbm>>
    %dma_start3A_54 = tpu.memref_squeeze %dma_start3A_53 : memref<1x1x2x120xi32, #tpu.memory_space<hbm>> -> memref<2x120xi32, #tpu.memory_space<hbm>>
    %dma_start3A_55 = tpu.memref_slice %arg9[%rem3A_45] : memref<6x!tpu.dma_semaphore, #tpu.memory_space<semaphore_mem>> -> memref<1x!tpu.dma_semaphore, #tpu.memory_space<semaphore_mem>>
    %dma_start3A_56 = tpu.memref_squeeze %dma_start3A_55 : memref<1x!tpu.dma_semaphore, #tpu.memory_space<semaphore_mem>> -> memref<!tpu.dma_semaphore, #tpu.memory_space<semaphore_mem>>
    %dma_start3A_57 = arith.constant 0 : i32
    %dma_start3A_58 = arith.constant 0 : i32
    %dma_start3A_59 = tpu.memref_slice %arg6[%rem3A_45, %dma_start3A_57, %dma_start3A_58] : memref<6x2x120xi32, #tpu.memory_space<vmem>> -> memref<1x2x120xi32, #tpu.memory_space<vmem>>
    %dma_start3A_60 = tpu.memref_squeeze %dma_start3A_59 : memref<1x2x120xi32, #tpu.memory_space<vmem>> -> memref<2x120xi32, #tpu.memory_space<vmem>>
    %dma_start3A_61 = arith.constant 0 : i32
    %dma_start3A_62 = arith.constant 0 : i32
    %dma_start3A_63 = tpu.memref_slice %arg3[%add3A, %dma_start3A_46, %dma_start3A_61, %dma_start3A_62] : memref<32x86x2x120xi32, #tpu.memory_space<hbm>> -> memref<1x1x2x120xi32, #tpu.memory_space<hbm>>
    %dma_start3A_64 = tpu.memref_squeeze %dma_start3A_63 : memref<1x1x2x120xi32, #tpu.memory_space<hbm>> -> memref<2x120xi32, #tpu.memory_space<hbm>>
    tpu.enqueue_dma source(%dma_start3A_64 : memref<2x120xi32, #tpu.memory_space<hbm>>) target(%dma_start3A_60 : memref<2x120xi32, #tpu.memory_space<vmem>>) target_semaphore(%dma_start3A_56 : memref<!tpu.dma_semaphore, #tpu.memory_space<semaphore_mem>>)
    %rem3A_65 = arith.constant 3 : i32
    %rem3A_66 = arith.constant 6 : i32
    %rem3A_67 = arith.remsi %rem3A_65, %rem3A_66 : i32
    %dma_start3A_68 = arith.constant 3 : i32
    %dma_start3A_69 = arith.constant 0 : i32
    %dma_start3A_70 = arith.constant 0 : i32
    %dma_start3A_71 = tpu.memref_slice %arg6[%rem3A_67, %dma_start3A_69, %dma_start3A_70] : memref<6x2x120xi32, #tpu.memory_space<vmem>> -> memref<1x2x120xi32, #tpu.memory_space<vmem>>
    %dma_start3A_72 = tpu.memref_squeeze %dma_start3A_71 : memref<1x2x120xi32, #tpu.memory_space<vmem>> -> memref<2x120xi32, #tpu.memory_space<vmem>>
    %dma_start3A_73 = arith.constant 0 : i32
    %dma_start3A_74 = arith.constant 0 : i32
    %dma_start3A_75 = tpu.memref_slice %arg3[%add3A, %dma_start3A_68, %dma_start3A_73, %dma_start3A_74] : memref<32x86x2x120xi32, #tpu.memory_space<hbm>> -> memref<1x1x2x120xi32, #tpu.memory_space<hbm>>
    %dma_start3A_76 = tpu.memref_squeeze %dma_start3A_75 : memref<1x1x2x120xi32, #tpu.memory_space<hbm>> -> memref<2x120xi32, #tpu.memory_space<hbm>>
    %dma_start3A_77 = tpu.memref_slice %arg9[%rem3A_67] : memref<6x!tpu.dma_semaphore, #tpu.memory_space<semaphore_mem>> -> memref<1x!tpu.dma_semaphore, #tpu.memory_space<semaphore_mem>>
    %dma_start3A_78 = tpu.memref_squeeze %dma_start3A_77 : memref<1x!tpu.dma_semaphore, #tpu.memory_space<semaphore_mem>> -> memref<!tpu.dma_semaphore, #tpu.memory_space<semaphore_mem>>
    %dma_start3A_79 = arith.constant 0 : i32
    %dma_start3A_80 = arith.constant 0 : i32
    %dma_start3A_81 = tpu.memref_slice %arg6[%rem3A_67, %dma_start3A_79, %dma_start3A_80] : memref<6x2x120xi32, #tpu.memory_space<vmem>> -> memref<1x2x120xi32, #tpu.memory_space<vmem>>
    %dma_start3A_82 = tpu.memref_squeeze %dma_start3A_81 : memref<1x2x120xi32, #tpu.memory_space<vmem>> -> memref<2x120xi32, #tpu.memory_space<vmem>>
    %dma_start3A_83 = arith.constant 0 : i32
    %dma_start3A_84 = arith.constant 0 : i32
    %dma_start3A_85 = tpu.memref_slice %arg3[%add3A, %dma_start3A_68, %dma_start3A_83, %dma_start3A_84] : memref<32x86x2x120xi32, #tpu.memory_space<hbm>> -> memref<1x1x2x120xi32, #tpu.memory_space<hbm>>
    %dma_start3A_86 = tpu.memref_squeeze %dma_start3A_85 : memref<1x1x2x120xi32, #tpu.memory_space<hbm>> -> memref<2x120xi32, #tpu.memory_space<hbm>>
    tpu.enqueue_dma source(%dma_start3A_86 : memref<2x120xi32, #tpu.memory_space<hbm>>) target(%dma_start3A_82 : memref<2x120xi32, #tpu.memory_space<vmem>>) target_semaphore(%dma_start3A_78 : memref<!tpu.dma_semaphore, #tpu.memory_space<semaphore_mem>>)
    %mul3A_87 = arith.constant 632 : i32
    %mul3A_88 = arith.muli %arg1, %mul3A_87 : i32
    %mul3A_89 = arith.constant 632 : i32
    %mul3A_90 = arith.muli %arg1, %mul3A_89 : i32
    "tpu.region"() ({
      %run_scoped3A = tpu.sem_alloc : memref<!tpu.dma_semaphore, #tpu.memory_space<semaphore_mem>>
      %dma_start3A_195 = arith.constant 0 : i32
      %dma_start3A_196 = tpu.memref_slice %arg8[%mul3A_90, %dma_start3A_195] : memref<10112x128xf32, #tpu.memory_space<vmem_shared>> -> memref<632x128xf32, #tpu.memory_space<vmem_shared>>
      %dma_start3A_197 = arith.constant 0 : i32
      %dma_start3A_198 = tpu.memref_slice %arg4[%mul3A_88, %dma_start3A_197] : memref<10112x128xf32, #tpu.memory_space<hbm>> -> memref<632x128xf32, #tpu.memory_space<hbm>>
      tpu.enqueue_dma source(%dma_start3A_198 : memref<632x128xf32, #tpu.memory_space<hbm>>) target(%dma_start3A_196 : memref<632x128xf32, #tpu.memory_space<vmem_shared>>) target_semaphore(%run_scoped3A : memref<!tpu.dma_semaphore, #tpu.memory_space<semaphore_mem>>)
      %dma_wait3A_199 = arith.constant 0 : i32
      %dma_wait3A_200 = tpu.memref_slice %arg8[%mul3A_90, %dma_wait3A_199] : memref<10112x128xf32, #tpu.memory_space<vmem_shared>> -> memref<632x128xf32, #tpu.memory_space<vmem_shared>>
      %dma_wait3A_201 = arith.constant 0 : i32
      %dma_wait3A_202 = tpu.memref_slice %arg4[%mul3A_88, %dma_wait3A_201] : memref<10112x128xf32, #tpu.memory_space<hbm>> -> memref<632x128xf32, #tpu.memory_space<hbm>>
      tpu.wait_dma2 semaphore(%run_scoped3A : memref<!tpu.dma_semaphore, #tpu.memory_space<semaphore_mem>>) src(%dma_wait3A_202 : memref<632x128xf32, #tpu.memory_space<hbm>>) dst(%dma_wait3A_200 : memref<632x128xf32, #tpu.memory_space<vmem_shared>>)
      tpu.yield
    }) : () -> ()
    %barrier3A = arith.constant 0 : index
    tpu.barrier barrier_id(%barrier3A)
    %rem3A_91 = arith.constant 0 : i32
    %rem3A_92 = arith.constant 6 : i32
    %rem3A_93 = arith.remsi %rem3A_91, %rem3A_92 : i32
    %dma_wait3A = arith.constant 0 : i32
    %dma_wait3A_94 = arith.constant 0 : i32
    %dma_wait3A_95 = arith.constant 0 : i32
    %dma_wait3A_96 = tpu.memref_slice %arg6[%rem3A_93, %dma_wait3A_94, %dma_wait3A_95] : memref<6x2x120xi32, #tpu.memory_space<vmem>> -> memref<1x2x120xi32, #tpu.memory_space<vmem>>
    %dma_wait3A_97 = tpu.memref_squeeze %dma_wait3A_96 : memref<1x2x120xi32, #tpu.memory_space<vmem>> -> memref<2x120xi32, #tpu.memory_space<vmem>>
    %dma_wait3A_98 = arith.constant 0 : i32
    %dma_wait3A_99 = arith.constant 0 : i32
    %dma_wait3A_100 = tpu.memref_slice %arg3[%add3A, %dma_wait3A, %dma_wait3A_98, %dma_wait3A_99] : memref<32x86x2x120xi32, #tpu.memory_space<hbm>> -> memref<1x1x2x120xi32, #tpu.memory_space<hbm>>
    %dma_wait3A_101 = tpu.memref_squeeze %dma_wait3A_100 : memref<1x1x2x120xi32, #tpu.memory_space<hbm>> -> memref<2x120xi32, #tpu.memory_space<hbm>>
    %dma_wait3A_102 = tpu.memref_slice %arg9[%rem3A_93] : memref<6x!tpu.dma_semaphore, #tpu.memory_space<semaphore_mem>> -> memref<1x!tpu.dma_semaphore, #tpu.memory_space<semaphore_mem>>
    %dma_wait3A_103 = tpu.memref_squeeze %dma_wait3A_102 : memref<1x!tpu.dma_semaphore, #tpu.memory_space<semaphore_mem>> -> memref<!tpu.dma_semaphore, #tpu.memory_space<semaphore_mem>>
    %dma_wait3A_104 = arith.constant 0 : i32
    %dma_wait3A_105 = arith.constant 0 : i32
    %dma_wait3A_106 = tpu.memref_slice %arg6[%rem3A_93, %dma_wait3A_104, %dma_wait3A_105] : memref<6x2x120xi32, #tpu.memory_space<vmem>> -> memref<1x2x120xi32, #tpu.memory_space<vmem>>
    %dma_wait3A_107 = tpu.memref_squeeze %dma_wait3A_106 : memref<1x2x120xi32, #tpu.memory_space<vmem>> -> memref<2x120xi32, #tpu.memory_space<vmem>>
    %dma_wait3A_108 = arith.constant 0 : i32
    %dma_wait3A_109 = arith.constant 0 : i32
    %dma_wait3A_110 = tpu.memref_slice %arg3[%add3A, %dma_wait3A, %dma_wait3A_108, %dma_wait3A_109] : memref<32x86x2x120xi32, #tpu.memory_space<hbm>> -> memref<1x1x2x120xi32, #tpu.memory_space<hbm>>
    %dma_wait3A_111 = tpu.memref_squeeze %dma_wait3A_110 : memref<1x1x2x120xi32, #tpu.memory_space<hbm>> -> memref<2x120xi32, #tpu.memory_space<hbm>>
    tpu.wait_dma2 semaphore(%dma_wait3A_103 : memref<!tpu.dma_semaphore, #tpu.memory_space<semaphore_mem>>) src(%dma_wait3A_111 : memref<2x120xi32, #tpu.memory_space<hbm>>) dst(%dma_wait3A_107 : memref<2x120xi32, #tpu.memory_space<vmem>>)
    %rem3A_112 = arith.constant 0 : i32
    %rem3A_113 = arith.constant 6 : i32
    %rem3A_114 = arith.remsi %rem3A_112, %rem3A_113 : i32
    %dma_start3A_115 = arith.constant 0 : i32
    %dma_start3A_116 = arith.constant 0 : i32
    %dma_start3A_117 = arith.constant 0 : i32
    %dma_start3A_118 = arith.constant 0 : i32
    %dma_start3A_119 = arith.constant 0 : i32
    %dma_start3A_120 = tpu.memref_slice %arg7[%dma_start3A_116, %dma_start3A_118, %dma_start3A_119] : memref<3x120x128xf32, #tpu.memory_space<vmem>> -> memref<1x120x128xf32, #tpu.memory_space<vmem>>
    %dma_start3A_121 = tpu.memref_squeeze %dma_start3A_120 : memref<1x120x128xf32, #tpu.memory_space<vmem>> -> memref<120x128xf32, #tpu.memory_space<vmem>>
    %dma_start3A_122 = arith.constant 0 : i32
    %dma_start3A_123 = tpu.memref_slice %arg6[%rem3A_114, %dma_start3A_115, %dma_start3A_122] : memref<6x2x120xi32, #tpu.memory_space<vmem>> -> memref<1x1x120xi32, #tpu.memory_space<vmem>>
    %dma_start3A_124 = tpu.memref_squeeze %dma_start3A_123 : memref<1x1x120xi32, #tpu.memory_space<vmem>> -> memref<120xi32, #tpu.memory_space<vmem>>
    %dma_start3A_125 = arith.constant 0 : i32
    %dma_start3A_126 = arith.constant 0 : i32
    %dma_start3A_127 = tpu.memref_slice %arg2[%dma_start3A_125, %dma_start3A_126] : memref<10000x128xf32, #tpu.memory_space<hbm>> -> memref<10000x128xf32, #tpu.memory_space<hbm>>
    %dma_start3A_128 = tpu.memref_slice %arg10[%dma_start3A_117] : memref<3x!tpu.dma_semaphore, #tpu.memory_space<semaphore_mem>> -> memref<1x!tpu.dma_semaphore, #tpu.memory_space<semaphore_mem>>
    %dma_start3A_129 = tpu.memref_squeeze %dma_start3A_128 : memref<1x!tpu.dma_semaphore, #tpu.memory_space<semaphore_mem>> -> memref<!tpu.dma_semaphore, #tpu.memory_space<semaphore_mem>>
    tpu.enqueue_indirect_dma source(%dma_start3A_127 : memref<10000x128xf32, #tpu.memory_space<hbm>>) target(%dma_start3A_121 : memref<120x128xf32, #tpu.memory_space<vmem>>) offsets(%dma_start3A_124 : memref<120xi32, #tpu.memory_space<vmem>>) semaphore(%dma_start3A_129 : memref<!tpu.dma_semaphore, #tpu.memory_space<semaphore_mem>>)
    %rem3A_130 = arith.constant 1 : i32
    %rem3A_131 = arith.constant 6 : i32
    %rem3A_132 = arith.remsi %rem3A_130, %rem3A_131 : i32
    %dma_wait3A_133 = arith.constant 1 : i32
    %dma_wait3A_134 = arith.constant 0 : i32
    %dma_wait3A_135 = arith.constant 0 : i32
    %dma_wait3A_136 = tpu.memref_slice %arg6[%rem3A_132, %dma_wait3A_134, %dma_wait3A_135] : memref<6x2x120xi32, #tpu.memory_space<vmem>> -> memref<1x2x120xi32, #tpu.memory_space<vmem>>
    %dma_wait3A_137 = tpu.memref_squeeze %dma_wait3A_136 : memref<1x2x120xi32, #tpu.memory_space<vmem>> -> memref<2x120xi32, #tpu.memory_space<vmem>>
    %dma_wait3A_138 = arith.constant 0 : i32
    %dma_wait3A_139 = arith.constant 0 : i32
    %dma_wait3A_140 = tpu.memref_slice %arg3[%add3A, %dma_wait3A_133, %dma_wait3A_138, %dma_wait3A_139] : memref<32x86x2x120xi32, #tpu.memory_space<hbm>> -> memref<1x1x2x120xi32, #tpu.memory_space<hbm>>
    %dma_wait3A_141 = tpu.memref_squeeze %dma_wait3A_140 : memref<1x1x2x120xi32, #tpu.memory_space<hbm>> -> memref<2x120xi32, #tpu.memory_space<hbm>>
    %dma_wait3A_142 = tpu.memref_slice %arg9[%rem3A_132] : memref<6x!tpu.dma_semaphore, #tpu.memory_space<semaphore_mem>> -> memref<1x!tpu.dma_semaphore, #tpu.memory_space<semaphore_mem>>
    %dma_wait3A_143 = tpu.memref_squeeze %dma_wait3A_142 : memref<1x!tpu.dma_semaphore, #tpu.memory_space<semaphore_mem>> -> memref<!tpu.dma_semaphore, #tpu.memory_space<semaphore_mem>>
    %dma_wait3A_144 = arith.constant 0 : i32
    %dma_wait3A_145 = arith.constant 0 : i32
    %dma_wait3A_146 = tpu.memref_slice %arg6[%rem3A_132, %dma_wait3A_144, %dma_wait3A_145] : memref<6x2x120xi32, #tpu.memory_space<vmem>> -> memref<1x2x120xi32, #tpu.memory_space<vmem>>
    %dma_wait3A_147 = tpu.memref_squeeze %dma_wait3A_146 : memref<1x2x120xi32, #tpu.memory_space<vmem>> -> memref<2x120xi32, #tpu.memory_space<vmem>>
    %dma_wait3A_148 = arith.constant 0 : i32
    %dma_wait3A_149 = arith.constant 0 : i32
    %dma_wait3A_150 = tpu.memref_slice %arg3[%add3A, %dma_wait3A_133, %dma_wait3A_148, %dma_wait3A_149] : memref<32x86x2x120xi32, #tpu.memory_space<hbm>> -> memref<1x1x2x120xi32, #tpu.memory_space<hbm>>
    %dma_wait3A_151 = tpu.memref_squeeze %dma_wait3A_150 : memref<1x1x2x120xi32, #tpu.memory_space<hbm>> -> memref<2x120xi32, #tpu.memory_space<hbm>>
    tpu.wait_dma2 semaphore(%dma_wait3A_143 : memref<!tpu.dma_semaphore, #tpu.memory_space<semaphore_mem>>) src(%dma_wait3A_151 : memref<2x120xi32, #tpu.memory_space<hbm>>) dst(%dma_wait3A_147 : memref<2x120xi32, #tpu.memory_space<vmem>>)
    %rem3A_152 = arith.constant 1 : i32
    %rem3A_153 = arith.constant 6 : i32
    %rem3A_154 = arith.remsi %rem3A_152, %rem3A_153 : i32
    %dma_start3A_155 = arith.constant 0 : i32
    %dma_start3A_156 = arith.constant 1 : i32
    %dma_start3A_157 = arith.constant 1 : i32
    %dma_start3A_158 = arith.constant 0 : i32
    %dma_start3A_159 = arith.constant 0 : i32
    %dma_start3A_160 = tpu.memref_slice %arg7[%dma_start3A_156, %dma_start3A_158, %dma_start3A_159] : memref<3x120x128xf32, #tpu.memory_space<vmem>> -> memref<1x120x128xf32, #tpu.memory_space<vmem>>
    %dma_start3A_161 = tpu.memref_squeeze %dma_start3A_160 : memref<1x120x128xf32, #tpu.memory_space<vmem>> -> memref<120x128xf32, #tpu.memory_space<vmem>>
    %dma_start3A_162 = arith.constant 0 : i32
    %dma_start3A_163 = tpu.memref_slice %arg6[%rem3A_154, %dma_start3A_155, %dma_start3A_162] : memref<6x2x120xi32, #tpu.memory_space<vmem>> -> memref<1x1x120xi32, #tpu.memory_space<vmem>>
    %dma_start3A_164 = tpu.memref_squeeze %dma_start3A_163 : memref<1x1x120xi32, #tpu.memory_space<vmem>> -> memref<120xi32, #tpu.memory_space<vmem>>
    %dma_start3A_165 = arith.constant 0 : i32
    %dma_start3A_166 = arith.constant 0 : i32
    %dma_start3A_167 = tpu.memref_slice %arg2[%dma_start3A_165, %dma_start3A_166] : memref<10000x128xf32, #tpu.memory_space<hbm>> -> memref<10000x128xf32, #tpu.memory_space<hbm>>
    %dma_start3A_168 = tpu.memref_slice %arg10[%dma_start3A_157] : memref<3x!tpu.dma_semaphore, #tpu.memory_space<semaphore_mem>> -> memref<1x!tpu.dma_semaphore, #tpu.memory_space<semaphore_mem>>
    %dma_start3A_169 = tpu.memref_squeeze %dma_start3A_168 : memref<1x!tpu.dma_semaphore, #tpu.memory_space<semaphore_mem>> -> memref<!tpu.dma_semaphore, #tpu.memory_space<semaphore_mem>>
    tpu.enqueue_indirect_dma source(%dma_start3A_167 : memref<10000x128xf32, #tpu.memory_space<hbm>>) target(%dma_start3A_161 : memref<120x128xf32, #tpu.memory_space<vmem>>) offsets(%dma_start3A_164 : memref<120xi32, #tpu.memory_space<vmem>>) semaphore(%dma_start3A_169 : memref<!tpu.dma_semaphore, #tpu.memory_space<semaphore_mem>>)
    %scan3A = arith.constant 0 : i32
    %scan3A_170 = arith.constant 0 : i32
    %scan3A_171 = arith.constant 86 : i32
    %scan3A_172 = arith.addi %scan3A_170, %scan3A_171 : i32
    %scan3A_173 = arith.constant 1 : i32
    scf.for %scan3A_195 = %scan3A_170 to %scan3A_172 step %scan3A_173  : i32 {
      %rem3A_196 = arith.constant 3 : i32
      %rem3A_197 = arith.remsi %scan3A_195, %rem3A_196 : i32
      %rem3A_198 = arith.constant 6 : i32
      %rem3A_199 = arith.remsi %scan3A_195, %rem3A_198 : i32
      %dma_wait3A_200 = arith.constant 0 : i32
      %dma_wait3A_201 = arith.constant 0 : i32
      %dma_wait3A_202 = arith.constant 0 : i32
      %dma_wait3A_203 = tpu.memref_slice %arg7[%rem3A_197, %dma_wait3A_201, %dma_wait3A_202] : memref<3x120x128xf32, #tpu.memory_space<vmem>> -> memref<1x120x128xf32, #tpu.memory_space<vmem>>
      %dma_wait3A_204 = tpu.memref_squeeze %dma_wait3A_203 : memref<1x120x128xf32, #tpu.memory_space<vmem>> -> memref<120x128xf32, #tpu.memory_space<vmem>>
      %dma_wait3A_205 = arith.constant 0 : i32
      %dma_wait3A_206 = tpu.memref_slice %arg6[%rem3A_199, %dma_wait3A_200, %dma_wait3A_205] : memref<6x2x120xi32, #tpu.memory_space<vmem>> -> memref<1x1x120xi32, #tpu.memory_space<vmem>>
      %dma_wait3A_207 = tpu.memref_squeeze %dma_wait3A_206 : memref<1x1x120xi32, #tpu.memory_space<vmem>> -> memref<120xi32, #tpu.memory_space<vmem>>
      %dma_wait3A_208 = arith.constant 0 : i32
      %dma_wait3A_209 = arith.constant 0 : i32
      %dma_wait3A_210 = tpu.memref_slice %arg2[%dma_wait3A_208, %dma_wait3A_209] : memref<10000x128xf32, #tpu.memory_space<hbm>> -> memref<10000x128xf32, #tpu.memory_space<hbm>>
      %dma_wait3A_211 = tpu.memref_slice %arg10[%rem3A_197] : memref<3x!tpu.dma_semaphore, #tpu.memory_space<semaphore_mem>> -> memref<1x!tpu.dma_semaphore, #tpu.memory_space<semaphore_mem>>
      %dma_wait3A_212 = tpu.memref_squeeze %dma_wait3A_211 : memref<1x!tpu.dma_semaphore, #tpu.memory_space<semaphore_mem>> -> memref<!tpu.dma_semaphore, #tpu.memory_space<semaphore_mem>>
      tpu.wait_indirect_dma semaphore(%dma_wait3A_212 : memref<!tpu.dma_semaphore, #tpu.memory_space<semaphore_mem>>) src(%dma_wait3A_210 : memref<10000x128xf32, #tpu.memory_space<hbm>>) dst(%dma_wait3A_204 : memref<120x128xf32, #tpu.memory_space<vmem>>)
      %rem3A_213 = arith.constant 6 : i32
      %rem3A_214 = arith.remsi %scan3A_195, %rem3A_213 : i32
      %dma_start3A_215 = arith.constant 1 : i32
      %dma_start3A_216 = arith.constant 0 : i32
      %dma_start3A_217 = arith.constant 0 : i32
      %dma_start3A_218 = tpu.memref_slice %arg7[%rem3A_197, %dma_start3A_216, %dma_start3A_217] : memref<3x120x128xf32, #tpu.memory_space<vmem>> -> memref<1x120x128xf32, #tpu.memory_space<vmem>>
      %dma_start3A_219 = tpu.memref_squeeze %dma_start3A_218 : memref<1x120x128xf32, #tpu.memory_space<vmem>> -> memref<120x128xf32, #tpu.memory_space<vmem>>
      %dma_start3A_220 = arith.constant 0 : i32
      %dma_start3A_221 = tpu.memref_slice %arg6[%rem3A_214, %dma_start3A_215, %dma_start3A_220] : memref<6x2x120xi32, #tpu.memory_space<vmem>> -> memref<1x1x120xi32, #tpu.memory_space<vmem>>
      %dma_start3A_222 = tpu.memref_squeeze %dma_start3A_221 : memref<1x1x120xi32, #tpu.memory_space<vmem>> -> memref<120xi32, #tpu.memory_space<vmem>>
      %dma_start3A_223 = arith.constant 0 : i32
      %dma_start3A_224 = arith.constant 0 : i32
      %dma_start3A_225 = tpu.memref_slice %arg8[%dma_start3A_223, %dma_start3A_224] : memref<10112x128xf32, #tpu.memory_space<vmem_shared>> -> memref<10112x128xf32, #tpu.memory_space<vmem_shared>>
      tpu.enqueue_indirect_dma source(%dma_start3A_219 : memref<120x128xf32, #tpu.memory_space<vmem>>) target(%dma_start3A_225 : memref<10112x128xf32, #tpu.memory_space<vmem_shared>>) offsets(%dma_start3A_222 : memref<120xi32, #tpu.memory_space<vmem>>) semaphore(%arg11 : memref<!tpu.dma_semaphore, #tpu.memory_space<semaphore_mem>>) {add = true}
      %add3A_226 = arith.constant 4 : i32
      %add3A_227 = arith.addi %scan3A_195, %add3A_226 : i32
      %lt3A = arith.constant 86 : i32
      %lt3A_228 = arith.cmpi slt, %add3A_227, %lt3A : i32
      %convert_element_type3A = arith.extui %lt3A_228 : i1 to i32
      %cond3A = arith.constant 0 : i32
      %cond3A_229 = arith.cmpi ne, %convert_element_type3A, %cond3A : i32
      scf.if %cond3A_229 {
        %add3A_242 = arith.constant 4 : i32
        %add3A_243 = arith.addi %scan3A_195, %add3A_242 : i32
        %rem3A_244 = arith.constant 6 : i32
        %rem3A_245 = arith.remsi %add3A_243, %rem3A_244 : i32
        %dma_start3A_246 = arith.constant 0 : i32
        %dma_start3A_247 = arith.constant 0 : i32
        %dma_start3A_248 = tpu.memref_slice %arg6[%rem3A_245, %dma_start3A_246, %dma_start3A_247] : memref<6x2x120xi32, #tpu.memory_space<vmem>> -> memref<1x2x120xi32, #tpu.memory_space<vmem>>
        %dma_start3A_249 = tpu.memref_squeeze %dma_start3A_248 : memref<1x2x120xi32, #tpu.memory_space<vmem>> -> memref<2x120xi32, #tpu.memory_space<vmem>>
        %dma_start3A_250 = arith.constant 0 : i32
        %dma_start3A_251 = arith.constant 0 : i32
        %dma_start3A_252 = tpu.memref_slice %arg3[%add3A, %add3A_243, %dma_start3A_250, %dma_start3A_251] : memref<32x86x2x120xi32, #tpu.memory_space<hbm>> -> memref<1x1x2x120xi32, #tpu.memory_space<hbm>>
        %dma_start3A_253 = tpu.memref_squeeze %dma_start3A_252 : memref<1x1x2x120xi32, #tpu.memory_space<hbm>> -> memref<2x120xi32, #tpu.memory_space<hbm>>
        %dma_start3A_254 = tpu.memref_slice %arg9[%rem3A_245] : memref<6x!tpu.dma_semaphore, #tpu.memory_space<semaphore_mem>> -> memref<1x!tpu.dma_semaphore, #tpu.memory_space<semaphore_mem>>
        %dma_start3A_255 = tpu.memref_squeeze %dma_start3A_254 : memref<1x!tpu.dma_semaphore, #tpu.memory_space<semaphore_mem>> -> memref<!tpu.dma_semaphore, #tpu.memory_space<semaphore_mem>>
        %dma_start3A_256 = arith.constant 0 : i32
        %dma_start3A_257 = arith.constant 0 : i32
        %dma_start3A_258 = tpu.memref_slice %arg6[%rem3A_245, %dma_start3A_256, %dma_start3A_257] : memref<6x2x120xi32, #tpu.memory_space<vmem>> -> memref<1x2x120xi32, #tpu.memory_space<vmem>>
        %dma_start3A_259 = tpu.memref_squeeze %dma_start3A_258 : memref<1x2x120xi32, #tpu.memory_space<vmem>> -> memref<2x120xi32, #tpu.memory_space<vmem>>
        %dma_start3A_260 = arith.constant 0 : i32
        %dma_start3A_261 = arith.constant 0 : i32
        %dma_start3A_262 = tpu.memref_slice %arg3[%add3A, %add3A_243, %dma_start3A_260, %dma_start3A_261] : memref<32x86x2x120xi32, #tpu.memory_space<hbm>> -> memref<1x1x2x120xi32, #tpu.memory_space<hbm>>
        %dma_start3A_263 = tpu.memref_squeeze %dma_start3A_262 : memref<1x1x2x120xi32, #tpu.memory_space<hbm>> -> memref<2x120xi32, #tpu.memory_space<hbm>>
        tpu.enqueue_dma source(%dma_start3A_263 : memref<2x120xi32, #tpu.memory_space<hbm>>) target(%dma_start3A_259 : memref<2x120xi32, #tpu.memory_space<vmem>>) target_semaphore(%dma_start3A_255 : memref<!tpu.dma_semaphore, #tpu.memory_space<semaphore_mem>>)
      } else {
      }
      %ge3A = arith.constant 1 : i32
      %ge3A_230 = arith.cmpi sge, %scan3A_195, %ge3A : i32
      %convert_element_type3A_231 = arith.extui %ge3A_230 : i1 to i32
      %cond3A_232 = arith.constant 0 : i32
      %cond3A_233 = arith.cmpi ne, %convert_element_type3A_231, %cond3A_232 : i32
      scf.if %cond3A_233 {
        %sub3A_242 = arith.constant 1 : i32
        %sub3A_243 = arith.subi %scan3A_195, %sub3A_242 : i32
        %sub3A_244 = arith.constant 1 : i32
        %sub3A_245 = arith.subi %scan3A_195, %sub3A_244 : i32
        %rem3A_246 = arith.constant 3 : i32
        %rem3A_247 = arith.remsi %sub3A_245, %rem3A_246 : i32
        %rem3A_248 = arith.constant 6 : i32
        %rem3A_249 = arith.remsi %sub3A_243, %rem3A_248 : i32
        %dma_wait3A_250 = arith.constant 1 : i32
        %dma_wait3A_251 = arith.constant 0 : i32
        %dma_wait3A_252 = arith.constant 0 : i32
        %dma_wait3A_253 = tpu.memref_slice %arg7[%rem3A_247, %dma_wait3A_251, %dma_wait3A_252] : memref<3x120x128xf32, #tpu.memory_space<vmem>> -> memref<1x120x128xf32, #tpu.memory_space<vmem>>
        %dma_wait3A_254 = tpu.memref_squeeze %dma_wait3A_253 : memref<1x120x128xf32, #tpu.memory_space<vmem>> -> memref<120x128xf32, #tpu.memory_space<vmem>>
        %dma_wait3A_255 = arith.constant 0 : i32
        %dma_wait3A_256 = tpu.memref_slice %arg6[%rem3A_249, %dma_wait3A_250, %dma_wait3A_255] : memref<6x2x120xi32, #tpu.memory_space<vmem>> -> memref<1x1x120xi32, #tpu.memory_space<vmem>>
        %dma_wait3A_257 = tpu.memref_squeeze %dma_wait3A_256 : memref<1x1x120xi32, #tpu.memory_space<vmem>> -> memref<120xi32, #tpu.memory_space<vmem>>
        %dma_wait3A_258 = arith.constant 0 : i32
        %dma_wait3A_259 = arith.constant 0 : i32
        %dma_wait3A_260 = tpu.memref_slice %arg8[%dma_wait3A_258, %dma_wait3A_259] : memref<10112x128xf32, #tpu.memory_space<vmem_shared>> -> memref<10112x128xf32, #tpu.memory_space<vmem_shared>>
        tpu.wait_indirect_dma semaphore(%arg11 : memref<!tpu.dma_semaphore, #tpu.memory_space<semaphore_mem>>) src(%dma_wait3A_254 : memref<120x128xf32, #tpu.memory_space<vmem>>) dst(%dma_wait3A_260 : memref<10112x128xf32, #tpu.memory_space<vmem_shared>>)
      } else {
      }
      %add3A_234 = arith.constant 3 : i32
      %add3A_235 = arith.addi %scan3A_195, %add3A_234 : i32
      %sub3A = arith.constant 1 : i32
      %sub3A_236 = arith.subi %add3A_235, %sub3A : i32
      %lt3A_237 = arith.constant 86 : i32
      %lt3A_238 = arith.cmpi slt, %sub3A_236, %lt3A_237 : i32
      %convert_element_type3A_239 = arith.extui %lt3A_238 : i1 to i32
      %cond3A_240 = arith.constant 0 : i32
      %cond3A_241 = arith.cmpi ne, %convert_element_type3A_239, %cond3A_240 : i32
      scf.if %cond3A_241 {
        %add3A_242 = arith.constant 3 : i32
        %add3A_243 = arith.addi %scan3A_195, %add3A_242 : i32
        %sub3A_244 = arith.constant 1 : i32
        %sub3A_245 = arith.subi %add3A_243, %sub3A_244 : i32
        %rem3A_246 = arith.constant 6 : i32
        %rem3A_247 = arith.remsi %sub3A_245, %rem3A_246 : i32
        %dma_wait3A_248 = arith.constant 0 : i32
        %dma_wait3A_249 = arith.constant 0 : i32
        %dma_wait3A_250 = tpu.memref_slice %arg6[%rem3A_247, %dma_wait3A_248, %dma_wait3A_249] : memref<6x2x120xi32, #tpu.memory_space<vmem>> -> memref<1x2x120xi32, #tpu.memory_space<vmem>>
        %dma_wait3A_251 = tpu.memref_squeeze %dma_wait3A_250 : memref<1x2x120xi32, #tpu.memory_space<vmem>> -> memref<2x120xi32, #tpu.memory_space<vmem>>
        %dma_wait3A_252 = arith.constant 0 : i32
        %dma_wait3A_253 = arith.constant 0 : i32
        %dma_wait3A_254 = tpu.memref_slice %arg3[%add3A, %sub3A_245, %dma_wait3A_252, %dma_wait3A_253] : memref<32x86x2x120xi32, #tpu.memory_space<hbm>> -> memref<1x1x2x120xi32, #tpu.memory_space<hbm>>
        %dma_wait3A_255 = tpu.memref_squeeze %dma_wait3A_254 : memref<1x1x2x120xi32, #tpu.memory_space<hbm>> -> memref<2x120xi32, #tpu.memory_space<hbm>>
        %dma_wait3A_256 = tpu.memref_slice %arg9[%rem3A_247] : memref<6x!tpu.dma_semaphore, #tpu.memory_space<semaphore_mem>> -> memref<1x!tpu.dma_semaphore, #tpu.memory_space<semaphore_mem>>
        %dma_wait3A_257 = tpu.memref_squeeze %dma_wait3A_256 : memref<1x!tpu.dma_semaphore, #tpu.memory_space<semaphore_mem>> -> memref<!tpu.dma_semaphore, #tpu.memory_space<semaphore_mem>>
        %dma_wait3A_258 = arith.constant 0 : i32
        %dma_wait3A_259 = arith.constant 0 : i32
        %dma_wait3A_260 = tpu.memref_slice %arg6[%rem3A_247, %dma_wait3A_258, %dma_wait3A_259] : memref<6x2x120xi32, #tpu.memory_space<vmem>> -> memref<1x2x120xi32, #tpu.memory_space<vmem>>
        %dma_wait3A_261 = tpu.memref_squeeze %dma_wait3A_260 : memref<1x2x120xi32, #tpu.memory_space<vmem>> -> memref<2x120xi32, #tpu.memory_space<vmem>>
        %dma_wait3A_262 = arith.constant 0 : i32
        %dma_wait3A_263 = arith.constant 0 : i32
        %dma_wait3A_264 = tpu.memref_slice %arg3[%add3A, %sub3A_245, %dma_wait3A_262, %dma_wait3A_263] : memref<32x86x2x120xi32, #tpu.memory_space<hbm>> -> memref<1x1x2x120xi32, #tpu.memory_space<hbm>>
        %dma_wait3A_265 = tpu.memref_squeeze %dma_wait3A_264 : memref<1x1x2x120xi32, #tpu.memory_space<hbm>> -> memref<2x120xi32, #tpu.memory_space<hbm>>
        tpu.wait_dma2 semaphore(%dma_wait3A_257 : memref<!tpu.dma_semaphore, #tpu.memory_space<semaphore_mem>>) src(%dma_wait3A_265 : memref<2x120xi32, #tpu.memory_space<hbm>>) dst(%dma_wait3A_261 : memref<2x120xi32, #tpu.memory_space<vmem>>)
        %add3A_266 = arith.constant 3 : i32
        %add3A_267 = arith.addi %scan3A_195, %add3A_266 : i32
        %sub3A_268 = arith.constant 1 : i32
        %sub3A_269 = arith.subi %add3A_267, %sub3A_268 : i32
        %add3A_270 = arith.constant 3 : i32
        %add3A_271 = arith.addi %scan3A_195, %add3A_270 : i32
        %sub3A_272 = arith.constant 1 : i32
        %sub3A_273 = arith.subi %add3A_271, %sub3A_272 : i32
        %rem3A_274 = arith.constant 3 : i32
        %rem3A_275 = arith.remsi %sub3A_273, %rem3A_274 : i32
        %rem3A_276 = arith.constant 6 : i32
        %rem3A_277 = arith.remsi %sub3A_269, %rem3A_276 : i32
        %dma_start3A_278 = arith.constant 0 : i32
        %dma_start3A_279 = arith.constant 0 : i32
        %dma_start3A_280 = arith.constant 0 : i32
        %dma_start3A_281 = tpu.memref_slice %arg7[%rem3A_275, %dma_start3A_279, %dma_start3A_280] : memref<3x120x128xf32, #tpu.memory_space<vmem>> -> memref<1x120x128xf32, #tpu.memory_space<vmem>>
        %dma_start3A_282 = tpu.memref_squeeze %dma_start3A_281 : memref<1x120x128xf32, #tpu.memory_space<vmem>> -> memref<120x128xf32, #tpu.memory_space<vmem>>
        %dma_start3A_283 = arith.constant 0 : i32
        %dma_start3A_284 = tpu.memref_slice %arg6[%rem3A_277, %dma_start3A_278, %dma_start3A_283] : memref<6x2x120xi32, #tpu.memory_space<vmem>> -> memref<1x1x120xi32, #tpu.memory_space<vmem>>
        %dma_start3A_285 = tpu.memref_squeeze %dma_start3A_284 : memref<1x1x120xi32, #tpu.memory_space<vmem>> -> memref<120xi32, #tpu.memory_space<vmem>>
        %dma_start3A_286 = arith.constant 0 : i32
        %dma_start3A_287 = arith.constant 0 : i32
        %dma_start3A_288 = tpu.memref_slice %arg2[%dma_start3A_286, %dma_start3A_287] : memref<10000x128xf32, #tpu.memory_space<hbm>> -> memref<10000x128xf32, #tpu.memory_space<hbm>>
        %dma_start3A_289 = tpu.memref_slice %arg10[%rem3A_275] : memref<3x!tpu.dma_semaphore, #tpu.memory_space<semaphore_mem>> -> memref<1x!tpu.dma_semaphore, #tpu.memory_space<semaphore_mem>>
        %dma_start3A_290 = tpu.memref_squeeze %dma_start3A_289 : memref<1x!tpu.dma_semaphore, #tpu.memory_space<semaphore_mem>> -> memref<!tpu.dma_semaphore, #tpu.memory_space<semaphore_mem>>
        tpu.enqueue_indirect_dma source(%dma_start3A_288 : memref<10000x128xf32, #tpu.memory_space<hbm>>) target(%dma_start3A_282 : memref<120x128xf32, #tpu.memory_space<vmem>>) offsets(%dma_start3A_285 : memref<120xi32, #tpu.memory_space<vmem>>) semaphore(%dma_start3A_290 : memref<!tpu.dma_semaphore, #tpu.memory_space<semaphore_mem>>)
      } else {
      }
    }
    %scan3A_174 = arith.constant 86 : i32
    %rem3A_175 = arith.constant 85 : i32
    %rem3A_176 = arith.constant 6 : i32
    %rem3A_177 = arith.remsi %rem3A_175, %rem3A_176 : i32
    %dma_wait3A_178 = arith.constant 1 : i32
    %dma_wait3A_179 = arith.constant 1 : i32
    %dma_wait3A_180 = arith.constant 0 : i32
    %dma_wait3A_181 = arith.constant 0 : i32
    %dma_wait3A_182 = tpu.memref_slice %arg7[%dma_wait3A_178, %dma_wait3A_180, %dma_wait3A_181] : memref<3x120x128xf32, #tpu.memory_space<vmem>> -> memref<1x120x128xf32, #tpu.memory_space<vmem>>
    %dma_wait3A_183 = tpu.memref_squeeze %dma_wait3A_182 : memref<1x120x128xf32, #tpu.memory_space<vmem>> -> memref<120x128xf32, #tpu.memory_space<vmem>>
    %dma_wait3A_184 = arith.constant 0 : i32
    %dma_wait3A_185 = tpu.memref_slice %arg6[%rem3A_177, %dma_wait3A_179, %dma_wait3A_184] : memref<6x2x120xi32, #tpu.memory_space<vmem>> -> memref<1x1x120xi32, #tpu.memory_space<vmem>>
    %dma_wait3A_186 = tpu.memref_squeeze %dma_wait3A_185 : memref<1x1x120xi32, #tpu.memory_space<vmem>> -> memref<120xi32, #tpu.memory_space<vmem>>
    %dma_wait3A_187 = arith.constant 0 : i32
    %dma_wait3A_188 = arith.constant 0 : i32
    %dma_wait3A_189 = tpu.memref_slice %arg8[%dma_wait3A_187, %dma_wait3A_188] : memref<10112x128xf32, #tpu.memory_space<vmem_shared>> -> memref<10112x128xf32, #tpu.memory_space<vmem_shared>>
    tpu.wait_indirect_dma semaphore(%arg11 : memref<!tpu.dma_semaphore, #tpu.memory_space<semaphore_mem>>) src(%dma_wait3A_183 : memref<120x128xf32, #tpu.memory_space<vmem>>) dst(%dma_wait3A_189 : memref<10112x128xf32, #tpu.memory_space<vmem_shared>>)
    %barrier3A_190 = arith.constant 0 : index
    tpu.barrier barrier_id(%barrier3A_190)
    %mul3A_191 = arith.constant 632 : i32
    %mul3A_192 = arith.muli %arg1, %mul3A_191 : i32
    %mul3A_193 = arith.constant 632 : i32
    %mul3A_194 = arith.muli %arg1, %mul3A_193 : i32
    "tpu.region"() ({
      %run_scoped3A = tpu.sem_alloc : memref<!tpu.dma_semaphore, #tpu.memory_space<semaphore_mem>>
      %dma_start3A_195 = arith.constant 0 : i32
      %dma_start3A_196 = tpu.memref_slice %arg5[%arg0, %mul3A_194, %dma_start3A_195] : memref<2x10112x128xf32, #tpu.memory_space<hbm>> -> memref<1x632x128xf32, #tpu.memory_space<hbm>>
      %dma_start3A_197 = tpu.memref_squeeze %dma_start3A_196 : memref<1x632x128xf32, #tpu.memory_space<hbm>> -> memref<632x128xf32, #tpu.memory_space<hbm>>
      %dma_start3A_198 = arith.constant 0 : i32
      %dma_start3A_199 = tpu.memref_slice %arg8[%mul3A_192, %dma_start3A_198] : memref<10112x128xf32, #tpu.memory_space<vmem_shared>> -> memref<632x128xf32, #tpu.memory_space<vmem_shared>>
      tpu.enqueue_dma source(%dma_start3A_199 : memref<632x128xf32, #tpu.memory_space<vmem_shared>>) target(%dma_start3A_197 : memref<632x128xf32, #tpu.memory_space<hbm>>) target_semaphore(%run_scoped3A : memref<!tpu.dma_semaphore, #tpu.memory_space<semaphore_mem>>)
      %dma_wait3A_200 = arith.constant 0 : i32
      %dma_wait3A_201 = tpu.memref_slice %arg5[%arg0, %mul3A_194, %dma_wait3A_200] : memref<2x10112x128xf32, #tpu.memory_space<hbm>> -> memref<1x632x128xf32, #tpu.memory_space<hbm>>
      %dma_wait3A_202 = tpu.memref_squeeze %dma_wait3A_201 : memref<1x632x128xf32, #tpu.memory_space<hbm>> -> memref<632x128xf32, #tpu.memory_space<hbm>>
      %dma_wait3A_203 = arith.constant 0 : i32
      %dma_wait3A_204 = tpu.memref_slice %arg8[%mul3A_192, %dma_wait3A_203] : memref<10112x128xf32, #tpu.memory_space<vmem_shared>> -> memref<632x128xf32, #tpu.memory_space<vmem_shared>>
      tpu.wait_dma2 semaphore(%run_scoped3A : memref<!tpu.dma_semaphore, #tpu.memory_space<semaphore_mem>>) src(%dma_wait3A_204 : memref<632x128xf32, #tpu.memory_space<vmem_shared>>) dst(%dma_wait3A_202 : memref<632x128xf32, #tpu.memory_space<hbm>>)
      tpu.yield
    }) : () -> ()
    return
  }
}

#map = affine_map<(d0, d1) -> (0, 0)>
#map1 = affine_map<(d0, d1) -> (0, 0, 0, 0)>
#map2 = affine_map<(d0, d1) -> (0, 0, 0)>
module attributes {stable_mosaic.version = 14 : i64} {
  func.func @k(%arg0: i32, %arg1: i32, %arg2: memref<10000x128xf32, #tpu.memory_space<hbm>>, %arg3: memref<32x86x2x120xi32, #tpu.memory_space<hbm>>, %arg4: memref<10112x128xf32, #tpu.memory_space<hbm>>, %arg5: memref<2x10112x128xf32, #tpu.memory_space<hbm>>, %arg6: memref<6x2x120xi32, #tpu.memory_space<vmem>>, %arg7: memref<3x120x128xf32, #tpu.memory_space<vmem>>, %arg8: memref<10112x128xf32, #tpu.memory_space<vmem_shared>>, %arg9: memref<6x!tpu.dma_semaphore, #tpu.memory_space<semaphore_mem>>, %arg10: memref<3x!tpu.dma_semaphore, #tpu.memory_space<semaphore_mem>>, %arg11: memref<!tpu.dma_semaphore, #tpu.memory_space<semaphore_mem>>) attributes {dimension_semantics = [#tpu.dimension_semantics<core_parallel>, #tpu.dimension_semantics<subcore_parallel>], iteration_bounds = array<i64: 2, 16>, scalar_prefetch = 0 : i64, scratch_operands = 6 : i64, tpu.core_type = #tpu.core_type<sc_vector_subcore>, window_params = [{transform_indices = #map}, {transform_indices = #map1}, {transform_indices = #map}, {transform_indices = #map2}]} {
    %mul3A = arith.constant 16 : i32
    %mul3A_0 = arith.muli %arg0, %mul3A : i32
    %add3A = arith.addi %mul3A_0, %arg1 : i32
    %rem3A = arith.constant 0 : i32
    %rem3A_1 = arith.constant 6 : i32
    %rem3A_2 = arith.remsi %rem3A, %rem3A_1 : i32
    %dma_start3A = arith.constant 0 : i32
    %dma_start3A_3 = arith.constant 0 : i32
    %dma_start3A_4 = arith.constant 0 : i32
    %dma_start3A_5 = tpu.memref_slice %arg6[%rem3A_2, %dma_start3A_3, %dma_start3A_4] : memref<6x2x120xi32, #tpu.memory_space<vmem>> -> memref<1x2x120xi32, #tpu.memory_space<vmem>>
    %dma_start3A_6 = tpu.memref_squeeze %dma_start3A_5 : memref<1x2x120xi32, #tpu.memory_space<vmem>> -> memref<2x120xi32, #tpu.memory_space<vmem>>
    %dma_start3A_7 = arith.constant 0 : i32
    %dma_start3A_8 = arith.constant 0 : i32
    %dma_start3A_9 = tpu.memref_slice %arg3[%add3A, %dma_start3A, %dma_start3A_7, %dma_start3A_8] : memref<32x86x2x120xi32, #tpu.memory_space<hbm>> -> memref<1x1x2x120xi32, #tpu.memory_space<hbm>>
    %dma_start3A_10 = tpu.memref_squeeze %dma_start3A_9 : memref<1x1x2x120xi32, #tpu.memory_space<hbm>> -> memref<2x120xi32, #tpu.memory_space<hbm>>
    %dma_start3A_11 = tpu.memref_slice %arg9[%rem3A_2] : memref<6x!tpu.dma_semaphore, #tpu.memory_space<semaphore_mem>> -> memref<1x!tpu.dma_semaphore, #tpu.memory_space<semaphore_mem>>
    %dma_start3A_12 = tpu.memref_squeeze %dma_start3A_11 : memref<1x!tpu.dma_semaphore, #tpu.memory_space<semaphore_mem>> -> memref<!tpu.dma_semaphore, #tpu.memory_space<semaphore_mem>>
    %dma_start3A_13 = arith.constant 0 : i32
    %dma_start3A_14 = arith.constant 0 : i32
    %dma_start3A_15 = tpu.memref_slice %arg6[%rem3A_2, %dma_start3A_13, %dma_start3A_14] : memref<6x2x120xi32, #tpu.memory_space<vmem>> -> memref<1x2x120xi32, #tpu.memory_space<vmem>>
    %dma_start3A_16 = tpu.memref_squeeze %dma_start3A_15 : memref<1x2x120xi32, #tpu.memory_space<vmem>> -> memref<2x120xi32, #tpu.memory_space<vmem>>
    %dma_start3A_17 = arith.constant 0 : i32
    %dma_start3A_18 = arith.constant 0 : i32
    %dma_start3A_19 = tpu.memref_slice %arg3[%add3A, %dma_start3A, %dma_start3A_17, %dma_start3A_18] : memref<32x86x2x120xi32, #tpu.memory_space<hbm>> -> memref<1x1x2x120xi32, #tpu.memory_space<hbm>>
    %dma_start3A_20 = tpu.memref_squeeze %dma_start3A_19 : memref<1x1x2x120xi32, #tpu.memory_space<hbm>> -> memref<2x120xi32, #tpu.memory_space<hbm>>
    tpu.enqueue_dma source(%dma_start3A_20 : memref<2x120xi32, #tpu.memory_space<hbm>>) target(%dma_start3A_16 : memref<2x120xi32, #tpu.memory_space<vmem>>) target_semaphore(%dma_start3A_12 : memref<!tpu.dma_semaphore, #tpu.memory_space<semaphore_mem>>)
    %rem3A_21 = arith.constant 1 : i32
    %rem3A_22 = arith.constant 6 : i32
    %rem3A_23 = arith.remsi %rem3A_21, %rem3A_22 : i32
    %dma_start3A_24 = arith.constant 1 : i32
    %dma_start3A_25 = arith.constant 0 : i32
    %dma_start3A_26 = arith.constant 0 : i32
    %dma_start3A_27 = tpu.memref_slice %arg6[%rem3A_23, %dma_start3A_25, %dma_start3A_26] : memref<6x2x120xi32, #tpu.memory_space<vmem>> -> memref<1x2x120xi32, #tpu.memory_space<vmem>>
    %dma_start3A_28 = tpu.memref_squeeze %dma_start3A_27 : memref<1x2x120xi32, #tpu.memory_space<vmem>> -> memref<2x120xi32, #tpu.memory_space<vmem>>
    %dma_start3A_29 = arith.constant 0 : i32
    %dma_start3A_30 = arith.constant 0 : i32
    %dma_start3A_31 = tpu.memref_slice %arg3[%add3A, %dma_start3A_24, %dma_start3A_29, %dma_start3A_30] : memref<32x86x2x120xi32, #tpu.memory_space<hbm>> -> memref<1x1x2x120xi32, #tpu.memory_space<hbm>>
    %dma_start3A_32 = tpu.memref_squeeze %dma_start3A_31 : memref<1x1x2x120xi32, #tpu.memory_space<hbm>> -> memref<2x120xi32, #tpu.memory_space<hbm>>
    %dma_start3A_33 = tpu.memref_slice %arg9[%rem3A_23] : memref<6x!tpu.dma_semaphore, #tpu.memory_space<semaphore_mem>> -> memref<1x!tpu.dma_semaphore, #tpu.memory_space<semaphore_mem>>
    %dma_start3A_34 = tpu.memref_squeeze %dma_start3A_33 : memref<1x!tpu.dma_semaphore, #tpu.memory_space<semaphore_mem>> -> memref<!tpu.dma_semaphore, #tpu.memory_space<semaphore_mem>>
    %dma_start3A_35 = arith.constant 0 : i32
    %dma_start3A_36 = arith.constant 0 : i32
    %dma_start3A_37 = tpu.memref_slice %arg6[%rem3A_23, %dma_start3A_35, %dma_start3A_36] : memref<6x2x120xi32, #tpu.memory_space<vmem>> -> memref<1x2x120xi32, #tpu.memory_space<vmem>>
    %dma_start3A_38 = tpu.memref_squeeze %dma_start3A_37 : memref<1x2x120xi32, #tpu.memory_space<vmem>> -> memref<2x120xi32, #tpu.memory_space<vmem>>
    %dma_start3A_39 = arith.constant 0 : i32
    %dma_start3A_40 = arith.constant 0 : i32
    %dma_start3A_41 = tpu.memref_slice %arg3[%add3A, %dma_start3A_24, %dma_start3A_39, %dma_start3A_40] : memref<32x86x2x120xi32, #tpu.memory_space<hbm>> -> memref<1x1x2x120xi32, #tpu.memory_space<hbm>>
    %dma_start3A_42 = tpu.memref_squeeze %dma_start3A_41 : memref<1x1x2x120xi32, #tpu.memory_space<hbm>> -> memref<2x120xi32, #tpu.memory_space<hbm>>
    tpu.enqueue_dma source(%dma_start3A_42 : memref<2x120xi32, #tpu.memory_space<hbm>>) target(%dma_start3A_38 : memref<2x120xi32, #tpu.memory_space<vmem>>) target_semaphore(%dma_start3A_34 : memref<!tpu.dma_semaphore, #tpu.memory_space<semaphore_mem>>)
    %rem3A_43 = arith.constant 2 : i32
    %rem3A_44 = arith.constant 6 : i32
    %rem3A_45 = arith.remsi %rem3A_43, %rem3A_44 : i32
    %dma_start3A_46 = arith.constant 2 : i32
    %dma_start3A_47 = arith.constant 0 : i32
    %dma_start3A_48 = arith.constant 0 : i32
    %dma_start3A_49 = tpu.memref_slice %arg6[%rem3A_45, %dma_start3A_47, %dma_start3A_48] : memref<6x2x120xi32, #tpu.memory_space<vmem>> -> memref<1x2x120xi32, #tpu.memory_space<vmem>>
    %dma_start3A_50 = tpu.memref_squeeze %dma_start3A_49 : memref<1x2x120xi32, #tpu.memory_space<vmem>> -> memref<2x120xi32, #tpu.memory_space<vmem>>
    %dma_start3A_51 = arith.constant 0 : i32
    %dma_start3A_52 = arith.constant 0 : i32
    %dma_start3A_53 = tpu.memref_slice %arg3[%add3A, %dma_start3A_46, %dma_start3A_51, %dma_start3A_52] : memref<32x86x2x120xi32, #tpu.memory_space<hbm>> -> memref<1x1x2x120xi32, #tpu.memory_space<hbm>>
    %dma_start3A_54 = tpu.memref_squeeze %dma_start3A_53 : memref<1x1x2x120xi32, #tpu.memory_space<hbm>> -> memref<2x120xi32, #tpu.memory_space<hbm>>
    %dma_start3A_55 = tpu.memref_slice %arg9[%rem3A_45] : memref<6x!tpu.dma_semaphore, #tpu.memory_space<semaphore_mem>> -> memref<1x!tpu.dma_semaphore, #tpu.memory_space<semaphore_mem>>
    %dma_start3A_56 = tpu.memref_squeeze %dma_start3A_55 : memref<1x!tpu.dma_semaphore, #tpu.memory_space<semaphore_mem>> -> memref<!tpu.dma_semaphore, #tpu.memory_space<semaphore_mem>>
    %dma_start3A_57 = arith.constant 0 : i32
    %dma_start3A_58 = arith.constant 0 : i32
    %dma_start3A_59 = tpu.memref_slice %arg6[%rem3A_45, %dma_start3A_57, %dma_start3A_58] : memref<6x2x120xi32, #tpu.memory_space<vmem>> -> memref<1x2x120xi32, #tpu.memory_space<vmem>>
    %dma_start3A_60 = tpu.memref_squeeze %dma_start3A_59 : memref<1x2x120xi32, #tpu.memory_space<vmem>> -> memref<2x120xi32, #tpu.memory_space<vmem>>
    %dma_start3A_61 = arith.constant 0 : i32
    %dma_start3A_62 = arith.constant 0 : i32
    %dma_start3A_63 = tpu.memref_slice %arg3[%add3A, %dma_start3A_46, %dma_start3A_61, %dma_start3A_62] : memref<32x86x2x120xi32, #tpu.memory_space<hbm>> -> memref<1x1x2x120xi32, #tpu.memory_space<hbm>>
    %dma_start3A_64 = tpu.memref_squeeze %dma_start3A_63 : memref<1x1x2x120xi32, #tpu.memory_space<hbm>> -> memref<2x120xi32, #tpu.memory_space<hbm>>
    tpu.enqueue_dma source(%dma_start3A_64 : memref<2x120xi32, #tpu.memory_space<hbm>>) target(%dma_start3A_60 : memref<2x120xi32, #tpu.memory_space<vmem>>) target_semaphore(%dma_start3A_56 : memref<!tpu.dma_semaphore, #tpu.memory_space<semaphore_mem>>)
    %rem3A_65 = arith.constant 3 : i32
    %rem3A_66 = arith.constant 6 : i32
    %rem3A_67 = arith.remsi %rem3A_65, %rem3A_66 : i32
    %dma_start3A_68 = arith.constant 3 : i32
    %dma_start3A_69 = arith.constant 0 : i32
    %dma_start3A_70 = arith.constant 0 : i32
    %dma_start3A_71 = tpu.memref_slice %arg6[%rem3A_67, %dma_start3A_69, %dma_start3A_70] : memref<6x2x120xi32, #tpu.memory_space<vmem>> -> memref<1x2x120xi32, #tpu.memory_space<vmem>>
    %dma_start3A_72 = tpu.memref_squeeze %dma_start3A_71 : memref<1x2x120xi32, #tpu.memory_space<vmem>> -> memref<2x120xi32, #tpu.memory_space<vmem>>
    %dma_start3A_73 = arith.constant 0 : i32
    %dma_start3A_74 = arith.constant 0 : i32
    %dma_start3A_75 = tpu.memref_slice %arg3[%add3A, %dma_start3A_68, %dma_start3A_73, %dma_start3A_74] : memref<32x86x2x120xi32, #tpu.memory_space<hbm>> -> memref<1x1x2x120xi32, #tpu.memory_space<hbm>>
    %dma_start3A_76 = tpu.memref_squeeze %dma_start3A_75 : memref<1x1x2x120xi32, #tpu.memory_space<hbm>> -> memref<2x120xi32, #tpu.memory_space<hbm>>
    %dma_start3A_77 = tpu.memref_slice %arg9[%rem3A_67] : memref<6x!tpu.dma_semaphore, #tpu.memory_space<semaphore_mem>> -> memref<1x!tpu.dma_semaphore, #tpu.memory_space<semaphore_mem>>
    %dma_start3A_78 = tpu.memref_squeeze %dma_start3A_77 : memref<1x!tpu.dma_semaphore, #tpu.memory_space<semaphore_mem>> -> memref<!tpu.dma_semaphore, #tpu.memory_space<semaphore_mem>>
    %dma_start3A_79 = arith.constant 0 : i32
    %dma_start3A_80 = arith.constant 0 : i32
    %dma_start3A_81 = tpu.memref_slice %arg6[%rem3A_67, %dma_start3A_79, %dma_start3A_80] : memref<6x2x120xi32, #tpu.memory_space<vmem>> -> memref<1x2x120xi32, #tpu.memory_space<vmem>>
    %dma_start3A_82 = tpu.memref_squeeze %dma_start3A_81 : memref<1x2x120xi32, #tpu.memory_space<vmem>> -> memref<2x120xi32, #tpu.memory_space<vmem>>
    %dma_start3A_83 = arith.constant 0 : i32
    %dma_start3A_84 = arith.constant 0 : i32
    %dma_start3A_85 = tpu.memref_slice %arg3[%add3A, %dma_start3A_68, %dma_start3A_83, %dma_start3A_84] : memref<32x86x2x120xi32, #tpu.memory_space<hbm>> -> memref<1x1x2x120xi32, #tpu.memory_space<hbm>>
    %dma_start3A_86 = tpu.memref_squeeze %dma_start3A_85 : memref<1x1x2x120xi32, #tpu.memory_space<hbm>> -> memref<2x120xi32, #tpu.memory_space<hbm>>
    tpu.enqueue_dma source(%dma_start3A_86 : memref<2x120xi32, #tpu.memory_space<hbm>>) target(%dma_start3A_82 : memref<2x120xi32, #tpu.memory_space<vmem>>) target_semaphore(%dma_start3A_78 : memref<!tpu.dma_semaphore, #tpu.memory_space<semaphore_mem>>)
    %mul3A_87 = arith.constant 632 : i32
    %mul3A_88 = arith.muli %arg1, %mul3A_87 : i32
    %mul3A_89 = arith.constant 632 : i32
    %mul3A_90 = arith.muli %arg1, %mul3A_89 : i32
    "tpu.region"() ({
      %run_scoped3A = tpu.sem_alloc : memref<!tpu.dma_semaphore, #tpu.memory_space<semaphore_mem>>
      %dma_start3A_195 = arith.constant 0 : i32
      %dma_start3A_196 = tpu.memref_slice %arg8[%mul3A_90, %dma_start3A_195] : memref<10112x128xf32, #tpu.memory_space<vmem_shared>> -> memref<632x128xf32, #tpu.memory_space<vmem_shared>>
      %dma_start3A_197 = arith.constant 0 : i32
      %dma_start3A_198 = tpu.memref_slice %arg4[%mul3A_88, %dma_start3A_197] : memref<10112x128xf32, #tpu.memory_space<hbm>> -> memref<632x128xf32, #tpu.memory_space<hbm>>
      tpu.enqueue_dma source(%dma_start3A_198 : memref<632x128xf32, #tpu.memory_space<hbm>>) target(%dma_start3A_196 : memref<632x128xf32, #tpu.memory_space<vmem_shared>>) target_semaphore(%run_scoped3A : memref<!tpu.dma_semaphore, #tpu.memory_space<semaphore_mem>>)
      %dma_wait3A_199 = arith.constant 0 : i32
      %dma_wait3A_200 = tpu.memref_slice %arg8[%mul3A_90, %dma_wait3A_199] : memref<10112x128xf32, #tpu.memory_space<vmem_shared>> -> memref<632x128xf32, #tpu.memory_space<vmem_shared>>
      %dma_wait3A_201 = arith.constant 0 : i32
      %dma_wait3A_202 = tpu.memref_slice %arg4[%mul3A_88, %dma_wait3A_201] : memref<10112x128xf32, #tpu.memory_space<hbm>> -> memref<632x128xf32, #tpu.memory_space<hbm>>
      tpu.wait_dma2 semaphore(%run_scoped3A : memref<!tpu.dma_semaphore, #tpu.memory_space<semaphore_mem>>) src(%dma_wait3A_202 : memref<632x128xf32, #tpu.memory_space<hbm>>) dst(%dma_wait3A_200 : memref<632x128xf32, #tpu.memory_space<vmem_shared>>)
      tpu.yield
    }) : () -> ()
    %barrier3A = arith.constant 0 : index
    tpu.barrier barrier_id(%barrier3A)
    %rem3A_91 = arith.constant 0 : i32
    %rem3A_92 = arith.constant 6 : i32
    %rem3A_93 = arith.remsi %rem3A_91, %rem3A_92 : i32
    %dma_wait3A = arith.constant 0 : i32
    %dma_wait3A_94 = arith.constant 0 : i32
    %dma_wait3A_95 = arith.constant 0 : i32
    %dma_wait3A_96 = tpu.memref_slice %arg6[%rem3A_93, %dma_wait3A_94, %dma_wait3A_95] : memref<6x2x120xi32, #tpu.memory_space<vmem>> -> memref<1x2x120xi32, #tpu.memory_space<vmem>>
    %dma_wait3A_97 = tpu.memref_squeeze %dma_wait3A_96 : memref<1x2x120xi32, #tpu.memory_space<vmem>> -> memref<2x120xi32, #tpu.memory_space<vmem>>
    %dma_wait3A_98 = arith.constant 0 : i32
    %dma_wait3A_99 = arith.constant 0 : i32
    %dma_wait3A_100 = tpu.memref_slice %arg3[%add3A, %dma_wait3A, %dma_wait3A_98, %dma_wait3A_99] : memref<32x86x2x120xi32, #tpu.memory_space<hbm>> -> memref<1x1x2x120xi32, #tpu.memory_space<hbm>>
    %dma_wait3A_101 = tpu.memref_squeeze %dma_wait3A_100 : memref<1x1x2x120xi32, #tpu.memory_space<hbm>> -> memref<2x120xi32, #tpu.memory_space<hbm>>
    %dma_wait3A_102 = tpu.memref_slice %arg9[%rem3A_93] : memref<6x!tpu.dma_semaphore, #tpu.memory_space<semaphore_mem>> -> memref<1x!tpu.dma_semaphore, #tpu.memory_space<semaphore_mem>>
    %dma_wait3A_103 = tpu.memref_squeeze %dma_wait3A_102 : memref<1x!tpu.dma_semaphore, #tpu.memory_space<semaphore_mem>> -> memref<!tpu.dma_semaphore, #tpu.memory_space<semaphore_mem>>
    %dma_wait3A_104 = arith.constant 0 : i32
    %dma_wait3A_105 = arith.constant 0 : i32
    %dma_wait3A_106 = tpu.memref_slice %arg6[%rem3A_93, %dma_wait3A_104, %dma_wait3A_105] : memref<6x2x120xi32, #tpu.memory_space<vmem>> -> memref<1x2x120xi32, #tpu.memory_space<vmem>>
    %dma_wait3A_107 = tpu.memref_squeeze %dma_wait3A_106 : memref<1x2x120xi32, #tpu.memory_space<vmem>> -> memref<2x120xi32, #tpu.memory_space<vmem>>
    %dma_wait3A_108 = arith.constant 0 : i32
    %dma_wait3A_109 = arith.constant 0 : i32
    %dma_wait3A_110 = tpu.memref_slice %arg3[%add3A, %dma_wait3A, %dma_wait3A_108, %dma_wait3A_109] : memref<32x86x2x120xi32, #tpu.memory_space<hbm>> -> memref<1x1x2x120xi32, #tpu.memory_space<hbm>>
    %dma_wait3A_111 = tpu.memref_squeeze %dma_wait3A_110 : memref<1x1x2x120xi32, #tpu.memory_space<hbm>> -> memref<2x120xi32, #tpu.memory_space<hbm>>
    tpu.wait_dma2 semaphore(%dma_wait3A_103 : memref<!tpu.dma_semaphore, #tpu.memory_space<semaphore_mem>>) src(%dma_wait3A_111 : memref<2x120xi32, #tpu.memory_space<hbm>>) dst(%dma_wait3A_107 : memref<2x120xi32, #tpu.memory_space<vmem>>)
    %rem3A_112 = arith.constant 0 : i32
    %rem3A_113 = arith.constant 6 : i32
    %rem3A_114 = arith.remsi %rem3A_112, %rem3A_113 : i32
    %dma_start3A_115 = arith.constant 0 : i32
    %dma_start3A_116 = arith.constant 0 : i32
    %dma_start3A_117 = arith.constant 0 : i32
    %dma_start3A_118 = arith.constant 0 : i32
    %dma_start3A_119 = arith.constant 0 : i32
    %dma_start3A_120 = tpu.memref_slice %arg7[%dma_start3A_116, %dma_start3A_118, %dma_start3A_119] : memref<3x120x128xf32, #tpu.memory_space<vmem>> -> memref<1x120x128xf32, #tpu.memory_space<vmem>>
    %dma_start3A_121 = tpu.memref_squeeze %dma_start3A_120 : memref<1x120x128xf32, #tpu.memory_space<vmem>> -> memref<120x128xf32, #tpu.memory_space<vmem>>
    %dma_start3A_122 = arith.constant 0 : i32
    %dma_start3A_123 = tpu.memref_slice %arg6[%rem3A_114, %dma_start3A_115, %dma_start3A_122] : memref<6x2x120xi32, #tpu.memory_space<vmem>> -> memref<1x1x120xi32, #tpu.memory_space<vmem>>
    %dma_start3A_124 = tpu.memref_squeeze %dma_start3A_123 : memref<1x1x120xi32, #tpu.memory_space<vmem>> -> memref<120xi32, #tpu.memory_space<vmem>>
    %dma_start3A_125 = arith.constant 0 : i32
    %dma_start3A_126 = arith.constant 0 : i32
    %dma_start3A_127 = tpu.memref_slice %arg2[%dma_start3A_125, %dma_start3A_126] : memref<10000x128xf32, #tpu.memory_space<hbm>> -> memref<10000x128xf32, #tpu.memory_space<hbm>>
    %dma_start3A_128 = tpu.memref_slice %arg10[%dma_start3A_117] : memref<3x!tpu.dma_semaphore, #tpu.memory_space<semaphore_mem>> -> memref<1x!tpu.dma_semaphore, #tpu.memory_space<semaphore_mem>>
    %dma_start3A_129 = tpu.memref_squeeze %dma_start3A_128 : memref<1x!tpu.dma_semaphore, #tpu.memory_space<semaphore_mem>> -> memref<!tpu.dma_semaphore, #tpu.memory_space<semaphore_mem>>
    tpu.enqueue_indirect_dma source(%dma_start3A_127 : memref<10000x128xf32, #tpu.memory_space<hbm>>) target(%dma_start3A_121 : memref<120x128xf32, #tpu.memory_space<vmem>>) offsets(%dma_start3A_124 : memref<120xi32, #tpu.memory_space<vmem>>) semaphore(%dma_start3A_129 : memref<!tpu.dma_semaphore, #tpu.memory_space<semaphore_mem>>)
    %rem3A_130 = arith.constant 1 : i32
    %rem3A_131 = arith.constant 6 : i32
    %rem3A_132 = arith.remsi %rem3A_130, %rem3A_131 : i32
    %dma_wait3A_133 = arith.constant 1 : i32
    %dma_wait3A_134 = arith.constant 0 : i32
    %dma_wait3A_135 = arith.constant 0 : i32
    %dma_wait3A_136 = tpu.memref_slice %arg6[%rem3A_132, %dma_wait3A_134, %dma_wait3A_135] : memref<6x2x120xi32, #tpu.memory_space<vmem>> -> memref<1x2x120xi32, #tpu.memory_space<vmem>>
    %dma_wait3A_137 = tpu.memref_squeeze %dma_wait3A_136 : memref<1x2x120xi32, #tpu.memory_space<vmem>> -> memref<2x120xi32, #tpu.memory_space<vmem>>
    %dma_wait3A_138 = arith.constant 0 : i32
    %dma_wait3A_139 = arith.constant 0 : i32
    %dma_wait3A_140 = tpu.memref_slice %arg3[%add3A, %dma_wait3A_133, %dma_wait3A_138, %dma_wait3A_139] : memref<32x86x2x120xi32, #tpu.memory_space<hbm>> -> memref<1x1x2x120xi32, #tpu.memory_space<hbm>>
    %dma_wait3A_141 = tpu.memref_squeeze %dma_wait3A_140 : memref<1x1x2x120xi32, #tpu.memory_space<hbm>> -> memref<2x120xi32, #tpu.memory_space<hbm>>
    %dma_wait3A_142 = tpu.memref_slice %arg9[%rem3A_132] : memref<6x!tpu.dma_semaphore, #tpu.memory_space<semaphore_mem>> -> memref<1x!tpu.dma_semaphore, #tpu.memory_space<semaphore_mem>>
    %dma_wait3A_143 = tpu.memref_squeeze %dma_wait3A_142 : memref<1x!tpu.dma_semaphore, #tpu.memory_space<semaphore_mem>> -> memref<!tpu.dma_semaphore, #tpu.memory_space<semaphore_mem>>
    %dma_wait3A_144 = arith.constant 0 : i32
    %dma_wait3A_145 = arith.constant 0 : i32
    %dma_wait3A_146 = tpu.memref_slice %arg6[%rem3A_132, %dma_wait3A_144, %dma_wait3A_145] : memref<6x2x120xi32, #tpu.memory_space<vmem>> -> memref<1x2x120xi32, #tpu.memory_space<vmem>>
    %dma_wait3A_147 = tpu.memref_squeeze %dma_wait3A_146 : memref<1x2x120xi32, #tpu.memory_space<vmem>> -> memref<2x120xi32, #tpu.memory_space<vmem>>
    %dma_wait3A_148 = arith.constant 0 : i32
    %dma_wait3A_149 = arith.constant 0 : i32
    %dma_wait3A_150 = tpu.memref_slice %arg3[%add3A, %dma_wait3A_133, %dma_wait3A_148, %dma_wait3A_149] : memref<32x86x2x120xi32, #tpu.memory_space<hbm>> -> memref<1x1x2x120xi32, #tpu.memory_space<hbm>>
    %dma_wait3A_151 = tpu.memref_squeeze %dma_wait3A_150 : memref<1x1x2x120xi32, #tpu.memory_space<hbm>> -> memref<2x120xi32, #tpu.memory_space<hbm>>
    tpu.wait_dma2 semaphore(%dma_wait3A_143 : memref<!tpu.dma_semaphore, #tpu.memory_space<semaphore_mem>>) src(%dma_wait3A_151 : memref<2x120xi32, #tpu.memory_space<hbm>>) dst(%dma_wait3A_147 : memref<2x120xi32, #tpu.memory_space<vmem>>)
    %rem3A_152 = arith.constant 1 : i32
    %rem3A_153 = arith.constant 6 : i32
    %rem3A_154 = arith.remsi %rem3A_152, %rem3A_153 : i32
    %dma_start3A_155 = arith.constant 0 : i32
    %dma_start3A_156 = arith.constant 1 : i32
    %dma_start3A_157 = arith.constant 1 : i32
    %dma_start3A_158 = arith.constant 0 : i32
    %dma_start3A_159 = arith.constant 0 : i32
    %dma_start3A_160 = tpu.memref_slice %arg7[%dma_start3A_156, %dma_start3A_158, %dma_start3A_159] : memref<3x120x128xf32, #tpu.memory_space<vmem>> -> memref<1x120x128xf32, #tpu.memory_space<vmem>>
    %dma_start3A_161 = tpu.memref_squeeze %dma_start3A_160 : memref<1x120x128xf32, #tpu.memory_space<vmem>> -> memref<120x128xf32, #tpu.memory_space<vmem>>
    %dma_start3A_162 = arith.constant 0 : i32
    %dma_start3A_163 = tpu.memref_slice %arg6[%rem3A_154, %dma_start3A_155, %dma_start3A_162] : memref<6x2x120xi32, #tpu.memory_space<vmem>> -> memref<1x1x120xi32, #tpu.memory_space<vmem>>
    %dma_start3A_164 = tpu.memref_squeeze %dma_start3A_163 : memref<1x1x120xi32, #tpu.memory_space<vmem>> -> memref<120xi32, #tpu.memory_space<vmem>>
    %dma_start3A_165 = arith.constant 0 : i32
    %dma_start3A_166 = arith.constant 0 : i32
    %dma_start3A_167 = tpu.memref_slice %arg2[%dma_start3A_165, %dma_start3A_166] : memref<10000x128xf32, #tpu.memory_space<hbm>> -> memref<10000x128xf32, #tpu.memory_space<hbm>>
    %dma_start3A_168 = tpu.memref_slice %arg10[%dma_start3A_157] : memref<3x!tpu.dma_semaphore, #tpu.memory_space<semaphore_mem>> -> memref<1x!tpu.dma_semaphore, #tpu.memory_space<semaphore_mem>>
    %dma_start3A_169 = tpu.memref_squeeze %dma_start3A_168 : memref<1x!tpu.dma_semaphore, #tpu.memory_space<semaphore_mem>> -> memref<!tpu.dma_semaphore, #tpu.memory_space<semaphore_mem>>
    tpu.enqueue_indirect_dma source(%dma_start3A_167 : memref<10000x128xf32, #tpu.memory_space<hbm>>) target(%dma_start3A_161 : memref<120x128xf32, #tpu.memory_space<vmem>>) offsets(%dma_start3A_164 : memref<120xi32, #tpu.memory_space<vmem>>) semaphore(%dma_start3A_169 : memref<!tpu.dma_semaphore, #tpu.memory_space<semaphore_mem>>)
    %scan3A = arith.constant 0 : i32
    %scan3A_170 = arith.constant 0 : i32
    %scan3A_171 = arith.constant 86 : i32
    %scan3A_172 = arith.addi %scan3A_170, %scan3A_171 : i32
    %scan3A_173 = arith.constant 1 : i32
    scf.for %scan3A_195 = %scan3A_170 to %scan3A_172 step %scan3A_173  : i32 {
      %rem3A_196 = arith.constant 3 : i32
      %rem3A_197 = arith.remsi %scan3A_195, %rem3A_196 : i32
      %rem3A_198 = arith.constant 6 : i32
      %rem3A_199 = arith.remsi %scan3A_195, %rem3A_198 : i32
      %dma_wait3A_200 = arith.constant 0 : i32
      %dma_wait3A_201 = arith.constant 0 : i32
      %dma_wait3A_202 = arith.constant 0 : i32
      %dma_wait3A_203 = tpu.memref_slice %arg7[%rem3A_197, %dma_wait3A_201, %dma_wait3A_202] : memref<3x120x128xf32, #tpu.memory_space<vmem>> -> memref<1x120x128xf32, #tpu.memory_space<vmem>>
      %dma_wait3A_204 = tpu.memref_squeeze %dma_wait3A_203 : memref<1x120x128xf32, #tpu.memory_space<vmem>> -> memref<120x128xf32, #tpu.memory_space<vmem>>
      %dma_wait3A_205 = arith.constant 0 : i32
      %dma_wait3A_206 = tpu.memref_slice %arg6[%rem3A_199, %dma_wait3A_200, %dma_wait3A_205] : memref<6x2x120xi32, #tpu.memory_space<vmem>> -> memref<1x1x120xi32, #tpu.memory_space<vmem>>
      %dma_wait3A_207 = tpu.memref_squeeze %dma_wait3A_206 : memref<1x1x120xi32, #tpu.memory_space<vmem>> -> memref<120xi32, #tpu.memory_space<vmem>>
      %dma_wait3A_208 = arith.constant 0 : i32
      %dma_wait3A_209 = arith.constant 0 : i32
      %dma_wait3A_210 = tpu.memref_slice %arg2[%dma_wait3A_208, %dma_wait3A_209] : memref<10000x128xf32, #tpu.memory_space<hbm>> -> memref<10000x128xf32, #tpu.memory_space<hbm>>
      %dma_wait3A_211 = tpu.memref_slice %arg10[%rem3A_197] : memref<3x!tpu.dma_semaphore, #tpu.memory_space<semaphore_mem>> -> memref<1x!tpu.dma_semaphore, #tpu.memory_space<semaphore_mem>>
      %dma_wait3A_212 = tpu.memref_squeeze %dma_wait3A_211 : memref<1x!tpu.dma_semaphore, #tpu.memory_space<semaphore_mem>> -> memref<!tpu.dma_semaphore, #tpu.memory_space<semaphore_mem>>
      tpu.wait_indirect_dma semaphore(%dma_wait3A_212 : memref<!tpu.dma_semaphore, #tpu.memory_space<semaphore_mem>>) src(%dma_wait3A_210 : memref<10000x128xf32, #tpu.memory_space<hbm>>) dst(%dma_wait3A_204 : memref<120x128xf32, #tpu.memory_space<vmem>>)
      %rem3A_213 = arith.constant 6 : i32
      %rem3A_214 = arith.remsi %scan3A_195, %rem3A_213 : i32
      %dma_start3A_215 = arith.constant 1 : i32
      %dma_start3A_216 = arith.constant 0 : i32
      %dma_start3A_217 = arith.constant 0 : i32
      %dma_start3A_218 = tpu.memref_slice %arg7[%rem3A_197, %dma_start3A_216, %dma_start3A_217] : memref<3x120x128xf32, #tpu.memory_space<vmem>> -> memref<1x120x128xf32, #tpu.memory_space<vmem>>
      %dma_start3A_219 = tpu.memref_squeeze %dma_start3A_218 : memref<1x120x128xf32, #tpu.memory_space<vmem>> -> memref<120x128xf32, #tpu.memory_space<vmem>>
      %dma_start3A_220 = arith.constant 0 : i32
      %dma_start3A_221 = tpu.memref_slice %arg6[%rem3A_214, %dma_start3A_215, %dma_start3A_220] : memref<6x2x120xi32, #tpu.memory_space<vmem>> -> memref<1x1x120xi32, #tpu.memory_space<vmem>>
      %dma_start3A_222 = tpu.memref_squeeze %dma_start3A_221 : memref<1x1x120xi32, #tpu.memory_space<vmem>> -> memref<120xi32, #tpu.memory_space<vmem>>
      %dma_start3A_223 = arith.constant 0 : i32
      %dma_start3A_224 = arith.constant 0 : i32
      %dma_start3A_225 = tpu.memref_slice %arg8[%dma_start3A_223, %dma_start3A_224] : memref<10112x128xf32, #tpu.memory_space<vmem_shared>> -> memref<10112x128xf32, #tpu.memory_space<vmem_shared>>
      tpu.enqueue_indirect_dma source(%dma_start3A_219 : memref<120x128xf32, #tpu.memory_space<vmem>>) target(%dma_start3A_225 : memref<10112x128xf32, #tpu.memory_space<vmem_shared>>) offsets(%dma_start3A_222 : memref<120xi32, #tpu.memory_space<vmem>>) semaphore(%arg11 : memref<!tpu.dma_semaphore, #tpu.memory_space<semaphore_mem>>) {add = true}
      %add3A_226 = arith.constant 4 : i32
      %add3A_227 = arith.addi %scan3A_195, %add3A_226 : i32
      %lt3A = arith.constant 86 : i32
      %lt3A_228 = arith.cmpi slt, %add3A_227, %lt3A : i32
      %convert_element_type3A = arith.extui %lt3A_228 : i1 to i32
      %cond3A = arith.constant 0 : i32
      %cond3A_229 = arith.cmpi ne, %convert_element_type3A, %cond3A : i32
      scf.if %cond3A_229 {
        %add3A_242 = arith.constant 4 : i32
        %add3A_243 = arith.addi %scan3A_195, %add3A_242 : i32
        %rem3A_244 = arith.constant 6 : i32
        %rem3A_245 = arith.remsi %add3A_243, %rem3A_244 : i32
        %dma_start3A_246 = arith.constant 0 : i32
        %dma_start3A_247 = arith.constant 0 : i32
        %dma_start3A_248 = tpu.memref_slice %arg6[%rem3A_245, %dma_start3A_246, %dma_start3A_247] : memref<6x2x120xi32, #tpu.memory_space<vmem>> -> memref<1x2x120xi32, #tpu.memory_space<vmem>>
        %dma_start3A_249 = tpu.memref_squeeze %dma_start3A_248 : memref<1x2x120xi32, #tpu.memory_space<vmem>> -> memref<2x120xi32, #tpu.memory_space<vmem>>
        %dma_start3A_250 = arith.constant 0 : i32
        %dma_start3A_251 = arith.constant 0 : i32
        %dma_start3A_252 = tpu.memref_slice %arg3[%add3A, %add3A_243, %dma_start3A_250, %dma_start3A_251] : memref<32x86x2x120xi32, #tpu.memory_space<hbm>> -> memref<1x1x2x120xi32, #tpu.memory_space<hbm>>
        %dma_start3A_253 = tpu.memref_squeeze %dma_start3A_252 : memref<1x1x2x120xi32, #tpu.memory_space<hbm>> -> memref<2x120xi32, #tpu.memory_space<hbm>>
        %dma_start3A_254 = tpu.memref_slice %arg9[%rem3A_245] : memref<6x!tpu.dma_semaphore, #tpu.memory_space<semaphore_mem>> -> memref<1x!tpu.dma_semaphore, #tpu.memory_space<semaphore_mem>>
        %dma_start3A_255 = tpu.memref_squeeze %dma_start3A_254 : memref<1x!tpu.dma_semaphore, #tpu.memory_space<semaphore_mem>> -> memref<!tpu.dma_semaphore, #tpu.memory_space<semaphore_mem>>
        %dma_start3A_256 = arith.constant 0 : i32
        %dma_start3A_257 = arith.constant 0 : i32
        %dma_start3A_258 = tpu.memref_slice %arg6[%rem3A_245, %dma_start3A_256, %dma_start3A_257] : memref<6x2x120xi32, #tpu.memory_space<vmem>> -> memref<1x2x120xi32, #tpu.memory_space<vmem>>
        %dma_start3A_259 = tpu.memref_squeeze %dma_start3A_258 : memref<1x2x120xi32, #tpu.memory_space<vmem>> -> memref<2x120xi32, #tpu.memory_space<vmem>>
        %dma_start3A_260 = arith.constant 0 : i32
        %dma_start3A_261 = arith.constant 0 : i32
        %dma_start3A_262 = tpu.memref_slice %arg3[%add3A, %add3A_243, %dma_start3A_260, %dma_start3A_261] : memref<32x86x2x120xi32, #tpu.memory_space<hbm>> -> memref<1x1x2x120xi32, #tpu.memory_space<hbm>>
        %dma_start3A_263 = tpu.memref_squeeze %dma_start3A_262 : memref<1x1x2x120xi32, #tpu.memory_space<hbm>> -> memref<2x120xi32, #tpu.memory_space<hbm>>
        tpu.enqueue_dma source(%dma_start3A_263 : memref<2x120xi32, #tpu.memory_space<hbm>>) target(%dma_start3A_259 : memref<2x120xi32, #tpu.memory_space<vmem>>) target_semaphore(%dma_start3A_255 : memref<!tpu.dma_semaphore, #tpu.memory_space<semaphore_mem>>)
      } else {
      }
      %ge3A = arith.constant 1 : i32
      %ge3A_230 = arith.cmpi sge, %scan3A_195, %ge3A : i32
      %convert_element_type3A_231 = arith.extui %ge3A_230 : i1 to i32
      %cond3A_232 = arith.constant 0 : i32
      %cond3A_233 = arith.cmpi ne, %convert_element_type3A_231, %cond3A_232 : i32
      scf.if %cond3A_233 {
        %sub3A_242 = arith.constant 1 : i32
        %sub3A_243 = arith.subi %scan3A_195, %sub3A_242 : i32
        %sub3A_244 = arith.constant 1 : i32
        %sub3A_245 = arith.subi %scan3A_195, %sub3A_244 : i32
        %rem3A_246 = arith.constant 3 : i32
        %rem3A_247 = arith.remsi %sub3A_245, %rem3A_246 : i32
        %rem3A_248 = arith.constant 6 : i32
        %rem3A_249 = arith.remsi %sub3A_243, %rem3A_248 : i32
        %dma_wait3A_250 = arith.constant 1 : i32
        %dma_wait3A_251 = arith.constant 0 : i32
        %dma_wait3A_252 = arith.constant 0 : i32
        %dma_wait3A_253 = tpu.memref_slice %arg7[%rem3A_247, %dma_wait3A_251, %dma_wait3A_252] : memref<3x120x128xf32, #tpu.memory_space<vmem>> -> memref<1x120x128xf32, #tpu.memory_space<vmem>>
        %dma_wait3A_254 = tpu.memref_squeeze %dma_wait3A_253 : memref<1x120x128xf32, #tpu.memory_space<vmem>> -> memref<120x128xf32, #tpu.memory_space<vmem>>
        %dma_wait3A_255 = arith.constant 0 : i32
        %dma_wait3A_256 = tpu.memref_slice %arg6[%rem3A_249, %dma_wait3A_250, %dma_wait3A_255] : memref<6x2x120xi32, #tpu.memory_space<vmem>> -> memref<1x1x120xi32, #tpu.memory_space<vmem>>
        %dma_wait3A_257 = tpu.memref_squeeze %dma_wait3A_256 : memref<1x1x120xi32, #tpu.memory_space<vmem>> -> memref<120xi32, #tpu.memory_space<vmem>>
        %dma_wait3A_258 = arith.constant 0 : i32
        %dma_wait3A_259 = arith.constant 0 : i32
        %dma_wait3A_260 = tpu.memref_slice %arg8[%dma_wait3A_258, %dma_wait3A_259] : memref<10112x128xf32, #tpu.memory_space<vmem_shared>> -> memref<10112x128xf32, #tpu.memory_space<vmem_shared>>
        tpu.wait_indirect_dma semaphore(%arg11 : memref<!tpu.dma_semaphore, #tpu.memory_space<semaphore_mem>>) src(%dma_wait3A_254 : memref<120x128xf32, #tpu.memory_space<vmem>>) dst(%dma_wait3A_260 : memref<10112x128xf32, #tpu.memory_space<vmem_shared>>)
      } else {
      }
      %add3A_234 = arith.constant 3 : i32
      %add3A_235 = arith.addi %scan3A_195, %add3A_234 : i32
      %sub3A = arith.constant 1 : i32
      %sub3A_236 = arith.subi %add3A_235, %sub3A : i32
      %lt3A_237 = arith.constant 86 : i32
      %lt3A_238 = arith.cmpi slt, %sub3A_236, %lt3A_237 : i32
      %convert_element_type3A_239 = arith.extui %lt3A_238 : i1 to i32
      %cond3A_240 = arith.constant 0 : i32
      %cond3A_241 = arith.cmpi ne, %convert_element_type3A_239, %cond3A_240 : i32
      scf.if %cond3A_241 {
        %add3A_242 = arith.constant 3 : i32
        %add3A_243 = arith.addi %scan3A_195, %add3A_242 : i32
        %sub3A_244 = arith.constant 1 : i32
        %sub3A_245 = arith.subi %add3A_243, %sub3A_244 : i32
        %rem3A_246 = arith.constant 6 : i32
        %rem3A_247 = arith.remsi %sub3A_245, %rem3A_246 : i32
        %dma_wait3A_248 = arith.constant 0 : i32
        %dma_wait3A_249 = arith.constant 0 : i32
        %dma_wait3A_250 = tpu.memref_slice %arg6[%rem3A_247, %dma_wait3A_248, %dma_wait3A_249] : memref<6x2x120xi32, #tpu.memory_space<vmem>> -> memref<1x2x120xi32, #tpu.memory_space<vmem>>
        %dma_wait3A_251 = tpu.memref_squeeze %dma_wait3A_250 : memref<1x2x120xi32, #tpu.memory_space<vmem>> -> memref<2x120xi32, #tpu.memory_space<vmem>>
        %dma_wait3A_252 = arith.constant 0 : i32
        %dma_wait3A_253 = arith.constant 0 : i32
        %dma_wait3A_254 = tpu.memref_slice %arg3[%add3A, %sub3A_245, %dma_wait3A_252, %dma_wait3A_253] : memref<32x86x2x120xi32, #tpu.memory_space<hbm>> -> memref<1x1x2x120xi32, #tpu.memory_space<hbm>>
        %dma_wait3A_255 = tpu.memref_squeeze %dma_wait3A_254 : memref<1x1x2x120xi32, #tpu.memory_space<hbm>> -> memref<2x120xi32, #tpu.memory_space<hbm>>
        %dma_wait3A_256 = tpu.memref_slice %arg9[%rem3A_247] : memref<6x!tpu.dma_semaphore, #tpu.memory_space<semaphore_mem>> -> memref<1x!tpu.dma_semaphore, #tpu.memory_space<semaphore_mem>>
        %dma_wait3A_257 = tpu.memref_squeeze %dma_wait3A_256 : memref<1x!tpu.dma_semaphore, #tpu.memory_space<semaphore_mem>> -> memref<!tpu.dma_semaphore, #tpu.memory_space<semaphore_mem>>
        %dma_wait3A_258 = arith.constant 0 : i32
        %dma_wait3A_259 = arith.constant 0 : i32
        %dma_wait3A_260 = tpu.memref_slice %arg6[%rem3A_247, %dma_wait3A_258, %dma_wait3A_259] : memref<6x2x120xi32, #tpu.memory_space<vmem>> -> memref<1x2x120xi32, #tpu.memory_space<vmem>>
        %dma_wait3A_261 = tpu.memref_squeeze %dma_wait3A_260 : memref<1x2x120xi32, #tpu.memory_space<vmem>> -> memref<2x120xi32, #tpu.memory_space<vmem>>
        %dma_wait3A_262 = arith.constant 0 : i32
        %dma_wait3A_263 = arith.constant 0 : i32
        %dma_wait3A_264 = tpu.memref_slice %arg3[%add3A, %sub3A_245, %dma_wait3A_262, %dma_wait3A_263] : memref<32x86x2x120xi32, #tpu.memory_space<hbm>> -> memref<1x1x2x120xi32, #tpu.memory_space<hbm>>
        %dma_wait3A_265 = tpu.memref_squeeze %dma_wait3A_264 : memref<1x1x2x120xi32, #tpu.memory_space<hbm>> -> memref<2x120xi32, #tpu.memory_space<hbm>>
        tpu.wait_dma2 semaphore(%dma_wait3A_257 : memref<!tpu.dma_semaphore, #tpu.memory_space<semaphore_mem>>) src(%dma_wait3A_265 : memref<2x120xi32, #tpu.memory_space<hbm>>) dst(%dma_wait3A_261 : memref<2x120xi32, #tpu.memory_space<vmem>>)
        %add3A_266 = arith.constant 3 : i32
        %add3A_267 = arith.addi %scan3A_195, %add3A_266 : i32
        %sub3A_268 = arith.constant 1 : i32
        %sub3A_269 = arith.subi %add3A_267, %sub3A_268 : i32
        %add3A_270 = arith.constant 3 : i32
        %add3A_271 = arith.addi %scan3A_195, %add3A_270 : i32
        %sub3A_272 = arith.constant 1 : i32
        %sub3A_273 = arith.subi %add3A_271, %sub3A_272 : i32
        %rem3A_274 = arith.constant 3 : i32
        %rem3A_275 = arith.remsi %sub3A_273, %rem3A_274 : i32
        %rem3A_276 = arith.constant 6 : i32
        %rem3A_277 = arith.remsi %sub3A_269, %rem3A_276 : i32
        %dma_start3A_278 = arith.constant 0 : i32
        %dma_start3A_279 = arith.constant 0 : i32
        %dma_start3A_280 = arith.constant 0 : i32
        %dma_start3A_281 = tpu.memref_slice %arg7[%rem3A_275, %dma_start3A_279, %dma_start3A_280] : memref<3x120x128xf32, #tpu.memory_space<vmem>> -> memref<1x120x128xf32, #tpu.memory_space<vmem>>
        %dma_start3A_282 = tpu.memref_squeeze %dma_start3A_281 : memref<1x120x128xf32, #tpu.memory_space<vmem>> -> memref<120x128xf32, #tpu.memory_space<vmem>>
        %dma_start3A_283 = arith.constant 0 : i32
        %dma_start3A_284 = tpu.memref_slice %arg6[%rem3A_277, %dma_start3A_278, %dma_start3A_283] : memref<6x2x120xi32, #tpu.memory_space<vmem>> -> memref<1x1x120xi32, #tpu.memory_space<vmem>>
        %dma_start3A_285 = tpu.memref_squeeze %dma_start3A_284 : memref<1x1x120xi32, #tpu.memory_space<vmem>> -> memref<120xi32, #tpu.memory_space<vmem>>
        %dma_start3A_286 = arith.constant 0 : i32
        %dma_start3A_287 = arith.constant 0 : i32
        %dma_start3A_288 = tpu.memref_slice %arg2[%dma_start3A_286, %dma_start3A_287] : memref<10000x128xf32, #tpu.memory_space<hbm>> -> memref<10000x128xf32, #tpu.memory_space<hbm>>
        %dma_start3A_289 = tpu.memref_slice %arg10[%rem3A_275] : memref<3x!tpu.dma_semaphore, #tpu.memory_space<semaphore_mem>> -> memref<1x!tpu.dma_semaphore, #tpu.memory_space<semaphore_mem>>
        %dma_start3A_290 = tpu.memref_squeeze %dma_start3A_289 : memref<1x!tpu.dma_semaphore, #tpu.memory_space<semaphore_mem>> -> memref<!tpu.dma_semaphore, #tpu.memory_space<semaphore_mem>>
        tpu.enqueue_indirect_dma source(%dma_start3A_288 : memref<10000x128xf32, #tpu.memory_space<hbm>>) target(%dma_start3A_282 : memref<120x128xf32, #tpu.memory_space<vmem>>) offsets(%dma_start3A_285 : memref<120xi32, #tpu.memory_space<vmem>>) semaphore(%dma_start3A_290 : memref<!tpu.dma_semaphore, #tpu.memory_space<semaphore_mem>>)
      } else {
      }
    }
    %scan3A_174 = arith.constant 86 : i32
    %rem3A_175 = arith.constant 85 : i32
    %rem3A_176 = arith.constant 6 : i32
    %rem3A_177 = arith.remsi %rem3A_175, %rem3A_176 : i32
    %dma_wait3A_178 = arith.constant 1 : i32
    %dma_wait3A_179 = arith.constant 1 : i32
    %dma_wait3A_180 = arith.constant 0 : i32
    %dma_wait3A_181 = arith.constant 0 : i32
    %dma_wait3A_182 = tpu.memref_slice %arg7[%dma_wait3A_178, %dma_wait3A_180, %dma_wait3A_181] : memref<3x120x128xf32, #tpu.memory_space<vmem>> -> memref<1x120x128xf32, #tpu.memory_space<vmem>>
    %dma_wait3A_183 = tpu.memref_squeeze %dma_wait3A_182 : memref<1x120x128xf32, #tpu.memory_space<vmem>> -> memref<120x128xf32, #tpu.memory_space<vmem>>
    %dma_wait3A_184 = arith.constant 0 : i32
    %dma_wait3A_185 = tpu.memref_slice %arg6[%rem3A_177, %dma_wait3A_179, %dma_wait3A_184] : memref<6x2x120xi32, #tpu.memory_space<vmem>> -> memref<1x1x120xi32, #tpu.memory_space<vmem>>
    %dma_wait3A_186 = tpu.memref_squeeze %dma_wait3A_185 : memref<1x1x120xi32, #tpu.memory_space<vmem>> -> memref<120xi32, #tpu.memory_space<vmem>>
    %dma_wait3A_187 = arith.constant 0 : i32
    %dma_wait3A_188 = arith.constant 0 : i32
    %dma_wait3A_189 = tpu.memref_slice %arg8[%dma_wait3A_187, %dma_wait3A_188] : memref<10112x128xf32, #tpu.memory_space<vmem_shared>> -> memref<10112x128xf32, #tpu.memory_space<vmem_shared>>
    tpu.wait_indirect_dma semaphore(%arg11 : memref<!tpu.dma_semaphore, #tpu.memory_space<semaphore_mem>>) src(%dma_wait3A_183 : memref<120x128xf32, #tpu.memory_space<vmem>>) dst(%dma_wait3A_189 : memref<10112x128xf32, #tpu.memory_space<vmem_shared>>)
    %barrier3A_190 = arith.constant 0 : index
    tpu.barrier barrier_id(%barrier3A_190)
    %mul3A_191 = arith.constant 632 : i32
    %mul3A_192 = arith.muli %arg1, %mul3A_191 : i32
    %mul3A_193 = arith.constant 632 : i32
    %mul3A_194 = arith.muli %arg1, %mul3A_193 : i32
    "tpu.region"() ({
      %run_scoped3A = tpu.sem_alloc : memref<!tpu.dma_semaphore, #tpu.memory_space<semaphore_mem>>
      %dma_start3A_195 = arith.constant 0 : i32
      %dma_start3A_196 = tpu.memref_slice %arg5[%arg0, %mul3A_194, %dma_start3A_195] : memref<2x10112x128xf32, #tpu.memory_space<hbm>> -> memref<1x632x128xf32, #tpu.memory_space<hbm>>
      %dma_start3A_197 = tpu.memref_squeeze %dma_start3A_196 : memref<1x632x128xf32, #tpu.memory_space<hbm>> -> memref<632x128xf32, #tpu.memory_space<hbm>>
      %dma_start3A_198 = arith.constant 0 : i32
      %dma_start3A_199 = tpu.memref_slice %arg8[%mul3A_192, %dma_start3A_198] : memref<10112x128xf32, #tpu.memory_space<vmem_shared>> -> memref<632x128xf32, #tpu.memory_space<vmem_shared>>
      tpu.enqueue_dma source(%dma_start3A_199 : memref<632x128xf32, #tpu.memory_space<vmem_shared>>) target(%dma_start3A_197 : memref<632x128xf32, #tpu.memory_space<hbm>>) target_semaphore(%run_scoped3A : memref<!tpu.dma_semaphore, #tpu.memory_space<semaphore_mem>>)
      %dma_wait3A_200 = arith.constant 0 : i32
      %dma_wait3A_201 = tpu.memref_slice %arg5[%arg0, %mul3A_194, %dma_wait3A_200] : memref<2x10112x128xf32, #tpu.memory_space<hbm>> -> memref<1x632x128xf32, #tpu.memory_space<hbm>>
      %dma_wait3A_202 = tpu.memref_squeeze %dma_wait3A_201 : memref<1x632x128xf32, #tpu.memory_space<hbm>> -> memref<632x128xf32, #tpu.memory_space<hbm>>
      %dma_wait3A_203 = arith.constant 0 : i32
      %dma_wait3A_204 = tpu.memref_slice %arg8[%mul3A_192, %dma_wait3A_203] : memref<10112x128xf32, #tpu.memory_space<vmem_shared>> -> memref<632x128xf32, #tpu.memory_space<vmem_shared>>
      tpu.wait_dma2 semaphore(%run_scoped3A : memref<!tpu.dma_semaphore, #tpu.memory_space<semaphore_mem>>) src(%dma_wait3A_204 : memref<632x128xf32, #tpu.memory_space<vmem_shared>>) dst(%dma_wait3A_202 : memref<632x128xf32, #tpu.memory_space<hbm>>)
      tpu.yield
    }) : () -> ()
    return
  }
}

#map = affine_map<(d0, d1) -> (0, 0)>
#map1 = affine_map<(d0, d1) -> (0, 0, 0, 0)>
#map2 = affine_map<(d0, d1) -> (0, 0, 0)>
module attributes {stable_mosaic.version = 14 : i64} {
  func.func @k(%arg0: i32, %arg1: i32, %arg2: memref<10000x128xf32, #tpu.memory_space<hbm>>, %arg3: memref<32x86x2x120xi32, #tpu.memory_space<hbm>>, %arg4: memref<10112x128xf32, #tpu.memory_space<hbm>>, %arg5: memref<2x10112x128xf32, #tpu.memory_space<hbm>>, %arg6: memref<6x2x120xi32, #tpu.memory_space<vmem>>, %arg7: memref<3x120x128xf32, #tpu.memory_space<vmem>>, %arg8: memref<10112x128xf32, #tpu.memory_space<vmem_shared>>, %arg9: memref<6x!tpu.dma_semaphore, #tpu.memory_space<semaphore_mem>>, %arg10: memref<3x!tpu.dma_semaphore, #tpu.memory_space<semaphore_mem>>, %arg11: memref<!tpu.dma_semaphore, #tpu.memory_space<semaphore_mem>>) attributes {dimension_semantics = [#tpu.dimension_semantics<core_parallel>, #tpu.dimension_semantics<subcore_parallel>], iteration_bounds = array<i64: 2, 16>, scalar_prefetch = 0 : i64, scratch_operands = 6 : i64, tpu.core_type = #tpu.core_type<sc_vector_subcore>, window_params = [{transform_indices = #map}, {transform_indices = #map1}, {transform_indices = #map}, {transform_indices = #map2}]} {
    %mul3A = arith.constant 16 : i32
    %mul3A_0 = arith.muli %arg0, %mul3A : i32
    %add3A = arith.addi %mul3A_0, %arg1 : i32
    %rem3A = arith.constant 0 : i32
    %rem3A_1 = arith.constant 6 : i32
    %rem3A_2 = arith.remsi %rem3A, %rem3A_1 : i32
    %dma_start3A = arith.constant 0 : i32
    %dma_start3A_3 = arith.constant 0 : i32
    %dma_start3A_4 = arith.constant 0 : i32
    %dma_start3A_5 = tpu.memref_slice %arg6[%rem3A_2, %dma_start3A_3, %dma_start3A_4] : memref<6x2x120xi32, #tpu.memory_space<vmem>> -> memref<1x2x120xi32, #tpu.memory_space<vmem>>
    %dma_start3A_6 = tpu.memref_squeeze %dma_start3A_5 : memref<1x2x120xi32, #tpu.memory_space<vmem>> -> memref<2x120xi32, #tpu.memory_space<vmem>>
    %dma_start3A_7 = arith.constant 0 : i32
    %dma_start3A_8 = arith.constant 0 : i32
    %dma_start3A_9 = tpu.memref_slice %arg3[%add3A, %dma_start3A, %dma_start3A_7, %dma_start3A_8] : memref<32x86x2x120xi32, #tpu.memory_space<hbm>> -> memref<1x1x2x120xi32, #tpu.memory_space<hbm>>
    %dma_start3A_10 = tpu.memref_squeeze %dma_start3A_9 : memref<1x1x2x120xi32, #tpu.memory_space<hbm>> -> memref<2x120xi32, #tpu.memory_space<hbm>>
    %dma_start3A_11 = tpu.memref_slice %arg9[%rem3A_2] : memref<6x!tpu.dma_semaphore, #tpu.memory_space<semaphore_mem>> -> memref<1x!tpu.dma_semaphore, #tpu.memory_space<semaphore_mem>>
    %dma_start3A_12 = tpu.memref_squeeze %dma_start3A_11 : memref<1x!tpu.dma_semaphore, #tpu.memory_space<semaphore_mem>> -> memref<!tpu.dma_semaphore, #tpu.memory_space<semaphore_mem>>
    %dma_start3A_13 = arith.constant 0 : i32
    %dma_start3A_14 = arith.constant 0 : i32
    %dma_start3A_15 = tpu.memref_slice %arg6[%rem3A_2, %dma_start3A_13, %dma_start3A_14] : memref<6x2x120xi32, #tpu.memory_space<vmem>> -> memref<1x2x120xi32, #tpu.memory_space<vmem>>
    %dma_start3A_16 = tpu.memref_squeeze %dma_start3A_15 : memref<1x2x120xi32, #tpu.memory_space<vmem>> -> memref<2x120xi32, #tpu.memory_space<vmem>>
    %dma_start3A_17 = arith.constant 0 : i32
    %dma_start3A_18 = arith.constant 0 : i32
    %dma_start3A_19 = tpu.memref_slice %arg3[%add3A, %dma_start3A, %dma_start3A_17, %dma_start3A_18] : memref<32x86x2x120xi32, #tpu.memory_space<hbm>> -> memref<1x1x2x120xi32, #tpu.memory_space<hbm>>
    %dma_start3A_20 = tpu.memref_squeeze %dma_start3A_19 : memref<1x1x2x120xi32, #tpu.memory_space<hbm>> -> memref<2x120xi32, #tpu.memory_space<hbm>>
    tpu.enqueue_dma source(%dma_start3A_20 : memref<2x120xi32, #tpu.memory_space<hbm>>) target(%dma_start3A_16 : memref<2x120xi32, #tpu.memory_space<vmem>>) target_semaphore(%dma_start3A_12 : memref<!tpu.dma_semaphore, #tpu.memory_space<semaphore_mem>>)
    %rem3A_21 = arith.constant 1 : i32
    %rem3A_22 = arith.constant 6 : i32
    %rem3A_23 = arith.remsi %rem3A_21, %rem3A_22 : i32
    %dma_start3A_24 = arith.constant 1 : i32
    %dma_start3A_25 = arith.constant 0 : i32
    %dma_start3A_26 = arith.constant 0 : i32
    %dma_start3A_27 = tpu.memref_slice %arg6[%rem3A_23, %dma_start3A_25, %dma_start3A_26] : memref<6x2x120xi32, #tpu.memory_space<vmem>> -> memref<1x2x120xi32, #tpu.memory_space<vmem>>
    %dma_start3A_28 = tpu.memref_squeeze %dma_start3A_27 : memref<1x2x120xi32, #tpu.memory_space<vmem>> -> memref<2x120xi32, #tpu.memory_space<vmem>>
    %dma_start3A_29 = arith.constant 0 : i32
    %dma_start3A_30 = arith.constant 0 : i32
    %dma_start3A_31 = tpu.memref_slice %arg3[%add3A, %dma_start3A_24, %dma_start3A_29, %dma_start3A_30] : memref<32x86x2x120xi32, #tpu.memory_space<hbm>> -> memref<1x1x2x120xi32, #tpu.memory_space<hbm>>
    %dma_start3A_32 = tpu.memref_squeeze %dma_start3A_31 : memref<1x1x2x120xi32, #tpu.memory_space<hbm>> -> memref<2x120xi32, #tpu.memory_space<hbm>>
    %dma_start3A_33 = tpu.memref_slice %arg9[%rem3A_23] : memref<6x!tpu.dma_semaphore, #tpu.memory_space<semaphore_mem>> -> memref<1x!tpu.dma_semaphore, #tpu.memory_space<semaphore_mem>>
    %dma_start3A_34 = tpu.memref_squeeze %dma_start3A_33 : memref<1x!tpu.dma_semaphore, #tpu.memory_space<semaphore_mem>> -> memref<!tpu.dma_semaphore, #tpu.memory_space<semaphore_mem>>
    %dma_start3A_35 = arith.constant 0 : i32
    %dma_start3A_36 = arith.constant 0 : i32
    %dma_start3A_37 = tpu.memref_slice %arg6[%rem3A_23, %dma_start3A_35, %dma_start3A_36] : memref<6x2x120xi32, #tpu.memory_space<vmem>> -> memref<1x2x120xi32, #tpu.memory_space<vmem>>
    %dma_start3A_38 = tpu.memref_squeeze %dma_start3A_37 : memref<1x2x120xi32, #tpu.memory_space<vmem>> -> memref<2x120xi32, #tpu.memory_space<vmem>>
    %dma_start3A_39 = arith.constant 0 : i32
    %dma_start3A_40 = arith.constant 0 : i32
    %dma_start3A_41 = tpu.memref_slice %arg3[%add3A, %dma_start3A_24, %dma_start3A_39, %dma_start3A_40] : memref<32x86x2x120xi32, #tpu.memory_space<hbm>> -> memref<1x1x2x120xi32, #tpu.memory_space<hbm>>
    %dma_start3A_42 = tpu.memref_squeeze %dma_start3A_41 : memref<1x1x2x120xi32, #tpu.memory_space<hbm>> -> memref<2x120xi32, #tpu.memory_space<hbm>>
    tpu.enqueue_dma source(%dma_start3A_42 : memref<2x120xi32, #tpu.memory_space<hbm>>) target(%dma_start3A_38 : memref<2x120xi32, #tpu.memory_space<vmem>>) target_semaphore(%dma_start3A_34 : memref<!tpu.dma_semaphore, #tpu.memory_space<semaphore_mem>>)
    %rem3A_43 = arith.constant 2 : i32
    %rem3A_44 = arith.constant 6 : i32
    %rem3A_45 = arith.remsi %rem3A_43, %rem3A_44 : i32
    %dma_start3A_46 = arith.constant 2 : i32
    %dma_start3A_47 = arith.constant 0 : i32
    %dma_start3A_48 = arith.constant 0 : i32
    %dma_start3A_49 = tpu.memref_slice %arg6[%rem3A_45, %dma_start3A_47, %dma_start3A_48] : memref<6x2x120xi32, #tpu.memory_space<vmem>> -> memref<1x2x120xi32, #tpu.memory_space<vmem>>
    %dma_start3A_50 = tpu.memref_squeeze %dma_start3A_49 : memref<1x2x120xi32, #tpu.memory_space<vmem>> -> memref<2x120xi32, #tpu.memory_space<vmem>>
    %dma_start3A_51 = arith.constant 0 : i32
    %dma_start3A_52 = arith.constant 0 : i32
    %dma_start3A_53 = tpu.memref_slice %arg3[%add3A, %dma_start3A_46, %dma_start3A_51, %dma_start3A_52] : memref<32x86x2x120xi32, #tpu.memory_space<hbm>> -> memref<1x1x2x120xi32, #tpu.memory_space<hbm>>
    %dma_start3A_54 = tpu.memref_squeeze %dma_start3A_53 : memref<1x1x2x120xi32, #tpu.memory_space<hbm>> -> memref<2x120xi32, #tpu.memory_space<hbm>>
    %dma_start3A_55 = tpu.memref_slice %arg9[%rem3A_45] : memref<6x!tpu.dma_semaphore, #tpu.memory_space<semaphore_mem>> -> memref<1x!tpu.dma_semaphore, #tpu.memory_space<semaphore_mem>>
    %dma_start3A_56 = tpu.memref_squeeze %dma_start3A_55 : memref<1x!tpu.dma_semaphore, #tpu.memory_space<semaphore_mem>> -> memref<!tpu.dma_semaphore, #tpu.memory_space<semaphore_mem>>
    %dma_start3A_57 = arith.constant 0 : i32
    %dma_start3A_58 = arith.constant 0 : i32
    %dma_start3A_59 = tpu.memref_slice %arg6[%rem3A_45, %dma_start3A_57, %dma_start3A_58] : memref<6x2x120xi32, #tpu.memory_space<vmem>> -> memref<1x2x120xi32, #tpu.memory_space<vmem>>
    %dma_start3A_60 = tpu.memref_squeeze %dma_start3A_59 : memref<1x2x120xi32, #tpu.memory_space<vmem>> -> memref<2x120xi32, #tpu.memory_space<vmem>>
    %dma_start3A_61 = arith.constant 0 : i32
    %dma_start3A_62 = arith.constant 0 : i32
    %dma_start3A_63 = tpu.memref_slice %arg3[%add3A, %dma_start3A_46, %dma_start3A_61, %dma_start3A_62] : memref<32x86x2x120xi32, #tpu.memory_space<hbm>> -> memref<1x1x2x120xi32, #tpu.memory_space<hbm>>
    %dma_start3A_64 = tpu.memref_squeeze %dma_start3A_63 : memref<1x1x2x120xi32, #tpu.memory_space<hbm>> -> memref<2x120xi32, #tpu.memory_space<hbm>>
    tpu.enqueue_dma source(%dma_start3A_64 : memref<2x120xi32, #tpu.memory_space<hbm>>) target(%dma_start3A_60 : memref<2x120xi32, #tpu.memory_space<vmem>>) target_semaphore(%dma_start3A_56 : memref<!tpu.dma_semaphore, #tpu.memory_space<semaphore_mem>>)
    %rem3A_65 = arith.constant 3 : i32
    %rem3A_66 = arith.constant 6 : i32
    %rem3A_67 = arith.remsi %rem3A_65, %rem3A_66 : i32
    %dma_start3A_68 = arith.constant 3 : i32
    %dma_start3A_69 = arith.constant 0 : i32
    %dma_start3A_70 = arith.constant 0 : i32
    %dma_start3A_71 = tpu.memref_slice %arg6[%rem3A_67, %dma_start3A_69, %dma_start3A_70] : memref<6x2x120xi32, #tpu.memory_space<vmem>> -> memref<1x2x120xi32, #tpu.memory_space<vmem>>
    %dma_start3A_72 = tpu.memref_squeeze %dma_start3A_71 : memref<1x2x120xi32, #tpu.memory_space<vmem>> -> memref<2x120xi32, #tpu.memory_space<vmem>>
    %dma_start3A_73 = arith.constant 0 : i32
    %dma_start3A_74 = arith.constant 0 : i32
    %dma_start3A_75 = tpu.memref_slice %arg3[%add3A, %dma_start3A_68, %dma_start3A_73, %dma_start3A_74] : memref<32x86x2x120xi32, #tpu.memory_space<hbm>> -> memref<1x1x2x120xi32, #tpu.memory_space<hbm>>
    %dma_start3A_76 = tpu.memref_squeeze %dma_start3A_75 : memref<1x1x2x120xi32, #tpu.memory_space<hbm>> -> memref<2x120xi32, #tpu.memory_space<hbm>>
    %dma_start3A_77 = tpu.memref_slice %arg9[%rem3A_67] : memref<6x!tpu.dma_semaphore, #tpu.memory_space<semaphore_mem>> -> memref<1x!tpu.dma_semaphore, #tpu.memory_space<semaphore_mem>>
    %dma_start3A_78 = tpu.memref_squeeze %dma_start3A_77 : memref<1x!tpu.dma_semaphore, #tpu.memory_space<semaphore_mem>> -> memref<!tpu.dma_semaphore, #tpu.memory_space<semaphore_mem>>
    %dma_start3A_79 = arith.constant 0 : i32
    %dma_start3A_80 = arith.constant 0 : i32
    %dma_start3A_81 = tpu.memref_slice %arg6[%rem3A_67, %dma_start3A_79, %dma_start3A_80] : memref<6x2x120xi32, #tpu.memory_space<vmem>> -> memref<1x2x120xi32, #tpu.memory_space<vmem>>
    %dma_start3A_82 = tpu.memref_squeeze %dma_start3A_81 : memref<1x2x120xi32, #tpu.memory_space<vmem>> -> memref<2x120xi32, #tpu.memory_space<vmem>>
    %dma_start3A_83 = arith.constant 0 : i32
    %dma_start3A_84 = arith.constant 0 : i32
    %dma_start3A_85 = tpu.memref_slice %arg3[%add3A, %dma_start3A_68, %dma_start3A_83, %dma_start3A_84] : memref<32x86x2x120xi32, #tpu.memory_space<hbm>> -> memref<1x1x2x120xi32, #tpu.memory_space<hbm>>
    %dma_start3A_86 = tpu.memref_squeeze %dma_start3A_85 : memref<1x1x2x120xi32, #tpu.memory_space<hbm>> -> memref<2x120xi32, #tpu.memory_space<hbm>>
    tpu.enqueue_dma source(%dma_start3A_86 : memref<2x120xi32, #tpu.memory_space<hbm>>) target(%dma_start3A_82 : memref<2x120xi32, #tpu.memory_space<vmem>>) target_semaphore(%dma_start3A_78 : memref<!tpu.dma_semaphore, #tpu.memory_space<semaphore_mem>>)
    %mul3A_87 = arith.constant 632 : i32
    %mul3A_88 = arith.muli %arg1, %mul3A_87 : i32
    %mul3A_89 = arith.constant 632 : i32
    %mul3A_90 = arith.muli %arg1, %mul3A_89 : i32
    "tpu.region"() ({
      %run_scoped3A = tpu.sem_alloc : memref<!tpu.dma_semaphore, #tpu.memory_space<semaphore_mem>>
      %dma_start3A_195 = arith.constant 0 : i32
      %dma_start3A_196 = tpu.memref_slice %arg8[%mul3A_90, %dma_start3A_195] : memref<10112x128xf32, #tpu.memory_space<vmem_shared>> -> memref<632x128xf32, #tpu.memory_space<vmem_shared>>
      %dma_start3A_197 = arith.constant 0 : i32
      %dma_start3A_198 = tpu.memref_slice %arg4[%mul3A_88, %dma_start3A_197] : memref<10112x128xf32, #tpu.memory_space<hbm>> -> memref<632x128xf32, #tpu.memory_space<hbm>>
      tpu.enqueue_dma source(%dma_start3A_198 : memref<632x128xf32, #tpu.memory_space<hbm>>) target(%dma_start3A_196 : memref<632x128xf32, #tpu.memory_space<vmem_shared>>) target_semaphore(%run_scoped3A : memref<!tpu.dma_semaphore, #tpu.memory_space<semaphore_mem>>)
      %dma_wait3A_199 = arith.constant 0 : i32
      %dma_wait3A_200 = tpu.memref_slice %arg8[%mul3A_90, %dma_wait3A_199] : memref<10112x128xf32, #tpu.memory_space<vmem_shared>> -> memref<632x128xf32, #tpu.memory_space<vmem_shared>>
      %dma_wait3A_201 = arith.constant 0 : i32
      %dma_wait3A_202 = tpu.memref_slice %arg4[%mul3A_88, %dma_wait3A_201] : memref<10112x128xf32, #tpu.memory_space<hbm>> -> memref<632x128xf32, #tpu.memory_space<hbm>>
      tpu.wait_dma2 semaphore(%run_scoped3A : memref<!tpu.dma_semaphore, #tpu.memory_space<semaphore_mem>>) src(%dma_wait3A_202 : memref<632x128xf32, #tpu.memory_space<hbm>>) dst(%dma_wait3A_200 : memref<632x128xf32, #tpu.memory_space<vmem_shared>>)
      tpu.yield
    }) : () -> ()
    %barrier3A = arith.constant 0 : index
    tpu.barrier barrier_id(%barrier3A)
    %rem3A_91 = arith.constant 0 : i32
    %rem3A_92 = arith.constant 6 : i32
    %rem3A_93 = arith.remsi %rem3A_91, %rem3A_92 : i32
    %dma_wait3A = arith.constant 0 : i32
    %dma_wait3A_94 = arith.constant 0 : i32
    %dma_wait3A_95 = arith.constant 0 : i32
    %dma_wait3A_96 = tpu.memref_slice %arg6[%rem3A_93, %dma_wait3A_94, %dma_wait3A_95] : memref<6x2x120xi32, #tpu.memory_space<vmem>> -> memref<1x2x120xi32, #tpu.memory_space<vmem>>
    %dma_wait3A_97 = tpu.memref_squeeze %dma_wait3A_96 : memref<1x2x120xi32, #tpu.memory_space<vmem>> -> memref<2x120xi32, #tpu.memory_space<vmem>>
    %dma_wait3A_98 = arith.constant 0 : i32
    %dma_wait3A_99 = arith.constant 0 : i32
    %dma_wait3A_100 = tpu.memref_slice %arg3[%add3A, %dma_wait3A, %dma_wait3A_98, %dma_wait3A_99] : memref<32x86x2x120xi32, #tpu.memory_space<hbm>> -> memref<1x1x2x120xi32, #tpu.memory_space<hbm>>
    %dma_wait3A_101 = tpu.memref_squeeze %dma_wait3A_100 : memref<1x1x2x120xi32, #tpu.memory_space<hbm>> -> memref<2x120xi32, #tpu.memory_space<hbm>>
    %dma_wait3A_102 = tpu.memref_slice %arg9[%rem3A_93] : memref<6x!tpu.dma_semaphore, #tpu.memory_space<semaphore_mem>> -> memref<1x!tpu.dma_semaphore, #tpu.memory_space<semaphore_mem>>
    %dma_wait3A_103 = tpu.memref_squeeze %dma_wait3A_102 : memref<1x!tpu.dma_semaphore, #tpu.memory_space<semaphore_mem>> -> memref<!tpu.dma_semaphore, #tpu.memory_space<semaphore_mem>>
    %dma_wait3A_104 = arith.constant 0 : i32
    %dma_wait3A_105 = arith.constant 0 : i32
    %dma_wait3A_106 = tpu.memref_slice %arg6[%rem3A_93, %dma_wait3A_104, %dma_wait3A_105] : memref<6x2x120xi32, #tpu.memory_space<vmem>> -> memref<1x2x120xi32, #tpu.memory_space<vmem>>
    %dma_wait3A_107 = tpu.memref_squeeze %dma_wait3A_106 : memref<1x2x120xi32, #tpu.memory_space<vmem>> -> memref<2x120xi32, #tpu.memory_space<vmem>>
    %dma_wait3A_108 = arith.constant 0 : i32
    %dma_wait3A_109 = arith.constant 0 : i32
    %dma_wait3A_110 = tpu.memref_slice %arg3[%add3A, %dma_wait3A, %dma_wait3A_108, %dma_wait3A_109] : memref<32x86x2x120xi32, #tpu.memory_space<hbm>> -> memref<1x1x2x120xi32, #tpu.memory_space<hbm>>
    %dma_wait3A_111 = tpu.memref_squeeze %dma_wait3A_110 : memref<1x1x2x120xi32, #tpu.memory_space<hbm>> -> memref<2x120xi32, #tpu.memory_space<hbm>>
    tpu.wait_dma2 semaphore(%dma_wait3A_103 : memref<!tpu.dma_semaphore, #tpu.memory_space<semaphore_mem>>) src(%dma_wait3A_111 : memref<2x120xi32, #tpu.memory_space<hbm>>) dst(%dma_wait3A_107 : memref<2x120xi32, #tpu.memory_space<vmem>>)
    %rem3A_112 = arith.constant 0 : i32
    %rem3A_113 = arith.constant 6 : i32
    %rem3A_114 = arith.remsi %rem3A_112, %rem3A_113 : i32
    %dma_start3A_115 = arith.constant 0 : i32
    %dma_start3A_116 = arith.constant 0 : i32
    %dma_start3A_117 = arith.constant 0 : i32
    %dma_start3A_118 = arith.constant 0 : i32
    %dma_start3A_119 = arith.constant 0 : i32
    %dma_start3A_120 = tpu.memref_slice %arg7[%dma_start3A_116, %dma_start3A_118, %dma_start3A_119] : memref<3x120x128xf32, #tpu.memory_space<vmem>> -> memref<1x120x128xf32, #tpu.memory_space<vmem>>
    %dma_start3A_121 = tpu.memref_squeeze %dma_start3A_120 : memref<1x120x128xf32, #tpu.memory_space<vmem>> -> memref<120x128xf32, #tpu.memory_space<vmem>>
    %dma_start3A_122 = arith.constant 0 : i32
    %dma_start3A_123 = tpu.memref_slice %arg6[%rem3A_114, %dma_start3A_115, %dma_start3A_122] : memref<6x2x120xi32, #tpu.memory_space<vmem>> -> memref<1x1x120xi32, #tpu.memory_space<vmem>>
    %dma_start3A_124 = tpu.memref_squeeze %dma_start3A_123 : memref<1x1x120xi32, #tpu.memory_space<vmem>> -> memref<120xi32, #tpu.memory_space<vmem>>
    %dma_start3A_125 = arith.constant 0 : i32
    %dma_start3A_126 = arith.constant 0 : i32
    %dma_start3A_127 = tpu.memref_slice %arg2[%dma_start3A_125, %dma_start3A_126] : memref<10000x128xf32, #tpu.memory_space<hbm>> -> memref<10000x128xf32, #tpu.memory_space<hbm>>
    %dma_start3A_128 = tpu.memref_slice %arg10[%dma_start3A_117] : memref<3x!tpu.dma_semaphore, #tpu.memory_space<semaphore_mem>> -> memref<1x!tpu.dma_semaphore, #tpu.memory_space<semaphore_mem>>
    %dma_start3A_129 = tpu.memref_squeeze %dma_start3A_128 : memref<1x!tpu.dma_semaphore, #tpu.memory_space<semaphore_mem>> -> memref<!tpu.dma_semaphore, #tpu.memory_space<semaphore_mem>>
    tpu.enqueue_indirect_dma source(%dma_start3A_127 : memref<10000x128xf32, #tpu.memory_space<hbm>>) target(%dma_start3A_121 : memref<120x128xf32, #tpu.memory_space<vmem>>) offsets(%dma_start3A_124 : memref<120xi32, #tpu.memory_space<vmem>>) semaphore(%dma_start3A_129 : memref<!tpu.dma_semaphore, #tpu.memory_space<semaphore_mem>>)
    %rem3A_130 = arith.constant 1 : i32
    %rem3A_131 = arith.constant 6 : i32
    %rem3A_132 = arith.remsi %rem3A_130, %rem3A_131 : i32
    %dma_wait3A_133 = arith.constant 1 : i32
    %dma_wait3A_134 = arith.constant 0 : i32
    %dma_wait3A_135 = arith.constant 0 : i32
    %dma_wait3A_136 = tpu.memref_slice %arg6[%rem3A_132, %dma_wait3A_134, %dma_wait3A_135] : memref<6x2x120xi32, #tpu.memory_space<vmem>> -> memref<1x2x120xi32, #tpu.memory_space<vmem>>
    %dma_wait3A_137 = tpu.memref_squeeze %dma_wait3A_136 : memref<1x2x120xi32, #tpu.memory_space<vmem>> -> memref<2x120xi32, #tpu.memory_space<vmem>>
    %dma_wait3A_138 = arith.constant 0 : i32
    %dma_wait3A_139 = arith.constant 0 : i32
    %dma_wait3A_140 = tpu.memref_slice %arg3[%add3A, %dma_wait3A_133, %dma_wait3A_138, %dma_wait3A_139] : memref<32x86x2x120xi32, #tpu.memory_space<hbm>> -> memref<1x1x2x120xi32, #tpu.memory_space<hbm>>
    %dma_wait3A_141 = tpu.memref_squeeze %dma_wait3A_140 : memref<1x1x2x120xi32, #tpu.memory_space<hbm>> -> memref<2x120xi32, #tpu.memory_space<hbm>>
    %dma_wait3A_142 = tpu.memref_slice %arg9[%rem3A_132] : memref<6x!tpu.dma_semaphore, #tpu.memory_space<semaphore_mem>> -> memref<1x!tpu.dma_semaphore, #tpu.memory_space<semaphore_mem>>
    %dma_wait3A_143 = tpu.memref_squeeze %dma_wait3A_142 : memref<1x!tpu.dma_semaphore, #tpu.memory_space<semaphore_mem>> -> memref<!tpu.dma_semaphore, #tpu.memory_space<semaphore_mem>>
    %dma_wait3A_144 = arith.constant 0 : i32
    %dma_wait3A_145 = arith.constant 0 : i32
    %dma_wait3A_146 = tpu.memref_slice %arg6[%rem3A_132, %dma_wait3A_144, %dma_wait3A_145] : memref<6x2x120xi32, #tpu.memory_space<vmem>> -> memref<1x2x120xi32, #tpu.memory_space<vmem>>
    %dma_wait3A_147 = tpu.memref_squeeze %dma_wait3A_146 : memref<1x2x120xi32, #tpu.memory_space<vmem>> -> memref<2x120xi32, #tpu.memory_space<vmem>>
    %dma_wait3A_148 = arith.constant 0 : i32
    %dma_wait3A_149 = arith.constant 0 : i32
    %dma_wait3A_150 = tpu.memref_slice %arg3[%add3A, %dma_wait3A_133, %dma_wait3A_148, %dma_wait3A_149] : memref<32x86x2x120xi32, #tpu.memory_space<hbm>> -> memref<1x1x2x120xi32, #tpu.memory_space<hbm>>
    %dma_wait3A_151 = tpu.memref_squeeze %dma_wait3A_150 : memref<1x1x2x120xi32, #tpu.memory_space<hbm>> -> memref<2x120xi32, #tpu.memory_space<hbm>>
    tpu.wait_dma2 semaphore(%dma_wait3A_143 : memref<!tpu.dma_semaphore, #tpu.memory_space<semaphore_mem>>) src(%dma_wait3A_151 : memref<2x120xi32, #tpu.memory_space<hbm>>) dst(%dma_wait3A_147 : memref<2x120xi32, #tpu.memory_space<vmem>>)
    %rem3A_152 = arith.constant 1 : i32
    %rem3A_153 = arith.constant 6 : i32
    %rem3A_154 = arith.remsi %rem3A_152, %rem3A_153 : i32
    %dma_start3A_155 = arith.constant 0 : i32
    %dma_start3A_156 = arith.constant 1 : i32
    %dma_start3A_157 = arith.constant 1 : i32
    %dma_start3A_158 = arith.constant 0 : i32
    %dma_start3A_159 = arith.constant 0 : i32
    %dma_start3A_160 = tpu.memref_slice %arg7[%dma_start3A_156, %dma_start3A_158, %dma_start3A_159] : memref<3x120x128xf32, #tpu.memory_space<vmem>> -> memref<1x120x128xf32, #tpu.memory_space<vmem>>
    %dma_start3A_161 = tpu.memref_squeeze %dma_start3A_160 : memref<1x120x128xf32, #tpu.memory_space<vmem>> -> memref<120x128xf32, #tpu.memory_space<vmem>>
    %dma_start3A_162 = arith.constant 0 : i32
    %dma_start3A_163 = tpu.memref_slice %arg6[%rem3A_154, %dma_start3A_155, %dma_start3A_162] : memref<6x2x120xi32, #tpu.memory_space<vmem>> -> memref<1x1x120xi32, #tpu.memory_space<vmem>>
    %dma_start3A_164 = tpu.memref_squeeze %dma_start3A_163 : memref<1x1x120xi32, #tpu.memory_space<vmem>> -> memref<120xi32, #tpu.memory_space<vmem>>
    %dma_start3A_165 = arith.constant 0 : i32
    %dma_start3A_166 = arith.constant 0 : i32
    %dma_start3A_167 = tpu.memref_slice %arg2[%dma_start3A_165, %dma_start3A_166] : memref<10000x128xf32, #tpu.memory_space<hbm>> -> memref<10000x128xf32, #tpu.memory_space<hbm>>
    %dma_start3A_168 = tpu.memref_slice %arg10[%dma_start3A_157] : memref<3x!tpu.dma_semaphore, #tpu.memory_space<semaphore_mem>> -> memref<1x!tpu.dma_semaphore, #tpu.memory_space<semaphore_mem>>
    %dma_start3A_169 = tpu.memref_squeeze %dma_start3A_168 : memref<1x!tpu.dma_semaphore, #tpu.memory_space<semaphore_mem>> -> memref<!tpu.dma_semaphore, #tpu.memory_space<semaphore_mem>>
    tpu.enqueue_indirect_dma source(%dma_start3A_167 : memref<10000x128xf32, #tpu.memory_space<hbm>>) target(%dma_start3A_161 : memref<120x128xf32, #tpu.memory_space<vmem>>) offsets(%dma_start3A_164 : memref<120xi32, #tpu.memory_space<vmem>>) semaphore(%dma_start3A_169 : memref<!tpu.dma_semaphore, #tpu.memory_space<semaphore_mem>>)
    %scan3A = arith.constant 0 : i32
    %scan3A_170 = arith.constant 0 : i32
    %scan3A_171 = arith.constant 86 : i32
    %scan3A_172 = arith.addi %scan3A_170, %scan3A_171 : i32
    %scan3A_173 = arith.constant 1 : i32
    scf.for %scan3A_195 = %scan3A_170 to %scan3A_172 step %scan3A_173  : i32 {
      %rem3A_196 = arith.constant 3 : i32
      %rem3A_197 = arith.remsi %scan3A_195, %rem3A_196 : i32
      %rem3A_198 = arith.constant 6 : i32
      %rem3A_199 = arith.remsi %scan3A_195, %rem3A_198 : i32
      %dma_wait3A_200 = arith.constant 0 : i32
      %dma_wait3A_201 = arith.constant 0 : i32
      %dma_wait3A_202 = arith.constant 0 : i32
      %dma_wait3A_203 = tpu.memref_slice %arg7[%rem3A_197, %dma_wait3A_201, %dma_wait3A_202] : memref<3x120x128xf32, #tpu.memory_space<vmem>> -> memref<1x120x128xf32, #tpu.memory_space<vmem>>
      %dma_wait3A_204 = tpu.memref_squeeze %dma_wait3A_203 : memref<1x120x128xf32, #tpu.memory_space<vmem>> -> memref<120x128xf32, #tpu.memory_space<vmem>>
      %dma_wait3A_205 = arith.constant 0 : i32
      %dma_wait3A_206 = tpu.memref_slice %arg6[%rem3A_199, %dma_wait3A_200, %dma_wait3A_205] : memref<6x2x120xi32, #tpu.memory_space<vmem>> -> memref<1x1x120xi32, #tpu.memory_space<vmem>>
      %dma_wait3A_207 = tpu.memref_squeeze %dma_wait3A_206 : memref<1x1x120xi32, #tpu.memory_space<vmem>> -> memref<120xi32, #tpu.memory_space<vmem>>
      %dma_wait3A_208 = arith.constant 0 : i32
      %dma_wait3A_209 = arith.constant 0 : i32
      %dma_wait3A_210 = tpu.memref_slice %arg2[%dma_wait3A_208, %dma_wait3A_209] : memref<10000x128xf32, #tpu.memory_space<hbm>> -> memref<10000x128xf32, #tpu.memory_space<hbm>>
      %dma_wait3A_211 = tpu.memref_slice %arg10[%rem3A_197] : memref<3x!tpu.dma_semaphore, #tpu.memory_space<semaphore_mem>> -> memref<1x!tpu.dma_semaphore, #tpu.memory_space<semaphore_mem>>
      %dma_wait3A_212 = tpu.memref_squeeze %dma_wait3A_211 : memref<1x!tpu.dma_semaphore, #tpu.memory_space<semaphore_mem>> -> memref<!tpu.dma_semaphore, #tpu.memory_space<semaphore_mem>>
      tpu.wait_indirect_dma semaphore(%dma_wait3A_212 : memref<!tpu.dma_semaphore, #tpu.memory_space<semaphore_mem>>) src(%dma_wait3A_210 : memref<10000x128xf32, #tpu.memory_space<hbm>>) dst(%dma_wait3A_204 : memref<120x128xf32, #tpu.memory_space<vmem>>)
      %rem3A_213 = arith.constant 6 : i32
      %rem3A_214 = arith.remsi %scan3A_195, %rem3A_213 : i32
      %dma_start3A_215 = arith.constant 1 : i32
      %dma_start3A_216 = arith.constant 0 : i32
      %dma_start3A_217 = arith.constant 0 : i32
      %dma_start3A_218 = tpu.memref_slice %arg7[%rem3A_197, %dma_start3A_216, %dma_start3A_217] : memref<3x120x128xf32, #tpu.memory_space<vmem>> -> memref<1x120x128xf32, #tpu.memory_space<vmem>>
      %dma_start3A_219 = tpu.memref_squeeze %dma_start3A_218 : memref<1x120x128xf32, #tpu.memory_space<vmem>> -> memref<120x128xf32, #tpu.memory_space<vmem>>
      %dma_start3A_220 = arith.constant 0 : i32
      %dma_start3A_221 = tpu.memref_slice %arg6[%rem3A_214, %dma_start3A_215, %dma_start3A_220] : memref<6x2x120xi32, #tpu.memory_space<vmem>> -> memref<1x1x120xi32, #tpu.memory_space<vmem>>
      %dma_start3A_222 = tpu.memref_squeeze %dma_start3A_221 : memref<1x1x120xi32, #tpu.memory_space<vmem>> -> memref<120xi32, #tpu.memory_space<vmem>>
      %dma_start3A_223 = arith.constant 0 : i32
      %dma_start3A_224 = arith.constant 0 : i32
      %dma_start3A_225 = tpu.memref_slice %arg8[%dma_start3A_223, %dma_start3A_224] : memref<10112x128xf32, #tpu.memory_space<vmem_shared>> -> memref<10112x128xf32, #tpu.memory_space<vmem_shared>>
      tpu.enqueue_indirect_dma source(%dma_start3A_219 : memref<120x128xf32, #tpu.memory_space<vmem>>) target(%dma_start3A_225 : memref<10112x128xf32, #tpu.memory_space<vmem_shared>>) offsets(%dma_start3A_222 : memref<120xi32, #tpu.memory_space<vmem>>) semaphore(%arg11 : memref<!tpu.dma_semaphore, #tpu.memory_space<semaphore_mem>>) {add = true}
      %add3A_226 = arith.constant 4 : i32
      %add3A_227 = arith.addi %scan3A_195, %add3A_226 : i32
      %lt3A = arith.constant 86 : i32
      %lt3A_228 = arith.cmpi slt, %add3A_227, %lt3A : i32
      %convert_element_type3A = arith.extui %lt3A_228 : i1 to i32
      %cond3A = arith.constant 0 : i32
      %cond3A_229 = arith.cmpi ne, %convert_element_type3A, %cond3A : i32
      scf.if %cond3A_229 {
        %add3A_242 = arith.constant 4 : i32
        %add3A_243 = arith.addi %scan3A_195, %add3A_242 : i32
        %rem3A_244 = arith.constant 6 : i32
        %rem3A_245 = arith.remsi %add3A_243, %rem3A_244 : i32
        %dma_start3A_246 = arith.constant 0 : i32
        %dma_start3A_247 = arith.constant 0 : i32
        %dma_start3A_248 = tpu.memref_slice %arg6[%rem3A_245, %dma_start3A_246, %dma_start3A_247] : memref<6x2x120xi32, #tpu.memory_space<vmem>> -> memref<1x2x120xi32, #tpu.memory_space<vmem>>
        %dma_start3A_249 = tpu.memref_squeeze %dma_start3A_248 : memref<1x2x120xi32, #tpu.memory_space<vmem>> -> memref<2x120xi32, #tpu.memory_space<vmem>>
        %dma_start3A_250 = arith.constant 0 : i32
        %dma_start3A_251 = arith.constant 0 : i32
        %dma_start3A_252 = tpu.memref_slice %arg3[%add3A, %add3A_243, %dma_start3A_250, %dma_start3A_251] : memref<32x86x2x120xi32, #tpu.memory_space<hbm>> -> memref<1x1x2x120xi32, #tpu.memory_space<hbm>>
        %dma_start3A_253 = tpu.memref_squeeze %dma_start3A_252 : memref<1x1x2x120xi32, #tpu.memory_space<hbm>> -> memref<2x120xi32, #tpu.memory_space<hbm>>
        %dma_start3A_254 = tpu.memref_slice %arg9[%rem3A_245] : memref<6x!tpu.dma_semaphore, #tpu.memory_space<semaphore_mem>> -> memref<1x!tpu.dma_semaphore, #tpu.memory_space<semaphore_mem>>
        %dma_start3A_255 = tpu.memref_squeeze %dma_start3A_254 : memref<1x!tpu.dma_semaphore, #tpu.memory_space<semaphore_mem>> -> memref<!tpu.dma_semaphore, #tpu.memory_space<semaphore_mem>>
        %dma_start3A_256 = arith.constant 0 : i32
        %dma_start3A_257 = arith.constant 0 : i32
        %dma_start3A_258 = tpu.memref_slice %arg6[%rem3A_245, %dma_start3A_256, %dma_start3A_257] : memref<6x2x120xi32, #tpu.memory_space<vmem>> -> memref<1x2x120xi32, #tpu.memory_space<vmem>>
        %dma_start3A_259 = tpu.memref_squeeze %dma_start3A_258 : memref<1x2x120xi32, #tpu.memory_space<vmem>> -> memref<2x120xi32, #tpu.memory_space<vmem>>
        %dma_start3A_260 = arith.constant 0 : i32
        %dma_start3A_261 = arith.constant 0 : i32
        %dma_start3A_262 = tpu.memref_slice %arg3[%add3A, %add3A_243, %dma_start3A_260, %dma_start3A_261] : memref<32x86x2x120xi32, #tpu.memory_space<hbm>> -> memref<1x1x2x120xi32, #tpu.memory_space<hbm>>
        %dma_start3A_263 = tpu.memref_squeeze %dma_start3A_262 : memref<1x1x2x120xi32, #tpu.memory_space<hbm>> -> memref<2x120xi32, #tpu.memory_space<hbm>>
        tpu.enqueue_dma source(%dma_start3A_263 : memref<2x120xi32, #tpu.memory_space<hbm>>) target(%dma_start3A_259 : memref<2x120xi32, #tpu.memory_space<vmem>>) target_semaphore(%dma_start3A_255 : memref<!tpu.dma_semaphore, #tpu.memory_space<semaphore_mem>>)
      } else {
      }
      %ge3A = arith.constant 1 : i32
      %ge3A_230 = arith.cmpi sge, %scan3A_195, %ge3A : i32
      %convert_element_type3A_231 = arith.extui %ge3A_230 : i1 to i32
      %cond3A_232 = arith.constant 0 : i32
      %cond3A_233 = arith.cmpi ne, %convert_element_type3A_231, %cond3A_232 : i32
      scf.if %cond3A_233 {
        %sub3A_242 = arith.constant 1 : i32
        %sub3A_243 = arith.subi %scan3A_195, %sub3A_242 : i32
        %sub3A_244 = arith.constant 1 : i32
        %sub3A_245 = arith.subi %scan3A_195, %sub3A_244 : i32
        %rem3A_246 = arith.constant 3 : i32
        %rem3A_247 = arith.remsi %sub3A_245, %rem3A_246 : i32
        %rem3A_248 = arith.constant 6 : i32
        %rem3A_249 = arith.remsi %sub3A_243, %rem3A_248 : i32
        %dma_wait3A_250 = arith.constant 1 : i32
        %dma_wait3A_251 = arith.constant 0 : i32
        %dma_wait3A_252 = arith.constant 0 : i32
        %dma_wait3A_253 = tpu.memref_slice %arg7[%rem3A_247, %dma_wait3A_251, %dma_wait3A_252] : memref<3x120x128xf32, #tpu.memory_space<vmem>> -> memref<1x120x128xf32, #tpu.memory_space<vmem>>
        %dma_wait3A_254 = tpu.memref_squeeze %dma_wait3A_253 : memref<1x120x128xf32, #tpu.memory_space<vmem>> -> memref<120x128xf32, #tpu.memory_space<vmem>>
        %dma_wait3A_255 = arith.constant 0 : i32
        %dma_wait3A_256 = tpu.memref_slice %arg6[%rem3A_249, %dma_wait3A_250, %dma_wait3A_255] : memref<6x2x120xi32, #tpu.memory_space<vmem>> -> memref<1x1x120xi32, #tpu.memory_space<vmem>>
        %dma_wait3A_257 = tpu.memref_squeeze %dma_wait3A_256 : memref<1x1x120xi32, #tpu.memory_space<vmem>> -> memref<120xi32, #tpu.memory_space<vmem>>
        %dma_wait3A_258 = arith.constant 0 : i32
        %dma_wait3A_259 = arith.constant 0 : i32
        %dma_wait3A_260 = tpu.memref_slice %arg8[%dma_wait3A_258, %dma_wait3A_259] : memref<10112x128xf32, #tpu.memory_space<vmem_shared>> -> memref<10112x128xf32, #tpu.memory_space<vmem_shared>>
        tpu.wait_indirect_dma semaphore(%arg11 : memref<!tpu.dma_semaphore, #tpu.memory_space<semaphore_mem>>) src(%dma_wait3A_254 : memref<120x128xf32, #tpu.memory_space<vmem>>) dst(%dma_wait3A_260 : memref<10112x128xf32, #tpu.memory_space<vmem_shared>>)
      } else {
      }
      %add3A_234 = arith.constant 3 : i32
      %add3A_235 = arith.addi %scan3A_195, %add3A_234 : i32
      %sub3A = arith.constant 1 : i32
      %sub3A_236 = arith.subi %add3A_235, %sub3A : i32
      %lt3A_237 = arith.constant 86 : i32
      %lt3A_238 = arith.cmpi slt, %sub3A_236, %lt3A_237 : i32
      %convert_element_type3A_239 = arith.extui %lt3A_238 : i1 to i32
      %cond3A_240 = arith.constant 0 : i32
      %cond3A_241 = arith.cmpi ne, %convert_element_type3A_239, %cond3A_240 : i32
      scf.if %cond3A_241 {
        %add3A_242 = arith.constant 3 : i32
        %add3A_243 = arith.addi %scan3A_195, %add3A_242 : i32
        %sub3A_244 = arith.constant 1 : i32
        %sub3A_245 = arith.subi %add3A_243, %sub3A_244 : i32
        %rem3A_246 = arith.constant 6 : i32
        %rem3A_247 = arith.remsi %sub3A_245, %rem3A_246 : i32
        %dma_wait3A_248 = arith.constant 0 : i32
        %dma_wait3A_249 = arith.constant 0 : i32
        %dma_wait3A_250 = tpu.memref_slice %arg6[%rem3A_247, %dma_wait3A_248, %dma_wait3A_249] : memref<6x2x120xi32, #tpu.memory_space<vmem>> -> memref<1x2x120xi32, #tpu.memory_space<vmem>>
        %dma_wait3A_251 = tpu.memref_squeeze %dma_wait3A_250 : memref<1x2x120xi32, #tpu.memory_space<vmem>> -> memref<2x120xi32, #tpu.memory_space<vmem>>
        %dma_wait3A_252 = arith.constant 0 : i32
        %dma_wait3A_253 = arith.constant 0 : i32
        %dma_wait3A_254 = tpu.memref_slice %arg3[%add3A, %sub3A_245, %dma_wait3A_252, %dma_wait3A_253] : memref<32x86x2x120xi32, #tpu.memory_space<hbm>> -> memref<1x1x2x120xi32, #tpu.memory_space<hbm>>
        %dma_wait3A_255 = tpu.memref_squeeze %dma_wait3A_254 : memref<1x1x2x120xi32, #tpu.memory_space<hbm>> -> memref<2x120xi32, #tpu.memory_space<hbm>>
        %dma_wait3A_256 = tpu.memref_slice %arg9[%rem3A_247] : memref<6x!tpu.dma_semaphore, #tpu.memory_space<semaphore_mem>> -> memref<1x!tpu.dma_semaphore, #tpu.memory_space<semaphore_mem>>
        %dma_wait3A_257 = tpu.memref_squeeze %dma_wait3A_256 : memref<1x!tpu.dma_semaphore, #tpu.memory_space<semaphore_mem>> -> memref<!tpu.dma_semaphore, #tpu.memory_space<semaphore_mem>>
        %dma_wait3A_258 = arith.constant 0 : i32
        %dma_wait3A_259 = arith.constant 0 : i32
        %dma_wait3A_260 = tpu.memref_slice %arg6[%rem3A_247, %dma_wait3A_258, %dma_wait3A_259] : memref<6x2x120xi32, #tpu.memory_space<vmem>> -> memref<1x2x120xi32, #tpu.memory_space<vmem>>
        %dma_wait3A_261 = tpu.memref_squeeze %dma_wait3A_260 : memref<1x2x120xi32, #tpu.memory_space<vmem>> -> memref<2x120xi32, #tpu.memory_space<vmem>>
        %dma_wait3A_262 = arith.constant 0 : i32
        %dma_wait3A_263 = arith.constant 0 : i32
        %dma_wait3A_264 = tpu.memref_slice %arg3[%add3A, %sub3A_245, %dma_wait3A_262, %dma_wait3A_263] : memref<32x86x2x120xi32, #tpu.memory_space<hbm>> -> memref<1x1x2x120xi32, #tpu.memory_space<hbm>>
        %dma_wait3A_265 = tpu.memref_squeeze %dma_wait3A_264 : memref<1x1x2x120xi32, #tpu.memory_space<hbm>> -> memref<2x120xi32, #tpu.memory_space<hbm>>
        tpu.wait_dma2 semaphore(%dma_wait3A_257 : memref<!tpu.dma_semaphore, #tpu.memory_space<semaphore_mem>>) src(%dma_wait3A_265 : memref<2x120xi32, #tpu.memory_space<hbm>>) dst(%dma_wait3A_261 : memref<2x120xi32, #tpu.memory_space<vmem>>)
        %add3A_266 = arith.constant 3 : i32
        %add3A_267 = arith.addi %scan3A_195, %add3A_266 : i32
        %sub3A_268 = arith.constant 1 : i32
        %sub3A_269 = arith.subi %add3A_267, %sub3A_268 : i32
        %add3A_270 = arith.constant 3 : i32
        %add3A_271 = arith.addi %scan3A_195, %add3A_270 : i32
        %sub3A_272 = arith.constant 1 : i32
        %sub3A_273 = arith.subi %add3A_271, %sub3A_272 : i32
        %rem3A_274 = arith.constant 3 : i32
        %rem3A_275 = arith.remsi %sub3A_273, %rem3A_274 : i32
        %rem3A_276 = arith.constant 6 : i32
        %rem3A_277 = arith.remsi %sub3A_269, %rem3A_276 : i32
        %dma_start3A_278 = arith.constant 0 : i32
        %dma_start3A_279 = arith.constant 0 : i32
        %dma_start3A_280 = arith.constant 0 : i32
        %dma_start3A_281 = tpu.memref_slice %arg7[%rem3A_275, %dma_start3A_279, %dma_start3A_280] : memref<3x120x128xf32, #tpu.memory_space<vmem>> -> memref<1x120x128xf32, #tpu.memory_space<vmem>>
        %dma_start3A_282 = tpu.memref_squeeze %dma_start3A_281 : memref<1x120x128xf32, #tpu.memory_space<vmem>> -> memref<120x128xf32, #tpu.memory_space<vmem>>
        %dma_start3A_283 = arith.constant 0 : i32
        %dma_start3A_284 = tpu.memref_slice %arg6[%rem3A_277, %dma_start3A_278, %dma_start3A_283] : memref<6x2x120xi32, #tpu.memory_space<vmem>> -> memref<1x1x120xi32, #tpu.memory_space<vmem>>
        %dma_start3A_285 = tpu.memref_squeeze %dma_start3A_284 : memref<1x1x120xi32, #tpu.memory_space<vmem>> -> memref<120xi32, #tpu.memory_space<vmem>>
        %dma_start3A_286 = arith.constant 0 : i32
        %dma_start3A_287 = arith.constant 0 : i32
        %dma_start3A_288 = tpu.memref_slice %arg2[%dma_start3A_286, %dma_start3A_287] : memref<10000x128xf32, #tpu.memory_space<hbm>> -> memref<10000x128xf32, #tpu.memory_space<hbm>>
        %dma_start3A_289 = tpu.memref_slice %arg10[%rem3A_275] : memref<3x!tpu.dma_semaphore, #tpu.memory_space<semaphore_mem>> -> memref<1x!tpu.dma_semaphore, #tpu.memory_space<semaphore_mem>>
        %dma_start3A_290 = tpu.memref_squeeze %dma_start3A_289 : memref<1x!tpu.dma_semaphore, #tpu.memory_space<semaphore_mem>> -> memref<!tpu.dma_semaphore, #tpu.memory_space<semaphore_mem>>
        tpu.enqueue_indirect_dma source(%dma_start3A_288 : memref<10000x128xf32, #tpu.memory_space<hbm>>) target(%dma_start3A_282 : memref<120x128xf32, #tpu.memory_space<vmem>>) offsets(%dma_start3A_285 : memref<120xi32, #tpu.memory_space<vmem>>) semaphore(%dma_start3A_290 : memref<!tpu.dma_semaphore, #tpu.memory_space<semaphore_mem>>)
      } else {
      }
    }
    %scan3A_174 = arith.constant 86 : i32
    %rem3A_175 = arith.constant 85 : i32
    %rem3A_176 = arith.constant 6 : i32
    %rem3A_177 = arith.remsi %rem3A_175, %rem3A_176 : i32
    %dma_wait3A_178 = arith.constant 1 : i32
    %dma_wait3A_179 = arith.constant 1 : i32
    %dma_wait3A_180 = arith.constant 0 : i32
    %dma_wait3A_181 = arith.constant 0 : i32
    %dma_wait3A_182 = tpu.memref_slice %arg7[%dma_wait3A_178, %dma_wait3A_180, %dma_wait3A_181] : memref<3x120x128xf32, #tpu.memory_space<vmem>> -> memref<1x120x128xf32, #tpu.memory_space<vmem>>
    %dma_wait3A_183 = tpu.memref_squeeze %dma_wait3A_182 : memref<1x120x128xf32, #tpu.memory_space<vmem>> -> memref<120x128xf32, #tpu.memory_space<vmem>>
    %dma_wait3A_184 = arith.constant 0 : i32
    %dma_wait3A_185 = tpu.memref_slice %arg6[%rem3A_177, %dma_wait3A_179, %dma_wait3A_184] : memref<6x2x120xi32, #tpu.memory_space<vmem>> -> memref<1x1x120xi32, #tpu.memory_space<vmem>>
    %dma_wait3A_186 = tpu.memref_squeeze %dma_wait3A_185 : memref<1x1x120xi32, #tpu.memory_space<vmem>> -> memref<120xi32, #tpu.memory_space<vmem>>
    %dma_wait3A_187 = arith.constant 0 : i32
    %dma_wait3A_188 = arith.constant 0 : i32
    %dma_wait3A_189 = tpu.memref_slice %arg8[%dma_wait3A_187, %dma_wait3A_188] : memref<10112x128xf32, #tpu.memory_space<vmem_shared>> -> memref<10112x128xf32, #tpu.memory_space<vmem_shared>>
    tpu.wait_indirect_dma semaphore(%arg11 : memref<!tpu.dma_semaphore, #tpu.memory_space<semaphore_mem>>) src(%dma_wait3A_183 : memref<120x128xf32, #tpu.memory_space<vmem>>) dst(%dma_wait3A_189 : memref<10112x128xf32, #tpu.memory_space<vmem_shared>>)
    %barrier3A_190 = arith.constant 0 : index
    tpu.barrier barrier_id(%barrier3A_190)
    %mul3A_191 = arith.constant 632 : i32
    %mul3A_192 = arith.muli %arg1, %mul3A_191 : i32
    %mul3A_193 = arith.constant 632 : i32
    %mul3A_194 = arith.muli %arg1, %mul3A_193 : i32
    "tpu.region"() ({
      %run_scoped3A = tpu.sem_alloc : memref<!tpu.dma_semaphore, #tpu.memory_space<semaphore_mem>>
      %dma_start3A_195 = arith.constant 0 : i32
      %dma_start3A_196 = tpu.memref_slice %arg5[%arg0, %mul3A_194, %dma_start3A_195] : memref<2x10112x128xf32, #tpu.memory_space<hbm>> -> memref<1x632x128xf32, #tpu.memory_space<hbm>>
      %dma_start3A_197 = tpu.memref_squeeze %dma_start3A_196 : memref<1x632x128xf32, #tpu.memory_space<hbm>> -> memref<632x128xf32, #tpu.memory_space<hbm>>
      %dma_start3A_198 = arith.constant 0 : i32
      %dma_start3A_199 = tpu.memref_slice %arg8[%mul3A_192, %dma_start3A_198] : memref<10112x128xf32, #tpu.memory_space<vmem_shared>> -> memref<632x128xf32, #tpu.memory_space<vmem_shared>>
      tpu.enqueue_dma source(%dma_start3A_199 : memref<632x128xf32, #tpu.memory_space<vmem_shared>>) target(%dma_start3A_197 : memref<632x128xf32, #tpu.memory_space<hbm>>) target_semaphore(%run_scoped3A : memref<!tpu.dma_semaphore, #tpu.memory_space<semaphore_mem>>)
      %dma_wait3A_200 = arith.constant 0 : i32
      %dma_wait3A_201 = tpu.memref_slice %arg5[%arg0, %mul3A_194, %dma_wait3A_200] : memref<2x10112x128xf32, #tpu.memory_space<hbm>> -> memref<1x632x128xf32, #tpu.memory_space<hbm>>
      %dma_wait3A_202 = tpu.memref_squeeze %dma_wait3A_201 : memref<1x632x128xf32, #tpu.memory_space<hbm>> -> memref<632x128xf32, #tpu.memory_space<hbm>>
      %dma_wait3A_203 = arith.constant 0 : i32
      %dma_wait3A_204 = tpu.memref_slice %arg8[%mul3A_192, %dma_wait3A_203] : memref<10112x128xf32, #tpu.memory_space<vmem_shared>> -> memref<632x128xf32, #tpu.memory_space<vmem_shared>>
      tpu.wait_dma2 semaphore(%run_scoped3A : memref<!tpu.dma_semaphore, #tpu.memory_space<semaphore_mem>>) src(%dma_wait3A_204 : memref<632x128xf32, #tpu.memory_space<vmem_shared>>) dst(%dma_wait3A_202 : memref<632x128xf32, #tpu.memory_space<hbm>>)
      tpu.yield
    }) : () -> ()
    return
  }
}

#map = affine_map<(d0, d1) -> (0, 0)>
#map1 = affine_map<(d0, d1) -> (0, 0, 0, 0)>
#map2 = affine_map<(d0, d1) -> (0, 0, 0)>
module attributes {stable_mosaic.version = 14 : i64} {
  func.func @k(%arg0: i32, %arg1: i32, %arg2: memref<10000x128xf32, #tpu.memory_space<hbm>>, %arg3: memref<32x86x2x120xi32, #tpu.memory_space<hbm>>, %arg4: memref<10112x128xf32, #tpu.memory_space<hbm>>, %arg5: memref<2x10112x128xf32, #tpu.memory_space<hbm>>, %arg6: memref<6x2x120xi32, #tpu.memory_space<vmem>>, %arg7: memref<3x120x128xf32, #tpu.memory_space<vmem>>, %arg8: memref<10112x128xf32, #tpu.memory_space<vmem_shared>>, %arg9: memref<6x!tpu.dma_semaphore, #tpu.memory_space<semaphore_mem>>, %arg10: memref<3x!tpu.dma_semaphore, #tpu.memory_space<semaphore_mem>>, %arg11: memref<!tpu.dma_semaphore, #tpu.memory_space<semaphore_mem>>) attributes {dimension_semantics = [#tpu.dimension_semantics<core_parallel>, #tpu.dimension_semantics<subcore_parallel>], iteration_bounds = array<i64: 2, 16>, scalar_prefetch = 0 : i64, scratch_operands = 6 : i64, tpu.core_type = #tpu.core_type<sc_vector_subcore>, window_params = [{transform_indices = #map}, {transform_indices = #map1}, {transform_indices = #map}, {transform_indices = #map2}]} {
    %mul3A = arith.constant 16 : i32
    %mul3A_0 = arith.muli %arg0, %mul3A : i32
    %add3A = arith.addi %mul3A_0, %arg1 : i32
    %rem3A = arith.constant 0 : i32
    %rem3A_1 = arith.constant 6 : i32
    %rem3A_2 = arith.remsi %rem3A, %rem3A_1 : i32
    %dma_start3A = arith.constant 0 : i32
    %dma_start3A_3 = arith.constant 0 : i32
    %dma_start3A_4 = arith.constant 0 : i32
    %dma_start3A_5 = tpu.memref_slice %arg6[%rem3A_2, %dma_start3A_3, %dma_start3A_4] : memref<6x2x120xi32, #tpu.memory_space<vmem>> -> memref<1x2x120xi32, #tpu.memory_space<vmem>>
    %dma_start3A_6 = tpu.memref_squeeze %dma_start3A_5 : memref<1x2x120xi32, #tpu.memory_space<vmem>> -> memref<2x120xi32, #tpu.memory_space<vmem>>
    %dma_start3A_7 = arith.constant 0 : i32
    %dma_start3A_8 = arith.constant 0 : i32
    %dma_start3A_9 = tpu.memref_slice %arg3[%add3A, %dma_start3A, %dma_start3A_7, %dma_start3A_8] : memref<32x86x2x120xi32, #tpu.memory_space<hbm>> -> memref<1x1x2x120xi32, #tpu.memory_space<hbm>>
    %dma_start3A_10 = tpu.memref_squeeze %dma_start3A_9 : memref<1x1x2x120xi32, #tpu.memory_space<hbm>> -> memref<2x120xi32, #tpu.memory_space<hbm>>
    %dma_start3A_11 = tpu.memref_slice %arg9[%rem3A_2] : memref<6x!tpu.dma_semaphore, #tpu.memory_space<semaphore_mem>> -> memref<1x!tpu.dma_semaphore, #tpu.memory_space<semaphore_mem>>
    %dma_start3A_12 = tpu.memref_squeeze %dma_start3A_11 : memref<1x!tpu.dma_semaphore, #tpu.memory_space<semaphore_mem>> -> memref<!tpu.dma_semaphore, #tpu.memory_space<semaphore_mem>>
    %dma_start3A_13 = arith.constant 0 : i32
    %dma_start3A_14 = arith.constant 0 : i32
    %dma_start3A_15 = tpu.memref_slice %arg6[%rem3A_2, %dma_start3A_13, %dma_start3A_14] : memref<6x2x120xi32, #tpu.memory_space<vmem>> -> memref<1x2x120xi32, #tpu.memory_space<vmem>>
    %dma_start3A_16 = tpu.memref_squeeze %dma_start3A_15 : memref<1x2x120xi32, #tpu.memory_space<vmem>> -> memref<2x120xi32, #tpu.memory_space<vmem>>
    %dma_start3A_17 = arith.constant 0 : i32
    %dma_start3A_18 = arith.constant 0 : i32
    %dma_start3A_19 = tpu.memref_slice %arg3[%add3A, %dma_start3A, %dma_start3A_17, %dma_start3A_18] : memref<32x86x2x120xi32, #tpu.memory_space<hbm>> -> memref<1x1x2x120xi32, #tpu.memory_space<hbm>>
    %dma_start3A_20 = tpu.memref_squeeze %dma_start3A_19 : memref<1x1x2x120xi32, #tpu.memory_space<hbm>> -> memref<2x120xi32, #tpu.memory_space<hbm>>
    tpu.enqueue_dma source(%dma_start3A_20 : memref<2x120xi32, #tpu.memory_space<hbm>>) target(%dma_start3A_16 : memref<2x120xi32, #tpu.memory_space<vmem>>) target_semaphore(%dma_start3A_12 : memref<!tpu.dma_semaphore, #tpu.memory_space<semaphore_mem>>)
    %rem3A_21 = arith.constant 1 : i32
    %rem3A_22 = arith.constant 6 : i32
    %rem3A_23 = arith.remsi %rem3A_21, %rem3A_22 : i32
    %dma_start3A_24 = arith.constant 1 : i32
    %dma_start3A_25 = arith.constant 0 : i32
    %dma_start3A_26 = arith.constant 0 : i32
    %dma_start3A_27 = tpu.memref_slice %arg6[%rem3A_23, %dma_start3A_25, %dma_start3A_26] : memref<6x2x120xi32, #tpu.memory_space<vmem>> -> memref<1x2x120xi32, #tpu.memory_space<vmem>>
    %dma_start3A_28 = tpu.memref_squeeze %dma_start3A_27 : memref<1x2x120xi32, #tpu.memory_space<vmem>> -> memref<2x120xi32, #tpu.memory_space<vmem>>
    %dma_start3A_29 = arith.constant 0 : i32
    %dma_start3A_30 = arith.constant 0 : i32
    %dma_start3A_31 = tpu.memref_slice %arg3[%add3A, %dma_start3A_24, %dma_start3A_29, %dma_start3A_30] : memref<32x86x2x120xi32, #tpu.memory_space<hbm>> -> memref<1x1x2x120xi32, #tpu.memory_space<hbm>>
    %dma_start3A_32 = tpu.memref_squeeze %dma_start3A_31 : memref<1x1x2x120xi32, #tpu.memory_space<hbm>> -> memref<2x120xi32, #tpu.memory_space<hbm>>
    %dma_start3A_33 = tpu.memref_slice %arg9[%rem3A_23] : memref<6x!tpu.dma_semaphore, #tpu.memory_space<semaphore_mem>> -> memref<1x!tpu.dma_semaphore, #tpu.memory_space<semaphore_mem>>
    %dma_start3A_34 = tpu.memref_squeeze %dma_start3A_33 : memref<1x!tpu.dma_semaphore, #tpu.memory_space<semaphore_mem>> -> memref<!tpu.dma_semaphore, #tpu.memory_space<semaphore_mem>>
    %dma_start3A_35 = arith.constant 0 : i32
    %dma_start3A_36 = arith.constant 0 : i32
    %dma_start3A_37 = tpu.memref_slice %arg6[%rem3A_23, %dma_start3A_35, %dma_start3A_36] : memref<6x2x120xi32, #tpu.memory_space<vmem>> -> memref<1x2x120xi32, #tpu.memory_space<vmem>>
    %dma_start3A_38 = tpu.memref_squeeze %dma_start3A_37 : memref<1x2x120xi32, #tpu.memory_space<vmem>> -> memref<2x120xi32, #tpu.memory_space<vmem>>
    %dma_start3A_39 = arith.constant 0 : i32
    %dma_start3A_40 = arith.constant 0 : i32
    %dma_start3A_41 = tpu.memref_slice %arg3[%add3A, %dma_start3A_24, %dma_start3A_39, %dma_start3A_40] : memref<32x86x2x120xi32, #tpu.memory_space<hbm>> -> memref<1x1x2x120xi32, #tpu.memory_space<hbm>>
    %dma_start3A_42 = tpu.memref_squeeze %dma_start3A_41 : memref<1x1x2x120xi32, #tpu.memory_space<hbm>> -> memref<2x120xi32, #tpu.memory_space<hbm>>
    tpu.enqueue_dma source(%dma_start3A_42 : memref<2x120xi32, #tpu.memory_space<hbm>>) target(%dma_start3A_38 : memref<2x120xi32, #tpu.memory_space<vmem>>) target_semaphore(%dma_start3A_34 : memref<!tpu.dma_semaphore, #tpu.memory_space<semaphore_mem>>)
    %rem3A_43 = arith.constant 2 : i32
    %rem3A_44 = arith.constant 6 : i32
    %rem3A_45 = arith.remsi %rem3A_43, %rem3A_44 : i32
    %dma_start3A_46 = arith.constant 2 : i32
    %dma_start3A_47 = arith.constant 0 : i32
    %dma_start3A_48 = arith.constant 0 : i32
    %dma_start3A_49 = tpu.memref_slice %arg6[%rem3A_45, %dma_start3A_47, %dma_start3A_48] : memref<6x2x120xi32, #tpu.memory_space<vmem>> -> memref<1x2x120xi32, #tpu.memory_space<vmem>>
    %dma_start3A_50 = tpu.memref_squeeze %dma_start3A_49 : memref<1x2x120xi32, #tpu.memory_space<vmem>> -> memref<2x120xi32, #tpu.memory_space<vmem>>
    %dma_start3A_51 = arith.constant 0 : i32
    %dma_start3A_52 = arith.constant 0 : i32
    %dma_start3A_53 = tpu.memref_slice %arg3[%add3A, %dma_start3A_46, %dma_start3A_51, %dma_start3A_52] : memref<32x86x2x120xi32, #tpu.memory_space<hbm>> -> memref<1x1x2x120xi32, #tpu.memory_space<hbm>>
    %dma_start3A_54 = tpu.memref_squeeze %dma_start3A_53 : memref<1x1x2x120xi32, #tpu.memory_space<hbm>> -> memref<2x120xi32, #tpu.memory_space<hbm>>
    %dma_start3A_55 = tpu.memref_slice %arg9[%rem3A_45] : memref<6x!tpu.dma_semaphore, #tpu.memory_space<semaphore_mem>> -> memref<1x!tpu.dma_semaphore, #tpu.memory_space<semaphore_mem>>
    %dma_start3A_56 = tpu.memref_squeeze %dma_start3A_55 : memref<1x!tpu.dma_semaphore, #tpu.memory_space<semaphore_mem>> -> memref<!tpu.dma_semaphore, #tpu.memory_space<semaphore_mem>>
    %dma_start3A_57 = arith.constant 0 : i32
    %dma_start3A_58 = arith.constant 0 : i32
    %dma_start3A_59 = tpu.memref_slice %arg6[%rem3A_45, %dma_start3A_57, %dma_start3A_58] : memref<6x2x120xi32, #tpu.memory_space<vmem>> -> memref<1x2x120xi32, #tpu.memory_space<vmem>>
    %dma_start3A_60 = tpu.memref_squeeze %dma_start3A_59 : memref<1x2x120xi32, #tpu.memory_space<vmem>> -> memref<2x120xi32, #tpu.memory_space<vmem>>
    %dma_start3A_61 = arith.constant 0 : i32
    %dma_start3A_62 = arith.constant 0 : i32
    %dma_start3A_63 = tpu.memref_slice %arg3[%add3A, %dma_start3A_46, %dma_start3A_61, %dma_start3A_62] : memref<32x86x2x120xi32, #tpu.memory_space<hbm>> -> memref<1x1x2x120xi32, #tpu.memory_space<hbm>>
    %dma_start3A_64 = tpu.memref_squeeze %dma_start3A_63 : memref<1x1x2x120xi32, #tpu.memory_space<hbm>> -> memref<2x120xi32, #tpu.memory_space<hbm>>
    tpu.enqueue_dma source(%dma_start3A_64 : memref<2x120xi32, #tpu.memory_space<hbm>>) target(%dma_start3A_60 : memref<2x120xi32, #tpu.memory_space<vmem>>) target_semaphore(%dma_start3A_56 : memref<!tpu.dma_semaphore, #tpu.memory_space<semaphore_mem>>)
    %rem3A_65 = arith.constant 3 : i32
    %rem3A_66 = arith.constant 6 : i32
    %rem3A_67 = arith.remsi %rem3A_65, %rem3A_66 : i32
    %dma_start3A_68 = arith.constant 3 : i32
    %dma_start3A_69 = arith.constant 0 : i32
    %dma_start3A_70 = arith.constant 0 : i32
    %dma_start3A_71 = tpu.memref_slice %arg6[%rem3A_67, %dma_start3A_69, %dma_start3A_70] : memref<6x2x120xi32, #tpu.memory_space<vmem>> -> memref<1x2x120xi32, #tpu.memory_space<vmem>>
    %dma_start3A_72 = tpu.memref_squeeze %dma_start3A_71 : memref<1x2x120xi32, #tpu.memory_space<vmem>> -> memref<2x120xi32, #tpu.memory_space<vmem>>
    %dma_start3A_73 = arith.constant 0 : i32
    %dma_start3A_74 = arith.constant 0 : i32
    %dma_start3A_75 = tpu.memref_slice %arg3[%add3A, %dma_start3A_68, %dma_start3A_73, %dma_start3A_74] : memref<32x86x2x120xi32, #tpu.memory_space<hbm>> -> memref<1x1x2x120xi32, #tpu.memory_space<hbm>>
    %dma_start3A_76 = tpu.memref_squeeze %dma_start3A_75 : memref<1x1x2x120xi32, #tpu.memory_space<hbm>> -> memref<2x120xi32, #tpu.memory_space<hbm>>
    %dma_start3A_77 = tpu.memref_slice %arg9[%rem3A_67] : memref<6x!tpu.dma_semaphore, #tpu.memory_space<semaphore_mem>> -> memref<1x!tpu.dma_semaphore, #tpu.memory_space<semaphore_mem>>
    %dma_start3A_78 = tpu.memref_squeeze %dma_start3A_77 : memref<1x!tpu.dma_semaphore, #tpu.memory_space<semaphore_mem>> -> memref<!tpu.dma_semaphore, #tpu.memory_space<semaphore_mem>>
    %dma_start3A_79 = arith.constant 0 : i32
    %dma_start3A_80 = arith.constant 0 : i32
    %dma_start3A_81 = tpu.memref_slice %arg6[%rem3A_67, %dma_start3A_79, %dma_start3A_80] : memref<6x2x120xi32, #tpu.memory_space<vmem>> -> memref<1x2x120xi32, #tpu.memory_space<vmem>>
    %dma_start3A_82 = tpu.memref_squeeze %dma_start3A_81 : memref<1x2x120xi32, #tpu.memory_space<vmem>> -> memref<2x120xi32, #tpu.memory_space<vmem>>
    %dma_start3A_83 = arith.constant 0 : i32
    %dma_start3A_84 = arith.constant 0 : i32
    %dma_start3A_85 = tpu.memref_slice %arg3[%add3A, %dma_start3A_68, %dma_start3A_83, %dma_start3A_84] : memref<32x86x2x120xi32, #tpu.memory_space<hbm>> -> memref<1x1x2x120xi32, #tpu.memory_space<hbm>>
    %dma_start3A_86 = tpu.memref_squeeze %dma_start3A_85 : memref<1x1x2x120xi32, #tpu.memory_space<hbm>> -> memref<2x120xi32, #tpu.memory_space<hbm>>
    tpu.enqueue_dma source(%dma_start3A_86 : memref<2x120xi32, #tpu.memory_space<hbm>>) target(%dma_start3A_82 : memref<2x120xi32, #tpu.memory_space<vmem>>) target_semaphore(%dma_start3A_78 : memref<!tpu.dma_semaphore, #tpu.memory_space<semaphore_mem>>)
    %mul3A_87 = arith.constant 632 : i32
    %mul3A_88 = arith.muli %arg1, %mul3A_87 : i32
    %mul3A_89 = arith.constant 632 : i32
    %mul3A_90 = arith.muli %arg1, %mul3A_89 : i32
    "tpu.region"() ({
      %run_scoped3A = tpu.sem_alloc : memref<!tpu.dma_semaphore, #tpu.memory_space<semaphore_mem>>
      %dma_start3A_195 = arith.constant 0 : i32
      %dma_start3A_196 = tpu.memref_slice %arg8[%mul3A_90, %dma_start3A_195] : memref<10112x128xf32, #tpu.memory_space<vmem_shared>> -> memref<632x128xf32, #tpu.memory_space<vmem_shared>>
      %dma_start3A_197 = arith.constant 0 : i32
      %dma_start3A_198 = tpu.memref_slice %arg4[%mul3A_88, %dma_start3A_197] : memref<10112x128xf32, #tpu.memory_space<hbm>> -> memref<632x128xf32, #tpu.memory_space<hbm>>
      tpu.enqueue_dma source(%dma_start3A_198 : memref<632x128xf32, #tpu.memory_space<hbm>>) target(%dma_start3A_196 : memref<632x128xf32, #tpu.memory_space<vmem_shared>>) target_semaphore(%run_scoped3A : memref<!tpu.dma_semaphore, #tpu.memory_space<semaphore_mem>>)
      %dma_wait3A_199 = arith.constant 0 : i32
      %dma_wait3A_200 = tpu.memref_slice %arg8[%mul3A_90, %dma_wait3A_199] : memref<10112x128xf32, #tpu.memory_space<vmem_shared>> -> memref<632x128xf32, #tpu.memory_space<vmem_shared>>
      %dma_wait3A_201 = arith.constant 0 : i32
      %dma_wait3A_202 = tpu.memref_slice %arg4[%mul3A_88, %dma_wait3A_201] : memref<10112x128xf32, #tpu.memory_space<hbm>> -> memref<632x128xf32, #tpu.memory_space<hbm>>
      tpu.wait_dma2 semaphore(%run_scoped3A : memref<!tpu.dma_semaphore, #tpu.memory_space<semaphore_mem>>) src(%dma_wait3A_202 : memref<632x128xf32, #tpu.memory_space<hbm>>) dst(%dma_wait3A_200 : memref<632x128xf32, #tpu.memory_space<vmem_shared>>)
      tpu.yield
    }) : () -> ()
    %barrier3A = arith.constant 0 : index
    tpu.barrier barrier_id(%barrier3A)
    %rem3A_91 = arith.constant 0 : i32
    %rem3A_92 = arith.constant 6 : i32
    %rem3A_93 = arith.remsi %rem3A_91, %rem3A_92 : i32
    %dma_wait3A = arith.constant 0 : i32
    %dma_wait3A_94 = arith.constant 0 : i32
    %dma_wait3A_95 = arith.constant 0 : i32
    %dma_wait3A_96 = tpu.memref_slice %arg6[%rem3A_93, %dma_wait3A_94, %dma_wait3A_95] : memref<6x2x120xi32, #tpu.memory_space<vmem>> -> memref<1x2x120xi32, #tpu.memory_space<vmem>>
    %dma_wait3A_97 = tpu.memref_squeeze %dma_wait3A_96 : memref<1x2x120xi32, #tpu.memory_space<vmem>> -> memref<2x120xi32, #tpu.memory_space<vmem>>
    %dma_wait3A_98 = arith.constant 0 : i32
    %dma_wait3A_99 = arith.constant 0 : i32
    %dma_wait3A_100 = tpu.memref_slice %arg3[%add3A, %dma_wait3A, %dma_wait3A_98, %dma_wait3A_99] : memref<32x86x2x120xi32, #tpu.memory_space<hbm>> -> memref<1x1x2x120xi32, #tpu.memory_space<hbm>>
    %dma_wait3A_101 = tpu.memref_squeeze %dma_wait3A_100 : memref<1x1x2x120xi32, #tpu.memory_space<hbm>> -> memref<2x120xi32, #tpu.memory_space<hbm>>
    %dma_wait3A_102 = tpu.memref_slice %arg9[%rem3A_93] : memref<6x!tpu.dma_semaphore, #tpu.memory_space<semaphore_mem>> -> memref<1x!tpu.dma_semaphore, #tpu.memory_space<semaphore_mem>>
    %dma_wait3A_103 = tpu.memref_squeeze %dma_wait3A_102 : memref<1x!tpu.dma_semaphore, #tpu.memory_space<semaphore_mem>> -> memref<!tpu.dma_semaphore, #tpu.memory_space<semaphore_mem>>
    %dma_wait3A_104 = arith.constant 0 : i32
    %dma_wait3A_105 = arith.constant 0 : i32
    %dma_wait3A_106 = tpu.memref_slice %arg6[%rem3A_93, %dma_wait3A_104, %dma_wait3A_105] : memref<6x2x120xi32, #tpu.memory_space<vmem>> -> memref<1x2x120xi32, #tpu.memory_space<vmem>>
    %dma_wait3A_107 = tpu.memref_squeeze %dma_wait3A_106 : memref<1x2x120xi32, #tpu.memory_space<vmem>> -> memref<2x120xi32, #tpu.memory_space<vmem>>
    %dma_wait3A_108 = arith.constant 0 : i32
    %dma_wait3A_109 = arith.constant 0 : i32
    %dma_wait3A_110 = tpu.memref_slice %arg3[%add3A, %dma_wait3A, %dma_wait3A_108, %dma_wait3A_109] : memref<32x86x2x120xi32, #tpu.memory_space<hbm>> -> memref<1x1x2x120xi32, #tpu.memory_space<hbm>>
    %dma_wait3A_111 = tpu.memref_squeeze %dma_wait3A_110 : memref<1x1x2x120xi32, #tpu.memory_space<hbm>> -> memref<2x120xi32, #tpu.memory_space<hbm>>
    tpu.wait_dma2 semaphore(%dma_wait3A_103 : memref<!tpu.dma_semaphore, #tpu.memory_space<semaphore_mem>>) src(%dma_wait3A_111 : memref<2x120xi32, #tpu.memory_space<hbm>>) dst(%dma_wait3A_107 : memref<2x120xi32, #tpu.memory_space<vmem>>)
    %rem3A_112 = arith.constant 0 : i32
    %rem3A_113 = arith.constant 6 : i32
    %rem3A_114 = arith.remsi %rem3A_112, %rem3A_113 : i32
    %dma_start3A_115 = arith.constant 0 : i32
    %dma_start3A_116 = arith.constant 0 : i32
    %dma_start3A_117 = arith.constant 0 : i32
    %dma_start3A_118 = arith.constant 0 : i32
    %dma_start3A_119 = arith.constant 0 : i32
    %dma_start3A_120 = tpu.memref_slice %arg7[%dma_start3A_116, %dma_start3A_118, %dma_start3A_119] : memref<3x120x128xf32, #tpu.memory_space<vmem>> -> memref<1x120x128xf32, #tpu.memory_space<vmem>>
    %dma_start3A_121 = tpu.memref_squeeze %dma_start3A_120 : memref<1x120x128xf32, #tpu.memory_space<vmem>> -> memref<120x128xf32, #tpu.memory_space<vmem>>
    %dma_start3A_122 = arith.constant 0 : i32
    %dma_start3A_123 = tpu.memref_slice %arg6[%rem3A_114, %dma_start3A_115, %dma_start3A_122] : memref<6x2x120xi32, #tpu.memory_space<vmem>> -> memref<1x1x120xi32, #tpu.memory_space<vmem>>
    %dma_start3A_124 = tpu.memref_squeeze %dma_start3A_123 : memref<1x1x120xi32, #tpu.memory_space<vmem>> -> memref<120xi32, #tpu.memory_space<vmem>>
    %dma_start3A_125 = arith.constant 0 : i32
    %dma_start3A_126 = arith.constant 0 : i32
    %dma_start3A_127 = tpu.memref_slice %arg2[%dma_start3A_125, %dma_start3A_126] : memref<10000x128xf32, #tpu.memory_space<hbm>> -> memref<10000x128xf32, #tpu.memory_space<hbm>>
    %dma_start3A_128 = tpu.memref_slice %arg10[%dma_start3A_117] : memref<3x!tpu.dma_semaphore, #tpu.memory_space<semaphore_mem>> -> memref<1x!tpu.dma_semaphore, #tpu.memory_space<semaphore_mem>>
    %dma_start3A_129 = tpu.memref_squeeze %dma_start3A_128 : memref<1x!tpu.dma_semaphore, #tpu.memory_space<semaphore_mem>> -> memref<!tpu.dma_semaphore, #tpu.memory_space<semaphore_mem>>
    tpu.enqueue_indirect_dma source(%dma_start3A_127 : memref<10000x128xf32, #tpu.memory_space<hbm>>) target(%dma_start3A_121 : memref<120x128xf32, #tpu.memory_space<vmem>>) offsets(%dma_start3A_124 : memref<120xi32, #tpu.memory_space<vmem>>) semaphore(%dma_start3A_129 : memref<!tpu.dma_semaphore, #tpu.memory_space<semaphore_mem>>)
    %rem3A_130 = arith.constant 1 : i32
    %rem3A_131 = arith.constant 6 : i32
    %rem3A_132 = arith.remsi %rem3A_130, %rem3A_131 : i32
    %dma_wait3A_133 = arith.constant 1 : i32
    %dma_wait3A_134 = arith.constant 0 : i32
    %dma_wait3A_135 = arith.constant 0 : i32
    %dma_wait3A_136 = tpu.memref_slice %arg6[%rem3A_132, %dma_wait3A_134, %dma_wait3A_135] : memref<6x2x120xi32, #tpu.memory_space<vmem>> -> memref<1x2x120xi32, #tpu.memory_space<vmem>>
    %dma_wait3A_137 = tpu.memref_squeeze %dma_wait3A_136 : memref<1x2x120xi32, #tpu.memory_space<vmem>> -> memref<2x120xi32, #tpu.memory_space<vmem>>
    %dma_wait3A_138 = arith.constant 0 : i32
    %dma_wait3A_139 = arith.constant 0 : i32
    %dma_wait3A_140 = tpu.memref_slice %arg3[%add3A, %dma_wait3A_133, %dma_wait3A_138, %dma_wait3A_139] : memref<32x86x2x120xi32, #tpu.memory_space<hbm>> -> memref<1x1x2x120xi32, #tpu.memory_space<hbm>>
    %dma_wait3A_141 = tpu.memref_squeeze %dma_wait3A_140 : memref<1x1x2x120xi32, #tpu.memory_space<hbm>> -> memref<2x120xi32, #tpu.memory_space<hbm>>
    %dma_wait3A_142 = tpu.memref_slice %arg9[%rem3A_132] : memref<6x!tpu.dma_semaphore, #tpu.memory_space<semaphore_mem>> -> memref<1x!tpu.dma_semaphore, #tpu.memory_space<semaphore_mem>>
    %dma_wait3A_143 = tpu.memref_squeeze %dma_wait3A_142 : memref<1x!tpu.dma_semaphore, #tpu.memory_space<semaphore_mem>> -> memref<!tpu.dma_semaphore, #tpu.memory_space<semaphore_mem>>
    %dma_wait3A_144 = arith.constant 0 : i32
    %dma_wait3A_145 = arith.constant 0 : i32
    %dma_wait3A_146 = tpu.memref_slice %arg6[%rem3A_132, %dma_wait3A_144, %dma_wait3A_145] : memref<6x2x120xi32, #tpu.memory_space<vmem>> -> memref<1x2x120xi32, #tpu.memory_space<vmem>>
    %dma_wait3A_147 = tpu.memref_squeeze %dma_wait3A_146 : memref<1x2x120xi32, #tpu.memory_space<vmem>> -> memref<2x120xi32, #tpu.memory_space<vmem>>
    %dma_wait3A_148 = arith.constant 0 : i32
    %dma_wait3A_149 = arith.constant 0 : i32
    %dma_wait3A_150 = tpu.memref_slice %arg3[%add3A, %dma_wait3A_133, %dma_wait3A_148, %dma_wait3A_149] : memref<32x86x2x120xi32, #tpu.memory_space<hbm>> -> memref<1x1x2x120xi32, #tpu.memory_space<hbm>>
    %dma_wait3A_151 = tpu.memref_squeeze %dma_wait3A_150 : memref<1x1x2x120xi32, #tpu.memory_space<hbm>> -> memref<2x120xi32, #tpu.memory_space<hbm>>
    tpu.wait_dma2 semaphore(%dma_wait3A_143 : memref<!tpu.dma_semaphore, #tpu.memory_space<semaphore_mem>>) src(%dma_wait3A_151 : memref<2x120xi32, #tpu.memory_space<hbm>>) dst(%dma_wait3A_147 : memref<2x120xi32, #tpu.memory_space<vmem>>)
    %rem3A_152 = arith.constant 1 : i32
    %rem3A_153 = arith.constant 6 : i32
    %rem3A_154 = arith.remsi %rem3A_152, %rem3A_153 : i32
    %dma_start3A_155 = arith.constant 0 : i32
    %dma_start3A_156 = arith.constant 1 : i32
    %dma_start3A_157 = arith.constant 1 : i32
    %dma_start3A_158 = arith.constant 0 : i32
    %dma_start3A_159 = arith.constant 0 : i32
    %dma_start3A_160 = tpu.memref_slice %arg7[%dma_start3A_156, %dma_start3A_158, %dma_start3A_159] : memref<3x120x128xf32, #tpu.memory_space<vmem>> -> memref<1x120x128xf32, #tpu.memory_space<vmem>>
    %dma_start3A_161 = tpu.memref_squeeze %dma_start3A_160 : memref<1x120x128xf32, #tpu.memory_space<vmem>> -> memref<120x128xf32, #tpu.memory_space<vmem>>
    %dma_start3A_162 = arith.constant 0 : i32
    %dma_start3A_163 = tpu.memref_slice %arg6[%rem3A_154, %dma_start3A_155, %dma_start3A_162] : memref<6x2x120xi32, #tpu.memory_space<vmem>> -> memref<1x1x120xi32, #tpu.memory_space<vmem>>
    %dma_start3A_164 = tpu.memref_squeeze %dma_start3A_163 : memref<1x1x120xi32, #tpu.memory_space<vmem>> -> memref<120xi32, #tpu.memory_space<vmem>>
    %dma_start3A_165 = arith.constant 0 : i32
    %dma_start3A_166 = arith.constant 0 : i32
    %dma_start3A_167 = tpu.memref_slice %arg2[%dma_start3A_165, %dma_start3A_166] : memref<10000x128xf32, #tpu.memory_space<hbm>> -> memref<10000x128xf32, #tpu.memory_space<hbm>>
    %dma_start3A_168 = tpu.memref_slice %arg10[%dma_start3A_157] : memref<3x!tpu.dma_semaphore, #tpu.memory_space<semaphore_mem>> -> memref<1x!tpu.dma_semaphore, #tpu.memory_space<semaphore_mem>>
    %dma_start3A_169 = tpu.memref_squeeze %dma_start3A_168 : memref<1x!tpu.dma_semaphore, #tpu.memory_space<semaphore_mem>> -> memref<!tpu.dma_semaphore, #tpu.memory_space<semaphore_mem>>
    tpu.enqueue_indirect_dma source(%dma_start3A_167 : memref<10000x128xf32, #tpu.memory_space<hbm>>) target(%dma_start3A_161 : memref<120x128xf32, #tpu.memory_space<vmem>>) offsets(%dma_start3A_164 : memref<120xi32, #tpu.memory_space<vmem>>) semaphore(%dma_start3A_169 : memref<!tpu.dma_semaphore, #tpu.memory_space<semaphore_mem>>)
    %scan3A = arith.constant 0 : i32
    %scan3A_170 = arith.constant 0 : i32
    %scan3A_171 = arith.constant 86 : i32
    %scan3A_172 = arith.addi %scan3A_170, %scan3A_171 : i32
    %scan3A_173 = arith.constant 1 : i32
    scf.for %scan3A_195 = %scan3A_170 to %scan3A_172 step %scan3A_173  : i32 {
      %rem3A_196 = arith.constant 3 : i32
      %rem3A_197 = arith.remsi %scan3A_195, %rem3A_196 : i32
      %rem3A_198 = arith.constant 6 : i32
      %rem3A_199 = arith.remsi %scan3A_195, %rem3A_198 : i32
      %dma_wait3A_200 = arith.constant 0 : i32
      %dma_wait3A_201 = arith.constant 0 : i32
      %dma_wait3A_202 = arith.constant 0 : i32
      %dma_wait3A_203 = tpu.memref_slice %arg7[%rem3A_197, %dma_wait3A_201, %dma_wait3A_202] : memref<3x120x128xf32, #tpu.memory_space<vmem>> -> memref<1x120x128xf32, #tpu.memory_space<vmem>>
      %dma_wait3A_204 = tpu.memref_squeeze %dma_wait3A_203 : memref<1x120x128xf32, #tpu.memory_space<vmem>> -> memref<120x128xf32, #tpu.memory_space<vmem>>
      %dma_wait3A_205 = arith.constant 0 : i32
      %dma_wait3A_206 = tpu.memref_slice %arg6[%rem3A_199, %dma_wait3A_200, %dma_wait3A_205] : memref<6x2x120xi32, #tpu.memory_space<vmem>> -> memref<1x1x120xi32, #tpu.memory_space<vmem>>
      %dma_wait3A_207 = tpu.memref_squeeze %dma_wait3A_206 : memref<1x1x120xi32, #tpu.memory_space<vmem>> -> memref<120xi32, #tpu.memory_space<vmem>>
      %dma_wait3A_208 = arith.constant 0 : i32
      %dma_wait3A_209 = arith.constant 0 : i32
      %dma_wait3A_210 = tpu.memref_slice %arg2[%dma_wait3A_208, %dma_wait3A_209] : memref<10000x128xf32, #tpu.memory_space<hbm>> -> memref<10000x128xf32, #tpu.memory_space<hbm>>
      %dma_wait3A_211 = tpu.memref_slice %arg10[%rem3A_197] : memref<3x!tpu.dma_semaphore, #tpu.memory_space<semaphore_mem>> -> memref<1x!tpu.dma_semaphore, #tpu.memory_space<semaphore_mem>>
      %dma_wait3A_212 = tpu.memref_squeeze %dma_wait3A_211 : memref<1x!tpu.dma_semaphore, #tpu.memory_space<semaphore_mem>> -> memref<!tpu.dma_semaphore, #tpu.memory_space<semaphore_mem>>
      tpu.wait_indirect_dma semaphore(%dma_wait3A_212 : memref<!tpu.dma_semaphore, #tpu.memory_space<semaphore_mem>>) src(%dma_wait3A_210 : memref<10000x128xf32, #tpu.memory_space<hbm>>) dst(%dma_wait3A_204 : memref<120x128xf32, #tpu.memory_space<vmem>>)
      %rem3A_213 = arith.constant 6 : i32
      %rem3A_214 = arith.remsi %scan3A_195, %rem3A_213 : i32
      %dma_start3A_215 = arith.constant 1 : i32
      %dma_start3A_216 = arith.constant 0 : i32
      %dma_start3A_217 = arith.constant 0 : i32
      %dma_start3A_218 = tpu.memref_slice %arg7[%rem3A_197, %dma_start3A_216, %dma_start3A_217] : memref<3x120x128xf32, #tpu.memory_space<vmem>> -> memref<1x120x128xf32, #tpu.memory_space<vmem>>
      %dma_start3A_219 = tpu.memref_squeeze %dma_start3A_218 : memref<1x120x128xf32, #tpu.memory_space<vmem>> -> memref<120x128xf32, #tpu.memory_space<vmem>>
      %dma_start3A_220 = arith.constant 0 : i32
      %dma_start3A_221 = tpu.memref_slice %arg6[%rem3A_214, %dma_start3A_215, %dma_start3A_220] : memref<6x2x120xi32, #tpu.memory_space<vmem>> -> memref<1x1x120xi32, #tpu.memory_space<vmem>>
      %dma_start3A_222 = tpu.memref_squeeze %dma_start3A_221 : memref<1x1x120xi32, #tpu.memory_space<vmem>> -> memref<120xi32, #tpu.memory_space<vmem>>
      %dma_start3A_223 = arith.constant 0 : i32
      %dma_start3A_224 = arith.constant 0 : i32
      %dma_start3A_225 = tpu.memref_slice %arg8[%dma_start3A_223, %dma_start3A_224] : memref<10112x128xf32, #tpu.memory_space<vmem_shared>> -> memref<10112x128xf32, #tpu.memory_space<vmem_shared>>
      tpu.enqueue_indirect_dma source(%dma_start3A_219 : memref<120x128xf32, #tpu.memory_space<vmem>>) target(%dma_start3A_225 : memref<10112x128xf32, #tpu.memory_space<vmem_shared>>) offsets(%dma_start3A_222 : memref<120xi32, #tpu.memory_space<vmem>>) semaphore(%arg11 : memref<!tpu.dma_semaphore, #tpu.memory_space<semaphore_mem>>) {add = true}
      %add3A_226 = arith.constant 4 : i32
      %add3A_227 = arith.addi %scan3A_195, %add3A_226 : i32
      %lt3A = arith.constant 86 : i32
      %lt3A_228 = arith.cmpi slt, %add3A_227, %lt3A : i32
      %convert_element_type3A = arith.extui %lt3A_228 : i1 to i32
      %cond3A = arith.constant 0 : i32
      %cond3A_229 = arith.cmpi ne, %convert_element_type3A, %cond3A : i32
      scf.if %cond3A_229 {
        %add3A_242 = arith.constant 4 : i32
        %add3A_243 = arith.addi %scan3A_195, %add3A_242 : i32
        %rem3A_244 = arith.constant 6 : i32
        %rem3A_245 = arith.remsi %add3A_243, %rem3A_244 : i32
        %dma_start3A_246 = arith.constant 0 : i32
        %dma_start3A_247 = arith.constant 0 : i32
        %dma_start3A_248 = tpu.memref_slice %arg6[%rem3A_245, %dma_start3A_246, %dma_start3A_247] : memref<6x2x120xi32, #tpu.memory_space<vmem>> -> memref<1x2x120xi32, #tpu.memory_space<vmem>>
        %dma_start3A_249 = tpu.memref_squeeze %dma_start3A_248 : memref<1x2x120xi32, #tpu.memory_space<vmem>> -> memref<2x120xi32, #tpu.memory_space<vmem>>
        %dma_start3A_250 = arith.constant 0 : i32
        %dma_start3A_251 = arith.constant 0 : i32
        %dma_start3A_252 = tpu.memref_slice %arg3[%add3A, %add3A_243, %dma_start3A_250, %dma_start3A_251] : memref<32x86x2x120xi32, #tpu.memory_space<hbm>> -> memref<1x1x2x120xi32, #tpu.memory_space<hbm>>
        %dma_start3A_253 = tpu.memref_squeeze %dma_start3A_252 : memref<1x1x2x120xi32, #tpu.memory_space<hbm>> -> memref<2x120xi32, #tpu.memory_space<hbm>>
        %dma_start3A_254 = tpu.memref_slice %arg9[%rem3A_245] : memref<6x!tpu.dma_semaphore, #tpu.memory_space<semaphore_mem>> -> memref<1x!tpu.dma_semaphore, #tpu.memory_space<semaphore_mem>>
        %dma_start3A_255 = tpu.memref_squeeze %dma_start3A_254 : memref<1x!tpu.dma_semaphore, #tpu.memory_space<semaphore_mem>> -> memref<!tpu.dma_semaphore, #tpu.memory_space<semaphore_mem>>
        %dma_start3A_256 = arith.constant 0 : i32
        %dma_start3A_257 = arith.constant 0 : i32
        %dma_start3A_258 = tpu.memref_slice %arg6[%rem3A_245, %dma_start3A_256, %dma_start3A_257] : memref<6x2x120xi32, #tpu.memory_space<vmem>> -> memref<1x2x120xi32, #tpu.memory_space<vmem>>
        %dma_start3A_259 = tpu.memref_squeeze %dma_start3A_258 : memref<1x2x120xi32, #tpu.memory_space<vmem>> -> memref<2x120xi32, #tpu.memory_space<vmem>>
        %dma_start3A_260 = arith.constant 0 : i32
        %dma_start3A_261 = arith.constant 0 : i32
        %dma_start3A_262 = tpu.memref_slice %arg3[%add3A, %add3A_243, %dma_start3A_260, %dma_start3A_261] : memref<32x86x2x120xi32, #tpu.memory_space<hbm>> -> memref<1x1x2x120xi32, #tpu.memory_space<hbm>>
        %dma_start3A_263 = tpu.memref_squeeze %dma_start3A_262 : memref<1x1x2x120xi32, #tpu.memory_space<hbm>> -> memref<2x120xi32, #tpu.memory_space<hbm>>
        tpu.enqueue_dma source(%dma_start3A_263 : memref<2x120xi32, #tpu.memory_space<hbm>>) target(%dma_start3A_259 : memref<2x120xi32, #tpu.memory_space<vmem>>) target_semaphore(%dma_start3A_255 : memref<!tpu.dma_semaphore, #tpu.memory_space<semaphore_mem>>)
      } else {
      }
      %ge3A = arith.constant 1 : i32
      %ge3A_230 = arith.cmpi sge, %scan3A_195, %ge3A : i32
      %convert_element_type3A_231 = arith.extui %ge3A_230 : i1 to i32
      %cond3A_232 = arith.constant 0 : i32
      %cond3A_233 = arith.cmpi ne, %convert_element_type3A_231, %cond3A_232 : i32
      scf.if %cond3A_233 {
        %sub3A_242 = arith.constant 1 : i32
        %sub3A_243 = arith.subi %scan3A_195, %sub3A_242 : i32
        %sub3A_244 = arith.constant 1 : i32
        %sub3A_245 = arith.subi %scan3A_195, %sub3A_244 : i32
        %rem3A_246 = arith.constant 3 : i32
        %rem3A_247 = arith.remsi %sub3A_245, %rem3A_246 : i32
        %rem3A_248 = arith.constant 6 : i32
        %rem3A_249 = arith.remsi %sub3A_243, %rem3A_248 : i32
        %dma_wait3A_250 = arith.constant 1 : i32
        %dma_wait3A_251 = arith.constant 0 : i32
        %dma_wait3A_252 = arith.constant 0 : i32
        %dma_wait3A_253 = tpu.memref_slice %arg7[%rem3A_247, %dma_wait3A_251, %dma_wait3A_252] : memref<3x120x128xf32, #tpu.memory_space<vmem>> -> memref<1x120x128xf32, #tpu.memory_space<vmem>>
        %dma_wait3A_254 = tpu.memref_squeeze %dma_wait3A_253 : memref<1x120x128xf32, #tpu.memory_space<vmem>> -> memref<120x128xf32, #tpu.memory_space<vmem>>
        %dma_wait3A_255 = arith.constant 0 : i32
        %dma_wait3A_256 = tpu.memref_slice %arg6[%rem3A_249, %dma_wait3A_250, %dma_wait3A_255] : memref<6x2x120xi32, #tpu.memory_space<vmem>> -> memref<1x1x120xi32, #tpu.memory_space<vmem>>
        %dma_wait3A_257 = tpu.memref_squeeze %dma_wait3A_256 : memref<1x1x120xi32, #tpu.memory_space<vmem>> -> memref<120xi32, #tpu.memory_space<vmem>>
        %dma_wait3A_258 = arith.constant 0 : i32
        %dma_wait3A_259 = arith.constant 0 : i32
        %dma_wait3A_260 = tpu.memref_slice %arg8[%dma_wait3A_258, %dma_wait3A_259] : memref<10112x128xf32, #tpu.memory_space<vmem_shared>> -> memref<10112x128xf32, #tpu.memory_space<vmem_shared>>
        tpu.wait_indirect_dma semaphore(%arg11 : memref<!tpu.dma_semaphore, #tpu.memory_space<semaphore_mem>>) src(%dma_wait3A_254 : memref<120x128xf32, #tpu.memory_space<vmem>>) dst(%dma_wait3A_260 : memref<10112x128xf32, #tpu.memory_space<vmem_shared>>)
      } else {
      }
      %add3A_234 = arith.constant 3 : i32
      %add3A_235 = arith.addi %scan3A_195, %add3A_234 : i32
      %sub3A = arith.constant 1 : i32
      %sub3A_236 = arith.subi %add3A_235, %sub3A : i32
      %lt3A_237 = arith.constant 86 : i32
      %lt3A_238 = arith.cmpi slt, %sub3A_236, %lt3A_237 : i32
      %convert_element_type3A_239 = arith.extui %lt3A_238 : i1 to i32
      %cond3A_240 = arith.constant 0 : i32
      %cond3A_241 = arith.cmpi ne, %convert_element_type3A_239, %cond3A_240 : i32
      scf.if %cond3A_241 {
        %add3A_242 = arith.constant 3 : i32
        %add3A_243 = arith.addi %scan3A_195, %add3A_242 : i32
        %sub3A_244 = arith.constant 1 : i32
        %sub3A_245 = arith.subi %add3A_243, %sub3A_244 : i32
        %rem3A_246 = arith.constant 6 : i32
        %rem3A_247 = arith.remsi %sub3A_245, %rem3A_246 : i32
        %dma_wait3A_248 = arith.constant 0 : i32
        %dma_wait3A_249 = arith.constant 0 : i32
        %dma_wait3A_250 = tpu.memref_slice %arg6[%rem3A_247, %dma_wait3A_248, %dma_wait3A_249] : memref<6x2x120xi32, #tpu.memory_space<vmem>> -> memref<1x2x120xi32, #tpu.memory_space<vmem>>
        %dma_wait3A_251 = tpu.memref_squeeze %dma_wait3A_250 : memref<1x2x120xi32, #tpu.memory_space<vmem>> -> memref<2x120xi32, #tpu.memory_space<vmem>>
        %dma_wait3A_252 = arith.constant 0 : i32
        %dma_wait3A_253 = arith.constant 0 : i32
        %dma_wait3A_254 = tpu.memref_slice %arg3[%add3A, %sub3A_245, %dma_wait3A_252, %dma_wait3A_253] : memref<32x86x2x120xi32, #tpu.memory_space<hbm>> -> memref<1x1x2x120xi32, #tpu.memory_space<hbm>>
        %dma_wait3A_255 = tpu.memref_squeeze %dma_wait3A_254 : memref<1x1x2x120xi32, #tpu.memory_space<hbm>> -> memref<2x120xi32, #tpu.memory_space<hbm>>
        %dma_wait3A_256 = tpu.memref_slice %arg9[%rem3A_247] : memref<6x!tpu.dma_semaphore, #tpu.memory_space<semaphore_mem>> -> memref<1x!tpu.dma_semaphore, #tpu.memory_space<semaphore_mem>>
        %dma_wait3A_257 = tpu.memref_squeeze %dma_wait3A_256 : memref<1x!tpu.dma_semaphore, #tpu.memory_space<semaphore_mem>> -> memref<!tpu.dma_semaphore, #tpu.memory_space<semaphore_mem>>
        %dma_wait3A_258 = arith.constant 0 : i32
        %dma_wait3A_259 = arith.constant 0 : i32
        %dma_wait3A_260 = tpu.memref_slice %arg6[%rem3A_247, %dma_wait3A_258, %dma_wait3A_259] : memref<6x2x120xi32, #tpu.memory_space<vmem>> -> memref<1x2x120xi32, #tpu.memory_space<vmem>>
        %dma_wait3A_261 = tpu.memref_squeeze %dma_wait3A_260 : memref<1x2x120xi32, #tpu.memory_space<vmem>> -> memref<2x120xi32, #tpu.memory_space<vmem>>
        %dma_wait3A_262 = arith.constant 0 : i32
        %dma_wait3A_263 = arith.constant 0 : i32
        %dma_wait3A_264 = tpu.memref_slice %arg3[%add3A, %sub3A_245, %dma_wait3A_262, %dma_wait3A_263] : memref<32x86x2x120xi32, #tpu.memory_space<hbm>> -> memref<1x1x2x120xi32, #tpu.memory_space<hbm>>
        %dma_wait3A_265 = tpu.memref_squeeze %dma_wait3A_264 : memref<1x1x2x120xi32, #tpu.memory_space<hbm>> -> memref<2x120xi32, #tpu.memory_space<hbm>>
        tpu.wait_dma2 semaphore(%dma_wait3A_257 : memref<!tpu.dma_semaphore, #tpu.memory_space<semaphore_mem>>) src(%dma_wait3A_265 : memref<2x120xi32, #tpu.memory_space<hbm>>) dst(%dma_wait3A_261 : memref<2x120xi32, #tpu.memory_space<vmem>>)
        %add3A_266 = arith.constant 3 : i32
        %add3A_267 = arith.addi %scan3A_195, %add3A_266 : i32
        %sub3A_268 = arith.constant 1 : i32
        %sub3A_269 = arith.subi %add3A_267, %sub3A_268 : i32
        %add3A_270 = arith.constant 3 : i32
        %add3A_271 = arith.addi %scan3A_195, %add3A_270 : i32
        %sub3A_272 = arith.constant 1 : i32
        %sub3A_273 = arith.subi %add3A_271, %sub3A_272 : i32
        %rem3A_274 = arith.constant 3 : i32
        %rem3A_275 = arith.remsi %sub3A_273, %rem3A_274 : i32
        %rem3A_276 = arith.constant 6 : i32
        %rem3A_277 = arith.remsi %sub3A_269, %rem3A_276 : i32
        %dma_start3A_278 = arith.constant 0 : i32
        %dma_start3A_279 = arith.constant 0 : i32
        %dma_start3A_280 = arith.constant 0 : i32
        %dma_start3A_281 = tpu.memref_slice %arg7[%rem3A_275, %dma_start3A_279, %dma_start3A_280] : memref<3x120x128xf32, #tpu.memory_space<vmem>> -> memref<1x120x128xf32, #tpu.memory_space<vmem>>
        %dma_start3A_282 = tpu.memref_squeeze %dma_start3A_281 : memref<1x120x128xf32, #tpu.memory_space<vmem>> -> memref<120x128xf32, #tpu.memory_space<vmem>>
        %dma_start3A_283 = arith.constant 0 : i32
        %dma_start3A_284 = tpu.memref_slice %arg6[%rem3A_277, %dma_start3A_278, %dma_start3A_283] : memref<6x2x120xi32, #tpu.memory_space<vmem>> -> memref<1x1x120xi32, #tpu.memory_space<vmem>>
        %dma_start3A_285 = tpu.memref_squeeze %dma_start3A_284 : memref<1x1x120xi32, #tpu.memory_space<vmem>> -> memref<120xi32, #tpu.memory_space<vmem>>
        %dma_start3A_286 = arith.constant 0 : i32
        %dma_start3A_287 = arith.constant 0 : i32
        %dma_start3A_288 = tpu.memref_slice %arg2[%dma_start3A_286, %dma_start3A_287] : memref<10000x128xf32, #tpu.memory_space<hbm>> -> memref<10000x128xf32, #tpu.memory_space<hbm>>
        %dma_start3A_289 = tpu.memref_slice %arg10[%rem3A_275] : memref<3x!tpu.dma_semaphore, #tpu.memory_space<semaphore_mem>> -> memref<1x!tpu.dma_semaphore, #tpu.memory_space<semaphore_mem>>
        %dma_start3A_290 = tpu.memref_squeeze %dma_start3A_289 : memref<1x!tpu.dma_semaphore, #tpu.memory_space<semaphore_mem>> -> memref<!tpu.dma_semaphore, #tpu.memory_space<semaphore_mem>>
        tpu.enqueue_indirect_dma source(%dma_start3A_288 : memref<10000x128xf32, #tpu.memory_space<hbm>>) target(%dma_start3A_282 : memref<120x128xf32, #tpu.memory_space<vmem>>) offsets(%dma_start3A_285 : memref<120xi32, #tpu.memory_space<vmem>>) semaphore(%dma_start3A_290 : memref<!tpu.dma_semaphore, #tpu.memory_space<semaphore_mem>>)
      } else {
      }
    }
    %scan3A_174 = arith.constant 86 : i32
    %rem3A_175 = arith.constant 85 : i32
    %rem3A_176 = arith.constant 6 : i32
    %rem3A_177 = arith.remsi %rem3A_175, %rem3A_176 : i32
    %dma_wait3A_178 = arith.constant 1 : i32
    %dma_wait3A_179 = arith.constant 1 : i32
    %dma_wait3A_180 = arith.constant 0 : i32
    %dma_wait3A_181 = arith.constant 0 : i32
    %dma_wait3A_182 = tpu.memref_slice %arg7[%dma_wait3A_178, %dma_wait3A_180, %dma_wait3A_181] : memref<3x120x128xf32, #tpu.memory_space<vmem>> -> memref<1x120x128xf32, #tpu.memory_space<vmem>>
    %dma_wait3A_183 = tpu.memref_squeeze %dma_wait3A_182 : memref<1x120x128xf32, #tpu.memory_space<vmem>> -> memref<120x128xf32, #tpu.memory_space<vmem>>
    %dma_wait3A_184 = arith.constant 0 : i32
    %dma_wait3A_185 = tpu.memref_slice %arg6[%rem3A_177, %dma_wait3A_179, %dma_wait3A_184] : memref<6x2x120xi32, #tpu.memory_space<vmem>> -> memref<1x1x120xi32, #tpu.memory_space<vmem>>
    %dma_wait3A_186 = tpu.memref_squeeze %dma_wait3A_185 : memref<1x1x120xi32, #tpu.memory_space<vmem>> -> memref<120xi32, #tpu.memory_space<vmem>>
    %dma_wait3A_187 = arith.constant 0 : i32
    %dma_wait3A_188 = arith.constant 0 : i32
    %dma_wait3A_189 = tpu.memref_slice %arg8[%dma_wait3A_187, %dma_wait3A_188] : memref<10112x128xf32, #tpu.memory_space<vmem_shared>> -> memref<10112x128xf32, #tpu.memory_space<vmem_shared>>
    tpu.wait_indirect_dma semaphore(%arg11 : memref<!tpu.dma_semaphore, #tpu.memory_space<semaphore_mem>>) src(%dma_wait3A_183 : memref<120x128xf32, #tpu.memory_space<vmem>>) dst(%dma_wait3A_189 : memref<10112x128xf32, #tpu.memory_space<vmem_shared>>)
    %barrier3A_190 = arith.constant 0 : index
    tpu.barrier barrier_id(%barrier3A_190)
    %mul3A_191 = arith.constant 632 : i32
    %mul3A_192 = arith.muli %arg1, %mul3A_191 : i32
    %mul3A_193 = arith.constant 632 : i32
    %mul3A_194 = arith.muli %arg1, %mul3A_193 : i32
    "tpu.region"() ({
      %run_scoped3A = tpu.sem_alloc : memref<!tpu.dma_semaphore, #tpu.memory_space<semaphore_mem>>
      %dma_start3A_195 = arith.constant 0 : i32
      %dma_start3A_196 = tpu.memref_slice %arg5[%arg0, %mul3A_194, %dma_start3A_195] : memref<2x10112x128xf32, #tpu.memory_space<hbm>> -> memref<1x632x128xf32, #tpu.memory_space<hbm>>
      %dma_start3A_197 = tpu.memref_squeeze %dma_start3A_196 : memref<1x632x128xf32, #tpu.memory_space<hbm>> -> memref<632x128xf32, #tpu.memory_space<hbm>>
      %dma_start3A_198 = arith.constant 0 : i32
      %dma_start3A_199 = tpu.memref_slice %arg8[%mul3A_192, %dma_start3A_198] : memref<10112x128xf32, #tpu.memory_space<vmem_shared>> -> memref<632x128xf32, #tpu.memory_space<vmem_shared>>
      tpu.enqueue_dma source(%dma_start3A_199 : memref<632x128xf32, #tpu.memory_space<vmem_shared>>) target(%dma_start3A_197 : memref<632x128xf32, #tpu.memory_space<hbm>>) target_semaphore(%run_scoped3A : memref<!tpu.dma_semaphore, #tpu.memory_space<semaphore_mem>>)
      %dma_wait3A_200 = arith.constant 0 : i32
      %dma_wait3A_201 = tpu.memref_slice %arg5[%arg0, %mul3A_194, %dma_wait3A_200] : memref<2x10112x128xf32, #tpu.memory_space<hbm>> -> memref<1x632x128xf32, #tpu.memory_space<hbm>>
      %dma_wait3A_202 = tpu.memref_squeeze %dma_wait3A_201 : memref<1x632x128xf32, #tpu.memory_space<hbm>> -> memref<632x128xf32, #tpu.memory_space<hbm>>
      %dma_wait3A_203 = arith.constant 0 : i32
      %dma_wait3A_204 = tpu.memref_slice %arg8[%mul3A_192, %dma_wait3A_203] : memref<10112x128xf32, #tpu.memory_space<vmem_shared>> -> memref<632x128xf32, #tpu.memory_space<vmem_shared>>
      tpu.wait_dma2 semaphore(%run_scoped3A : memref<!tpu.dma_semaphore, #tpu.memory_space<semaphore_mem>>) src(%dma_wait3A_204 : memref<632x128xf32, #tpu.memory_space<vmem_shared>>) dst(%dma_wait3A_202 : memref<632x128xf32, #tpu.memory_space<hbm>>)
      tpu.yield
    }) : () -> ()
    return
  }
}

#map = affine_map<(d0, d1) -> (0, 0)>
#map1 = affine_map<(d0, d1) -> (0, 0, 0, 0)>
#map2 = affine_map<(d0, d1) -> (0, 0, 0)>
module attributes {stable_mosaic.version = 14 : i64} {
  func.func @k(%arg0: i32, %arg1: i32, %arg2: memref<10000x128xf32, #tpu.memory_space<hbm>>, %arg3: memref<32x86x2x120xi32, #tpu.memory_space<hbm>>, %arg4: memref<10112x128xf32, #tpu.memory_space<hbm>>, %arg5: memref<2x10112x128xf32, #tpu.memory_space<hbm>>, %arg6: memref<6x2x120xi32, #tpu.memory_space<vmem>>, %arg7: memref<3x120x128xf32, #tpu.memory_space<vmem>>, %arg8: memref<10112x128xf32, #tpu.memory_space<vmem_shared>>, %arg9: memref<6x!tpu.dma_semaphore, #tpu.memory_space<semaphore_mem>>, %arg10: memref<3x!tpu.dma_semaphore, #tpu.memory_space<semaphore_mem>>, %arg11: memref<!tpu.dma_semaphore, #tpu.memory_space<semaphore_mem>>) attributes {dimension_semantics = [#tpu.dimension_semantics<core_parallel>, #tpu.dimension_semantics<subcore_parallel>], iteration_bounds = array<i64: 2, 16>, scalar_prefetch = 0 : i64, scratch_operands = 6 : i64, tpu.core_type = #tpu.core_type<sc_vector_subcore>, window_params = [{transform_indices = #map}, {transform_indices = #map1}, {transform_indices = #map}, {transform_indices = #map2}]} {
    %mul3A = arith.constant 16 : i32
    %mul3A_0 = arith.muli %arg0, %mul3A : i32
    %add3A = arith.addi %mul3A_0, %arg1 : i32
    %rem3A = arith.constant 0 : i32
    %rem3A_1 = arith.constant 6 : i32
    %rem3A_2 = arith.remsi %rem3A, %rem3A_1 : i32
    %dma_start3A = arith.constant 0 : i32
    %dma_start3A_3 = arith.constant 0 : i32
    %dma_start3A_4 = arith.constant 0 : i32
    %dma_start3A_5 = tpu.memref_slice %arg6[%rem3A_2, %dma_start3A_3, %dma_start3A_4] : memref<6x2x120xi32, #tpu.memory_space<vmem>> -> memref<1x2x120xi32, #tpu.memory_space<vmem>>
    %dma_start3A_6 = tpu.memref_squeeze %dma_start3A_5 : memref<1x2x120xi32, #tpu.memory_space<vmem>> -> memref<2x120xi32, #tpu.memory_space<vmem>>
    %dma_start3A_7 = arith.constant 0 : i32
    %dma_start3A_8 = arith.constant 0 : i32
    %dma_start3A_9 = tpu.memref_slice %arg3[%add3A, %dma_start3A, %dma_start3A_7, %dma_start3A_8] : memref<32x86x2x120xi32, #tpu.memory_space<hbm>> -> memref<1x1x2x120xi32, #tpu.memory_space<hbm>>
    %dma_start3A_10 = tpu.memref_squeeze %dma_start3A_9 : memref<1x1x2x120xi32, #tpu.memory_space<hbm>> -> memref<2x120xi32, #tpu.memory_space<hbm>>
    %dma_start3A_11 = tpu.memref_slice %arg9[%rem3A_2] : memref<6x!tpu.dma_semaphore, #tpu.memory_space<semaphore_mem>> -> memref<1x!tpu.dma_semaphore, #tpu.memory_space<semaphore_mem>>
    %dma_start3A_12 = tpu.memref_squeeze %dma_start3A_11 : memref<1x!tpu.dma_semaphore, #tpu.memory_space<semaphore_mem>> -> memref<!tpu.dma_semaphore, #tpu.memory_space<semaphore_mem>>
    %dma_start3A_13 = arith.constant 0 : i32
    %dma_start3A_14 = arith.constant 0 : i32
    %dma_start3A_15 = tpu.memref_slice %arg6[%rem3A_2, %dma_start3A_13, %dma_start3A_14] : memref<6x2x120xi32, #tpu.memory_space<vmem>> -> memref<1x2x120xi32, #tpu.memory_space<vmem>>
    %dma_start3A_16 = tpu.memref_squeeze %dma_start3A_15 : memref<1x2x120xi32, #tpu.memory_space<vmem>> -> memref<2x120xi32, #tpu.memory_space<vmem>>
    %dma_start3A_17 = arith.constant 0 : i32
    %dma_start3A_18 = arith.constant 0 : i32
    %dma_start3A_19 = tpu.memref_slice %arg3[%add3A, %dma_start3A, %dma_start3A_17, %dma_start3A_18] : memref<32x86x2x120xi32, #tpu.memory_space<hbm>> -> memref<1x1x2x120xi32, #tpu.memory_space<hbm>>
    %dma_start3A_20 = tpu.memref_squeeze %dma_start3A_19 : memref<1x1x2x120xi32, #tpu.memory_space<hbm>> -> memref<2x120xi32, #tpu.memory_space<hbm>>
    tpu.enqueue_dma source(%dma_start3A_20 : memref<2x120xi32, #tpu.memory_space<hbm>>) target(%dma_start3A_16 : memref<2x120xi32, #tpu.memory_space<vmem>>) target_semaphore(%dma_start3A_12 : memref<!tpu.dma_semaphore, #tpu.memory_space<semaphore_mem>>)
    %rem3A_21 = arith.constant 1 : i32
    %rem3A_22 = arith.constant 6 : i32
    %rem3A_23 = arith.remsi %rem3A_21, %rem3A_22 : i32
    %dma_start3A_24 = arith.constant 1 : i32
    %dma_start3A_25 = arith.constant 0 : i32
    %dma_start3A_26 = arith.constant 0 : i32
    %dma_start3A_27 = tpu.memref_slice %arg6[%rem3A_23, %dma_start3A_25, %dma_start3A_26] : memref<6x2x120xi32, #tpu.memory_space<vmem>> -> memref<1x2x120xi32, #tpu.memory_space<vmem>>
    %dma_start3A_28 = tpu.memref_squeeze %dma_start3A_27 : memref<1x2x120xi32, #tpu.memory_space<vmem>> -> memref<2x120xi32, #tpu.memory_space<vmem>>
    %dma_start3A_29 = arith.constant 0 : i32
    %dma_start3A_30 = arith.constant 0 : i32
    %dma_start3A_31 = tpu.memref_slice %arg3[%add3A, %dma_start3A_24, %dma_start3A_29, %dma_start3A_30] : memref<32x86x2x120xi32, #tpu.memory_space<hbm>> -> memref<1x1x2x120xi32, #tpu.memory_space<hbm>>
    %dma_start3A_32 = tpu.memref_squeeze %dma_start3A_31 : memref<1x1x2x120xi32, #tpu.memory_space<hbm>> -> memref<2x120xi32, #tpu.memory_space<hbm>>
    %dma_start3A_33 = tpu.memref_slice %arg9[%rem3A_23] : memref<6x!tpu.dma_semaphore, #tpu.memory_space<semaphore_mem>> -> memref<1x!tpu.dma_semaphore, #tpu.memory_space<semaphore_mem>>
    %dma_start3A_34 = tpu.memref_squeeze %dma_start3A_33 : memref<1x!tpu.dma_semaphore, #tpu.memory_space<semaphore_mem>> -> memref<!tpu.dma_semaphore, #tpu.memory_space<semaphore_mem>>
    %dma_start3A_35 = arith.constant 0 : i32
    %dma_start3A_36 = arith.constant 0 : i32
    %dma_start3A_37 = tpu.memref_slice %arg6[%rem3A_23, %dma_start3A_35, %dma_start3A_36] : memref<6x2x120xi32, #tpu.memory_space<vmem>> -> memref<1x2x120xi32, #tpu.memory_space<vmem>>
    %dma_start3A_38 = tpu.memref_squeeze %dma_start3A_37 : memref<1x2x120xi32, #tpu.memory_space<vmem>> -> memref<2x120xi32, #tpu.memory_space<vmem>>
    %dma_start3A_39 = arith.constant 0 : i32
    %dma_start3A_40 = arith.constant 0 : i32
    %dma_start3A_41 = tpu.memref_slice %arg3[%add3A, %dma_start3A_24, %dma_start3A_39, %dma_start3A_40] : memref<32x86x2x120xi32, #tpu.memory_space<hbm>> -> memref<1x1x2x120xi32, #tpu.memory_space<hbm>>
    %dma_start3A_42 = tpu.memref_squeeze %dma_start3A_41 : memref<1x1x2x120xi32, #tpu.memory_space<hbm>> -> memref<2x120xi32, #tpu.memory_space<hbm>>
    tpu.enqueue_dma source(%dma_start3A_42 : memref<2x120xi32, #tpu.memory_space<hbm>>) target(%dma_start3A_38 : memref<2x120xi32, #tpu.memory_space<vmem>>) target_semaphore(%dma_start3A_34 : memref<!tpu.dma_semaphore, #tpu.memory_space<semaphore_mem>>)
    %rem3A_43 = arith.constant 2 : i32
    %rem3A_44 = arith.constant 6 : i32
    %rem3A_45 = arith.remsi %rem3A_43, %rem3A_44 : i32
    %dma_start3A_46 = arith.constant 2 : i32
    %dma_start3A_47 = arith.constant 0 : i32
    %dma_start3A_48 = arith.constant 0 : i32
    %dma_start3A_49 = tpu.memref_slice %arg6[%rem3A_45, %dma_start3A_47, %dma_start3A_48] : memref<6x2x120xi32, #tpu.memory_space<vmem>> -> memref<1x2x120xi32, #tpu.memory_space<vmem>>
    %dma_start3A_50 = tpu.memref_squeeze %dma_start3A_49 : memref<1x2x120xi32, #tpu.memory_space<vmem>> -> memref<2x120xi32, #tpu.memory_space<vmem>>
    %dma_start3A_51 = arith.constant 0 : i32
    %dma_start3A_52 = arith.constant 0 : i32
    %dma_start3A_53 = tpu.memref_slice %arg3[%add3A, %dma_start3A_46, %dma_start3A_51, %dma_start3A_52] : memref<32x86x2x120xi32, #tpu.memory_space<hbm>> -> memref<1x1x2x120xi32, #tpu.memory_space<hbm>>
    %dma_start3A_54 = tpu.memref_squeeze %dma_start3A_53 : memref<1x1x2x120xi32, #tpu.memory_space<hbm>> -> memref<2x120xi32, #tpu.memory_space<hbm>>
    %dma_start3A_55 = tpu.memref_slice %arg9[%rem3A_45] : memref<6x!tpu.dma_semaphore, #tpu.memory_space<semaphore_mem>> -> memref<1x!tpu.dma_semaphore, #tpu.memory_space<semaphore_mem>>
    %dma_start3A_56 = tpu.memref_squeeze %dma_start3A_55 : memref<1x!tpu.dma_semaphore, #tpu.memory_space<semaphore_mem>> -> memref<!tpu.dma_semaphore, #tpu.memory_space<semaphore_mem>>
    %dma_start3A_57 = arith.constant 0 : i32
    %dma_start3A_58 = arith.constant 0 : i32
    %dma_start3A_59 = tpu.memref_slice %arg6[%rem3A_45, %dma_start3A_57, %dma_start3A_58] : memref<6x2x120xi32, #tpu.memory_space<vmem>> -> memref<1x2x120xi32, #tpu.memory_space<vmem>>
    %dma_start3A_60 = tpu.memref_squeeze %dma_start3A_59 : memref<1x2x120xi32, #tpu.memory_space<vmem>> -> memref<2x120xi32, #tpu.memory_space<vmem>>
    %dma_start3A_61 = arith.constant 0 : i32
    %dma_start3A_62 = arith.constant 0 : i32
    %dma_start3A_63 = tpu.memref_slice %arg3[%add3A, %dma_start3A_46, %dma_start3A_61, %dma_start3A_62] : memref<32x86x2x120xi32, #tpu.memory_space<hbm>> -> memref<1x1x2x120xi32, #tpu.memory_space<hbm>>
    %dma_start3A_64 = tpu.memref_squeeze %dma_start3A_63 : memref<1x1x2x120xi32, #tpu.memory_space<hbm>> -> memref<2x120xi32, #tpu.memory_space<hbm>>
    tpu.enqueue_dma source(%dma_start3A_64 : memref<2x120xi32, #tpu.memory_space<hbm>>) target(%dma_start3A_60 : memref<2x120xi32, #tpu.memory_space<vmem>>) target_semaphore(%dma_start3A_56 : memref<!tpu.dma_semaphore, #tpu.memory_space<semaphore_mem>>)
    %rem3A_65 = arith.constant 3 : i32
    %rem3A_66 = arith.constant 6 : i32
    %rem3A_67 = arith.remsi %rem3A_65, %rem3A_66 : i32
    %dma_start3A_68 = arith.constant 3 : i32
    %dma_start3A_69 = arith.constant 0 : i32
    %dma_start3A_70 = arith.constant 0 : i32
    %dma_start3A_71 = tpu.memref_slice %arg6[%rem3A_67, %dma_start3A_69, %dma_start3A_70] : memref<6x2x120xi32, #tpu.memory_space<vmem>> -> memref<1x2x120xi32, #tpu.memory_space<vmem>>
    %dma_start3A_72 = tpu.memref_squeeze %dma_start3A_71 : memref<1x2x120xi32, #tpu.memory_space<vmem>> -> memref<2x120xi32, #tpu.memory_space<vmem>>
    %dma_start3A_73 = arith.constant 0 : i32
    %dma_start3A_74 = arith.constant 0 : i32
    %dma_start3A_75 = tpu.memref_slice %arg3[%add3A, %dma_start3A_68, %dma_start3A_73, %dma_start3A_74] : memref<32x86x2x120xi32, #tpu.memory_space<hbm>> -> memref<1x1x2x120xi32, #tpu.memory_space<hbm>>
    %dma_start3A_76 = tpu.memref_squeeze %dma_start3A_75 : memref<1x1x2x120xi32, #tpu.memory_space<hbm>> -> memref<2x120xi32, #tpu.memory_space<hbm>>
    %dma_start3A_77 = tpu.memref_slice %arg9[%rem3A_67] : memref<6x!tpu.dma_semaphore, #tpu.memory_space<semaphore_mem>> -> memref<1x!tpu.dma_semaphore, #tpu.memory_space<semaphore_mem>>
    %dma_start3A_78 = tpu.memref_squeeze %dma_start3A_77 : memref<1x!tpu.dma_semaphore, #tpu.memory_space<semaphore_mem>> -> memref<!tpu.dma_semaphore, #tpu.memory_space<semaphore_mem>>
    %dma_start3A_79 = arith.constant 0 : i32
    %dma_start3A_80 = arith.constant 0 : i32
    %dma_start3A_81 = tpu.memref_slice %arg6[%rem3A_67, %dma_start3A_79, %dma_start3A_80] : memref<6x2x120xi32, #tpu.memory_space<vmem>> -> memref<1x2x120xi32, #tpu.memory_space<vmem>>
    %dma_start3A_82 = tpu.memref_squeeze %dma_start3A_81 : memref<1x2x120xi32, #tpu.memory_space<vmem>> -> memref<2x120xi32, #tpu.memory_space<vmem>>
    %dma_start3A_83 = arith.constant 0 : i32
    %dma_start3A_84 = arith.constant 0 : i32
    %dma_start3A_85 = tpu.memref_slice %arg3[%add3A, %dma_start3A_68, %dma_start3A_83, %dma_start3A_84] : memref<32x86x2x120xi32, #tpu.memory_space<hbm>> -> memref<1x1x2x120xi32, #tpu.memory_space<hbm>>
    %dma_start3A_86 = tpu.memref_squeeze %dma_start3A_85 : memref<1x1x2x120xi32, #tpu.memory_space<hbm>> -> memref<2x120xi32, #tpu.memory_space<hbm>>
    tpu.enqueue_dma source(%dma_start3A_86 : memref<2x120xi32, #tpu.memory_space<hbm>>) target(%dma_start3A_82 : memref<2x120xi32, #tpu.memory_space<vmem>>) target_semaphore(%dma_start3A_78 : memref<!tpu.dma_semaphore, #tpu.memory_space<semaphore_mem>>)
    %mul3A_87 = arith.constant 632 : i32
    %mul3A_88 = arith.muli %arg1, %mul3A_87 : i32
    %mul3A_89 = arith.constant 632 : i32
    %mul3A_90 = arith.muli %arg1, %mul3A_89 : i32
    "tpu.region"() ({
      %run_scoped3A = tpu.sem_alloc : memref<!tpu.dma_semaphore, #tpu.memory_space<semaphore_mem>>
      %dma_start3A_195 = arith.constant 0 : i32
      %dma_start3A_196 = tpu.memref_slice %arg8[%mul3A_90, %dma_start3A_195] : memref<10112x128xf32, #tpu.memory_space<vmem_shared>> -> memref<632x128xf32, #tpu.memory_space<vmem_shared>>
      %dma_start3A_197 = arith.constant 0 : i32
      %dma_start3A_198 = tpu.memref_slice %arg4[%mul3A_88, %dma_start3A_197] : memref<10112x128xf32, #tpu.memory_space<hbm>> -> memref<632x128xf32, #tpu.memory_space<hbm>>
      tpu.enqueue_dma source(%dma_start3A_198 : memref<632x128xf32, #tpu.memory_space<hbm>>) target(%dma_start3A_196 : memref<632x128xf32, #tpu.memory_space<vmem_shared>>) target_semaphore(%run_scoped3A : memref<!tpu.dma_semaphore, #tpu.memory_space<semaphore_mem>>)
      %dma_wait3A_199 = arith.constant 0 : i32
      %dma_wait3A_200 = tpu.memref_slice %arg8[%mul3A_90, %dma_wait3A_199] : memref<10112x128xf32, #tpu.memory_space<vmem_shared>> -> memref<632x128xf32, #tpu.memory_space<vmem_shared>>
      %dma_wait3A_201 = arith.constant 0 : i32
      %dma_wait3A_202 = tpu.memref_slice %arg4[%mul3A_88, %dma_wait3A_201] : memref<10112x128xf32, #tpu.memory_space<hbm>> -> memref<632x128xf32, #tpu.memory_space<hbm>>
      tpu.wait_dma2 semaphore(%run_scoped3A : memref<!tpu.dma_semaphore, #tpu.memory_space<semaphore_mem>>) src(%dma_wait3A_202 : memref<632x128xf32, #tpu.memory_space<hbm>>) dst(%dma_wait3A_200 : memref<632x128xf32, #tpu.memory_space<vmem_shared>>)
      tpu.yield
    }) : () -> ()
    %barrier3A = arith.constant 0 : index
    tpu.barrier barrier_id(%barrier3A)
    %rem3A_91 = arith.constant 0 : i32
    %rem3A_92 = arith.constant 6 : i32
    %rem3A_93 = arith.remsi %rem3A_91, %rem3A_92 : i32
    %dma_wait3A = arith.constant 0 : i32
    %dma_wait3A_94 = arith.constant 0 : i32
    %dma_wait3A_95 = arith.constant 0 : i32
    %dma_wait3A_96 = tpu.memref_slice %arg6[%rem3A_93, %dma_wait3A_94, %dma_wait3A_95] : memref<6x2x120xi32, #tpu.memory_space<vmem>> -> memref<1x2x120xi32, #tpu.memory_space<vmem>>
    %dma_wait3A_97 = tpu.memref_squeeze %dma_wait3A_96 : memref<1x2x120xi32, #tpu.memory_space<vmem>> -> memref<2x120xi32, #tpu.memory_space<vmem>>
    %dma_wait3A_98 = arith.constant 0 : i32
    %dma_wait3A_99 = arith.constant 0 : i32
    %dma_wait3A_100 = tpu.memref_slice %arg3[%add3A, %dma_wait3A, %dma_wait3A_98, %dma_wait3A_99] : memref<32x86x2x120xi32, #tpu.memory_space<hbm>> -> memref<1x1x2x120xi32, #tpu.memory_space<hbm>>
    %dma_wait3A_101 = tpu.memref_squeeze %dma_wait3A_100 : memref<1x1x2x120xi32, #tpu.memory_space<hbm>> -> memref<2x120xi32, #tpu.memory_space<hbm>>
    %dma_wait3A_102 = tpu.memref_slice %arg9[%rem3A_93] : memref<6x!tpu.dma_semaphore, #tpu.memory_space<semaphore_mem>> -> memref<1x!tpu.dma_semaphore, #tpu.memory_space<semaphore_mem>>
    %dma_wait3A_103 = tpu.memref_squeeze %dma_wait3A_102 : memref<1x!tpu.dma_semaphore, #tpu.memory_space<semaphore_mem>> -> memref<!tpu.dma_semaphore, #tpu.memory_space<semaphore_mem>>
    %dma_wait3A_104 = arith.constant 0 : i32
    %dma_wait3A_105 = arith.constant 0 : i32
    %dma_wait3A_106 = tpu.memref_slice %arg6[%rem3A_93, %dma_wait3A_104, %dma_wait3A_105] : memref<6x2x120xi32, #tpu.memory_space<vmem>> -> memref<1x2x120xi32, #tpu.memory_space<vmem>>
    %dma_wait3A_107 = tpu.memref_squeeze %dma_wait3A_106 : memref<1x2x120xi32, #tpu.memory_space<vmem>> -> memref<2x120xi32, #tpu.memory_space<vmem>>
    %dma_wait3A_108 = arith.constant 0 : i32
    %dma_wait3A_109 = arith.constant 0 : i32
    %dma_wait3A_110 = tpu.memref_slice %arg3[%add3A, %dma_wait3A, %dma_wait3A_108, %dma_wait3A_109] : memref<32x86x2x120xi32, #tpu.memory_space<hbm>> -> memref<1x1x2x120xi32, #tpu.memory_space<hbm>>
    %dma_wait3A_111 = tpu.memref_squeeze %dma_wait3A_110 : memref<1x1x2x120xi32, #tpu.memory_space<hbm>> -> memref<2x120xi32, #tpu.memory_space<hbm>>
    tpu.wait_dma2 semaphore(%dma_wait3A_103 : memref<!tpu.dma_semaphore, #tpu.memory_space<semaphore_mem>>) src(%dma_wait3A_111 : memref<2x120xi32, #tpu.memory_space<hbm>>) dst(%dma_wait3A_107 : memref<2x120xi32, #tpu.memory_space<vmem>>)
    %rem3A_112 = arith.constant 0 : i32
    %rem3A_113 = arith.constant 6 : i32
    %rem3A_114 = arith.remsi %rem3A_112, %rem3A_113 : i32
    %dma_start3A_115 = arith.constant 0 : i32
    %dma_start3A_116 = arith.constant 0 : i32
    %dma_start3A_117 = arith.constant 0 : i32
    %dma_start3A_118 = arith.constant 0 : i32
    %dma_start3A_119 = arith.constant 0 : i32
    %dma_start3A_120 = tpu.memref_slice %arg7[%dma_start3A_116, %dma_start3A_118, %dma_start3A_119] : memref<3x120x128xf32, #tpu.memory_space<vmem>> -> memref<1x120x128xf32, #tpu.memory_space<vmem>>
    %dma_start3A_121 = tpu.memref_squeeze %dma_start3A_120 : memref<1x120x128xf32, #tpu.memory_space<vmem>> -> memref<120x128xf32, #tpu.memory_space<vmem>>
    %dma_start3A_122 = arith.constant 0 : i32
    %dma_start3A_123 = tpu.memref_slice %arg6[%rem3A_114, %dma_start3A_115, %dma_start3A_122] : memref<6x2x120xi32, #tpu.memory_space<vmem>> -> memref<1x1x120xi32, #tpu.memory_space<vmem>>
    %dma_start3A_124 = tpu.memref_squeeze %dma_start3A_123 : memref<1x1x120xi32, #tpu.memory_space<vmem>> -> memref<120xi32, #tpu.memory_space<vmem>>
    %dma_start3A_125 = arith.constant 0 : i32
    %dma_start3A_126 = arith.constant 0 : i32
    %dma_start3A_127 = tpu.memref_slice %arg2[%dma_start3A_125, %dma_start3A_126] : memref<10000x128xf32, #tpu.memory_space<hbm>> -> memref<10000x128xf32, #tpu.memory_space<hbm>>
    %dma_start3A_128 = tpu.memref_slice %arg10[%dma_start3A_117] : memref<3x!tpu.dma_semaphore, #tpu.memory_space<semaphore_mem>> -> memref<1x!tpu.dma_semaphore, #tpu.memory_space<semaphore_mem>>
    %dma_start3A_129 = tpu.memref_squeeze %dma_start3A_128 : memref<1x!tpu.dma_semaphore, #tpu.memory_space<semaphore_mem>> -> memref<!tpu.dma_semaphore, #tpu.memory_space<semaphore_mem>>
    tpu.enqueue_indirect_dma source(%dma_start3A_127 : memref<10000x128xf32, #tpu.memory_space<hbm>>) target(%dma_start3A_121 : memref<120x128xf32, #tpu.memory_space<vmem>>) offsets(%dma_start3A_124 : memref<120xi32, #tpu.memory_space<vmem>>) semaphore(%dma_start3A_129 : memref<!tpu.dma_semaphore, #tpu.memory_space<semaphore_mem>>)
    %rem3A_130 = arith.constant 1 : i32
    %rem3A_131 = arith.constant 6 : i32
    %rem3A_132 = arith.remsi %rem3A_130, %rem3A_131 : i32
    %dma_wait3A_133 = arith.constant 1 : i32
    %dma_wait3A_134 = arith.constant 0 : i32
    %dma_wait3A_135 = arith.constant 0 : i32
    %dma_wait3A_136 = tpu.memref_slice %arg6[%rem3A_132, %dma_wait3A_134, %dma_wait3A_135] : memref<6x2x120xi32, #tpu.memory_space<vmem>> -> memref<1x2x120xi32, #tpu.memory_space<vmem>>
    %dma_wait3A_137 = tpu.memref_squeeze %dma_wait3A_136 : memref<1x2x120xi32, #tpu.memory_space<vmem>> -> memref<2x120xi32, #tpu.memory_space<vmem>>
    %dma_wait3A_138 = arith.constant 0 : i32
    %dma_wait3A_139 = arith.constant 0 : i32
    %dma_wait3A_140 = tpu.memref_slice %arg3[%add3A, %dma_wait3A_133, %dma_wait3A_138, %dma_wait3A_139] : memref<32x86x2x120xi32, #tpu.memory_space<hbm>> -> memref<1x1x2x120xi32, #tpu.memory_space<hbm>>
    %dma_wait3A_141 = tpu.memref_squeeze %dma_wait3A_140 : memref<1x1x2x120xi32, #tpu.memory_space<hbm>> -> memref<2x120xi32, #tpu.memory_space<hbm>>
    %dma_wait3A_142 = tpu.memref_slice %arg9[%rem3A_132] : memref<6x!tpu.dma_semaphore, #tpu.memory_space<semaphore_mem>> -> memref<1x!tpu.dma_semaphore, #tpu.memory_space<semaphore_mem>>
    %dma_wait3A_143 = tpu.memref_squeeze %dma_wait3A_142 : memref<1x!tpu.dma_semaphore, #tpu.memory_space<semaphore_mem>> -> memref<!tpu.dma_semaphore, #tpu.memory_space<semaphore_mem>>
    %dma_wait3A_144 = arith.constant 0 : i32
    %dma_wait3A_145 = arith.constant 0 : i32
    %dma_wait3A_146 = tpu.memref_slice %arg6[%rem3A_132, %dma_wait3A_144, %dma_wait3A_145] : memref<6x2x120xi32, #tpu.memory_space<vmem>> -> memref<1x2x120xi32, #tpu.memory_space<vmem>>
    %dma_wait3A_147 = tpu.memref_squeeze %dma_wait3A_146 : memref<1x2x120xi32, #tpu.memory_space<vmem>> -> memref<2x120xi32, #tpu.memory_space<vmem>>
    %dma_wait3A_148 = arith.constant 0 : i32
    %dma_wait3A_149 = arith.constant 0 : i32
    %dma_wait3A_150 = tpu.memref_slice %arg3[%add3A, %dma_wait3A_133, %dma_wait3A_148, %dma_wait3A_149] : memref<32x86x2x120xi32, #tpu.memory_space<hbm>> -> memref<1x1x2x120xi32, #tpu.memory_space<hbm>>
    %dma_wait3A_151 = tpu.memref_squeeze %dma_wait3A_150 : memref<1x1x2x120xi32, #tpu.memory_space<hbm>> -> memref<2x120xi32, #tpu.memory_space<hbm>>
    tpu.wait_dma2 semaphore(%dma_wait3A_143 : memref<!tpu.dma_semaphore, #tpu.memory_space<semaphore_mem>>) src(%dma_wait3A_151 : memref<2x120xi32, #tpu.memory_space<hbm>>) dst(%dma_wait3A_147 : memref<2x120xi32, #tpu.memory_space<vmem>>)
    %rem3A_152 = arith.constant 1 : i32
    %rem3A_153 = arith.constant 6 : i32
    %rem3A_154 = arith.remsi %rem3A_152, %rem3A_153 : i32
    %dma_start3A_155 = arith.constant 0 : i32
    %dma_start3A_156 = arith.constant 1 : i32
    %dma_start3A_157 = arith.constant 1 : i32
    %dma_start3A_158 = arith.constant 0 : i32
    %dma_start3A_159 = arith.constant 0 : i32
    %dma_start3A_160 = tpu.memref_slice %arg7[%dma_start3A_156, %dma_start3A_158, %dma_start3A_159] : memref<3x120x128xf32, #tpu.memory_space<vmem>> -> memref<1x120x128xf32, #tpu.memory_space<vmem>>
    %dma_start3A_161 = tpu.memref_squeeze %dma_start3A_160 : memref<1x120x128xf32, #tpu.memory_space<vmem>> -> memref<120x128xf32, #tpu.memory_space<vmem>>
    %dma_start3A_162 = arith.constant 0 : i32
    %dma_start3A_163 = tpu.memref_slice %arg6[%rem3A_154, %dma_start3A_155, %dma_start3A_162] : memref<6x2x120xi32, #tpu.memory_space<vmem>> -> memref<1x1x120xi32, #tpu.memory_space<vmem>>
    %dma_start3A_164 = tpu.memref_squeeze %dma_start3A_163 : memref<1x1x120xi32, #tpu.memory_space<vmem>> -> memref<120xi32, #tpu.memory_space<vmem>>
    %dma_start3A_165 = arith.constant 0 : i32
    %dma_start3A_166 = arith.constant 0 : i32
    %dma_start3A_167 = tpu.memref_slice %arg2[%dma_start3A_165, %dma_start3A_166] : memref<10000x128xf32, #tpu.memory_space<hbm>> -> memref<10000x128xf32, #tpu.memory_space<hbm>>
    %dma_start3A_168 = tpu.memref_slice %arg10[%dma_start3A_157] : memref<3x!tpu.dma_semaphore, #tpu.memory_space<semaphore_mem>> -> memref<1x!tpu.dma_semaphore, #tpu.memory_space<semaphore_mem>>
    %dma_start3A_169 = tpu.memref_squeeze %dma_start3A_168 : memref<1x!tpu.dma_semaphore, #tpu.memory_space<semaphore_mem>> -> memref<!tpu.dma_semaphore, #tpu.memory_space<semaphore_mem>>
    tpu.enqueue_indirect_dma source(%dma_start3A_167 : memref<10000x128xf32, #tpu.memory_space<hbm>>) target(%dma_start3A_161 : memref<120x128xf32, #tpu.memory_space<vmem>>) offsets(%dma_start3A_164 : memref<120xi32, #tpu.memory_space<vmem>>) semaphore(%dma_start3A_169 : memref<!tpu.dma_semaphore, #tpu.memory_space<semaphore_mem>>)
    %scan3A = arith.constant 0 : i32
    %scan3A_170 = arith.constant 0 : i32
    %scan3A_171 = arith.constant 86 : i32
    %scan3A_172 = arith.addi %scan3A_170, %scan3A_171 : i32
    %scan3A_173 = arith.constant 1 : i32
    scf.for %scan3A_195 = %scan3A_170 to %scan3A_172 step %scan3A_173  : i32 {
      %rem3A_196 = arith.constant 3 : i32
      %rem3A_197 = arith.remsi %scan3A_195, %rem3A_196 : i32
      %rem3A_198 = arith.constant 6 : i32
      %rem3A_199 = arith.remsi %scan3A_195, %rem3A_198 : i32
      %dma_wait3A_200 = arith.constant 0 : i32
      %dma_wait3A_201 = arith.constant 0 : i32
      %dma_wait3A_202 = arith.constant 0 : i32
      %dma_wait3A_203 = tpu.memref_slice %arg7[%rem3A_197, %dma_wait3A_201, %dma_wait3A_202] : memref<3x120x128xf32, #tpu.memory_space<vmem>> -> memref<1x120x128xf32, #tpu.memory_space<vmem>>
      %dma_wait3A_204 = tpu.memref_squeeze %dma_wait3A_203 : memref<1x120x128xf32, #tpu.memory_space<vmem>> -> memref<120x128xf32, #tpu.memory_space<vmem>>
      %dma_wait3A_205 = arith.constant 0 : i32
      %dma_wait3A_206 = tpu.memref_slice %arg6[%rem3A_199, %dma_wait3A_200, %dma_wait3A_205] : memref<6x2x120xi32, #tpu.memory_space<vmem>> -> memref<1x1x120xi32, #tpu.memory_space<vmem>>
      %dma_wait3A_207 = tpu.memref_squeeze %dma_wait3A_206 : memref<1x1x120xi32, #tpu.memory_space<vmem>> -> memref<120xi32, #tpu.memory_space<vmem>>
      %dma_wait3A_208 = arith.constant 0 : i32
      %dma_wait3A_209 = arith.constant 0 : i32
      %dma_wait3A_210 = tpu.memref_slice %arg2[%dma_wait3A_208, %dma_wait3A_209] : memref<10000x128xf32, #tpu.memory_space<hbm>> -> memref<10000x128xf32, #tpu.memory_space<hbm>>
      %dma_wait3A_211 = tpu.memref_slice %arg10[%rem3A_197] : memref<3x!tpu.dma_semaphore, #tpu.memory_space<semaphore_mem>> -> memref<1x!tpu.dma_semaphore, #tpu.memory_space<semaphore_mem>>
      %dma_wait3A_212 = tpu.memref_squeeze %dma_wait3A_211 : memref<1x!tpu.dma_semaphore, #tpu.memory_space<semaphore_mem>> -> memref<!tpu.dma_semaphore, #tpu.memory_space<semaphore_mem>>
      tpu.wait_indirect_dma semaphore(%dma_wait3A_212 : memref<!tpu.dma_semaphore, #tpu.memory_space<semaphore_mem>>) src(%dma_wait3A_210 : memref<10000x128xf32, #tpu.memory_space<hbm>>) dst(%dma_wait3A_204 : memref<120x128xf32, #tpu.memory_space<vmem>>)
      %rem3A_213 = arith.constant 6 : i32
      %rem3A_214 = arith.remsi %scan3A_195, %rem3A_213 : i32
      %dma_start3A_215 = arith.constant 1 : i32
      %dma_start3A_216 = arith.constant 0 : i32
      %dma_start3A_217 = arith.constant 0 : i32
      %dma_start3A_218 = tpu.memref_slice %arg7[%rem3A_197, %dma_start3A_216, %dma_start3A_217] : memref<3x120x128xf32, #tpu.memory_space<vmem>> -> memref<1x120x128xf32, #tpu.memory_space<vmem>>
      %dma_start3A_219 = tpu.memref_squeeze %dma_start3A_218 : memref<1x120x128xf32, #tpu.memory_space<vmem>> -> memref<120x128xf32, #tpu.memory_space<vmem>>
      %dma_start3A_220 = arith.constant 0 : i32
      %dma_start3A_221 = tpu.memref_slice %arg6[%rem3A_214, %dma_start3A_215, %dma_start3A_220] : memref<6x2x120xi32, #tpu.memory_space<vmem>> -> memref<1x1x120xi32, #tpu.memory_space<vmem>>
      %dma_start3A_222 = tpu.memref_squeeze %dma_start3A_221 : memref<1x1x120xi32, #tpu.memory_space<vmem>> -> memref<120xi32, #tpu.memory_space<vmem>>
      %dma_start3A_223 = arith.constant 0 : i32
      %dma_start3A_224 = arith.constant 0 : i32
      %dma_start3A_225 = tpu.memref_slice %arg8[%dma_start3A_223, %dma_start3A_224] : memref<10112x128xf32, #tpu.memory_space<vmem_shared>> -> memref<10112x128xf32, #tpu.memory_space<vmem_shared>>
      tpu.enqueue_indirect_dma source(%dma_start3A_219 : memref<120x128xf32, #tpu.memory_space<vmem>>) target(%dma_start3A_225 : memref<10112x128xf32, #tpu.memory_space<vmem_shared>>) offsets(%dma_start3A_222 : memref<120xi32, #tpu.memory_space<vmem>>) semaphore(%arg11 : memref<!tpu.dma_semaphore, #tpu.memory_space<semaphore_mem>>) {add = true}
      %add3A_226 = arith.constant 4 : i32
      %add3A_227 = arith.addi %scan3A_195, %add3A_226 : i32
      %lt3A = arith.constant 86 : i32
      %lt3A_228 = arith.cmpi slt, %add3A_227, %lt3A : i32
      %convert_element_type3A = arith.extui %lt3A_228 : i1 to i32
      %cond3A = arith.constant 0 : i32
      %cond3A_229 = arith.cmpi ne, %convert_element_type3A, %cond3A : i32
      scf.if %cond3A_229 {
        %add3A_242 = arith.constant 4 : i32
        %add3A_243 = arith.addi %scan3A_195, %add3A_242 : i32
        %rem3A_244 = arith.constant 6 : i32
        %rem3A_245 = arith.remsi %add3A_243, %rem3A_244 : i32
        %dma_start3A_246 = arith.constant 0 : i32
        %dma_start3A_247 = arith.constant 0 : i32
        %dma_start3A_248 = tpu.memref_slice %arg6[%rem3A_245, %dma_start3A_246, %dma_start3A_247] : memref<6x2x120xi32, #tpu.memory_space<vmem>> -> memref<1x2x120xi32, #tpu.memory_space<vmem>>
        %dma_start3A_249 = tpu.memref_squeeze %dma_start3A_248 : memref<1x2x120xi32, #tpu.memory_space<vmem>> -> memref<2x120xi32, #tpu.memory_space<vmem>>
        %dma_start3A_250 = arith.constant 0 : i32
        %dma_start3A_251 = arith.constant 0 : i32
        %dma_start3A_252 = tpu.memref_slice %arg3[%add3A, %add3A_243, %dma_start3A_250, %dma_start3A_251] : memref<32x86x2x120xi32, #tpu.memory_space<hbm>> -> memref<1x1x2x120xi32, #tpu.memory_space<hbm>>
        %dma_start3A_253 = tpu.memref_squeeze %dma_start3A_252 : memref<1x1x2x120xi32, #tpu.memory_space<hbm>> -> memref<2x120xi32, #tpu.memory_space<hbm>>
        %dma_start3A_254 = tpu.memref_slice %arg9[%rem3A_245] : memref<6x!tpu.dma_semaphore, #tpu.memory_space<semaphore_mem>> -> memref<1x!tpu.dma_semaphore, #tpu.memory_space<semaphore_mem>>
        %dma_start3A_255 = tpu.memref_squeeze %dma_start3A_254 : memref<1x!tpu.dma_semaphore, #tpu.memory_space<semaphore_mem>> -> memref<!tpu.dma_semaphore, #tpu.memory_space<semaphore_mem>>
        %dma_start3A_256 = arith.constant 0 : i32
        %dma_start3A_257 = arith.constant 0 : i32
        %dma_start3A_258 = tpu.memref_slice %arg6[%rem3A_245, %dma_start3A_256, %dma_start3A_257] : memref<6x2x120xi32, #tpu.memory_space<vmem>> -> memref<1x2x120xi32, #tpu.memory_space<vmem>>
        %dma_start3A_259 = tpu.memref_squeeze %dma_start3A_258 : memref<1x2x120xi32, #tpu.memory_space<vmem>> -> memref<2x120xi32, #tpu.memory_space<vmem>>
        %dma_start3A_260 = arith.constant 0 : i32
        %dma_start3A_261 = arith.constant 0 : i32
        %dma_start3A_262 = tpu.memref_slice %arg3[%add3A, %add3A_243, %dma_start3A_260, %dma_start3A_261] : memref<32x86x2x120xi32, #tpu.memory_space<hbm>> -> memref<1x1x2x120xi32, #tpu.memory_space<hbm>>
        %dma_start3A_263 = tpu.memref_squeeze %dma_start3A_262 : memref<1x1x2x120xi32, #tpu.memory_space<hbm>> -> memref<2x120xi32, #tpu.memory_space<hbm>>
        tpu.enqueue_dma source(%dma_start3A_263 : memref<2x120xi32, #tpu.memory_space<hbm>>) target(%dma_start3A_259 : memref<2x120xi32, #tpu.memory_space<vmem>>) target_semaphore(%dma_start3A_255 : memref<!tpu.dma_semaphore, #tpu.memory_space<semaphore_mem>>)
      } else {
      }
      %ge3A = arith.constant 1 : i32
      %ge3A_230 = arith.cmpi sge, %scan3A_195, %ge3A : i32
      %convert_element_type3A_231 = arith.extui %ge3A_230 : i1 to i32
      %cond3A_232 = arith.constant 0 : i32
      %cond3A_233 = arith.cmpi ne, %convert_element_type3A_231, %cond3A_232 : i32
      scf.if %cond3A_233 {
        %sub3A_242 = arith.constant 1 : i32
        %sub3A_243 = arith.subi %scan3A_195, %sub3A_242 : i32
        %sub3A_244 = arith.constant 1 : i32
        %sub3A_245 = arith.subi %scan3A_195, %sub3A_244 : i32
        %rem3A_246 = arith.constant 3 : i32
        %rem3A_247 = arith.remsi %sub3A_245, %rem3A_246 : i32
        %rem3A_248 = arith.constant 6 : i32
        %rem3A_249 = arith.remsi %sub3A_243, %rem3A_248 : i32
        %dma_wait3A_250 = arith.constant 1 : i32
        %dma_wait3A_251 = arith.constant 0 : i32
        %dma_wait3A_252 = arith.constant 0 : i32
        %dma_wait3A_253 = tpu.memref_slice %arg7[%rem3A_247, %dma_wait3A_251, %dma_wait3A_252] : memref<3x120x128xf32, #tpu.memory_space<vmem>> -> memref<1x120x128xf32, #tpu.memory_space<vmem>>
        %dma_wait3A_254 = tpu.memref_squeeze %dma_wait3A_253 : memref<1x120x128xf32, #tpu.memory_space<vmem>> -> memref<120x128xf32, #tpu.memory_space<vmem>>
        %dma_wait3A_255 = arith.constant 0 : i32
        %dma_wait3A_256 = tpu.memref_slice %arg6[%rem3A_249, %dma_wait3A_250, %dma_wait3A_255] : memref<6x2x120xi32, #tpu.memory_space<vmem>> -> memref<1x1x120xi32, #tpu.memory_space<vmem>>
        %dma_wait3A_257 = tpu.memref_squeeze %dma_wait3A_256 : memref<1x1x120xi32, #tpu.memory_space<vmem>> -> memref<120xi32, #tpu.memory_space<vmem>>
        %dma_wait3A_258 = arith.constant 0 : i32
        %dma_wait3A_259 = arith.constant 0 : i32
        %dma_wait3A_260 = tpu.memref_slice %arg8[%dma_wait3A_258, %dma_wait3A_259] : memref<10112x128xf32, #tpu.memory_space<vmem_shared>> -> memref<10112x128xf32, #tpu.memory_space<vmem_shared>>
        tpu.wait_indirect_dma semaphore(%arg11 : memref<!tpu.dma_semaphore, #tpu.memory_space<semaphore_mem>>) src(%dma_wait3A_254 : memref<120x128xf32, #tpu.memory_space<vmem>>) dst(%dma_wait3A_260 : memref<10112x128xf32, #tpu.memory_space<vmem_shared>>)
      } else {
      }
      %add3A_234 = arith.constant 3 : i32
      %add3A_235 = arith.addi %scan3A_195, %add3A_234 : i32
      %sub3A = arith.constant 1 : i32
      %sub3A_236 = arith.subi %add3A_235, %sub3A : i32
      %lt3A_237 = arith.constant 86 : i32
      %lt3A_238 = arith.cmpi slt, %sub3A_236, %lt3A_237 : i32
      %convert_element_type3A_239 = arith.extui %lt3A_238 : i1 to i32
      %cond3A_240 = arith.constant 0 : i32
      %cond3A_241 = arith.cmpi ne, %convert_element_type3A_239, %cond3A_240 : i32
      scf.if %cond3A_241 {
        %add3A_242 = arith.constant 3 : i32
        %add3A_243 = arith.addi %scan3A_195, %add3A_242 : i32
        %sub3A_244 = arith.constant 1 : i32
        %sub3A_245 = arith.subi %add3A_243, %sub3A_244 : i32
        %rem3A_246 = arith.constant 6 : i32
        %rem3A_247 = arith.remsi %sub3A_245, %rem3A_246 : i32
        %dma_wait3A_248 = arith.constant 0 : i32
        %dma_wait3A_249 = arith.constant 0 : i32
        %dma_wait3A_250 = tpu.memref_slice %arg6[%rem3A_247, %dma_wait3A_248, %dma_wait3A_249] : memref<6x2x120xi32, #tpu.memory_space<vmem>> -> memref<1x2x120xi32, #tpu.memory_space<vmem>>
        %dma_wait3A_251 = tpu.memref_squeeze %dma_wait3A_250 : memref<1x2x120xi32, #tpu.memory_space<vmem>> -> memref<2x120xi32, #tpu.memory_space<vmem>>
        %dma_wait3A_252 = arith.constant 0 : i32
        %dma_wait3A_253 = arith.constant 0 : i32
        %dma_wait3A_254 = tpu.memref_slice %arg3[%add3A, %sub3A_245, %dma_wait3A_252, %dma_wait3A_253] : memref<32x86x2x120xi32, #tpu.memory_space<hbm>> -> memref<1x1x2x120xi32, #tpu.memory_space<hbm>>
        %dma_wait3A_255 = tpu.memref_squeeze %dma_wait3A_254 : memref<1x1x2x120xi32, #tpu.memory_space<hbm>> -> memref<2x120xi32, #tpu.memory_space<hbm>>
        %dma_wait3A_256 = tpu.memref_slice %arg9[%rem3A_247] : memref<6x!tpu.dma_semaphore, #tpu.memory_space<semaphore_mem>> -> memref<1x!tpu.dma_semaphore, #tpu.memory_space<semaphore_mem>>
        %dma_wait3A_257 = tpu.memref_squeeze %dma_wait3A_256 : memref<1x!tpu.dma_semaphore, #tpu.memory_space<semaphore_mem>> -> memref<!tpu.dma_semaphore, #tpu.memory_space<semaphore_mem>>
        %dma_wait3A_258 = arith.constant 0 : i32
        %dma_wait3A_259 = arith.constant 0 : i32
        %dma_wait3A_260 = tpu.memref_slice %arg6[%rem3A_247, %dma_wait3A_258, %dma_wait3A_259] : memref<6x2x120xi32, #tpu.memory_space<vmem>> -> memref<1x2x120xi32, #tpu.memory_space<vmem>>
        %dma_wait3A_261 = tpu.memref_squeeze %dma_wait3A_260 : memref<1x2x120xi32, #tpu.memory_space<vmem>> -> memref<2x120xi32, #tpu.memory_space<vmem>>
        %dma_wait3A_262 = arith.constant 0 : i32
        %dma_wait3A_263 = arith.constant 0 : i32
        %dma_wait3A_264 = tpu.memref_slice %arg3[%add3A, %sub3A_245, %dma_wait3A_262, %dma_wait3A_263] : memref<32x86x2x120xi32, #tpu.memory_space<hbm>> -> memref<1x1x2x120xi32, #tpu.memory_space<hbm>>
        %dma_wait3A_265 = tpu.memref_squeeze %dma_wait3A_264 : memref<1x1x2x120xi32, #tpu.memory_space<hbm>> -> memref<2x120xi32, #tpu.memory_space<hbm>>
        tpu.wait_dma2 semaphore(%dma_wait3A_257 : memref<!tpu.dma_semaphore, #tpu.memory_space<semaphore_mem>>) src(%dma_wait3A_265 : memref<2x120xi32, #tpu.memory_space<hbm>>) dst(%dma_wait3A_261 : memref<2x120xi32, #tpu.memory_space<vmem>>)
        %add3A_266 = arith.constant 3 : i32
        %add3A_267 = arith.addi %scan3A_195, %add3A_266 : i32
        %sub3A_268 = arith.constant 1 : i32
        %sub3A_269 = arith.subi %add3A_267, %sub3A_268 : i32
        %add3A_270 = arith.constant 3 : i32
        %add3A_271 = arith.addi %scan3A_195, %add3A_270 : i32
        %sub3A_272 = arith.constant 1 : i32
        %sub3A_273 = arith.subi %add3A_271, %sub3A_272 : i32
        %rem3A_274 = arith.constant 3 : i32
        %rem3A_275 = arith.remsi %sub3A_273, %rem3A_274 : i32
        %rem3A_276 = arith.constant 6 : i32
        %rem3A_277 = arith.remsi %sub3A_269, %rem3A_276 : i32
        %dma_start3A_278 = arith.constant 0 : i32
        %dma_start3A_279 = arith.constant 0 : i32
        %dma_start3A_280 = arith.constant 0 : i32
        %dma_start3A_281 = tpu.memref_slice %arg7[%rem3A_275, %dma_start3A_279, %dma_start3A_280] : memref<3x120x128xf32, #tpu.memory_space<vmem>> -> memref<1x120x128xf32, #tpu.memory_space<vmem>>
        %dma_start3A_282 = tpu.memref_squeeze %dma_start3A_281 : memref<1x120x128xf32, #tpu.memory_space<vmem>> -> memref<120x128xf32, #tpu.memory_space<vmem>>
        %dma_start3A_283 = arith.constant 0 : i32
        %dma_start3A_284 = tpu.memref_slice %arg6[%rem3A_277, %dma_start3A_278, %dma_start3A_283] : memref<6x2x120xi32, #tpu.memory_space<vmem>> -> memref<1x1x120xi32, #tpu.memory_space<vmem>>
        %dma_start3A_285 = tpu.memref_squeeze %dma_start3A_284 : memref<1x1x120xi32, #tpu.memory_space<vmem>> -> memref<120xi32, #tpu.memory_space<vmem>>
        %dma_start3A_286 = arith.constant 0 : i32
        %dma_start3A_287 = arith.constant 0 : i32
        %dma_start3A_288 = tpu.memref_slice %arg2[%dma_start3A_286, %dma_start3A_287] : memref<10000x128xf32, #tpu.memory_space<hbm>> -> memref<10000x128xf32, #tpu.memory_space<hbm>>
        %dma_start3A_289 = tpu.memref_slice %arg10[%rem3A_275] : memref<3x!tpu.dma_semaphore, #tpu.memory_space<semaphore_mem>> -> memref<1x!tpu.dma_semaphore, #tpu.memory_space<semaphore_mem>>
        %dma_start3A_290 = tpu.memref_squeeze %dma_start3A_289 : memref<1x!tpu.dma_semaphore, #tpu.memory_space<semaphore_mem>> -> memref<!tpu.dma_semaphore, #tpu.memory_space<semaphore_mem>>
        tpu.enqueue_indirect_dma source(%dma_start3A_288 : memref<10000x128xf32, #tpu.memory_space<hbm>>) target(%dma_start3A_282 : memref<120x128xf32, #tpu.memory_space<vmem>>) offsets(%dma_start3A_285 : memref<120xi32, #tpu.memory_space<vmem>>) semaphore(%dma_start3A_290 : memref<!tpu.dma_semaphore, #tpu.memory_space<semaphore_mem>>)
      } else {
      }
    }
    %scan3A_174 = arith.constant 86 : i32
    %rem3A_175 = arith.constant 85 : i32
    %rem3A_176 = arith.constant 6 : i32
    %rem3A_177 = arith.remsi %rem3A_175, %rem3A_176 : i32
    %dma_wait3A_178 = arith.constant 1 : i32
    %dma_wait3A_179 = arith.constant 1 : i32
    %dma_wait3A_180 = arith.constant 0 : i32
    %dma_wait3A_181 = arith.constant 0 : i32
    %dma_wait3A_182 = tpu.memref_slice %arg7[%dma_wait3A_178, %dma_wait3A_180, %dma_wait3A_181] : memref<3x120x128xf32, #tpu.memory_space<vmem>> -> memref<1x120x128xf32, #tpu.memory_space<vmem>>
    %dma_wait3A_183 = tpu.memref_squeeze %dma_wait3A_182 : memref<1x120x128xf32, #tpu.memory_space<vmem>> -> memref<120x128xf32, #tpu.memory_space<vmem>>
    %dma_wait3A_184 = arith.constant 0 : i32
    %dma_wait3A_185 = tpu.memref_slice %arg6[%rem3A_177, %dma_wait3A_179, %dma_wait3A_184] : memref<6x2x120xi32, #tpu.memory_space<vmem>> -> memref<1x1x120xi32, #tpu.memory_space<vmem>>
    %dma_wait3A_186 = tpu.memref_squeeze %dma_wait3A_185 : memref<1x1x120xi32, #tpu.memory_space<vmem>> -> memref<120xi32, #tpu.memory_space<vmem>>
    %dma_wait3A_187 = arith.constant 0 : i32
    %dma_wait3A_188 = arith.constant 0 : i32
    %dma_wait3A_189 = tpu.memref_slice %arg8[%dma_wait3A_187, %dma_wait3A_188] : memref<10112x128xf32, #tpu.memory_space<vmem_shared>> -> memref<10112x128xf32, #tpu.memory_space<vmem_shared>>
    tpu.wait_indirect_dma semaphore(%arg11 : memref<!tpu.dma_semaphore, #tpu.memory_space<semaphore_mem>>) src(%dma_wait3A_183 : memref<120x128xf32, #tpu.memory_space<vmem>>) dst(%dma_wait3A_189 : memref<10112x128xf32, #tpu.memory_space<vmem_shared>>)
    %barrier3A_190 = arith.constant 0 : index
    tpu.barrier barrier_id(%barrier3A_190)
    %mul3A_191 = arith.constant 632 : i32
    %mul3A_192 = arith.muli %arg1, %mul3A_191 : i32
    %mul3A_193 = arith.constant 632 : i32
    %mul3A_194 = arith.muli %arg1, %mul3A_193 : i32
    "tpu.region"() ({
      %run_scoped3A = tpu.sem_alloc : memref<!tpu.dma_semaphore, #tpu.memory_space<semaphore_mem>>
      %dma_start3A_195 = arith.constant 0 : i32
      %dma_start3A_196 = tpu.memref_slice %arg5[%arg0, %mul3A_194, %dma_start3A_195] : memref<2x10112x128xf32, #tpu.memory_space<hbm>> -> memref<1x632x128xf32, #tpu.memory_space<hbm>>
      %dma_start3A_197 = tpu.memref_squeeze %dma_start3A_196 : memref<1x632x128xf32, #tpu.memory_space<hbm>> -> memref<632x128xf32, #tpu.memory_space<hbm>>
      %dma_start3A_198 = arith.constant 0 : i32
      %dma_start3A_199 = tpu.memref_slice %arg8[%mul3A_192, %dma_start3A_198] : memref<10112x128xf32, #tpu.memory_space<vmem_shared>> -> memref<632x128xf32, #tpu.memory_space<vmem_shared>>
      tpu.enqueue_dma source(%dma_start3A_199 : memref<632x128xf32, #tpu.memory_space<vmem_shared>>) target(%dma_start3A_197 : memref<632x128xf32, #tpu.memory_space<hbm>>) target_semaphore(%run_scoped3A : memref<!tpu.dma_semaphore, #tpu.memory_space<semaphore_mem>>)
      %dma_wait3A_200 = arith.constant 0 : i32
      %dma_wait3A_201 = tpu.memref_slice %arg5[%arg0, %mul3A_194, %dma_wait3A_200] : memref<2x10112x128xf32, #tpu.memory_space<hbm>> -> memref<1x632x128xf32, #tpu.memory_space<hbm>>
      %dma_wait3A_202 = tpu.memref_squeeze %dma_wait3A_201 : memref<1x632x128xf32, #tpu.memory_space<hbm>> -> memref<632x128xf32, #tpu.memory_space<hbm>>
      %dma_wait3A_203 = arith.constant 0 : i32
      %dma_wait3A_204 = tpu.memref_slice %arg8[%mul3A_192, %dma_wait3A_203] : memref<10112x128xf32, #tpu.memory_space<vmem_shared>> -> memref<632x128xf32, #tpu.memory_space<vmem_shared>>
      tpu.wait_dma2 semaphore(%run_scoped3A : memref<!tpu.dma_semaphore, #tpu.memory_space<semaphore_mem>>) src(%dma_wait3A_204 : memref<632x128xf32, #tpu.memory_space<vmem_shared>>) dst(%dma_wait3A_202 : memref<632x128xf32, #tpu.memory_space<hbm>>)
      tpu.yield
    }) : () -> ()
    return
  }
}

module attributes {stable_mosaic.version = 14 : i64} {
  func.func @body(%arg0: i32, %arg1: i32, %arg2: memref<2000x128xf32, #tpu.memory_space<vmem>>, %arg3: memref<2000x1xf32, #tpu.memory_space<vmem>>, %arg4: memref<1x128xf32, #tpu.memory_space<vmem>>, %arg5: memref<1x128xf32, #tpu.memory_space<vmem>>, %arg6: memref<2000x128xf32, #tpu.memory_space<vmem>>, %arg7: memref<2x128xf32, #tpu.memory_space<vmem>>) attributes {dimension_semantics = [#tpu.dimension_semantics<arbitrary>, #tpu.dimension_semantics<arbitrary>], iteration_bounds = array<i64: 2, 5>, scalar_prefetch = 0 : i64, scratch_operands = 1 : i64, tpu.core_type = #tpu.core_type<tc>, window_params = [{transform_indices = @transform_0, window_bounds = array<i64: 2000, 128>}, {transform_indices = @transform_1, window_bounds = array<i64: 2000, 1>}, {pipeline_mode = #tpu.pipeline_mode<synchronous>, transform_indices = @transform_2, window_bounds = array<i64: 1, 128>}, {pipeline_mode = #tpu.pipeline_mode<synchronous>, transform_indices = @transform_3, window_bounds = array<i64: 1, 128>}, {transform_indices = @transform_4, window_bounds = array<i64: 2000, 128>}]} {
    %get3A = arith.constant 0 : index
    %get3A_0 = arith.constant 0 : index
    %get3A_1 = vector.load %arg2[%get3A, %get3A_0] : memref<2000x128xf32, #tpu.memory_space<vmem>>, vector<2000x128xf32>
    %get3A_2 = arith.constant 0 : index
    %get3A_3 = arith.constant 0 : index
    %get3A_4 = vector.load %arg3[%get3A_2, %get3A_3] : memref<2000x1xf32, #tpu.memory_space<vmem>>, vector<2000x1xf32>
    %mul3A = vector.broadcast %get3A_4 : vector<2000x1xf32> to vector<2000x128xf32>
    %mul3A_5 = arith.mulf %get3A_1, %mul3A : vector<2000x128xf32>
    %eq3A = arith.constant 0 : i32
    %eq3A_6 = arith.cmpi eq, %arg0, %eq3A : i32
    %convert_element_type3A = arith.extui %eq3A_6 : i1 to i32
    %cond3A = arith.constant 0 : i32
    %cond3A_7 = arith.cmpi ne, %convert_element_type3A, %cond3A : i32
    scf.if %cond3A_7 {
      %reduce_sum3A = arith.constant dense<0.000000e+00> : vector<128xf32>
      %reduce_sum3A_13 = vector.multi_reduction <add>, %mul3A_5, %reduce_sum3A [0] : vector<2000x128xf32> to vector<128xf32>
      %broadcast_in_dim3A = vector.shape_cast %reduce_sum3A_13 : vector<128xf32> to vector<1x128xf32>
      %mul3A_14 = arith.mulf %mul3A_5, %mul3A_5 : vector<2000x128xf32>
      %reduce_sum3A_15 = arith.constant dense<0.000000e+00> : vector<128xf32>
      %reduce_sum3A_16 = vector.multi_reduction <add>, %mul3A_14, %reduce_sum3A_15 [0] : vector<2000x128xf32> to vector<128xf32>
      %broadcast_in_dim3A_17 = vector.shape_cast %reduce_sum3A_16 : vector<128xf32> to vector<1x128xf32>
      %eq3A_18 = arith.constant 0 : i32
      %eq3A_19 = arith.cmpi eq, %arg1, %eq3A_18 : i32
      %convert_element_type3A_20 = arith.extui %eq3A_19 : i1 to i32
      %cond3A_21 = arith.constant 0 : i32
      %cond3A_22 = arith.cmpi ne, %convert_element_type3A_20, %cond3A_21 : i32
      scf.if %cond3A_22 {
        %swap3A = arith.constant 0 : index
        %swap3A_27 = arith.constant 0 : index
        %swap3A_28 = vector.load %arg7[%swap3A, %swap3A_27] : memref<2x128xf32, #tpu.memory_space<vmem>>, vector<1x128xf32>
        tpu.vector_store %arg7[%swap3A, %swap3A_27], %broadcast_in_dim3A {strides = array<i32>} : memref<2x128xf32, #tpu.memory_space<vmem>>, vector<1x128xf32>,
        %swap3A_29 = arith.constant 1 : index
        %swap3A_30 = arith.constant 0 : index
        %swap3A_31 = vector.load %arg7[%swap3A_29, %swap3A_30] : memref<2x128xf32, #tpu.memory_space<vmem>>, vector<1x128xf32>
        tpu.vector_store %arg7[%swap3A_29, %swap3A_30], %broadcast_in_dim3A_17 {strides = array<i32>} : memref<2x128xf32, #tpu.memory_space<vmem>>, vector<1x128xf32>,
      } else {
      }
      %ne3A = arith.constant 0 : i32
      %ne3A_23 = arith.cmpi ne, %arg1, %ne3A : i32
      %convert_element_type3A_24 = arith.extui %ne3A_23 : i1 to i32
      %cond3A_25 = arith.constant 0 : i32
      %cond3A_26 = arith.cmpi ne, %convert_element_type3A_24, %cond3A_25 : i32
      scf.if %cond3A_26 {
        %get3A_27 = arith.constant 0 : index
        %get3A_28 = arith.constant 0 : index
        %get3A_29 = vector.load %arg7[%get3A_27, %get3A_28] : memref<2x128xf32, #tpu.memory_space<vmem>>, vector<1x128xf32>
        %add3A = arith.addf %get3A_29, %broadcast_in_dim3A : vector<1x128xf32>
        %swap3A = arith.constant 0 : index
        %swap3A_30 = arith.constant 0 : index
        %swap3A_31 = vector.load %arg7[%swap3A, %swap3A_30] : memref<2x128xf32, #tpu.memory_space<vmem>>, vector<1x128xf32>
        tpu.vector_store %arg7[%swap3A, %swap3A_30], %add3A {strides = array<i32>} : memref<2x128xf32, #tpu.memory_space<vmem>>, vector<1x128xf32>,
        %get3A_32 = arith.constant 1 : index
        %get3A_33 = arith.constant 0 : index
        %get3A_34 = vector.load %arg7[%get3A_32, %get3A_33] : memref<2x128xf32, #tpu.memory_space<vmem>>, vector<1x128xf32>
        %add3A_35 = arith.addf %get3A_34, %broadcast_in_dim3A_17 : vector<1x128xf32>
        %swap3A_36 = arith.constant 1 : index
        %swap3A_37 = arith.constant 0 : index
        %swap3A_38 = vector.load %arg7[%swap3A_36, %swap3A_37] : memref<2x128xf32, #tpu.memory_space<vmem>>, vector<1x128xf32>
        tpu.vector_store %arg7[%swap3A_36, %swap3A_37], %add3A_35 {strides = array<i32>} : memref<2x128xf32, #tpu.memory_space<vmem>>, vector<1x128xf32>,
      } else {
      }
    } else {
    }
    %eq3A_8 = arith.constant 1 : i32
    %eq3A_9 = arith.cmpi eq, %arg0, %eq3A_8 : i32
    %convert_element_type3A_10 = arith.extui %eq3A_9 : i1 to i32
    %cond3A_11 = arith.constant 0 : i32
    %cond3A_12 = arith.cmpi ne, %convert_element_type3A_10, %cond3A_11 : i32
    scf.if %cond3A_12 {
      %get3A_13 = arith.constant 0 : index
      %get3A_14 = arith.constant 0 : index
      %get3A_15 = vector.load %arg7[%get3A_13, %get3A_14] : memref<2x128xf32, #tpu.memory_space<vmem>>, vector<1x128xf32>
      %mul3A_16 = arith.constant 9.99999974E-5 : f32
      %mul3A_17 = vector.broadcast %mul3A_16 : f32 to vector<1x128xf32>
      %mul3A_18 = arith.mulf %get3A_15, %mul3A_17 : vector<1x128xf32>
      %get3A_19 = arith.constant 1 : index
      %get3A_20 = arith.constant 0 : index
      %get3A_21 = vector.load %arg7[%get3A_19, %get3A_20] : memref<2x128xf32, #tpu.memory_space<vmem>>, vector<1x128xf32>
      %mul3A_22 = arith.constant 9.99999974E-5 : f32
      %mul3A_23 = vector.broadcast %mul3A_22 : f32 to vector<1x128xf32>
      %mul3A_24 = arith.mulf %get3A_21, %mul3A_23 : vector<1x128xf32>
      %mul3A_25 = arith.mulf %mul3A_18, %mul3A_18 : vector<1x128xf32>
      %sub3A = arith.subf %mul3A_24, %mul3A_25 : vector<1x128xf32>
      %add3A = arith.constant 9.99999974E-6 : f32
      %add3A_26 = vector.broadcast %add3A : f32 to vector<1x128xf32>
      %add3A_27 = arith.addf %sub3A, %add3A_26 : vector<1x128xf32>
      %rsqrt3A = math.rsqrt %add3A_27 : vector<1x128xf32>
      %get3A_28 = arith.constant 0 : index
      %get3A_29 = arith.constant 0 : index
      %get3A_30 = vector.load %arg4[%get3A_28, %get3A_29] : memref<1x128xf32, #tpu.memory_space<vmem>>, vector<1x128xf32>
      %mul3A_31 = arith.mulf %rsqrt3A, %get3A_30 : vector<1x128xf32>
      %get3A_32 = arith.constant 0 : index
      %get3A_33 = arith.constant 0 : index
      %get3A_34 = vector.load %arg5[%get3A_32, %get3A_33] : memref<1x128xf32, #tpu.memory_space<vmem>>, vector<1x128xf32>
      %mul3A_35 = arith.mulf %mul3A_18, %mul3A_31 : vector<1x128xf32>
      %sub3A_36 = arith.subf %get3A_34, %mul3A_35 : vector<1x128xf32>
      %mul3A_37 = vector.broadcast %mul3A_31 : vector<1x128xf32> to vector<2000x128xf32>
      %mul3A_38 = arith.mulf %mul3A_5, %mul3A_37 : vector<2000x128xf32>
      %add3A_39 = vector.broadcast %sub3A_36 : vector<1x128xf32> to vector<2000x128xf32>
      %add3A_40 = arith.addf %mul3A_38, %add3A_39 : vector<2000x128xf32>
      %swap3A = arith.constant 0 : index
      %swap3A_41 = arith.constant 0 : index
      %swap3A_42 = vector.load %arg6[%swap3A, %swap3A_41] : memref<2000x128xf32, #tpu.memory_space<vmem>>, vector<2000x128xf32>
      tpu.vector_store %arg6[%swap3A, %swap3A_41], %add3A_40 {strides = array<i32>} : memref<2000x128xf32, #tpu.memory_space<vmem>>, vector<2000x128xf32>,
    } else {
    }
    return
  }
  func.func @transform_0(%arg0: i32, %arg1: i32) -> (i32, i32) {
    %c0_i32 = arith.constant 0 : i32
    %c0_i32_0 = arith.constant 0 : i32
    return %arg1, %c0_i32 : i32, i32
  }
  func.func @transform_1(%arg0: i32, %arg1: i32) -> (i32, i32) {
    %c0_i32 = arith.constant 0 : i32
    %c0_i32_0 = arith.constant 0 : i32
    return %arg1, %c0_i32 : i32, i32
  }
  func.func @transform_2(%arg0: i32, %arg1: i32) -> (i32, i32) {
    %c0_i32 = arith.constant 0 : i32
    %c0_i32_0 = arith.constant 0 : i32
    %c0_i32_1 = arith.constant 0 : i32
    return %c0_i32, %c0_i32_0 : i32, i32
  }
  func.func @transform_3(%arg0: i32, %arg1: i32) -> (i32, i32) {
    %c0_i32 = arith.constant 0 : i32
    %c0_i32_0 = arith.constant 0 : i32
    %c0_i32_1 = arith.constant 0 : i32
    return %c0_i32, %c0_i32_0 : i32, i32
  }
  func.func @transform_4(%arg0: i32, %arg1: i32) -> (i32, i32) {
    %eq3A = arith.constant 0 : i32
    %eq3A_0 = arith.cmpi eq, %arg0, %eq3A : i32
    %jit3A = arith.constant 0 : i32
    %select_n3A = arith.select %eq3A_0, %jit3A, %arg1 : i32
    %c0_i32 = arith.constant 0 : i32
    %c0_i32_1 = arith.constant 0 : i32
    return %select_n3A, %c0_i32 : i32, i32
  }
}

module attributes {stable_mosaic.version = 14 : i64} {
  func.func @body(%arg0: i32, %arg1: memref<2000x128xf32, #tpu.memory_space<vmem>>, %arg2: memref<1x2000x128xf32, #tpu.memory_space<vmem>>, %arg3: memref<1x2000x128xf32, #tpu.memory_space<vmem>>, %arg4: memref<128x128xf32, #tpu.memory_space<vmem>>, %arg5: memref<1x128xf32, #tpu.memory_space<vmem>>, %arg6: memref<2000x128xf32, #tpu.memory_space<vmem>>, %arg7: memref<2000x128xf32, #tpu.memory_space<vmem>>) attributes {dimension_semantics = [#tpu.dimension_semantics<arbitrary>], iteration_bounds = array<i64: 5>, scalar_prefetch = 0 : i64, scratch_operands = 0 : i64, tpu.core_type = #tpu.core_type<tc>, window_params = [{transform_indices = @transform_0, window_bounds = array<i64: 2000, 128>}, {transform_indices = @transform_1, window_bounds = array<i64: 1, 2000, 128>}, {transform_indices = @transform_2, window_bounds = array<i64: 1, 2000, 128>}, {pipeline_mode = #tpu.pipeline_mode<synchronous>, transform_indices = @transform_3, window_bounds = array<i64: 128, 128>}, {pipeline_mode = #tpu.pipeline_mode<synchronous>, transform_indices = @transform_4, window_bounds = array<i64: 1, 128>}, {transform_indices = @transform_5, window_bounds = array<i64: 2000, 128>}, {transform_indices = @transform_6, window_bounds = array<i64: 2000, 128>}]} {
    %get3A = arith.constant 0 : index
    %get3A_0 = arith.constant 0 : index
    %get3A_1 = vector.load %arg1[%get3A, %get3A_0] : memref<2000x128xf32, #tpu.memory_space<vmem>>, vector<2000x128xf32>
    %get3A_2 = arith.constant 0 : index
    %get3A_3 = arith.constant 0 : index
    %get3A_4 = arith.constant 0 : index
    %get3A_5 = vector.load %arg2[%get3A_2, %get3A_3, %get3A_4] : memref<1x2000x128xf32, #tpu.memory_space<vmem>>, vector<1x2000x128xf32>
    %get3A_6 = vector.shape_cast %get3A_5 : vector<1x2000x128xf32> to vector<2000x128xf32>
    %add3A = arith.addf %get3A_1, %get3A_6 : vector<2000x128xf32>
    %get3A_7 = arith.constant 0 : index
    %get3A_8 = arith.constant 0 : index
    %get3A_9 = arith.constant 0 : index
    %get3A_10 = vector.load %arg3[%get3A_7, %get3A_8, %get3A_9] : memref<1x2000x128xf32, #tpu.memory_space<vmem>>, vector<1x2000x128xf32>
    %get3A_11 = vector.shape_cast %get3A_10 : vector<1x2000x128xf32> to vector<2000x128xf32>
    %add3A_12 = arith.addf %add3A, %get3A_11 : vector<2000x128xf32>
    %get3A_13 = arith.constant 0 : index
    %get3A_14 = arith.constant 0 : index
    %get3A_15 = vector.load %arg4[%get3A_13, %get3A_14] : memref<128x128xf32, #tpu.memory_space<vmem>>, vector<128x128xf32>
    %dot_general3A = arith.constant dense<0.000000e+00> : vector<2000x128xf32>
    %dot_general3A_16 = tpu.matmul %add3A_12, %get3A_15, %dot_general3A {dimension_numbers = #tpu.dot_dimension_numbers<[1], [1], [0], [0], [0, 0, 1, 0], [], []>, transpose_lhs_hint = false} : vector<2000x128xf32>, vector<128x128xf32>, vector<2000x128xf32> -> vector<2000x128xf32>
    %get3A_17 = arith.constant 0 : index
    %get3A_18 = arith.constant 0 : index
    %get3A_19 = vector.load %arg5[%get3A_17, %get3A_18] : memref<1x128xf32, #tpu.memory_space<vmem>>, vector<1x128xf32>
    %add3A_20 = vector.broadcast %get3A_19 : vector<1x128xf32> to vector<2000x128xf32>
    %add3A_21 = arith.addf %dot_general3A_16, %add3A_20 : vector<2000x128xf32>
    %tanh3A = math.tanh %add3A_21 : vector<2000x128xf32>
    %swap3A = arith.constant 0 : index
    %swap3A_22 = arith.constant 0 : index
    %swap3A_23 = vector.load %arg6[%swap3A, %swap3A_22] : memref<2000x128xf32, #tpu.memory_space<vmem>>, vector<2000x128xf32>
    tpu.vector_store %arg6[%swap3A, %swap3A_22], %tanh3A {strides = array<i32>} : memref<2000x128xf32, #tpu.memory_space<vmem>>, vector<2000x128xf32>,
    %swap3A_24 = arith.constant 0 : index
    %swap3A_25 = arith.constant 0 : index
    %swap3A_26 = vector.load %arg7[%swap3A_24, %swap3A_25] : memref<2000x128xf32, #tpu.memory_space<vmem>>, vector<2000x128xf32>
    tpu.vector_store %arg7[%swap3A_24, %swap3A_25], %tanh3A {strides = array<i32>} : memref<2000x128xf32, #tpu.memory_space<vmem>>, vector<2000x128xf32>,
    return
  }
  func.func @transform_0(%arg0: i32) -> (i32, i32) {
    %c0_i32 = arith.constant 0 : i32
    %c0_i32_0 = arith.constant 0 : i32
    return %arg0, %c0_i32 : i32, i32
  }
  func.func @transform_1(%arg0: i32) -> (i32, i32, i32) {
    %c0_i32 = arith.constant 0 : i32
    %c0_i32_0 = arith.constant 0 : i32
    %c0_i32_1 = arith.constant 0 : i32
    return %c0_i32, %arg0, %c0_i32_0 : i32, i32, i32
  }
  func.func @transform_2(%arg0: i32) -> (i32, i32, i32) {
    %c1_i32 = arith.constant 1 : i32
    %c0_i32 = arith.constant 0 : i32
    %c0_i32_0 = arith.constant 0 : i32
    return %c1_i32, %arg0, %c0_i32 : i32, i32, i32
  }
  func.func @transform_3(%arg0: i32) -> (i32, i32) {
    %c0_i32 = arith.constant 0 : i32
    %c0_i32_0 = arith.constant 0 : i32
    %c0_i32_1 = arith.constant 0 : i32
    return %c0_i32, %c0_i32_0 : i32, i32
  }
  func.func @transform_4(%arg0: i32) -> (i32, i32) {
    %c0_i32 = arith.constant 0 : i32
    %c0_i32_0 = arith.constant 0 : i32
    %c0_i32_1 = arith.constant 0 : i32
    return %c0_i32, %c0_i32_0 : i32, i32
  }
  func.func @transform_5(%arg0: i32) -> (i32, i32) {
    %c0_i32 = arith.constant 0 : i32
    %c0_i32_0 = arith.constant 0 : i32
    return %arg0, %c0_i32 : i32, i32
  }
  func.func @transform_6(%arg0: i32) -> (i32, i32) {
    %c0_i32 = arith.constant 0 : i32
    %c0_i32_0 = arith.constant 0 : i32
    return %arg0, %c0_i32 : i32, i32
  }
}

module attributes {stable_mosaic.version = 14 : i64} {
  func.func @body(%arg0: i32, %arg1: memref<2000x128xf32, #tpu.memory_space<vmem>>, %arg2: memref<1x2000x128xf32, #tpu.memory_space<vmem>>, %arg3: memref<1x2000x128xf32, #tpu.memory_space<vmem>>, %arg4: memref<128x128xf32, #tpu.memory_space<vmem>>, %arg5: memref<1x128xf32, #tpu.memory_space<vmem>>, %arg6: memref<10000x768xf32, #tpu.memory_space<any>>, %arg7: memref<2000x128xf32, #tpu.memory_space<vmem>>, %arg8: memref<2000x128xf32, #tpu.memory_space<vmem>>) attributes {dimension_semantics = [#tpu.dimension_semantics<arbitrary>], iteration_bounds = array<i64: 5>, scalar_prefetch = 0 : i64, scratch_operands = 0 : i64, tpu.core_type = #tpu.core_type<tc>, window_params = [{transform_indices = @transform_0, window_bounds = array<i64: 2000, 128>}, {transform_indices = @transform_1, window_bounds = array<i64: 1, 2000, 128>}, {transform_indices = @transform_2, window_bounds = array<i64: 1, 2000, 128>}, {pipeline_mode = #tpu.pipeline_mode<synchronous>, transform_indices = @transform_3, window_bounds = array<i64: 128, 128>}, {pipeline_mode = #tpu.pipeline_mode<synchronous>, transform_indices = @transform_4, window_bounds = array<i64: 1, 128>}, {}, {transform_indices = @transform_6, window_bounds = array<i64: 2000, 128>}, {transform_indices = @transform_7, window_bounds = array<i64: 2000, 128>}]} {
    %get3A = arith.constant 0 : index
    %get3A_0 = arith.constant 0 : index
    %get3A_1 = vector.load %arg1[%get3A, %get3A_0] : memref<2000x128xf32, #tpu.memory_space<vmem>>, vector<2000x128xf32>
    %get3A_2 = arith.constant 0 : index
    %get3A_3 = arith.constant 0 : index
    %get3A_4 = arith.constant 0 : index
    %get3A_5 = vector.load %arg2[%get3A_2, %get3A_3, %get3A_4] : memref<1x2000x128xf32, #tpu.memory_space<vmem>>, vector<1x2000x128xf32>
    %get3A_6 = vector.shape_cast %get3A_5 : vector<1x2000x128xf32> to vector<2000x128xf32>
    %add3A = arith.addf %get3A_1, %get3A_6 : vector<2000x128xf32>
    %get3A_7 = arith.constant 0 : index
    %get3A_8 = arith.constant 0 : index
    %get3A_9 = arith.constant 0 : index
    %get3A_10 = vector.load %arg3[%get3A_7, %get3A_8, %get3A_9] : memref<1x2000x128xf32, #tpu.memory_space<vmem>>, vector<1x2000x128xf32>
    %get3A_11 = vector.shape_cast %get3A_10 : vector<1x2000x128xf32> to vector<2000x128xf32>
    %add3A_12 = arith.addf %add3A, %get3A_11 : vector<2000x128xf32>
    %get3A_13 = arith.constant 0 : index
    %get3A_14 = arith.constant 0 : index
    %get3A_15 = vector.load %arg4[%get3A_13, %get3A_14] : memref<128x128xf32, #tpu.memory_space<vmem>>, vector<128x128xf32>
    %dot_general3A = arith.constant dense<0.000000e+00> : vector<2000x128xf32>
    %dot_general3A_16 = tpu.matmul %add3A_12, %get3A_15, %dot_general3A {dimension_numbers = #tpu.dot_dimension_numbers<[1], [1], [0], [0], [0, 0, 1, 0], [], []>, transpose_lhs_hint = false} : vector<2000x128xf32>, vector<128x128xf32>, vector<2000x128xf32> -> vector<2000x128xf32>
    %get3A_17 = arith.constant 0 : index
    %get3A_18 = arith.constant 0 : index
    %get3A_19 = vector.load %arg5[%get3A_17, %get3A_18] : memref<1x128xf32, #tpu.memory_space<vmem>>, vector<1x128xf32>
    %add3A_20 = vector.broadcast %get3A_19 : vector<1x128xf32> to vector<2000x128xf32>
    %add3A_21 = arith.addf %dot_general3A_16, %add3A_20 : vector<2000x128xf32>
    %tanh3A = math.tanh %add3A_21 : vector<2000x128xf32>
    %swap3A = arith.constant 0 : index
    %swap3A_22 = arith.constant 0 : index
    %swap3A_23 = vector.load %arg7[%swap3A, %swap3A_22] : memref<2000x128xf32, #tpu.memory_space<vmem>>, vector<2000x128xf32>
    tpu.vector_store %arg7[%swap3A, %swap3A_22], %tanh3A {strides = array<i32>} : memref<2000x128xf32, #tpu.memory_space<vmem>>, vector<2000x128xf32>,
    %swap3A_24 = arith.constant 0 : index
    %swap3A_25 = arith.constant 0 : index
    %swap3A_26 = vector.load %arg8[%swap3A_24, %swap3A_25] : memref<2000x128xf32, #tpu.memory_space<vmem>>, vector<2000x128xf32>
    tpu.vector_store %arg8[%swap3A_24, %swap3A_25], %tanh3A {strides = array<i32>} : memref<2000x128xf32, #tpu.memory_space<vmem>>, vector<2000x128xf32>,
    return
  }
  func.func @transform_0(%arg0: i32) -> (i32, i32) {
    %c0_i32 = arith.constant 0 : i32
    %c0_i32_0 = arith.constant 0 : i32
    return %arg0, %c0_i32 : i32, i32
  }
  func.func @transform_1(%arg0: i32) -> (i32, i32, i32) {
    %c0_i32 = arith.constant 0 : i32
    %c0_i32_0 = arith.constant 0 : i32
    %c0_i32_1 = arith.constant 0 : i32
    return %c0_i32, %arg0, %c0_i32_0 : i32, i32, i32
  }
  func.func @transform_2(%arg0: i32) -> (i32, i32, i32) {
    %c1_i32 = arith.constant 1 : i32
    %c0_i32 = arith.constant 0 : i32
    %c0_i32_0 = arith.constant 0 : i32
    return %c1_i32, %arg0, %c0_i32 : i32, i32, i32
  }
  func.func @transform_3(%arg0: i32) -> (i32, i32) {
    %c0_i32 = arith.constant 0 : i32
    %c0_i32_0 = arith.constant 0 : i32
    %c0_i32_1 = arith.constant 0 : i32
    return %c0_i32, %c0_i32_0 : i32, i32
  }
  func.func @transform_4(%arg0: i32) -> (i32, i32) {
    %c0_i32 = arith.constant 0 : i32
    %c0_i32_0 = arith.constant 0 : i32
    %c0_i32_1 = arith.constant 0 : i32
    return %c0_i32, %c0_i32_0 : i32, i32
  }
  func.func @transform_6(%arg0: i32) -> (i32, i32) {
    %c0_i32 = arith.constant 0 : i32
    %c0_i32_0 = arith.constant 0 : i32
    return %arg0, %c0_i32 : i32, i32
  }
  func.func @transform_7(%arg0: i32) -> (i32, i32) {
    %c1_i32 = arith.constant 1 : i32
    %c0_i32 = arith.constant 0 : i32
    return %arg0, %c1_i32 : i32, i32
  }
}

module attributes {stable_mosaic.version = 14 : i64} {
  func.func @body(%arg0: i32, %arg1: memref<2000x128xf32, #tpu.memory_space<vmem>>, %arg2: memref<1x2000x128xf32, #tpu.memory_space<vmem>>, %arg3: memref<1x2000x128xf32, #tpu.memory_space<vmem>>, %arg4: memref<128x128xf32, #tpu.memory_space<vmem>>, %arg5: memref<1x128xf32, #tpu.memory_space<vmem>>, %arg6: memref<10000x768xf32, #tpu.memory_space<any>>, %arg7: memref<2000x128xf32, #tpu.memory_space<vmem>>, %arg8: memref<2000x128xf32, #tpu.memory_space<vmem>>) attributes {dimension_semantics = [#tpu.dimension_semantics<arbitrary>], iteration_bounds = array<i64: 5>, scalar_prefetch = 0 : i64, scratch_operands = 0 : i64, tpu.core_type = #tpu.core_type<tc>, window_params = [{transform_indices = @transform_0, window_bounds = array<i64: 2000, 128>}, {transform_indices = @transform_1, window_bounds = array<i64: 1, 2000, 128>}, {transform_indices = @transform_2, window_bounds = array<i64: 1, 2000, 128>}, {pipeline_mode = #tpu.pipeline_mode<synchronous>, transform_indices = @transform_3, window_bounds = array<i64: 128, 128>}, {pipeline_mode = #tpu.pipeline_mode<synchronous>, transform_indices = @transform_4, window_bounds = array<i64: 1, 128>}, {}, {transform_indices = @transform_6, window_bounds = array<i64: 2000, 128>}, {transform_indices = @transform_7, window_bounds = array<i64: 2000, 128>}]} {
    %get3A = arith.constant 0 : index
    %get3A_0 = arith.constant 0 : index
    %get3A_1 = vector.load %arg1[%get3A, %get3A_0] : memref<2000x128xf32, #tpu.memory_space<vmem>>, vector<2000x128xf32>
    %get3A_2 = arith.constant 0 : index
    %get3A_3 = arith.constant 0 : index
    %get3A_4 = arith.constant 0 : index
    %get3A_5 = vector.load %arg2[%get3A_2, %get3A_3, %get3A_4] : memref<1x2000x128xf32, #tpu.memory_space<vmem>>, vector<1x2000x128xf32>
    %get3A_6 = vector.shape_cast %get3A_5 : vector<1x2000x128xf32> to vector<2000x128xf32>
    %add3A = arith.addf %get3A_1, %get3A_6 : vector<2000x128xf32>
    %get3A_7 = arith.constant 0 : index
    %get3A_8 = arith.constant 0 : index
    %get3A_9 = arith.constant 0 : index
    %get3A_10 = vector.load %arg3[%get3A_7, %get3A_8, %get3A_9] : memref<1x2000x128xf32, #tpu.memory_space<vmem>>, vector<1x2000x128xf32>
    %get3A_11 = vector.shape_cast %get3A_10 : vector<1x2000x128xf32> to vector<2000x128xf32>
    %add3A_12 = arith.addf %add3A, %get3A_11 : vector<2000x128xf32>
    %get3A_13 = arith.constant 0 : index
    %get3A_14 = arith.constant 0 : index
    %get3A_15 = vector.load %arg4[%get3A_13, %get3A_14] : memref<128x128xf32, #tpu.memory_space<vmem>>, vector<128x128xf32>
    %dot_general3A = arith.constant dense<0.000000e+00> : vector<2000x128xf32>
    %dot_general3A_16 = tpu.matmul %add3A_12, %get3A_15, %dot_general3A {dimension_numbers = #tpu.dot_dimension_numbers<[1], [1], [0], [0], [0, 0, 1, 0], [], []>, transpose_lhs_hint = false} : vector<2000x128xf32>, vector<128x128xf32>, vector<2000x128xf32> -> vector<2000x128xf32>
    %get3A_17 = arith.constant 0 : index
    %get3A_18 = arith.constant 0 : index
    %get3A_19 = vector.load %arg5[%get3A_17, %get3A_18] : memref<1x128xf32, #tpu.memory_space<vmem>>, vector<1x128xf32>
    %add3A_20 = vector.broadcast %get3A_19 : vector<1x128xf32> to vector<2000x128xf32>
    %add3A_21 = arith.addf %dot_general3A_16, %add3A_20 : vector<2000x128xf32>
    %tanh3A = math.tanh %add3A_21 : vector<2000x128xf32>
    %swap3A = arith.constant 0 : index
    %swap3A_22 = arith.constant 0 : index
    %swap3A_23 = vector.load %arg7[%swap3A, %swap3A_22] : memref<2000x128xf32, #tpu.memory_space<vmem>>, vector<2000x128xf32>
    tpu.vector_store %arg7[%swap3A, %swap3A_22], %tanh3A {strides = array<i32>} : memref<2000x128xf32, #tpu.memory_space<vmem>>, vector<2000x128xf32>,
    %swap3A_24 = arith.constant 0 : index
    %swap3A_25 = arith.constant 0 : index
    %swap3A_26 = vector.load %arg8[%swap3A_24, %swap3A_25] : memref<2000x128xf32, #tpu.memory_space<vmem>>, vector<2000x128xf32>
    tpu.vector_store %arg8[%swap3A_24, %swap3A_25], %tanh3A {strides = array<i32>} : memref<2000x128xf32, #tpu.memory_space<vmem>>, vector<2000x128xf32>,
    return
  }
  func.func @transform_0(%arg0: i32) -> (i32, i32) {
    %c0_i32 = arith.constant 0 : i32
    %c0_i32_0 = arith.constant 0 : i32
    return %arg0, %c0_i32 : i32, i32
  }
  func.func @transform_1(%arg0: i32) -> (i32, i32, i32) {
    %c0_i32 = arith.constant 0 : i32
    %c0_i32_0 = arith.constant 0 : i32
    %c0_i32_1 = arith.constant 0 : i32
    return %c0_i32, %arg0, %c0_i32_0 : i32, i32, i32
  }
  func.func @transform_2(%arg0: i32) -> (i32, i32, i32) {
    %c1_i32 = arith.constant 1 : i32
    %c0_i32 = arith.constant 0 : i32
    %c0_i32_0 = arith.constant 0 : i32
    return %c1_i32, %arg0, %c0_i32 : i32, i32, i32
  }
  func.func @transform_3(%arg0: i32) -> (i32, i32) {
    %c0_i32 = arith.constant 0 : i32
    %c0_i32_0 = arith.constant 0 : i32
    %c0_i32_1 = arith.constant 0 : i32
    return %c0_i32, %c0_i32_0 : i32, i32
  }
  func.func @transform_4(%arg0: i32) -> (i32, i32) {
    %c0_i32 = arith.constant 0 : i32
    %c0_i32_0 = arith.constant 0 : i32
    %c0_i32_1 = arith.constant 0 : i32
    return %c0_i32, %c0_i32_0 : i32, i32
  }
  func.func @transform_6(%arg0: i32) -> (i32, i32) {
    %c0_i32 = arith.constant 0 : i32
    %c0_i32_0 = arith.constant 0 : i32
    return %arg0, %c0_i32 : i32, i32
  }
  func.func @transform_7(%arg0: i32) -> (i32, i32) {
    %c2_i32 = arith.constant 2 : i32
    %c0_i32 = arith.constant 0 : i32
    return %arg0, %c2_i32 : i32, i32
  }
}

module attributes {stable_mosaic.version = 14 : i64} {
  func.func @body(%arg0: i32, %arg1: memref<2000x128xf32, #tpu.memory_space<vmem>>, %arg2: memref<1x2000x128xf32, #tpu.memory_space<vmem>>, %arg3: memref<1x2000x128xf32, #tpu.memory_space<vmem>>, %arg4: memref<128x128xf32, #tpu.memory_space<vmem>>, %arg5: memref<1x128xf32, #tpu.memory_space<vmem>>, %arg6: memref<10000x768xf32, #tpu.memory_space<any>>, %arg7: memref<2000x128xf32, #tpu.memory_space<vmem>>, %arg8: memref<2000x128xf32, #tpu.memory_space<vmem>>) attributes {dimension_semantics = [#tpu.dimension_semantics<arbitrary>], iteration_bounds = array<i64: 5>, scalar_prefetch = 0 : i64, scratch_operands = 0 : i64, tpu.core_type = #tpu.core_type<tc>, window_params = [{transform_indices = @transform_0, window_bounds = array<i64: 2000, 128>}, {transform_indices = @transform_1, window_bounds = array<i64: 1, 2000, 128>}, {transform_indices = @transform_2, window_bounds = array<i64: 1, 2000, 128>}, {pipeline_mode = #tpu.pipeline_mode<synchronous>, transform_indices = @transform_3, window_bounds = array<i64: 128, 128>}, {pipeline_mode = #tpu.pipeline_mode<synchronous>, transform_indices = @transform_4, window_bounds = array<i64: 1, 128>}, {}, {transform_indices = @transform_6, window_bounds = array<i64: 2000, 128>}, {transform_indices = @transform_7, window_bounds = array<i64: 2000, 128>}]} {
    %get3A = arith.constant 0 : index
    %get3A_0 = arith.constant 0 : index
    %get3A_1 = vector.load %arg1[%get3A, %get3A_0] : memref<2000x128xf32, #tpu.memory_space<vmem>>, vector<2000x128xf32>
    %get3A_2 = arith.constant 0 : index
    %get3A_3 = arith.constant 0 : index
    %get3A_4 = arith.constant 0 : index
    %get3A_5 = vector.load %arg2[%get3A_2, %get3A_3, %get3A_4] : memref<1x2000x128xf32, #tpu.memory_space<vmem>>, vector<1x2000x128xf32>
    %get3A_6 = vector.shape_cast %get3A_5 : vector<1x2000x128xf32> to vector<2000x128xf32>
    %add3A = arith.addf %get3A_1, %get3A_6 : vector<2000x128xf32>
    %get3A_7 = arith.constant 0 : index
    %get3A_8 = arith.constant 0 : index
    %get3A_9 = arith.constant 0 : index
    %get3A_10 = vector.load %arg3[%get3A_7, %get3A_8, %get3A_9] : memref<1x2000x128xf32, #tpu.memory_space<vmem>>, vector<1x2000x128xf32>
    %get3A_11 = vector.shape_cast %get3A_10 : vector<1x2000x128xf32> to vector<2000x128xf32>
    %add3A_12 = arith.addf %add3A, %get3A_11 : vector<2000x128xf32>
    %get3A_13 = arith.constant 0 : index
    %get3A_14 = arith.constant 0 : index
    %get3A_15 = vector.load %arg4[%get3A_13, %get3A_14] : memref<128x128xf32, #tpu.memory_space<vmem>>, vector<128x128xf32>
    %dot_general3A = arith.constant dense<0.000000e+00> : vector<2000x128xf32>
    %dot_general3A_16 = tpu.matmul %add3A_12, %get3A_15, %dot_general3A {dimension_numbers = #tpu.dot_dimension_numbers<[1], [1], [0], [0], [0, 0, 1, 0], [], []>, transpose_lhs_hint = false} : vector<2000x128xf32>, vector<128x128xf32>, vector<2000x128xf32> -> vector<2000x128xf32>
    %get3A_17 = arith.constant 0 : index
    %get3A_18 = arith.constant 0 : index
    %get3A_19 = vector.load %arg5[%get3A_17, %get3A_18] : memref<1x128xf32, #tpu.memory_space<vmem>>, vector<1x128xf32>
    %add3A_20 = vector.broadcast %get3A_19 : vector<1x128xf32> to vector<2000x128xf32>
    %add3A_21 = arith.addf %dot_general3A_16, %add3A_20 : vector<2000x128xf32>
    %tanh3A = math.tanh %add3A_21 : vector<2000x128xf32>
    %swap3A = arith.constant 0 : index
    %swap3A_22 = arith.constant 0 : index
    %swap3A_23 = vector.load %arg7[%swap3A, %swap3A_22] : memref<2000x128xf32, #tpu.memory_space<vmem>>, vector<2000x128xf32>
    tpu.vector_store %arg7[%swap3A, %swap3A_22], %tanh3A {strides = array<i32>} : memref<2000x128xf32, #tpu.memory_space<vmem>>, vector<2000x128xf32>,
    %swap3A_24 = arith.constant 0 : index
    %swap3A_25 = arith.constant 0 : index
    %swap3A_26 = vector.load %arg8[%swap3A_24, %swap3A_25] : memref<2000x128xf32, #tpu.memory_space<vmem>>, vector<2000x128xf32>
    tpu.vector_store %arg8[%swap3A_24, %swap3A_25], %tanh3A {strides = array<i32>} : memref<2000x128xf32, #tpu.memory_space<vmem>>, vector<2000x128xf32>,
    return
  }
  func.func @transform_0(%arg0: i32) -> (i32, i32) {
    %c0_i32 = arith.constant 0 : i32
    %c0_i32_0 = arith.constant 0 : i32
    return %arg0, %c0_i32 : i32, i32
  }
  func.func @transform_1(%arg0: i32) -> (i32, i32, i32) {
    %c0_i32 = arith.constant 0 : i32
    %c0_i32_0 = arith.constant 0 : i32
    %c0_i32_1 = arith.constant 0 : i32
    return %c0_i32, %arg0, %c0_i32_0 : i32, i32, i32
  }
  func.func @transform_2(%arg0: i32) -> (i32, i32, i32) {
    %c1_i32 = arith.constant 1 : i32
    %c0_i32 = arith.constant 0 : i32
    %c0_i32_0 = arith.constant 0 : i32
    return %c1_i32, %arg0, %c0_i32 : i32, i32, i32
  }
  func.func @transform_3(%arg0: i32) -> (i32, i32) {
    %c0_i32 = arith.constant 0 : i32
    %c0_i32_0 = arith.constant 0 : i32
    %c0_i32_1 = arith.constant 0 : i32
    return %c0_i32, %c0_i32_0 : i32, i32
  }
  func.func @transform_4(%arg0: i32) -> (i32, i32) {
    %c0_i32 = arith.constant 0 : i32
    %c0_i32_0 = arith.constant 0 : i32
    %c0_i32_1 = arith.constant 0 : i32
    return %c0_i32, %c0_i32_0 : i32, i32
  }
  func.func @transform_6(%arg0: i32) -> (i32, i32) {
    %c0_i32 = arith.constant 0 : i32
    %c0_i32_0 = arith.constant 0 : i32
    return %arg0, %c0_i32 : i32, i32
  }
  func.func @transform_7(%arg0: i32) -> (i32, i32) {
    %c3_i32 = arith.constant 3 : i32
    %c0_i32 = arith.constant 0 : i32
    return %arg0, %c3_i32 : i32, i32
  }
}

module attributes {stable_mosaic.version = 14 : i64} {
  func.func @body(%arg0: i32, %arg1: memref<2000x128xf32, #tpu.memory_space<vmem>>, %arg2: memref<1x2000x128xf32, #tpu.memory_space<vmem>>, %arg3: memref<1x2000x128xf32, #tpu.memory_space<vmem>>, %arg4: memref<128x128xf32, #tpu.memory_space<vmem>>, %arg5: memref<1x128xf32, #tpu.memory_space<vmem>>, %arg6: memref<128x128xf32, #tpu.memory_space<vmem>>, %arg7: memref<10000x768xf32, #tpu.memory_space<any>>, %arg8: memref<2000x256xf32, #tpu.memory_space<vmem>>) attributes {dimension_semantics = [#tpu.dimension_semantics<arbitrary>], iteration_bounds = array<i64: 5>, scalar_prefetch = 0 : i64, scratch_operands = 0 : i64, tpu.core_type = #tpu.core_type<tc>, window_params = [{transform_indices = @transform_0, window_bounds = array<i64: 2000, 128>}, {transform_indices = @transform_1, window_bounds = array<i64: 1, 2000, 128>}, {transform_indices = @transform_2, window_bounds = array<i64: 1, 2000, 128>}, {pipeline_mode = #tpu.pipeline_mode<synchronous>, transform_indices = @transform_3, window_bounds = array<i64: 128, 128>}, {pipeline_mode = #tpu.pipeline_mode<synchronous>, transform_indices = @transform_4, window_bounds = array<i64: 1, 128>}, {pipeline_mode = #tpu.pipeline_mode<synchronous>, transform_indices = @transform_5, window_bounds = array<i64: 128, 128>}, {}, {transform_indices = @transform_7, window_bounds = array<i64: 2000, 256>}]} {
    %get3A = arith.constant 0 : index
    %get3A_0 = arith.constant 0 : index
    %get3A_1 = vector.load %arg1[%get3A, %get3A_0] : memref<2000x128xf32, #tpu.memory_space<vmem>>, vector<2000x128xf32>
    %get3A_2 = arith.constant 0 : index
    %get3A_3 = arith.constant 0 : index
    %get3A_4 = arith.constant 0 : index
    %get3A_5 = vector.load %arg2[%get3A_2, %get3A_3, %get3A_4] : memref<1x2000x128xf32, #tpu.memory_space<vmem>>, vector<1x2000x128xf32>
    %get3A_6 = vector.shape_cast %get3A_5 : vector<1x2000x128xf32> to vector<2000x128xf32>
    %add3A = arith.addf %get3A_1, %get3A_6 : vector<2000x128xf32>
    %get3A_7 = arith.constant 0 : index
    %get3A_8 = arith.constant 0 : index
    %get3A_9 = arith.constant 0 : index
    %get3A_10 = vector.load %arg3[%get3A_7, %get3A_8, %get3A_9] : memref<1x2000x128xf32, #tpu.memory_space<vmem>>, vector<1x2000x128xf32>
    %get3A_11 = vector.shape_cast %get3A_10 : vector<1x2000x128xf32> to vector<2000x128xf32>
    %add3A_12 = arith.addf %add3A, %get3A_11 : vector<2000x128xf32>
    %get3A_13 = arith.constant 0 : index
    %get3A_14 = arith.constant 0 : index
    %get3A_15 = vector.load %arg4[%get3A_13, %get3A_14] : memref<128x128xf32, #tpu.memory_space<vmem>>, vector<128x128xf32>
    %dot_general3A = arith.constant dense<0.000000e+00> : vector<2000x128xf32>
    %dot_general3A_16 = tpu.matmul %add3A_12, %get3A_15, %dot_general3A {dimension_numbers = #tpu.dot_dimension_numbers<[1], [1], [0], [0], [0, 0, 1, 0], [], []>, transpose_lhs_hint = false} : vector<2000x128xf32>, vector<128x128xf32>, vector<2000x128xf32> -> vector<2000x128xf32>
    %get3A_17 = arith.constant 0 : index
    %get3A_18 = arith.constant 0 : index
    %get3A_19 = vector.load %arg5[%get3A_17, %get3A_18] : memref<1x128xf32, #tpu.memory_space<vmem>>, vector<1x128xf32>
    %add3A_20 = vector.broadcast %get3A_19 : vector<1x128xf32> to vector<2000x128xf32>
    %add3A_21 = arith.addf %dot_general3A_16, %add3A_20 : vector<2000x128xf32>
    %tanh3A = math.tanh %add3A_21 : vector<2000x128xf32>
    %get3A_22 = arith.constant 0 : index
    %get3A_23 = arith.constant 0 : index
    %get3A_24 = vector.load %arg6[%get3A_22, %get3A_23] : memref<128x128xf32, #tpu.memory_space<vmem>>, vector<128x128xf32>
    %dot_general3A_25 = arith.constant dense<0.000000e+00> : vector<2000x128xf32>
    %dot_general3A_26 = tpu.matmul %tanh3A, %get3A_24, %dot_general3A_25 {dimension_numbers = #tpu.dot_dimension_numbers<[1], [1], [0], [0], [0, 0, 1, 0], [], []>, transpose_lhs_hint = false} : vector<2000x128xf32>, vector<128x128xf32>, vector<2000x128xf32> -> vector<2000x128xf32>
    %tanh3A_27 = math.tanh %dot_general3A_26 : vector<2000x128xf32>
    %concatenate3A = tpu.concatenate %tanh3A, %tanh3A_27 in 1 : vector<2000x128xf32>, vector<2000x128xf32> -> vector<2000x256xf32>
    %swap3A = arith.constant 0 : index
    %swap3A_28 = arith.constant 0 : index
    %swap3A_29 = vector.load %arg8[%swap3A, %swap3A_28] : memref<2000x256xf32, #tpu.memory_space<vmem>>, vector<2000x256xf32>
    tpu.vector_store %arg8[%swap3A, %swap3A_28], %concatenate3A {strides = array<i32>} : memref<2000x256xf32, #tpu.memory_space<vmem>>, vector<2000x256xf32>,
    return
  }
  func.func @transform_0(%arg0: i32) -> (i32, i32) {
    %c0_i32 = arith.constant 0 : i32
    %c0_i32_0 = arith.constant 0 : i32
    return %arg0, %c0_i32 : i32, i32
  }
  func.func @transform_1(%arg0: i32) -> (i32, i32, i32) {
    %c0_i32 = arith.constant 0 : i32
    %c0_i32_0 = arith.constant 0 : i32
    %c0_i32_1 = arith.constant 0 : i32
    return %c0_i32, %arg0, %c0_i32_0 : i32, i32, i32
  }
  func.func @transform_2(%arg0: i32) -> (i32, i32, i32) {
    %c1_i32 = arith.constant 1 : i32
    %c0_i32 = arith.constant 0 : i32
    %c0_i32_0 = arith.constant 0 : i32
    return %c1_i32, %arg0, %c0_i32 : i32, i32, i32
  }
  func.func @transform_3(%arg0: i32) -> (i32, i32) {
    %c0_i32 = arith.constant 0 : i32
    %c0_i32_0 = arith.constant 0 : i32
    %c0_i32_1 = arith.constant 0 : i32
    return %c0_i32, %c0_i32_0 : i32, i32
  }
  func.func @transform_4(%arg0: i32) -> (i32, i32) {
    %c0_i32 = arith.constant 0 : i32
    %c0_i32_0 = arith.constant 0 : i32
    %c0_i32_1 = arith.constant 0 : i32
    return %c0_i32, %c0_i32_0 : i32, i32
  }
  func.func @transform_5(%arg0: i32) -> (i32, i32) {
    %c0_i32 = arith.constant 0 : i32
    %c0_i32_0 = arith.constant 0 : i32
    %c0_i32_1 = arith.constant 0 : i32
    return %c0_i32, %c0_i32_0 : i32, i32
  }
  func.func @transform_7(%arg0: i32) -> (i32, i32) {
    %c2_i32 = arith.constant 2 : i32
    %c0_i32 = arith.constant 0 : i32
    return %arg0, %c2_i32 : i32, i32
  }
}

</mosaic_0001>

<sc_bundles>
// kernel: kernel.13.cloned.1.call-start
scs
__scs_entry_jumppad:
0x0: {  	(pc) =	sbr.rel $0x88, $3  }
0x1: {  	(tag) =	ssettag $0x0;
	lr =	simm.s32 $0x1  }
0x2: {  	[smem:$0x3F91] =	sst lr;
	_ =	strace $0xD0000000  }
0x3: {  	_ = 	snop  }
0x4: {  	_ = 	snop  }
0x5: {  	_ = 	snop  }
0x6: {  	_ = 	snop  }
0x7: {  	_ = 	snop  }
__scs_overlays_trampoline_lowered:
0x8: {  	[smem:$0x3FA0] =	sst s0  }
0x9: {  	[smem:$0x3FA1] =	sst s1  }
0xa: {  	[smem:$0x3FA2] =	sst s2  }
0xb: {  	[smem:$0x3FA3] =	sst s3  }
0xc: {  	[smem:$0x3FA4] =	sst s4  }
0xd: {  	[smem:$0x3FA5] =	sst s5  }
0xe: {  	[smem:$0x3FA6] =	sst s6  }
0xf: {  	[smem:$0x3FA7] =	sst s7  }
0x10: {  	[smem:$0x3FA8] =	sst s8  }
0x11: {  	[smem:$0x3FA9] =	sst s9;
	s0 =	simm.s32 @!p0 $0x0  }
0x12: {  	s1 =	sld [smem:$0x3F8F];
	s0 =	simm.s32 @p0 $0x1  }
0x13: {  	[smem:$0x3FAA] =	sst s0;
	s0 =	simm.s32 @!p1 $0x0  }
0x14: {  	s2 =	sld [smem:$0x3F8E];
	s0 =	simm.s32 @p1 $0x1  }
0x15: {  	[smem:$0x3FAB] =	sst s0;
	s0 =	simm.s32 @!p2 $0x0  }
0x16: {  	s3 =	sld [smem:$0x3FDB];
	s0 =	simm.s32 @p2 $0x1  }
0x17: {  	s4 =	simm.s32 $0x1BF5;
	[smem:$0x3FAD] =	sst s0  }
0x18: {  	s0 =	sld [smem:$0x3F90];
	_ =	swait.ge [sflag:s4], $0x0  }
0x19: {  	s7 =	sld [smem:$0x3F91]  }
0x1a: {  	s8 =	sadd.s32 $0xFFFFE003, lr  }
0x1b: {  	s9 =	sadd.s32 $0xFFFFFEF7, lr;
	s5 =	simm.s32 $0xFFFFFFFF;
	p2 =	slt.u32 s8, $0xFFFFF086  }
0x1c: {  	p1 =	slt.u32 s9, $0xF7A;
	s5 =	simm.s32 @!p2 $0x0  }
0x1d: {  	s5 =	simm.s32 @p1 $0x1;
	p0 =	seq.s32 s7, s2  }
0x1e: {  	s7 =	smul.u32 @!p0 $0xF7A, s2;
	p2 =	seq.s32 @!p0 s5, $0x0  }
0x1f: {  	s9 =	smul.u32 $0xF7A, s1;
	s8 =	simm.s32 @!p0 $0x1BF5;
	p2 =	por !p2, p0  }
0x20: {  	[sflag:s8] =	ssyncset.s32 @!p0 $0xFFFFF086;
	s6 =	sadd.s32 @!p0 s3, s7;
	s7 =	simm.s32 @!p0 $0x108  }
0x21: {  	s3 =	sadd.s32 s3, s9;
	s6 =	sadd.s32 @!p0 $0x88, s6;
	s7 =	simm.s32 @p2 $0x1082  }
0x22: {  	[simem:s7], [sflag:s8] =	dma.local @!p0 [hbm:s6], $0xF7A  }
0x23: {  	s9 =	sor.u32 $0xD0000000, s2;
	s6 =	simm.s32 $0x108;
	_ =	swait.ge @!p0 [sflag:s8], $0x0  }
0x24: {  	s3 =	sadd.s32 $0x88, s3;
	s6 =	simm.s32 @!p1 $0x1082;
	[sflag:s4] =	ssyncset.s32 $0xFFFFF086  }
0x25: {  	[simem:s6], [sflag:s4] =	dma.local [hbm:s3], $0xF7A  }
0x26: {  	[smem:$0x3F91] =	sst s1;
	(tag) =	ssettag s2;
	_ =	strace s9  }
0x27: {  	s1 =	sld [smem:$0x3FA1]  }
0x28: {  	s2 =	sld [smem:$0x3FA2]  }
0x29: {  	s4 =	sld [smem:$0x3FA4]  }
0x2a: {  	p0 =	seq.s32 s5, $0x0;
	s5 =	sld [smem:$0x3FA5]  }
0x2b: {  	s6 =	sld [smem:$0x3FA6]  }
0x2c: {  	s7 =	sld [smem:$0x3FA7]  }
0x2d: {  	s3 =	simm.s32 $0x108;
	s8 =	sld [smem:$0x3FA8]  }
0x2e: {  	s3 =	simm.s32 @!p0 $0x1082;
	s9 =	sld [smem:$0x3FA9]  }
0x2f: {  	lr =	sadd.s32 s0, s3;
	s0 =	sld [smem:$0x3FA0]  }
0x30: {  	s3 =	sld [smem:$0x3FA3]  }
0x31: {  	[smem:$0x3FAC] =	sst s10  }
0x32: {  	s10 =	sld [smem:$0x3FAA];
	_ =	sdelay $0x3  }
0x33: {  	p0 =	seq.s32 s10, $0x1;
	s10 =	sld [smem:$0x3FAC];
	_ =	sdelay $0x3  }
0x34: {  	[smem:$0x3FAC] =	sst s10  }
0x35: {  	s10 =	sld [smem:$0x3FAB];
	_ =	sdelay $0x3  }
0x36: {  	p1 =	seq.s32 s10, $0x1;
	s10 =	sld [smem:$0x3FAC];
	_ =	sdelay $0x3  }
0x37: {  	[smem:$0x3FAC] =	sst s10  }
0x38: {  	s10 =	sld [smem:$0x3FAD]  }
0x39: {  	_ = 	snop;
	(pc) =	sbr.ind lr, $3  }
0x3a: {  	_ = 	snop  }
0x3b: {  	_ = 	snop  }
0x3c: {  	p2 =	seq.s32 s10, $0x1;
	s10 =	sld [smem:$0x3FAC]  }
0x3d: {  	_ =	shalt  }
0x3e: {  	_ =	shalt  }
0x3f: {  	_ =	shalt  }
0x40: {  	_ =	shalt  }
0x41: {  	_ =	shalt  }
0x42: {  	_ =	shalt  }
0x43: {  	_ =	shalt  }
0x44: {  	_ =	shalt  }
0x45: {  	_ =	shalt  }
0x46: {  	_ =	shalt  }
0x47: {  	_ =	shalt  }
0x48: {  	_ =	shalt  }
0x49: {  	_ =	shalt  }
0x4a: {  	_ =	shalt  }
0x4b: {  	_ =	shalt  }
0x4c: {  	_ =	shalt  }
0x4d: {  	_ =	shalt  }
0x4e: {  	_ =	shalt  }
0x4f: {  	_ =	shalt  }
0x50: {  	_ =	shalt  }
0x51: {  	_ =	shalt  }
0x52: {  	_ =	shalt  }
0x53: {  	_ =	shalt  }
0x54: {  	_ =	shalt  }
0x55: {  	_ =	shalt  }
0x56: {  	_ =	shalt  }
0x57: {  	_ =	shalt  }
0x58: {  	_ =	shalt  }
0x59: {  	_ =	shalt  }
0x5a: {  	_ =	shalt  }
0x5b: {  	_ =	shalt  }
0x5c: {  	_ =	shalt  }
0x5d: {  	_ =	shalt  }
0x5e: {  	_ =	shalt  }
0x5f: {  	_ =	shalt  }
0x60: {  	_ =	shalt  }
0x61: {  	_ =	shalt  }
0x62: {  	_ =	shalt  }
0x63: {  	_ =	shalt  }
0x64: {  	_ =	shalt  }
0x65: {  	_ =	shalt  }
0x66: {  	_ =	shalt  }
0x67: {  	_ =	shalt  }
0x68: {  	_ =	shalt  }
0x69: {  	_ =	shalt  }
0x6a: {  	_ =	shalt  }
0x6b: {  	_ =	shalt  }
0x6c: {  	_ =	shalt  }
0x6d: {  	_ =	shalt  }
0x6e: {  	_ =	shalt  }
0x6f: {  	_ =	shalt  }
0x70: {  	_ =	shalt  }
0x71: {  	_ =	shalt  }
0x72: {  	_ =	shalt  }
0x73: {  	_ =	shalt  }
0x74: {  	_ =	shalt  }
0x75: {  	_ =	shalt  }
0x76: {  	_ =	shalt  }
0x77: {  	_ =	shalt  }
0x78: {  	_ =	shalt  }
0x79: {  	_ =	shalt  }
0x7a: {  	_ =	shalt  }
0x7b: {  	_ =	shalt  }
0x7c: {  	_ =	shalt  }
0x7d: {  	_ =	shalt  }
0x7e: {  	_ =	shalt  }
0x7f: {  	_ =	shalt  }
0x80: {  	_ =	shalt  }
0x81: {  	_ =	shalt  }
0x82: {  	_ =	shalt  }
0x83: {  	_ =	shalt  }
0x84: {  	_ =	shalt  }
0x85: {  	_ =	shalt  }
0x86: {  	_ =	shalt  }
0x87: {  	_ =	shalt  }
.Lfunc_end0:
.L_simem_size_0:
called_computation_lowered:
.L_overlay_start_0:
0x88: {  	s2 =	sld [smem:$0x3FD9]  }
0x89: {  	s3 =	sld [smem:$0x3FFE];
	_ =	sdelay $0x1  }
0x8a: {  	s1 =	srdreg.scid  }
0x8b: {  	s0 =	sand.u32 $0x1, s1  }
0x8c: {  	s17 =	sshll.u32 s0, $0xA;
	s2 =	sadd.s32 s3, s2  }
0x8d: {  	s2 =	sadd.s32 s2, s17  }
0x8e: {  	[smem:$0x3FB8] =	sst s2  }
0x8f: {  	_ = 	snop  }
0x90: {  	s2 =	sld [smem:$0x3FD0];
	(tm) =	ssettm $0x1  }
0x91: {  	s18 =	sld [smem:$0x3FFB];
	_ =	sdelay $0x3  }
0x92: {  	_ =	strace s18  }
0x93: {  	s3 =	sld [smem:$0x3FFC];
	_ =	sdelay $0x3  }
0x94: {  	_ =	strace s3  }
0x95: {  	s3 =	sld [smem:$0x3FFD];
	_ =	sdelay $0x3  }
0x96: {  	_ =	strace s3  }
0x97: {  	_ =	strace $0x8FFFFFFF  }
0x98: {  	s19 =	sld [smem:$0x3FDB];
	_ =	sdelay $0x1  }
0x99: {  	s4 =	simm.s32 $_scs_section_size  }
0x9a: {  	s5 =	simm.s32 $_size__tile_overlayer_lowered;
	s6 =	simm.s32 $_tile_overlayer_lowered  }
0x9b: {  	s22 =	simm.s32 $0x1BFF;
	s21 =	sshll.u32 s6, $0x1;
	s3 =	sadd.s32 s4, s19  }
0x9c: {  	s7 =	simm.s32 $0x0;
	s20 =	sshll.u32 s5, $0x1;
	s5 =	sadd.s32 s21, s3  }
0x9d: {  	[timem:s7], [sflag:s22] =	dma.local [hbm:s5], s20  }
0x9e: {  	_ =	swait.ge [sflag:s22], s20  }
0x9f: {  	s4 =	ssub.s32 $0x0, s20;
	[sflag:s22] =	ssyncset.done $0x0  }
0xa0: {  	[sflag:s22] =	ssyncadd.s32 s4;
	_ =	sdelay $0x1  }
0xa1: {  	s23 =	simm.s32 $0x1B8B  }
0xa2: {  	_ =	swait.ge [sflag:s23], $0x1  }
0xa3: {  	[sflag:s23] =	ssyncset.done $0x0  }
0xa4: {  	s25 =	simm.s32 $0x1B8E;
	s24 =	sld [smem:$0x3FFE];
	[sflag:s23] =	ssyncadd.s32 $0xFFFFFFFF  }
0xa5: {  	s26 =	simm.s32 $execute0_lowered;
	[smem:$0x3FD2] =	sst s25  }
0xa6: {  	s5 =	sshll.u32 s26, $0x1;
	_ =	strace $0x80000046;
	[dreg:$0x1] =	wrdreg $0xFFFFFFFF  }
0xa7: {  	s28 =	simm.s32 $_size_execute0_lowered;
	s3 =	sadd.s32 s3, s5;
	[dreg:$0x0] =	wrdreg $0x0  }
0xa8: {  	s5 =	sshll.u32 s28, $0x1;
	[dreg:$0x2] =	wrdreg s3  }
0xa9: {  	[dreg:$0x3] =	wrdreg s5  }
0xaa: {  	[dreg:$0x4] =	wrdreg $0xC0  }
0xab: {  	_ =	task [dreg:s7], $0x5FFFF  }
0xac: {  	[dreg:$0x1] =	wrdreg $0xFFFFFFFF  }
0xad: {  	[dreg:$0x0] =	wrdreg $0x60  }
0xae: {  	[dreg:$0x2] =	wrdreg s24  }
0xaf: {  	[dreg:$0x3] =	wrdreg s2  }
0xb0: {  	[dreg:$0x4] =	wrdreg $0xBA000  }
0xb1: {  	[dreg:$0x5] =	wrdreg $0x9  }
0xb2: {  	_ =	task.clear_ibuf [dreg:s7], $0x6FFFF;
	_ =	strace $0x90000046  }
0xb3: {  	s29 =	simm.s32 $0x9;
	_ =	strace $0x80000048  }
0xb4: {  	_ =	swait.ge [sflag:s29], $0x1  }
0xb5: {  	[sflag:s29] =	ssyncadd.s32 $0xFFFFFFFF  }
0xb6: {  	_ =	strace $0x90000048  }
0xb7: {  	_ =	sfence  }
0xb8: {  	s30 =	sld [smem:$0x0];
	_ =	sdelay $0x2  }
0xb9: {  	s31 =	sshll.u32 s1, $0xD;
	s1 =	sshrl.u32 s1, $0x2  }
0xba: {  	s3 =	sand.u32 $0x4000, s31;
	s1 =	sadd.s32 s1, s30  }
0xbb: {  	s0 =	sor.u32 s3, s0;
	s1 =	sshll.u32 s1, $0x11  }
0xbc: {  	s0 =	sor.u32 s1, s0  }
0xbd: {  	s0 =	sadd.s32 $0x8F2B, s0  }
0xbe: {  	[sflag:s0] =	ssyncadd.remote.s32 $0x1  }
0xbf: {  	_ =	sfence.sel $0xFFFF  }
0xc0: {  	[dreg:$0x0] =	wrdreg $0xFFFFFFFF;
	(pc) =	sbr.abs _section_cstart, $3  }
0xc1: {  	[dreg:$0x1] =	wrdreg $0xFFFFFFFF  }
0xc2: {  	_ =	task.clear_ibuf [dreg:s7], $0x2FFFF;
	_ =	strace $0x9FFFFFFF  }
0xc3: {  	(tm) =	ssettm $0x7FFFFFFF  }
tec
execute0_lowered:
.L_overlay_start_1:
0x0: {  	(tag) =	ssettag $0x1  }
0x1: {  	s5 =	rddreg [dreg:$0x0]  }
0x2: {  	s11 =	rddreg [dreg:$0x1]  }
0x3: {  	s2 =	rddreg [dreg:$0x2]  }
0x4: {  	s4 =	srdreg.scid;
	s3 =	simm.s32 $0x0;
	s0 =	stileid.u32  }
0x5: {  	s20 =	simm.s32 $0x78;
	s21 =	simm.s32 $0x600;
	s22 =	simm.s32 $0x2  }
0x6: {  	s23 =	simm.s32 $0x4200;
	s9 =	sand.u32 $0x1, s4;
	s10 =	smul.u32 $0x13C00, s0  }
0x7: {  	[smem:$0x7FF] =	sst s3;
	s13 =	sadd.s32 $0x7000, s5;
	s14 =	smul.u32 $0x4F000, s0  }
0x8: {  	s17 =	smul.u32 $0x5600, s0;
	s28 =	sshll.u32 s0, $0x6;
	s4 =	sshll.u32 s9, $0x4  }
0x9: {  	_ =	strace $0x80000047;
	s24 =	ssub.s32 $0x2, s9;
	s16 =	smul.u32 $0x56000, s9  }
0xa: {  	s18 =	smul.u32 $0x13C000, s9;
	s6 =	sor.u32 s0, s4;
	s4 =	sadd.s32 $0x1C800, s5  }
0xb: {  	s7 =	sshrl.u32 s10, $0x3;
	s25 =	sshrl.u32 s24, $0x1;
	s14 =	sshrl.u32 s14, $0x2  }
0xc: {  	s6 =	smul.u32 $0x5600, s6;
	s12 =	sadd.s32 s7, s5;
	s15 =	ssub.s32 s24, s25  }
0xd: {  	s19 =	sadd.s32 s14, s2;
	s26 =	sadd.s32 s17, s16;
	s29 =	sadd.s32 s10, s18  }
0xe: {  	s10 =	sor.u32 $0x1C0B, s28;
	s14 =	simm.s32 $0x100;
	s16 =	simm.s32 $0x300  }
0xf: {  	s18 =	simm.s32 $0xB;
	s24 =	simm.s32 $0xA;
	s25 =	simm.s32 $0x0  }
0x10: {  	s9 =	sadd.s32 $0x43A00, s12;
	s12 =	sadd.s32 $0x400, s26;
	s30 =	sshrl.u32 s29, $0x3  }
0x11: {  	s17 =	sshrl.u32 s19, $0x3;
	s19 =	simm.s32 $0x1;
	s6 =	sshrl.u32 s6, $0x3  }
0x12: {  	s31 =	sshrl.u32 s12, $0x3;
	s11 =	sadd.s32 s11, s30;
	s12 =	smax.u32 s15, $0x1  }
0x13: {  	s15 =	simm.s32 $0x200;
	s5 =	sadd.s32 s13, s6;
	s13 =	sadd.s32 s31, s13  }
0x14: {  	s6 =	sadd.s32 $0x20, s5;
	s7 =	sadd.s32 $0x40, s5;
	s8 =	sadd.s32 $0x60, s5  }
.LBB2_1:
0x15: {  	[tilespmem:s3], [sflag:$0x1] =	stream.linear.gather [hbm4b:s5+s3], $0x100, $0x38;
	[tilespmem:$0x1F600] =	vst v63  }
0x16: {  	_ = 	snop  }
0x17: {  	[tilespmem:s14], [sflag:$0x2] =	stream.linear.gather [hbm4b:s6+s3], $0x100, $0x38;
	[tilespmem:$0x1F600] =	vst v63  }
0x18: {  	_ = 	snop  }
0x19: {  	[tilespmem:s15], [sflag:$0x3] =	stream.linear.gather [hbm4b:s7+s3], $0x100, $0x38;
	[tilespmem:$0x1F600] =	vst v63  }
0x1a: {  	_ = 	snop  }
0x1b: {  	[tilespmem:s16], [sflag:$0x4] =	stream.linear.gather [hbm4b:s8+s3], $0x100, $0x38;
	[tilespmem:$0x1F600] =	vst v63  }
0x1c: {  	[spmem:s17], [sflag:s10] =	dma.local [hbm:s9], $0x2780  }
0x1d: {  	_ =	swait.ge [sflag:s18], $0x2780  }
0x1e: {  	[sflag:s18] =	ssyncset.done $0x0  }
0x1f: {  	[sflag:s18] =	ssyncadd.s32 $0xFFFFD880  }
0x20: {  	[bflag:$0x0] =	sbarrier.arrive $0xFFFF  }
0x21: {  	_ =	swait.ge [sflag:s19], $0x100  }
0x22: {  	[sflag:s19] =	ssyncset.done $0x0  }
0x23: {  	[sflag:s19] =	ssyncadd.s32 $0xFFFFFF00  }
0x24: {  	[tilespmem:s21], [sflag:$0x7] =	stream.indirect.gather [hbm4b:s4+s20], $0x80, s3, s20, $0xb8;
	[tilespmem:$0x1F600] =	vst v63  }
0x25: {  	_ =	swait.ge [sflag:s22], $0x100  }
0x26: {  	[sflag:s22] =	ssyncset.done $0x0  }
0x27: {  	s26 =	smov.u32 s13;
	s28 =	simm.s32 $0x0;
	[sflag:s22] =	ssyncadd.s32 $0xFFFFFF00  }
0x28: {  	[tilespmem:s23], [sflag:$0x8] =	stream.indirect.gather [hbm4b:s4+s20], $0x80, s14, s20, $0xb8;
	[tilespmem:$0x1F600] =	vst v63  }
.LBB2_2:
0x29: {  	s29 =	smul.u32 $0xAB, s28  }
0x2a: {  	p0 =	sgt.u32 s28, $0x51  }
0x2b: {  	s0 =	sadd.s32 @!p0 $0x4, s28;
	s30 =	sshrl.u32 s29, $0x9  }
0x2c: {  	s29 =	sshrl.u32 s29, $0xA;
	s1 =	smul.u32 @!p0 $0xAB, s0;
	s30 =	sand.u32 $0x7F, s30  }
0x2d: {  	s29 =	sand.u32 $0x3F, s29;
	s30 =	smul.u32 $0x3, s30  }
0x2e: {  	s29 =	smul.u32 $0x6, s29;
	s1 =	sshrl.u32 @!p0 s1, $0xA  }
0x2f: {  	p1 =	seq.s32 @!p0 s28, $0x0;
	s1 =	sand.u32 @!p0 $0x3F, s1;
	s30 =	ssub.s32 s28, s30  }
0x30: {  	s29 =	ssub.s32 s28, s29;
	s1 =	smul.u32 @!p0 $0x6, s1;
	s30 =	sand.u32 $0xFF, s30  }
0x31: {  	s29 =	sand.u32 $0xFF, s29;
	s31 =	sadd.s32 $0x7, s30;
	s30 =	smul.u32 $0xF000, s30  }
0x32: {  	s29 =	sshll.u32 s29, $0x8;
	s0 =	ssub.s32 @!p0 s0, s1;
	_ =	swait.ge [sflag:s31], $0x3C00  }
0x33: {  	s29 =	sor.u32 $0x80, s29;
	[sflag:s31] =	ssyncset.done $0x0;
	s30 =	sshrl.u32 s30, $0x2  }
0x34: {  	s0 =	sand.u32 @!p0 $0xFF, s0;
	[sflag:s31] =	ssyncadd.s32 $0xFFFFC400;
	s30 =	sadd.s32 $0x600, s30  }
0x35: {  	[spmem:s2] =	stream.indirect.scatter.add.f32 [tilespmem:s30], [sflag:$0xA], $0x80, s29, s20, $0xb8;
	[tilespmem:$0x1F600] =	vst v63  }
0x36: {  	s1 =	sshll.u32 @!p0 s0, $0x8;
	s0 =	sadd.s32 @!p0 $0x1, s0;
	s29 =	simm.s32 @!p0 $0x0  }
0x37: {  	[tilespmem:s1], [sflag:s0] =	stream.linear.gather @!p0 [hbm4b:s26+s29], $0x100, $0x38;
	[tilespmem:$0x1F600] =	vst v63  }
0x38: {  	p0 =	por p0, !p1  }
0x39: {  	s0 =	simm.s32 @p0 $0xA  }
0x3a: {  	p1 =	sgt.u32 @p0 s28, $0x53;
	_ =	swait.ge @p0 [sflag:s0], $0x3C00  }
0x3b: {  	p1 =	por !p0, !p1;
	[sflag:s0] =	ssyncset.done @p0 $0x0  }
0x3c: {  	[sflag:s0] =	ssyncadd.s32 @p0 $0xFFFFC400;
	s0 =	sadd.s32 @p1 $0x2, s28  }
0x3d: {  	s1 =	sand.u32 @p1 $0xFF, s0  }
0x3e: {  	s1 =	smul.u32 @p1 $0xAB, s1;
	_ =	sdelay $0x1  }
0x3f: {  	s29 =	sshrl.u32 @p1 s1, $0xA  }
0x40: {  	s1 =	sshrl.u32 @p1 s1, $0x9;
	s29 =	smul.u32 @p1 $0x6, s29  }
0x41: {  	s1 =	smul.u32 @p1 $0x3, s1;
	_ =	sdelay $0x1  }
0x42: {  	s29 =	ssub.s32 @p1 s0, s29;
	s0 =	ssub.s32 @p1 s0, s1  }
0x43: {  	s28 =	sadd.s32 $0x1, s28;
	s29 =	sand.u32 @p1 $0xFF, s29;
	s0 =	sand.u32 @p1 $0xFF, s0  }
0x44: {  	p0 =	sne.s32 s28, $0x56;
	s1 =	sadd.s32 @p1 $0x1, s29;
	s30 =	smul.u32 @p1 $0xF000, s0  }
.Ltmp0:
0x45: {  	_ =	swait.ge @p1 [sflag:s1], $0x100;
	(pc) =	sbr.rel @p0 .LBB2_2-.Ltmp0, $4  }
0x46: {  	[sflag:s1] =	ssyncset.done @p1 $0x0  }
0x47: {  	s26 =	sadd.s32 $0x20, s26;
	[sflag:s1] =	ssyncadd.s32 @p1 $0xFFFFFF00;
	s1 =	sshrl.u32 @p1 s30, $0x2  }
0x48: {  	s29 =	sshll.u32 @p1 s29, $0x8;
	s0 =	sadd.s32 @p1 $0x7, s0;
	s1 =	sadd.s32 @p1 $0x600, s1  }
0x49: {  	[tilespmem:s1], [sflag:s0] =	stream.indirect.gather @p1 [hbm4b:s4+s20], $0x80, s29, s20, $0xb8;
	[tilespmem:$0x1F600] =	vst v63  }
0x4a: {  	_ =	swait.ge [sflag:s24], $0x3C00  }
0x4b: {  	s25 =	sadd.s32 $0x1, s25;
	[sflag:s24] =	ssyncset.done $0x0  }
0x4c: {  	p0 =	sne.s32 s25, s12;
	[sflag:s24] =	ssyncadd.s32 $0xFFFFC400  }
.Ltmp1:
0x4d: {  	[bflag:$0x0] =	sbarrier.arrive $0xFFFF;
	(pc) =	sbr.rel @p0 .LBB2_1-.Ltmp1, $4  }
0x4e: {  	[hbm:s11], [sflag:s10] =	dma.local [spmem:s17], $0x2780  }
0x4f: {  	_ =	swait.ge [sflag:s18], $0x2780  }
0x50: {  	[sflag:s18] =	ssyncset.done $0x0  }
0x51: {  	[sflag:s18] =	ssyncadd.s32 $0xFFFFD880  }
0x52: {  	_ =	sfence.sel $0x180000  }
0x53: {  	[bflag:$0x0] =	sbarrier.arrive $0xFFFF  }
0x54: {  	_ =	strace $0x90000047  }
0x55: {  	s0 =	stileid.u32;
	[bflag:$0x2] =	sbarrier.arrive $0xFFFF  }
0x56: {  	p0 =	sne.s32 s0, $0x0;
	s0 =	rddreg [dreg:$0x3]  }
0x57: {  	s0 =	sadd.s32 @!p0 $0x100000, s0  }
0x58: {  	[sflag:s0] =	ssyncadd.tile.s32 @!p0 $0x1;
	_ =	shalt  }
.Lfunc_end2:
_tile_overlayer_lowered:
.L_overlay_start_2:
0x59: {  	(tag) =	ssettag $0x2  }
0x5a: {  	s0 =	rddreg [dreg:$0x0];
	s2 =	stileid.u32  }
0x5b: {  	s1 =	rddreg [dreg:$0x1];
	p0 =	sne.s32 s2, $0x0  }
0x5c: {  	s3 =	rddreg [dreg:$0x2];
	[bflag:$0x3] =	sbarrier.arrive $0xFFFF;
	s2 =	simm.s32 @!p0 $0x1C0B  }
0x5d: {  	[timem:s3], [sflag:s2] =	dma.local @!p0 [hbm:s0], s1  }
0x5e: {  	s0 =	simm.s32 @!p0 $0xB  }
0x5f: {  	_ =	swait.ge @!p0 [sflag:s0], s1  }
0x60: {  	s1 =	ssub.s32 @!p0 $0x0, s1;
	[sflag:s0] =	ssyncset.done @!p0 $0x0  }
0x61: {  	[sflag:s0] =	ssyncadd.s32 @!p0 s1  }
0x62: {  	[bflag:$0x3] =	sbarrier.arrive $0xFFFF  }
0x63: {  	_ =	shalt  }

// kernel: kernel.16.cloned.1.call-start
scs
__scs_entry_jumppad:
0x0: {  	(pc) =	sbr.rel $0x88, $3  }
0x1: {  	(tag) =	ssettag $0x0;
	lr =	simm.s32 $0x1  }
0x2: {  	[smem:$0x3F91] =	sst lr;
	_ =	strace $0xD0000000  }
0x3: {  	_ = 	snop  }
0x4: {  	_ = 	snop  }
0x5: {  	_ = 	snop  }
0x6: {  	_ = 	snop  }
0x7: {  	_ = 	snop  }
__scs_overlays_trampoline_lowered:
0x8: {  	[smem:$0x3FA0] =	sst s0  }
0x9: {  	[smem:$0x3FA1] =	sst s1  }
0xa: {  	[smem:$0x3FA2] =	sst s2  }
0xb: {  	[smem:$0x3FA3] =	sst s3  }
0xc: {  	[smem:$0x3FA4] =	sst s4  }
0xd: {  	[smem:$0x3FA5] =	sst s5  }
0xe: {  	[smem:$0x3FA6] =	sst s6  }
0xf: {  	[smem:$0x3FA7] =	sst s7  }
0x10: {  	[smem:$0x3FA8] =	sst s8  }
0x11: {  	[smem:$0x3FA9] =	sst s9;
	s0 =	simm.s32 @!p0 $0x0  }
0x12: {  	s1 =	sld [smem:$0x3F8F];
	s0 =	simm.s32 @p0 $0x1  }
0x13: {  	[smem:$0x3FAA] =	sst s0;
	s0 =	simm.s32 @!p1 $0x0  }
0x14: {  	s2 =	sld [smem:$0x3F8E];
	s0 =	simm.s32 @p1 $0x1  }
0x15: {  	[smem:$0x3FAB] =	sst s0;
	s0 =	simm.s32 @!p2 $0x0  }
0x16: {  	s3 =	sld [smem:$0x3FDB];
	s0 =	simm.s32 @p2 $0x1  }
0x17: {  	s4 =	simm.s32 $0x1BF5;
	[smem:$0x3FAD] =	sst s0  }
0x18: {  	s0 =	sld [smem:$0x3F90];
	_ =	swait.ge [sflag:s4], $0x0  }
0x19: {  	s7 =	sld [smem:$0x3F91]  }
0x1a: {  	s8 =	sadd.s32 $0xFFFFE003, lr  }
0x1b: {  	s9 =	sadd.s32 $0xFFFFFEF7, lr;
	s5 =	simm.s32 $0xFFFFFFFF;
	p2 =	slt.u32 s8, $0xFFFFF086  }
0x1c: {  	p1 =	slt.u32 s9, $0xF7A;
	s5 =	simm.s32 @!p2 $0x0  }
0x1d: {  	s5 =	simm.s32 @p1 $0x1;
	p0 =	seq.s32 s7, s2  }
0x1e: {  	s7 =	smul.u32 @!p0 $0xF7A, s2;
	p2 =	seq.s32 @!p0 s5, $0x0  }
0x1f: {  	s9 =	smul.u32 $0xF7A, s1;
	s8 =	simm.s32 @!p0 $0x1BF5;
	p2 =	por !p2, p0  }
0x20: {  	[sflag:s8] =	ssyncset.s32 @!p0 $0xFFFFF086;
	s6 =	sadd.s32 @!p0 s3, s7;
	s7 =	simm.s32 @!p0 $0x108  }
0x21: {  	s3 =	sadd.s32 s3, s9;
	s6 =	sadd.s32 @!p0 $0x88, s6;
	s7 =	simm.s32 @p2 $0x1082  }
0x22: {  	[simem:s7], [sflag:s8] =	dma.local @!p0 [hbm:s6], $0xF7A  }
0x23: {  	s9 =	sor.u32 $0xD0000000, s2;
	s6 =	simm.s32 $0x108;
	_ =	swait.ge @!p0 [sflag:s8], $0x0  }
0x24: {  	s3 =	sadd.s32 $0x88, s3;
	s6 =	simm.s32 @!p1 $0x1082;
	[sflag:s4] =	ssyncset.s32 $0xFFFFF086  }
0x25: {  	[simem:s6], [sflag:s4] =	dma.local [hbm:s3], $0xF7A  }
0x26: {  	[smem:$0x3F91] =	sst s1;
	(tag) =	ssettag s2;
	_ =	strace s9  }
0x27: {  	s1 =	sld [smem:$0x3FA1]  }
0x28: {  	s2 =	sld [smem:$0x3FA2]  }
0x29: {  	s4 =	sld [smem:$0x3FA4]  }
0x2a: {  	p0 =	seq.s32 s5, $0x0;
	s5 =	sld [smem:$0x3FA5]  }
0x2b: {  	s6 =	sld [smem:$0x3FA6]  }
0x2c: {  	s7 =	sld [smem:$0x3FA7]  }
0x2d: {  	s3 =	simm.s32 $0x108;
	s8 =	sld [smem:$0x3FA8]  }
0x2e: {  	s3 =	simm.s32 @!p0 $0x1082;
	s9 =	sld [smem:$0x3FA9]  }
0x2f: {  	lr =	sadd.s32 s0, s3;
	s0 =	sld [smem:$0x3FA0]  }
0x30: {  	s3 =	sld [smem:$0x3FA3]  }
0x31: {  	[smem:$0x3FAC] =	sst s10  }
0x32: {  	s10 =	sld [smem:$0x3FAA];
	_ =	sdelay $0x3  }
0x33: {  	p0 =	seq.s32 s10, $0x1;
	s10 =	sld [smem:$0x3FAC];
	_ =	sdelay $0x3  }
0x34: {  	[smem:$0x3FAC] =	sst s10  }
0x35: {  	s10 =	sld [smem:$0x3FAB];
	_ =	sdelay $0x3  }
0x36: {  	p1 =	seq.s32 s10, $0x1;
	s10 =	sld [smem:$0x3FAC];
	_ =	sdelay $0x3  }
0x37: {  	[smem:$0x3FAC] =	sst s10  }
0x38: {  	s10 =	sld [smem:$0x3FAD]  }
0x39: {  	_ = 	snop;
	(pc) =	sbr.ind lr, $3  }
0x3a: {  	_ = 	snop  }
0x3b: {  	_ = 	snop  }
0x3c: {  	p2 =	seq.s32 s10, $0x1;
	s10 =	sld [smem:$0x3FAC]  }
0x3d: {  	_ =	shalt  }
0x3e: {  	_ =	shalt  }
0x3f: {  	_ =	shalt  }
0x40: {  	_ =	shalt  }
0x41: {  	_ =	shalt  }
0x42: {  	_ =	shalt  }
0x43: {  	_ =	shalt  }
0x44: {  	_ =	shalt  }
0x45: {  	_ =	shalt  }
0x46: {  	_ =	shalt  }
0x47: {  	_ =	shalt  }
0x48: {  	_ =	shalt  }
0x49: {  	_ =	shalt  }
0x4a: {  	_ =	shalt  }
0x4b: {  	_ =	shalt  }
0x4c: {  	_ =	shalt  }
0x4d: {  	_ =	shalt  }
0x4e: {  	_ =	shalt  }
0x4f: {  	_ =	shalt  }
0x50: {  	_ =	shalt  }
0x51: {  	_ =	shalt  }
0x52: {  	_ =	shalt  }
0x53: {  	_ =	shalt  }
0x54: {  	_ =	shalt  }
0x55: {  	_ =	shalt  }
0x56: {  	_ =	shalt  }
0x57: {  	_ =	shalt  }
0x58: {  	_ =	shalt  }
0x59: {  	_ =	shalt  }
0x5a: {  	_ =	shalt  }
0x5b: {  	_ =	shalt  }
0x5c: {  	_ =	shalt  }
0x5d: {  	_ =	shalt  }
0x5e: {  	_ =	shalt  }
0x5f: {  	_ =	shalt  }
0x60: {  	_ =	shalt  }
0x61: {  	_ =	shalt  }
0x62: {  	_ =	shalt  }
0x63: {  	_ =	shalt  }
0x64: {  	_ =	shalt  }
0x65: {  	_ =	shalt  }
0x66: {  	_ =	shalt  }
0x67: {  	_ =	shalt  }
0x68: {  	_ =	shalt  }
0x69: {  	_ =	shalt  }
0x6a: {  	_ =	shalt  }
0x6b: {  	_ =	shalt  }
0x6c: {  	_ =	shalt  }
0x6d: {  	_ =	shalt  }
0x6e: {  	_ =	shalt  }
0x6f: {  	_ =	shalt  }
0x70: {  	_ =	shalt  }
0x71: {  	_ =	shalt  }
0x72: {  	_ =	shalt  }
0x73: {  	_ =	shalt  }
0x74: {  	_ =	shalt  }
0x75: {  	_ =	shalt  }
0x76: {  	_ =	shalt  }
0x77: {  	_ =	shalt  }
0x78: {  	_ =	shalt  }
0x79: {  	_ =	shalt  }
0x7a: {  	_ =	shalt  }
0x7b: {  	_ =	shalt  }
0x7c: {  	_ =	shalt  }
0x7d: {  	_ =	shalt  }
0x7e: {  	_ =	shalt  }
0x7f: {  	_ =	shalt  }
0x80: {  	_ =	shalt  }
0x81: {  	_ =	shalt  }
0x82: {  	_ =	shalt  }
0x83: {  	_ =	shalt  }
0x84: {  	_ =	shalt  }
0x85: {  	_ =	shalt  }
0x86: {  	_ =	shalt  }
0x87: {  	_ =	shalt  }
.Lfunc_end0:
.L_simem_size_0:
called_computation.1_lowered:
.L_overlay_start_0:
0x88: {  	s2 =	sld [smem:$0x3FD9]  }
0x89: {  	s3 =	sld [smem:$0x3FFE];
	_ =	sdelay $0x1  }
0x8a: {  	s1 =	srdreg.scid  }
0x8b: {  	s0 =	sand.u32 $0x1, s1  }
0x8c: {  	s16 =	sshll.u32 s0, $0xA;
	s2 =	sadd.s32 s3, s2  }
0x8d: {  	s2 =	sadd.s32 s2, s16  }
0x8e: {  	[smem:$0x3FB8] =	sst s2  }
0x8f: {  	_ = 	snop  }
0x90: {  	(tm) =	ssettm $0x1  }
0x91: {  	s17 =	sld [smem:$0x3FFB];
	_ =	sdelay $0x3  }
0x92: {  	_ =	strace s17  }
0x93: {  	s2 =	sld [smem:$0x3FFC];
	_ =	sdelay $0x3  }
0x94: {  	_ =	strace s2  }
0x95: {  	s2 =	sld [smem:$0x3FFD];
	_ =	sdelay $0x3  }
0x96: {  	_ =	strace s2  }
0x97: {  	_ =	strace $0x8FFFFFFF  }
0x98: {  	s18 =	sld [smem:$0x3FDB];
	_ =	sdelay $0x1  }
0x99: {  	s19 =	simm.s32 $_scs_section_size  }
0x9a: {  	s4 =	simm.s32 $_size__tile_overlayer_lowered;
	s5 =	simm.s32 $_tile_overlayer_lowered  }
0x9b: {  	s22 =	simm.s32 $0x1BFF;
	s21 =	sshll.u32 s5, $0x1;
	s2 =	sadd.s32 s19, s18  }
0x9c: {  	s6 =	simm.s32 $0x0;
	s20 =	sshll.u32 s4, $0x1;
	s4 =	sadd.s32 s21, s2  }
0x9d: {  	[timem:s6], [sflag:s22] =	dma.local [hbm:s4], s20  }
0x9e: {  	_ =	swait.ge [sflag:s22], s20  }
0x9f: {  	s3 =	ssub.s32 $0x0, s20;
	[sflag:s22] =	ssyncset.done $0x0  }
0xa0: {  	[sflag:s22] =	ssyncadd.s32 s3;
	_ =	sdelay $0x1  }
0xa1: {  	s23 =	simm.s32 $0x1B8B  }
0xa2: {  	_ =	swait.ge [sflag:s23], $0x1  }
0xa3: {  	[sflag:s23] =	ssyncset.done $0x0  }
0xa4: {  	s25 =	simm.s32 $0x1B8E;
	s24 =	sld [smem:$0x3FFE];
	[sflag:s23] =	ssyncadd.s32 $0xFFFFFFFF  }
0xa5: {  	s26 =	simm.s32 $execute0_lowered;
	[smem:$0x3FD2] =	sst s25  }
0xa6: {  	s4 =	sshll.u32 s26, $0x1;
	_ =	strace $0x80000049;
	[dreg:$0x1] =	wrdreg $0xFFFFFFFF  }
0xa7: {  	s28 =	simm.s32 $_size_execute0_lowered;
	s2 =	sadd.s32 s2, s4;
	[dreg:$0x0] =	wrdreg $0x0  }
0xa8: {  	s4 =	sshll.u32 s28, $0x1;
	[dreg:$0x2] =	wrdreg s2  }
0xa9: {  	[dreg:$0x3] =	wrdreg s4  }
0xaa: {  	[dreg:$0x4] =	wrdreg $0xC0  }
0xab: {  	_ =	task [dreg:s6], $0x5FFFF  }
0xac: {  	[dreg:$0x1] =	wrdreg $0xFFFFFFFF  }
0xad: {  	[dreg:$0x0] =	wrdreg $0x60  }
0xae: {  	[dreg:$0x2] =	wrdreg s24  }
0xaf: {  	[dreg:$0x3] =	wrdreg $0xBA000  }
0xb0: {  	[dreg:$0x4] =	wrdreg $0x9  }
0xb1: {  	_ =	task.clear_ibuf [dreg:s6], $0x5FFFF;
	_ =	strace $0x90000049  }
0xb2: {  	s29 =	simm.s32 $0x9;
	_ =	strace $0x8000004B  }
0xb3: {  	_ =	swait.ge [sflag:s29], $0x1  }
0xb4: {  	[sflag:s29] =	ssyncadd.s32 $0xFFFFFFFF  }
0xb5: {  	_ =	strace $0x9000004B  }
0xb6: {  	_ =	sfence  }
0xb7: {  	s30 =	sld [smem:$0x0];
	_ =	sdelay $0x2  }
0xb8: {  	s31 =	sshll.u32 s1, $0xD;
	s1 =	sshrl.u32 s1, $0x2  }
0xb9: {  	s3 =	sand.u32 $0x4000, s31;
	s1 =	sadd.s32 s1, s30  }
0xba: {  	s0 =	sor.u32 s3, s0;
	s1 =	sshll.u32 s1, $0x11  }
0xbb: {  	s0 =	sor.u32 s1, s0  }
0xbc: {  	s0 =	sadd.s32 $0x8F2B, s0  }
0xbd: {  	[sflag:s0] =	ssyncadd.remote.s32 $0x1  }
0xbe: {  	_ =	sfence.sel $0xFFFF  }
0xbf: {  	[dreg:$0x0] =	wrdreg $0xFFFFFFFF;
	(pc) =	sbr.abs _section_cstart, $3  }
0xc0: {  	[dreg:$0x1] =	wrdreg $0xFFFFFFFF  }
0xc1: {  	_ =	task.clear_ibuf [dreg:s6], $0x2FFFF;
	_ =	strace $0x9FFFFFFF  }
0xc2: {  	(tm) =	ssettm $0x7FFFFFFF  }
0xc3: {  	_ =	shalt  }
tec
execute0_lowered:
.L_overlay_start_1:
0x0: {  	(tag) =	ssettag $0x1  }
0x1: {  	s5 =	rddreg [dreg:$0x0]  }
0x2: {  	s2 =	rddreg [dreg:$0x1];
	s0 =	stileid.u32  }
0x3: {  	s4 =	srdreg.scid;
	s3 =	simm.s32 $0x0;
	s16 =	simm.s32 $0x300  }
0x4: {  	s18 =	simm.s32 $0xB;
	s19 =	simm.s32 $0x1;
	s20 =	simm.s32 $0x78  }
0x5: {  	s21 =	simm.s32 $0x600;
	s22 =	simm.s32 $0x2;
	s23 =	simm.s32 $0x4200  }
0x6: {  	s24 =	simm.s32 $0xA;
	s25 =	simm.s32 $0x0;
	s6 =	smul.u32 $0x13C00, s0  }
0x7: {  	s7 =	sand.u32 $0x1, s4;
	[smem:$0x7FF] =	sst s3;
	s12 =	smul.u32 $0x4F000, s0  }
0x8: {  	s4 =	sadd.s32 $0x1C800, s5;
	s13 =	sadd.s32 $0x7000, s5;
	s14 =	smul.u32 $0x5600, s0  }
0x9: {  	s31 =	sshll.u32 s0, $0x6;
	s8 =	smul.u32 $0x13C000, s7;
	_ =	strace $0x8000004A  }
0xa: {  	s9 =	sshll.u32 s7, $0x4;
	s26 =	ssub.s32 $0x2, s7;
	s29 =	smul.u32 $0x56000, s7  }
0xb: {  	s9 =	sor.u32 s0, s9;
	s30 =	sshrl.u32 s26, $0x1;
	s12 =	sshrl.u32 s12, $0x2  }
0xc: {  	s8 =	sadd.s32 s6, s8;
	s6 =	sshrl.u32 s6, $0x3;
	s9 =	smul.u32 $0x5600, s9  }
0xd: {  	s15 =	ssub.s32 s26, s30;
	s17 =	sadd.s32 s12, s2;
	s8 =	sshrl.u32 s8, $0x3  }
0xe: {  	s10 =	sadd.s32 s6, s5;
	s12 =	smax.u32 s15, $0x1;
	s15 =	simm.s32 $0x200  }
0xf: {  	s17 =	sshrl.u32 s17, $0x3;
	s28 =	sshrl.u32 s9, $0x3;
	s9 =	sadd.s32 s14, s29  }
0x10: {  	s11 =	sadd.s32 s8, s5;
	s5 =	sadd.s32 s13, s28;
	s14 =	sadd.s32 $0x400, s9  }
0x11: {  	s9 =	sadd.s32 $0x43A00, s10;
	s10 =	sor.u32 $0x1C0B, s31;
	s11 =	sadd.s32 $0x6B200, s11  }
0x12: {  	s6 =	sadd.s32 $0x20, s5;
	s7 =	sadd.s32 $0x40, s5;
	s14 =	sshrl.u32 s14, $0x3  }
0x13: {  	s8 =	sadd.s32 $0x60, s5;
	s13 =	sadd.s32 s14, s13;
	s14 =	simm.s32 $0x100  }
.LBB2_1:
0x14: {  	[tilespmem:s3], [sflag:$0x1] =	stream.linear.gather [hbm4b:s5+s3], $0x100, $0x38;
	[tilespmem:$0x1F600] =	vst v63  }
0x15: {  	_ = 	snop  }
0x16: {  	[tilespmem:s14], [sflag:$0x2] =	stream.linear.gather [hbm4b:s6+s3], $0x100, $0x38;
	[tilespmem:$0x1F600] =	vst v63  }
0x17: {  	_ = 	snop  }
0x18: {  	[tilespmem:s15], [sflag:$0x3] =	stream.linear.gather [hbm4b:s7+s3], $0x100, $0x38;
	[tilespmem:$0x1F600] =	vst v63  }
0x19: {  	_ = 	snop  }
0x1a: {  	[tilespmem:s16], [sflag:$0x4] =	stream.linear.gather [hbm4b:s8+s3], $0x100, $0x38;
	[tilespmem:$0x1F600] =	vst v63  }
0x1b: {  	[spmem:s17], [sflag:s10] =	dma.local [hbm:s9], $0x2780  }
0x1c: {  	_ =	swait.ge [sflag:s18], $0x2780  }
0x1d: {  	[sflag:s18] =	ssyncset.done $0x0  }
0x1e: {  	[sflag:s18] =	ssyncadd.s32 $0xFFFFD880  }
0x1f: {  	[bflag:$0x0] =	sbarrier.arrive $0xFFFF  }
0x20: {  	_ =	swait.ge [sflag:s19], $0x100  }
0x21: {  	[sflag:s19] =	ssyncset.done $0x0  }
0x22: {  	[sflag:s19] =	ssyncadd.s32 $0xFFFFFF00  }
0x23: {  	[tilespmem:s21], [sflag:$0x7] =	stream.indirect.gather [hbm4b:s4+s20], $0x80, s3, s20, $0xb8;
	[tilespmem:$0x1F600] =	vst v63  }
0x24: {  	_ =	swait.ge [sflag:s22], $0x100  }
0x25: {  	[sflag:s22] =	ssyncset.done $0x0  }
0x26: {  	s26 =	smov.u32 s13;
	s28 =	simm.s32 $0x0;
	[sflag:s22] =	ssyncadd.s32 $0xFFFFFF00  }
0x27: {  	[tilespmem:s23], [sflag:$0x8] =	stream.indirect.gather [hbm4b:s4+s20], $0x80, s14, s20, $0xb8;
	[tilespmem:$0x1F600] =	vst v63  }
.LBB2_2:
0x28: {  	s29 =	smul.u32 $0xAB, s28  }
0x29: {  	p0 =	sgt.u32 s28, $0x51  }
0x2a: {  	s0 =	sadd.s32 @!p0 $0x4, s28;
	s30 =	sshrl.u32 s29, $0x9  }
0x2b: {  	s29 =	sshrl.u32 s29, $0xA;
	s1 =	smul.u32 @!p0 $0xAB, s0;
	s30 =	sand.u32 $0x7F, s30  }
0x2c: {  	s29 =	sand.u32 $0x3F, s29;
	s30 =	smul.u32 $0x3, s30  }
0x2d: {  	s29 =	smul.u32 $0x6, s29;
	s1 =	sshrl.u32 @!p0 s1, $0xA  }
0x2e: {  	p1 =	seq.s32 @!p0 s28, $0x0;
	s1 =	sand.u32 @!p0 $0x3F, s1;
	s30 =	ssub.s32 s28, s30  }
0x2f: {  	s29 =	ssub.s32 s28, s29;
	s1 =	smul.u32 @!p0 $0x6, s1;
	s30 =	sand.u32 $0xFF, s30  }
0x30: {  	s29 =	sand.u32 $0xFF, s29;
	s31 =	sadd.s32 $0x7, s30;
	s30 =	smul.u32 $0xF000, s30  }
0x31: {  	s29 =	sshll.u32 s29, $0x8;
	s0 =	ssub.s32 @!p0 s0, s1;
	_ =	swait.ge [sflag:s31], $0x3C00  }
0x32: {  	s29 =	sor.u32 $0x80, s29;
	[sflag:s31] =	ssyncset.done $0x0;
	s30 =	sshrl.u32 s30, $0x2  }
0x33: {  	s0 =	sand.u32 @!p0 $0xFF, s0;
	[sflag:s31] =	ssyncadd.s32 $0xFFFFC400;
	s30 =	sadd.s32 $0x600, s30  }
0x34: {  	[spmem:s2] =	stream.indirect.scatter.add.f32 [tilespmem:s30], [sflag:$0xA], $0x80, s29, s20, $0xb8;
	[tilespmem:$0x1F600] =	vst v63  }
0x35: {  	s1 =	sshll.u32 @!p0 s0, $0x8;
	s0 =	sadd.s32 @!p0 $0x1, s0;
	s29 =	simm.s32 @!p0 $0x0  }
0x36: {  	[tilespmem:s1], [sflag:s0] =	stream.linear.gather @!p0 [hbm4b:s26+s29], $0x100, $0x38;
	[tilespmem:$0x1F600] =	vst v63  }
0x37: {  	p0 =	por p0, !p1  }
0x38: {  	s0 =	simm.s32 @p0 $0xA  }
0x39: {  	p1 =	sgt.u32 @p0 s28, $0x53;
	_ =	swait.ge @p0 [sflag:s0], $0x3C00  }
0x3a: {  	p1 =	por !p0, !p1;
	[sflag:s0] =	ssyncset.done @p0 $0x0  }
0x3b: {  	[sflag:s0] =	ssyncadd.s32 @p0 $0xFFFFC400;
	s0 =	sadd.s32 @p1 $0x2, s28  }
0x3c: {  	s1 =	sand.u32 @p1 $0xFF, s0  }
0x3d: {  	s1 =	smul.u32 @p1 $0xAB, s1;
	_ =	sdelay $0x1  }
0x3e: {  	s29 =	sshrl.u32 @p1 s1, $0xA  }
0x3f: {  	s1 =	sshrl.u32 @p1 s1, $0x9;
	s29 =	smul.u32 @p1 $0x6, s29  }
0x40: {  	s1 =	smul.u32 @p1 $0x3, s1;
	_ =	sdelay $0x1  }
0x41: {  	s29 =	ssub.s32 @p1 s0, s29;
	s0 =	ssub.s32 @p1 s0, s1  }
0x42: {  	s28 =	sadd.s32 $0x1, s28;
	s29 =	sand.u32 @p1 $0xFF, s29;
	s0 =	sand.u32 @p1 $0xFF, s0  }
0x43: {  	p0 =	sne.s32 s28, $0x56;
	s1 =	sadd.s32 @p1 $0x1, s29;
	s30 =	smul.u32 @p1 $0xF000, s0  }
.Ltmp0:
0x44: {  	_ =	swait.ge @p1 [sflag:s1], $0x100;
	(pc) =	sbr.rel @p0 .LBB2_2-.Ltmp0, $4  }
0x45: {  	[sflag:s1] =	ssyncset.done @p1 $0x0  }
0x46: {  	s26 =	sadd.s32 $0x20, s26;
	[sflag:s1] =	ssyncadd.s32 @p1 $0xFFFFFF00;
	s1 =	sshrl.u32 @p1 s30, $0x2  }
0x47: {  	s29 =	sshll.u32 @p1 s29, $0x8;
	s0 =	sadd.s32 @p1 $0x7, s0;
	s1 =	sadd.s32 @p1 $0x600, s1  }
0x48: {  	[tilespmem:s1], [sflag:s0] =	stream.indirect.gather @p1 [hbm4b:s4+s20], $0x80, s29, s20, $0xb8;
	[tilespmem:$0x1F600] =	vst v63  }
0x49: {  	_ =	swait.ge [sflag:s24], $0x3C00  }
0x4a: {  	s25 =	sadd.s32 $0x1, s25;
	[sflag:s24] =	ssyncset.done $0x0  }
0x4b: {  	p0 =	sne.s32 s25, s12;
	[sflag:s24] =	ssyncadd.s32 $0xFFFFC400  }
.Ltmp1:
0x4c: {  	[bflag:$0x0] =	sbarrier.arrive $0xFFFF;
	(pc) =	sbr.rel @p0 .LBB2_1-.Ltmp1, $4  }
0x4d: {  	[hbm:s11], [sflag:s10] =	dma.local [spmem:s17], $0x2780  }
0x4e: {  	_ =	swait.ge [sflag:s18], $0x2780  }
0x4f: {  	[sflag:s18] =	ssyncset.done $0x0  }
0x50: {  	[sflag:s18] =	ssyncadd.s32 $0xFFFFD880  }
0x51: {  	_ =	sfence.sel $0x180000  }
0x52: {  	[bflag:$0x0] =	sbarrier.arrive $0xFFFF  }
0x53: {  	_ =	strace $0x9000004A  }
0x54: {  	s0 =	stileid.u32;
	[bflag:$0x2] =	sbarrier.arrive $0xFFFF  }
0x55: {  	p0 =	sne.s32 s0, $0x0;
	s0 =	rddreg [dreg:$0x2]  }
0x56: {  	s0 =	sadd.s32 @!p0 $0x100000, s0  }
0x57: {  	[sflag:s0] =	ssyncadd.tile.s32 @!p0 $0x1;
	_ =	shalt  }
.Lfunc_end2:
_tile_overlayer_lowered:
.L_overlay_start_2:
0x58: {  	(tag) =	ssettag $0x2  }
0x59: {  	s0 =	rddreg [dreg:$0x0];
	s2 =	stileid.u32  }
0x5a: {  	s1 =	rddreg [dreg:$0x1];
	p0 =	sne.s32 s2, $0x0  }
0x5b: {  	s3 =	rddreg [dreg:$0x2];
	[bflag:$0x3] =	sbarrier.arrive $0xFFFF;
	s2 =	simm.s32 @!p0 $0x1C0B  }
0x5c: {  	[timem:s3], [sflag:s2] =	dma.local @!p0 [hbm:s0], s1  }
0x5d: {  	s0 =	simm.s32 @!p0 $0xB  }
0x5e: {  	_ =	swait.ge @!p0 [sflag:s0], s1  }
0x5f: {  	s1 =	ssub.s32 @!p0 $0x0, s1;
	[sflag:s0] =	ssyncset.done @!p0 $0x0  }
0x60: {  	[sflag:s0] =	ssyncadd.s32 @!p0 s1  }
0x61: {  	[bflag:$0x3] =	sbarrier.arrive $0xFFFF  }
0x62: {  	_ =	shalt  }

// kernel: kernel.19.cloned.1.call-start
scs
__scs_entry_jumppad:
0x0: {  	(pc) =	sbr.rel $0x88, $3  }
0x1: {  	(tag) =	ssettag $0x0;
	lr =	simm.s32 $0x1  }
0x2: {  	[smem:$0x3F91] =	sst lr;
	_ =	strace $0xD0000000  }
0x3: {  	_ = 	snop  }
0x4: {  	_ = 	snop  }
0x5: {  	_ = 	snop  }
0x6: {  	_ = 	snop  }
0x7: {  	_ = 	snop  }
__scs_overlays_trampoline_lowered:
0x8: {  	[smem:$0x3FA0] =	sst s0  }
0x9: {  	[smem:$0x3FA1] =	sst s1  }
0xa: {  	[smem:$0x3FA2] =	sst s2  }
0xb: {  	[smem:$0x3FA3] =	sst s3  }
0xc: {  	[smem:$0x3FA4] =	sst s4  }
0xd: {  	[smem:$0x3FA5] =	sst s5  }
0xe: {  	[smem:$0x3FA6] =	sst s6  }
0xf: {  	[smem:$0x3FA7] =	sst s7  }
0x10: {  	[smem:$0x3FA8] =	sst s8  }
0x11: {  	[smem:$0x3FA9] =	sst s9;
	s0 =	simm.s32 @!p0 $0x0  }
0x12: {  	s1 =	sld [smem:$0x3F8F];
	s0 =	simm.s32 @p0 $0x1  }
0x13: {  	[smem:$0x3FAA] =	sst s0;
	s0 =	simm.s32 @!p1 $0x0  }
0x14: {  	s2 =	sld [smem:$0x3F8E];
	s0 =	simm.s32 @p1 $0x1  }
0x15: {  	[smem:$0x3FAB] =	sst s0;
	s0 =	simm.s32 @!p2 $0x0  }
0x16: {  	s3 =	sld [smem:$0x3FDB];
	s0 =	simm.s32 @p2 $0x1  }
0x17: {  	s4 =	simm.s32 $0x1BF5;
	[smem:$0x3FAD] =	sst s0  }
0x18: {  	s0 =	sld [smem:$0x3F90];
	_ =	swait.ge [sflag:s4], $0x0  }
0x19: {  	s7 =	sld [smem:$0x3F91]  }
0x1a: {  	s8 =	sadd.s32 $0xFFFFE003, lr  }
0x1b: {  	s9 =	sadd.s32 $0xFFFFFEF7, lr;
	s5 =	simm.s32 $0xFFFFFFFF;
	p2 =	slt.u32 s8, $0xFFFFF086  }
0x1c: {  	p1 =	slt.u32 s9, $0xF7A;
	s5 =	simm.s32 @!p2 $0x0  }
0x1d: {  	s5 =	simm.s32 @p1 $0x1;
	p0 =	seq.s32 s7, s2  }
0x1e: {  	s7 =	smul.u32 @!p0 $0xF7A, s2;
	p2 =	seq.s32 @!p0 s5, $0x0  }
0x1f: {  	s9 =	smul.u32 $0xF7A, s1;
	s8 =	simm.s32 @!p0 $0x1BF5;
	p2 =	por !p2, p0  }
0x20: {  	[sflag:s8] =	ssyncset.s32 @!p0 $0xFFFFF086;
	s6 =	sadd.s32 @!p0 s3, s7;
	s7 =	simm.s32 @!p0 $0x108  }
0x21: {  	s3 =	sadd.s32 s3, s9;
	s6 =	sadd.s32 @!p0 $0x88, s6;
	s7 =	simm.s32 @p2 $0x1082  }
0x22: {  	[simem:s7], [sflag:s8] =	dma.local @!p0 [hbm:s6], $0xF7A  }
0x23: {  	s9 =	sor.u32 $0xD0000000, s2;
	s6 =	simm.s32 $0x108;
	_ =	swait.ge @!p0 [sflag:s8], $0x0  }
0x24: {  	s3 =	sadd.s32 $0x88, s3;
	s6 =	simm.s32 @!p1 $0x1082;
	[sflag:s4] =	ssyncset.s32 $0xFFFFF086  }
0x25: {  	[simem:s6], [sflag:s4] =	dma.local [hbm:s3], $0xF7A  }
0x26: {  	[smem:$0x3F91] =	sst s1;
	(tag) =	ssettag s2;
	_ =	strace s9  }
0x27: {  	s1 =	sld [smem:$0x3FA1]  }
0x28: {  	s2 =	sld [smem:$0x3FA2]  }
0x29: {  	s4 =	sld [smem:$0x3FA4]  }
0x2a: {  	p0 =	seq.s32 s5, $0x0;
	s5 =	sld [smem:$0x3FA5]  }
0x2b: {  	s6 =	sld [smem:$0x3FA6]  }
0x2c: {  	s7 =	sld [smem:$0x3FA7]  }
0x2d: {  	s3 =	simm.s32 $0x108;
	s8 =	sld [smem:$0x3FA8]  }
0x2e: {  	s3 =	simm.s32 @!p0 $0x1082;
	s9 =	sld [smem:$0x3FA9]  }
0x2f: {  	lr =	sadd.s32 s0, s3;
	s0 =	sld [smem:$0x3FA0]  }
0x30: {  	s3 =	sld [smem:$0x3FA3]  }
0x31: {  	[smem:$0x3FAC] =	sst s10  }
0x32: {  	s10 =	sld [smem:$0x3FAA];
	_ =	sdelay $0x3  }
0x33: {  	p0 =	seq.s32 s10, $0x1;
	s10 =	sld [smem:$0x3FAC];
	_ =	sdelay $0x3  }
0x34: {  	[smem:$0x3FAC] =	sst s10  }
0x35: {  	s10 =	sld [smem:$0x3FAB];
	_ =	sdelay $0x3  }
0x36: {  	p1 =	seq.s32 s10, $0x1;
	s10 =	sld [smem:$0x3FAC];
	_ =	sdelay $0x3  }
0x37: {  	[smem:$0x3FAC] =	sst s10  }
0x38: {  	s10 =	sld [smem:$0x3FAD]  }
0x39: {  	_ = 	snop;
	(pc) =	sbr.ind lr, $3  }
0x3a: {  	_ = 	snop  }
0x3b: {  	_ = 	snop  }
0x3c: {  	p2 =	seq.s32 s10, $0x1;
	s10 =	sld [smem:$0x3FAC]  }
0x3d: {  	_ =	shalt  }
0x3e: {  	_ =	shalt  }
0x3f: {  	_ =	shalt  }
0x40: {  	_ =	shalt  }
0x41: {  	_ =	shalt  }
0x42: {  	_ =	shalt  }
0x43: {  	_ =	shalt  }
0x44: {  	_ =	shalt  }
0x45: {  	_ =	shalt  }
0x46: {  	_ =	shalt  }
0x47: {  	_ =	shalt  }
0x48: {  	_ =	shalt  }
0x49: {  	_ =	shalt  }
0x4a: {  	_ =	shalt  }
0x4b: {  	_ =	shalt  }
0x4c: {  	_ =	shalt  }
0x4d: {  	_ =	shalt  }
0x4e: {  	_ =	shalt  }
0x4f: {  	_ =	shalt  }
0x50: {  	_ =	shalt  }
0x51: {  	_ =	shalt  }
0x52: {  	_ =	shalt  }
0x53: {  	_ =	shalt  }
0x54: {  	_ =	shalt  }
0x55: {  	_ =	shalt  }
0x56: {  	_ =	shalt  }
0x57: {  	_ =	shalt  }
0x58: {  	_ =	shalt  }
0x59: {  	_ =	shalt  }
0x5a: {  	_ =	shalt  }
0x5b: {  	_ =	shalt  }
0x5c: {  	_ =	shalt  }
0x5d: {  	_ =	shalt  }
0x5e: {  	_ =	shalt  }
0x5f: {  	_ =	shalt  }
0x60: {  	_ =	shalt  }
0x61: {  	_ =	shalt  }
0x62: {  	_ =	shalt  }
0x63: {  	_ =	shalt  }
0x64: {  	_ =	shalt  }
0x65: {  	_ =	shalt  }
0x66: {  	_ =	shalt  }
0x67: {  	_ =	shalt  }
0x68: {  	_ =	shalt  }
0x69: {  	_ =	shalt  }
0x6a: {  	_ =	shalt  }
0x6b: {  	_ =	shalt  }
0x6c: {  	_ =	shalt  }
0x6d: {  	_ =	shalt  }
0x6e: {  	_ =	shalt  }
0x6f: {  	_ =	shalt  }
0x70: {  	_ =	shalt  }
0x71: {  	_ =	shalt  }
0x72: {  	_ =	shalt  }
0x73: {  	_ =	shalt  }
0x74: {  	_ =	shalt  }
0x75: {  	_ =	shalt  }
0x76: {  	_ =	shalt  }
0x77: {  	_ =	shalt  }
0x78: {  	_ =	shalt  }
0x79: {  	_ =	shalt  }
0x7a: {  	_ =	shalt  }
0x7b: {  	_ =	shalt  }
0x7c: {  	_ =	shalt  }
0x7d: {  	_ =	shalt  }
0x7e: {  	_ =	shalt  }
0x7f: {  	_ =	shalt  }
0x80: {  	_ =	shalt  }
0x81: {  	_ =	shalt  }
0x82: {  	_ =	shalt  }
0x83: {  	_ =	shalt  }
0x84: {  	_ =	shalt  }
0x85: {  	_ =	shalt  }
0x86: {  	_ =	shalt  }
0x87: {  	_ =	shalt  }
.Lfunc_end0:
.L_simem_size_0:
called_computation.2_lowered:
.L_overlay_start_0:
0x88: {  	s2 =	sld [smem:$0x3FD9]  }
0x89: {  	s3 =	sld [smem:$0x3FFE];
	_ =	sdelay $0x1  }
0x8a: {  	s1 =	srdreg.scid  }
0x8b: {  	s0 =	sand.u32 $0x1, s1  }
0x8c: {  	s16 =	sshll.u32 s0, $0xA;
	s2 =	sadd.s32 s3, s2  }
0x8d: {  	s2 =	sadd.s32 s2, s16  }
0x8e: {  	[smem:$0x3FB8] =	sst s2  }
0x8f: {  	_ = 	snop  }
0x90: {  	(tm) =	ssettm $0x1  }
0x91: {  	s17 =	sld [smem:$0x3FFB];
	_ =	sdelay $0x3  }
0x92: {  	_ =	strace s17  }
0x93: {  	s2 =	sld [smem:$0x3FFC];
	_ =	sdelay $0x3  }
0x94: {  	_ =	strace s2  }
0x95: {  	s2 =	sld [smem:$0x3FFD];
	_ =	sdelay $0x3  }
0x96: {  	_ =	strace s2  }
0x97: {  	_ =	strace $0x8FFFFFFF  }
0x98: {  	s18 =	sld [smem:$0x3FDB];
	_ =	sdelay $0x1  }
0x99: {  	s19 =	simm.s32 $_scs_section_size  }
0x9a: {  	s4 =	simm.s32 $_size__tile_overlayer_lowered;
	s5 =	simm.s32 $_tile_overlayer_lowered  }
0x9b: {  	s22 =	simm.s32 $0x1BFF;
	s21 =	sshll.u32 s5, $0x1;
	s2 =	sadd.s32 s19, s18  }
0x9c: {  	s6 =	simm.s32 $0x0;
	s20 =	sshll.u32 s4, $0x1;
	s4 =	sadd.s32 s21, s2  }
0x9d: {  	[timem:s6], [sflag:s22] =	dma.local [hbm:s4], s20  }
0x9e: {  	_ =	swait.ge [sflag:s22], s20  }
0x9f: {  	s3 =	ssub.s32 $0x0, s20;
	[sflag:s22] =	ssyncset.done $0x0  }
0xa0: {  	[sflag:s22] =	ssyncadd.s32 s3;
	_ =	sdelay $0x1  }
0xa1: {  	s23 =	simm.s32 $0x1B8B  }
0xa2: {  	_ =	swait.ge [sflag:s23], $0x1  }
0xa3: {  	[sflag:s23] =	ssyncset.done $0x0  }
0xa4: {  	s25 =	simm.s32 $0x1B8E;
	s24 =	sld [smem:$0x3FFE];
	[sflag:s23] =	ssyncadd.s32 $0xFFFFFFFF  }
0xa5: {  	s26 =	simm.s32 $execute0_lowered;
	[smem:$0x3FD2] =	sst s25  }
0xa6: {  	s4 =	sshll.u32 s26, $0x1;
	_ =	strace $0x8000004C;
	[dreg:$0x1] =	wrdreg $0xFFFFFFFF  }
0xa7: {  	s28 =	simm.s32 $_size_execute0_lowered;
	s2 =	sadd.s32 s2, s4;
	[dreg:$0x0] =	wrdreg $0x0  }
0xa8: {  	s4 =	sshll.u32 s28, $0x1;
	[dreg:$0x2] =	wrdreg s2  }
0xa9: {  	[dreg:$0x3] =	wrdreg s4  }
0xaa: {  	[dreg:$0x4] =	wrdreg $0xC0  }
0xab: {  	_ =	task [dreg:s6], $0x5FFFF  }
0xac: {  	[dreg:$0x1] =	wrdreg $0xFFFFFFFF  }
0xad: {  	[dreg:$0x0] =	wrdreg $0x60  }
0xae: {  	[dreg:$0x2] =	wrdreg s24  }
0xaf: {  	[dreg:$0x3] =	wrdreg $0xBA000  }
0xb0: {  	[dreg:$0x4] =	wrdreg $0x9  }
0xb1: {  	_ =	task.clear_ibuf [dreg:s6], $0x5FFFF;
	_ =	strace $0x9000004C  }
0xb2: {  	s29 =	simm.s32 $0x9;
	_ =	strace $0x8000004E  }
0xb3: {  	_ =	swait.ge [sflag:s29], $0x1  }
0xb4: {  	[sflag:s29] =	ssyncadd.s32 $0xFFFFFFFF  }
0xb5: {  	_ =	strace $0x9000004E  }
0xb6: {  	_ =	sfence  }
0xb7: {  	s30 =	sld [smem:$0x0];
	_ =	sdelay $0x2  }
0xb8: {  	s31 =	sshll.u32 s1, $0xD;
	s1 =	sshrl.u32 s1, $0x2  }
0xb9: {  	s3 =	sand.u32 $0x4000, s31;
	s1 =	sadd.s32 s1, s30  }
0xba: {  	s0 =	sor.u32 s3, s0;
	s1 =	sshll.u32 s1, $0x11  }
0xbb: {  	s0 =	sor.u32 s1, s0  }
0xbc: {  	s0 =	sadd.s32 $0x8F2B, s0  }
0xbd: {  	[sflag:s0] =	ssyncadd.remote.s32 $0x1  }
0xbe: {  	_ =	sfence.sel $0xFFFF  }
0xbf: {  	[dreg:$0x0] =	wrdreg $0xFFFFFFFF;
	(pc) =	sbr.abs _section_cstart, $3  }
0xc0: {  	[dreg:$0x1] =	wrdreg $0xFFFFFFFF  }
0xc1: {  	_ =	task.clear_ibuf [dreg:s6], $0x2FFFF;
	_ =	strace $0x9FFFFFFF  }
0xc2: {  	(tm) =	ssettm $0x7FFFFFFF  }
0xc3: {  	_ =	shalt  }
tec
execute0_lowered:
.L_overlay_start_1:
0x0: {  	(tag) =	ssettag $0x1  }
0x1: {  	s5 =	rddreg [dreg:$0x0]  }
0x2: {  	s2 =	rddreg [dreg:$0x1];
	s0 =	stileid.u32  }
0x3: {  	s4 =	srdreg.scid;
	s3 =	simm.s32 $0x0;
	s16 =	simm.s32 $0x300  }
0x4: {  	s18 =	simm.s32 $0xB;
	s19 =	simm.s32 $0x1;
	s20 =	simm.s32 $0x78  }
0x5: {  	s21 =	simm.s32 $0x600;
	s22 =	simm.s32 $0x2;
	s23 =	simm.s32 $0x4200  }
0x6: {  	s24 =	simm.s32 $0xA;
	s25 =	simm.s32 $0x0;
	s6 =	smul.u32 $0x13C00, s0  }
0x7: {  	s7 =	sand.u32 $0x1, s4;
	[smem:$0x7FF] =	sst s3;
	s12 =	smul.u32 $0x4F000, s0  }
0x8: {  	s4 =	sadd.s32 $0x1C800, s5;
	s13 =	sadd.s32 $0x7000, s5;
	s14 =	smul.u32 $0x5600, s0  }
0x9: {  	s31 =	sshll.u32 s0, $0x6;
	s8 =	smul.u32 $0x13C000, s7;
	_ =	strace $0x8000004D  }
0xa: {  	s9 =	sshll.u32 s7, $0x4;
	s26 =	ssub.s32 $0x2, s7;
	s29 =	smul.u32 $0x56000, s7  }
0xb: {  	s9 =	sor.u32 s0, s9;
	s30 =	sshrl.u32 s26, $0x1;
	s12 =	sshrl.u32 s12, $0x2  }
0xc: {  	s8 =	sadd.s32 s6, s8;
	s6 =	sshrl.u32 s6, $0x3;
	s9 =	smul.u32 $0x5600, s9  }
0xd: {  	s15 =	ssub.s32 s26, s30;
	s17 =	sadd.s32 s12, s2;
	s8 =	sshrl.u32 s8, $0x3  }
0xe: {  	s10 =	sadd.s32 s6, s5;
	s12 =	smax.u32 s15, $0x1;
	s15 =	simm.s32 $0x200  }
0xf: {  	s17 =	sshrl.u32 s17, $0x3;
	s28 =	sshrl.u32 s9, $0x3;
	s9 =	sadd.s32 s14, s29  }
0x10: {  	s11 =	sadd.s32 s8, s5;
	s5 =	sadd.s32 s13, s28;
	s14 =	sadd.s32 $0x400, s9  }
0x11: {  	s9 =	sadd.s32 $0x43A00, s10;
	s10 =	sor.u32 $0x1C0B, s31;
	s11 =	sadd.s32 $0x6B200, s11  }
0x12: {  	s6 =	sadd.s32 $0x20, s5;
	s7 =	sadd.s32 $0x40, s5;
	s14 =	sshrl.u32 s14, $0x3  }
0x13: {  	s8 =	sadd.s32 $0x60, s5;
	s13 =	sadd.s32 s14, s13;
	s14 =	simm.s32 $0x100  }
.LBB2_1:
0x14: {  	[tilespmem:s3], [sflag:$0x1] =	stream.linear.gather [hbm4b:s5+s3], $0x100, $0x38;
	[tilespmem:$0x1F600] =	vst v63  }
0x15: {  	_ = 	snop  }
0x16: {  	[tilespmem:s14], [sflag:$0x2] =	stream.linear.gather [hbm4b:s6+s3], $0x100, $0x38;
	[tilespmem:$0x1F600] =	vst v63  }
0x17: {  	_ = 	snop  }
0x18: {  	[tilespmem:s15], [sflag:$0x3] =	stream.linear.gather [hbm4b:s7+s3], $0x100, $0x38;
	[tilespmem:$0x1F600] =	vst v63  }
0x19: {  	_ = 	snop  }
0x1a: {  	[tilespmem:s16], [sflag:$0x4] =	stream.linear.gather [hbm4b:s8+s3], $0x100, $0x38;
	[tilespmem:$0x1F600] =	vst v63  }
0x1b: {  	[spmem:s17], [sflag:s10] =	dma.local [hbm:s9], $0x2780  }
0x1c: {  	_ =	swait.ge [sflag:s18], $0x2780  }
0x1d: {  	[sflag:s18] =	ssyncset.done $0x0  }
0x1e: {  	[sflag:s18] =	ssyncadd.s32 $0xFFFFD880  }
0x1f: {  	[bflag:$0x0] =	sbarrier.arrive $0xFFFF  }
0x20: {  	_ =	swait.ge [sflag:s19], $0x100  }
0x21: {  	[sflag:s19] =	ssyncset.done $0x0  }
0x22: {  	[sflag:s19] =	ssyncadd.s32 $0xFFFFFF00  }
0x23: {  	[tilespmem:s21], [sflag:$0x7] =	stream.indirect.gather [hbm4b:s4+s20], $0x80, s3, s20, $0xb8;
	[tilespmem:$0x1F600] =	vst v63  }
0x24: {  	_ =	swait.ge [sflag:s22], $0x100  }
0x25: {  	[sflag:s22] =	ssyncset.done $0x0  }
0x26: {  	s26 =	smov.u32 s13;
	s28 =	simm.s32 $0x0;
	[sflag:s22] =	ssyncadd.s32 $0xFFFFFF00  }
0x27: {  	[tilespmem:s23], [sflag:$0x8] =	stream.indirect.gather [hbm4b:s4+s20], $0x80, s14, s20, $0xb8;
	[tilespmem:$0x1F600] =	vst v63  }
.LBB2_2:
0x28: {  	s29 =	smul.u32 $0xAB, s28  }
0x29: {  	p0 =	sgt.u32 s28, $0x51  }
0x2a: {  	s0 =	sadd.s32 @!p0 $0x4, s28;
	s30 =	sshrl.u32 s29, $0x9  }
0x2b: {  	s29 =	sshrl.u32 s29, $0xA;
	s1 =	smul.u32 @!p0 $0xAB, s0;
	s30 =	sand.u32 $0x7F, s30  }
0x2c: {  	s29 =	sand.u32 $0x3F, s29;
	s30 =	smul.u32 $0x3, s30  }
0x2d: {  	s29 =	smul.u32 $0x6, s29;
	s1 =	sshrl.u32 @!p0 s1, $0xA  }
0x2e: {  	p1 =	seq.s32 @!p0 s28, $0x0;
	s1 =	sand.u32 @!p0 $0x3F, s1;
	s30 =	ssub.s32 s28, s30  }
0x2f: {  	s29 =	ssub.s32 s28, s29;
	s1 =	smul.u32 @!p0 $0x6, s1;
	s30 =	sand.u32 $0xFF, s30  }
0x30: {  	s29 =	sand.u32 $0xFF, s29;
	s31 =	sadd.s32 $0x7, s30;
	s30 =	smul.u32 $0xF000, s30  }
0x31: {  	s29 =	sshll.u32 s29, $0x8;
	s0 =	ssub.s32 @!p0 s0, s1;
	_ =	swait.ge [sflag:s31], $0x3C00  }
0x32: {  	s29 =	sor.u32 $0x80, s29;
	[sflag:s31] =	ssyncset.done $0x0;
	s30 =	sshrl.u32 s30, $0x2  }
0x33: {  	s0 =	sand.u32 @!p0 $0xFF, s0;
	[sflag:s31] =	ssyncadd.s32 $0xFFFFC400;
	s30 =	sadd.s32 $0x600, s30  }
0x34: {  	[spmem:s2] =	stream.indirect.scatter.add.f32 [tilespmem:s30], [sflag:$0xA], $0x80, s29, s20, $0xb8;
	[tilespmem:$0x1F600] =	vst v63  }
0x35: {  	s1 =	sshll.u32 @!p0 s0, $0x8;
	s0 =	sadd.s32 @!p0 $0x1, s0;
	s29 =	simm.s32 @!p0 $0x0  }
0x36: {  	[tilespmem:s1], [sflag:s0] =	stream.linear.gather @!p0 [hbm4b:s26+s29], $0x100, $0x38;
	[tilespmem:$0x1F600] =	vst v63  }
0x37: {  	p0 =	por p0, !p1  }
0x38: {  	s0 =	simm.s32 @p0 $0xA  }
0x39: {  	p1 =	sgt.u32 @p0 s28, $0x53;
	_ =	swait.ge @p0 [sflag:s0], $0x3C00  }
0x3a: {  	p1 =	por !p0, !p1;
	[sflag:s0] =	ssyncset.done @p0 $0x0  }
0x3b: {  	[sflag:s0] =	ssyncadd.s32 @p0 $0xFFFFC400;
	s0 =	sadd.s32 @p1 $0x2, s28  }
0x3c: {  	s1 =	sand.u32 @p1 $0xFF, s0  }
0x3d: {  	s1 =	smul.u32 @p1 $0xAB, s1;
	_ =	sdelay $0x1  }
0x3e: {  	s29 =	sshrl.u32 @p1 s1, $0xA  }
0x3f: {  	s1 =	sshrl.u32 @p1 s1, $0x9;
	s29 =	smul.u32 @p1 $0x6, s29  }
0x40: {  	s1 =	smul.u32 @p1 $0x3, s1;
	_ =	sdelay $0x1  }
0x41: {  	s29 =	ssub.s32 @p1 s0, s29;
	s0 =	ssub.s32 @p1 s0, s1  }
0x42: {  	s28 =	sadd.s32 $0x1, s28;
	s29 =	sand.u32 @p1 $0xFF, s29;
	s0 =	sand.u32 @p1 $0xFF, s0  }
0x43: {  	p0 =	sne.s32 s28, $0x56;
	s1 =	sadd.s32 @p1 $0x1, s29;
	s30 =	smul.u32 @p1 $0xF000, s0  }
.Ltmp0:
0x44: {  	_ =	swait.ge @p1 [sflag:s1], $0x100;
	(pc) =	sbr.rel @p0 .LBB2_2-.Ltmp0, $4  }
0x45: {  	[sflag:s1] =	ssyncset.done @p1 $0x0  }
0x46: {  	s26 =	sadd.s32 $0x20, s26;
	[sflag:s1] =	ssyncadd.s32 @p1 $0xFFFFFF00;
	s1 =	sshrl.u32 @p1 s30, $0x2  }
0x47: {  	s29 =	sshll.u32 @p1 s29, $0x8;
	s0 =	sadd.s32 @p1 $0x7, s0;
	s1 =	sadd.s32 @p1 $0x600, s1  }
0x48: {  	[tilespmem:s1], [sflag:s0] =	stream.indirect.gather @p1 [hbm4b:s4+s20], $0x80, s29, s20, $0xb8;
	[tilespmem:$0x1F600] =	vst v63  }
0x49: {  	_ =	swait.ge [sflag:s24], $0x3C00  }
0x4a: {  	s25 =	sadd.s32 $0x1, s25;
	[sflag:s24] =	ssyncset.done $0x0  }
0x4b: {  	p0 =	sne.s32 s25, s12;
	[sflag:s24] =	ssyncadd.s32 $0xFFFFC400  }
.Ltmp1:
0x4c: {  	[bflag:$0x0] =	sbarrier.arrive $0xFFFF;
	(pc) =	sbr.rel @p0 .LBB2_1-.Ltmp1, $4  }
0x4d: {  	[hbm:s11], [sflag:s10] =	dma.local [spmem:s17], $0x2780  }
0x4e: {  	_ =	swait.ge [sflag:s18], $0x2780  }
0x4f: {  	[sflag:s18] =	ssyncset.done $0x0  }
0x50: {  	[sflag:s18] =	ssyncadd.s32 $0xFFFFD880  }
0x51: {  	_ =	sfence.sel $0x180000  }
0x52: {  	[bflag:$0x0] =	sbarrier.arrive $0xFFFF  }
0x53: {  	_ =	strace $0x9000004D  }
0x54: {  	s0 =	stileid.u32;
	[bflag:$0x2] =	sbarrier.arrive $0xFFFF  }
0x55: {  	p0 =	sne.s32 s0, $0x0;
	s0 =	rddreg [dreg:$0x2]  }
0x56: {  	s0 =	sadd.s32 @!p0 $0x100000, s0  }
0x57: {  	[sflag:s0] =	ssyncadd.tile.s32 @!p0 $0x1;
	_ =	shalt  }
.Lfunc_end2:
_tile_overlayer_lowered:
.L_overlay_start_2:
0x58: {  	(tag) =	ssettag $0x2  }
0x59: {  	s0 =	rddreg [dreg:$0x0];
	s2 =	stileid.u32  }
0x5a: {  	s1 =	rddreg [dreg:$0x1];
	p0 =	sne.s32 s2, $0x0  }
0x5b: {  	s3 =	rddreg [dreg:$0x2];
	[bflag:$0x3] =	sbarrier.arrive $0xFFFF;
	s2 =	simm.s32 @!p0 $0x1C0B  }
0x5c: {  	[timem:s3], [sflag:s2] =	dma.local @!p0 [hbm:s0], s1  }
0x5d: {  	s0 =	simm.s32 @!p0 $0xB  }
0x5e: {  	_ =	swait.ge @!p0 [sflag:s0], s1  }
0x5f: {  	s1 =	ssub.s32 @!p0 $0x0, s1;
	[sflag:s0] =	ssyncset.done @!p0 $0x0  }
0x60: {  	[sflag:s0] =	ssyncadd.s32 @!p0 s1  }
0x61: {  	[bflag:$0x3] =	sbarrier.arrive $0xFFFF  }
0x62: {  	_ =	shalt  }

// kernel: kernel.22.cloned.1.call-start
scs
__scs_entry_jumppad:
0x0: {  	(pc) =	sbr.rel $0x88, $3  }
0x1: {  	(tag) =	ssettag $0x0;
	lr =	simm.s32 $0x1  }
0x2: {  	[smem:$0x3F91] =	sst lr;
	_ =	strace $0xD0000000  }
0x3: {  	_ = 	snop  }
0x4: {  	_ = 	snop  }
0x5: {  	_ = 	snop  }
0x6: {  	_ = 	snop  }
0x7: {  	_ = 	snop  }
__scs_overlays_trampoline_lowered:
0x8: {  	[smem:$0x3FA0] =	sst s0  }
0x9: {  	[smem:$0x3FA1] =	sst s1  }
0xa: {  	[smem:$0x3FA2] =	sst s2  }
0xb: {  	[smem:$0x3FA3] =	sst s3  }
0xc: {  	[smem:$0x3FA4] =	sst s4  }
0xd: {  	[smem:$0x3FA5] =	sst s5  }
0xe: {  	[smem:$0x3FA6] =	sst s6  }
0xf: {  	[smem:$0x3FA7] =	sst s7  }
0x10: {  	[smem:$0x3FA8] =	sst s8  }
0x11: {  	[smem:$0x3FA9] =	sst s9;
	s0 =	simm.s32 @!p0 $0x0  }
0x12: {  	s1 =	sld [smem:$0x3F8F];
	s0 =	simm.s32 @p0 $0x1  }
0x13: {  	[smem:$0x3FAA] =	sst s0;
	s0 =	simm.s32 @!p1 $0x0  }
0x14: {  	s2 =	sld [smem:$0x3F8E];
	s0 =	simm.s32 @p1 $0x1  }
0x15: {  	[smem:$0x3FAB] =	sst s0;
	s0 =	simm.s32 @!p2 $0x0  }
0x16: {  	s3 =	sld [smem:$0x3FDB];
	s0 =	simm.s32 @p2 $0x1  }
0x17: {  	s4 =	simm.s32 $0x1BF5;
	[smem:$0x3FAD] =	sst s0  }
0x18: {  	s0 =	sld [smem:$0x3F90];
	_ =	swait.ge [sflag:s4], $0x0  }
0x19: {  	s7 =	sld [smem:$0x3F91]  }
0x1a: {  	s8 =	sadd.s32 $0xFFFFE003, lr  }
0x1b: {  	s9 =	sadd.s32 $0xFFFFFEF7, lr;
	s5 =	simm.s32 $0xFFFFFFFF;
	p2 =	slt.u32 s8, $0xFFFFF086  }
0x1c: {  	p1 =	slt.u32 s9, $0xF7A;
	s5 =	simm.s32 @!p2 $0x0  }
0x1d: {  	s5 =	simm.s32 @p1 $0x1;
	p0 =	seq.s32 s7, s2  }
0x1e: {  	s7 =	smul.u32 @!p0 $0xF7A, s2;
	p2 =	seq.s32 @!p0 s5, $0x0  }
0x1f: {  	s9 =	smul.u32 $0xF7A, s1;
	s8 =	simm.s32 @!p0 $0x1BF5;
	p2 =	por !p2, p0  }
0x20: {  	[sflag:s8] =	ssyncset.s32 @!p0 $0xFFFFF086;
	s6 =	sadd.s32 @!p0 s3, s7;
	s7 =	simm.s32 @!p0 $0x108  }
0x21: {  	s3 =	sadd.s32 s3, s9;
	s6 =	sadd.s32 @!p0 $0x88, s6;
	s7 =	simm.s32 @p2 $0x1082  }
0x22: {  	[simem:s7], [sflag:s8] =	dma.local @!p0 [hbm:s6], $0xF7A  }
0x23: {  	s9 =	sor.u32 $0xD0000000, s2;
	s6 =	simm.s32 $0x108;
	_ =	swait.ge @!p0 [sflag:s8], $0x0  }
0x24: {  	s3 =	sadd.s32 $0x88, s3;
	s6 =	simm.s32 @!p1 $0x1082;
	[sflag:s4] =	ssyncset.s32 $0xFFFFF086  }
0x25: {  	[simem:s6], [sflag:s4] =	dma.local [hbm:s3], $0xF7A  }
0x26: {  	[smem:$0x3F91] =	sst s1;
	(tag) =	ssettag s2;
	_ =	strace s9  }
0x27: {  	s1 =	sld [smem:$0x3FA1]  }
0x28: {  	s2 =	sld [smem:$0x3FA2]  }
0x29: {  	s4 =	sld [smem:$0x3FA4]  }
0x2a: {  	p0 =	seq.s32 s5, $0x0;
	s5 =	sld [smem:$0x3FA5]  }
0x2b: {  	s6 =	sld [smem:$0x3FA6]  }
0x2c: {  	s7 =	sld [smem:$0x3FA7]  }
0x2d: {  	s3 =	simm.s32 $0x108;
	s8 =	sld [smem:$0x3FA8]  }
0x2e: {  	s3 =	simm.s32 @!p0 $0x1082;
	s9 =	sld [smem:$0x3FA9]  }
0x2f: {  	lr =	sadd.s32 s0, s3;
	s0 =	sld [smem:$0x3FA0]  }
0x30: {  	s3 =	sld [smem:$0x3FA3]  }
0x31: {  	[smem:$0x3FAC] =	sst s10  }
0x32: {  	s10 =	sld [smem:$0x3FAA];
	_ =	sdelay $0x3  }
0x33: {  	p0 =	seq.s32 s10, $0x1;
	s10 =	sld [smem:$0x3FAC];
	_ =	sdelay $0x3  }
0x34: {  	[smem:$0x3FAC] =	sst s10  }
0x35: {  	s10 =	sld [smem:$0x3FAB];
	_ =	sdelay $0x3  }
0x36: {  	p1 =	seq.s32 s10, $0x1;
	s10 =	sld [smem:$0x3FAC];
	_ =	sdelay $0x3  }
0x37: {  	[smem:$0x3FAC] =	sst s10  }
0x38: {  	s10 =	sld [smem:$0x3FAD]  }
0x39: {  	_ = 	snop;
	(pc) =	sbr.ind lr, $3  }
0x3a: {  	_ = 	snop  }
0x3b: {  	_ = 	snop  }
0x3c: {  	p2 =	seq.s32 s10, $0x1;
	s10 =	sld [smem:$0x3FAC]  }
0x3d: {  	_ =	shalt  }
0x3e: {  	_ =	shalt  }
0x3f: {  	_ =	shalt  }
0x40: {  	_ =	shalt  }
0x41: {  	_ =	shalt  }
0x42: {  	_ =	shalt  }
0x43: {  	_ =	shalt  }
0x44: {  	_ =	shalt  }
0x45: {  	_ =	shalt  }
0x46: {  	_ =	shalt  }
0x47: {  	_ =	shalt  }
0x48: {  	_ =	shalt  }
0x49: {  	_ =	shalt  }
0x4a: {  	_ =	shalt  }
0x4b: {  	_ =	shalt  }
0x4c: {  	_ =	shalt  }
0x4d: {  	_ =	shalt  }
0x4e: {  	_ =	shalt  }
0x4f: {  	_ =	shalt  }
0x50: {  	_ =	shalt  }
0x51: {  	_ =	shalt  }
0x52: {  	_ =	shalt  }
0x53: {  	_ =	shalt  }
0x54: {  	_ =	shalt  }
0x55: {  	_ =	shalt  }
0x56: {  	_ =	shalt  }
0x57: {  	_ =	shalt  }
0x58: {  	_ =	shalt  }
0x59: {  	_ =	shalt  }
0x5a: {  	_ =	shalt  }
0x5b: {  	_ =	shalt  }
0x5c: {  	_ =	shalt  }
0x5d: {  	_ =	shalt  }
0x5e: {  	_ =	shalt  }
0x5f: {  	_ =	shalt  }
0x60: {  	_ =	shalt  }
0x61: {  	_ =	shalt  }
0x62: {  	_ =	shalt  }
0x63: {  	_ =	shalt  }
0x64: {  	_ =	shalt  }
0x65: {  	_ =	shalt  }
0x66: {  	_ =	shalt  }
0x67: {  	_ =	shalt  }
0x68: {  	_ =	shalt  }
0x69: {  	_ =	shalt  }
0x6a: {  	_ =	shalt  }
0x6b: {  	_ =	shalt  }
0x6c: {  	_ =	shalt  }
0x6d: {  	_ =	shalt  }
0x6e: {  	_ =	shalt  }
0x6f: {  	_ =	shalt  }
0x70: {  	_ =	shalt  }
0x71: {  	_ =	shalt  }
0x72: {  	_ =	shalt  }
0x73: {  	_ =	shalt  }
0x74: {  	_ =	shalt  }
0x75: {  	_ =	shalt  }
0x76: {  	_ =	shalt  }
0x77: {  	_ =	shalt  }
0x78: {  	_ =	shalt  }
0x79: {  	_ =	shalt  }
0x7a: {  	_ =	shalt  }
0x7b: {  	_ =	shalt  }
0x7c: {  	_ =	shalt  }
0x7d: {  	_ =	shalt  }
0x7e: {  	_ =	shalt  }
0x7f: {  	_ =	shalt  }
0x80: {  	_ =	shalt  }
0x81: {  	_ =	shalt  }
0x82: {  	_ =	shalt  }
0x83: {  	_ =	shalt  }
0x84: {  	_ =	shalt  }
0x85: {  	_ =	shalt  }
0x86: {  	_ =	shalt  }
0x87: {  	_ =	shalt  }
.Lfunc_end0:
.L_simem_size_0:
called_computation.3_lowered:
.L_overlay_start_0:
0x88: {  	s2 =	sld [smem:$0x3FD9]  }
0x89: {  	s3 =	sld [smem:$0x3FFE];
	_ =	sdelay $0x1  }
0x8a: {  	s1 =	srdreg.scid  }
0x8b: {  	s0 =	sand.u32 $0x1, s1  }
0x8c: {  	s16 =	sshll.u32 s0, $0xA;
	s2 =	sadd.s32 s3, s2  }
0x8d: {  	s2 =	sadd.s32 s2, s16  }
0x8e: {  	[smem:$0x3FB8] =	sst s2  }
0x8f: {  	_ = 	snop  }
0x90: {  	(tm) =	ssettm $0x1  }
0x91: {  	s17 =	sld [smem:$0x3FFB];
	_ =	sdelay $0x3  }
0x92: {  	_ =	strace s17  }
0x93: {  	s2 =	sld [smem:$0x3FFC];
	_ =	sdelay $0x3  }
0x94: {  	_ =	strace s2  }
0x95: {  	s2 =	sld [smem:$0x3FFD];
	_ =	sdelay $0x3  }
0x96: {  	_ =	strace s2  }
0x97: {  	_ =	strace $0x8FFFFFFF  }
0x98: {  	s18 =	sld [smem:$0x3FDB];
	_ =	sdelay $0x1  }
0x99: {  	s19 =	simm.s32 $_scs_section_size  }
0x9a: {  	s4 =	simm.s32 $_size__tile_overlayer_lowered;
	s5 =	simm.s32 $_tile_overlayer_lowered  }
0x9b: {  	s22 =	simm.s32 $0x1BFF;
	s21 =	sshll.u32 s5, $0x1;
	s2 =	sadd.s32 s19, s18  }
0x9c: {  	s6 =	simm.s32 $0x0;
	s20 =	sshll.u32 s4, $0x1;
	s4 =	sadd.s32 s21, s2  }
0x9d: {  	[timem:s6], [sflag:s22] =	dma.local [hbm:s4], s20  }
0x9e: {  	_ =	swait.ge [sflag:s22], s20  }
0x9f: {  	s3 =	ssub.s32 $0x0, s20;
	[sflag:s22] =	ssyncset.done $0x0  }
0xa0: {  	[sflag:s22] =	ssyncadd.s32 s3;
	_ =	sdelay $0x1  }
0xa1: {  	s23 =	simm.s32 $0x1B8B  }
0xa2: {  	_ =	swait.ge [sflag:s23], $0x1  }
0xa3: {  	[sflag:s23] =	ssyncset.done $0x0  }
0xa4: {  	s25 =	simm.s32 $0x1B8E;
	s24 =	sld [smem:$0x3FFE];
	[sflag:s23] =	ssyncadd.s32 $0xFFFFFFFF  }
0xa5: {  	s26 =	simm.s32 $execute0_lowered;
	[smem:$0x3FD2] =	sst s25  }
0xa6: {  	s4 =	sshll.u32 s26, $0x1;
	_ =	strace $0x8000004F;
	[dreg:$0x1] =	wrdreg $0xFFFFFFFF  }
0xa7: {  	s28 =	simm.s32 $_size_execute0_lowered;
	s2 =	sadd.s32 s2, s4;
	[dreg:$0x0] =	wrdreg $0x0  }
0xa8: {  	s4 =	sshll.u32 s28, $0x1;
	[dreg:$0x2] =	wrdreg s2  }
0xa9: {  	[dreg:$0x3] =	wrdreg s4  }
0xaa: {  	[dreg:$0x4] =	wrdreg $0xC0  }
0xab: {  	_ =	task [dreg:s6], $0x5FFFF  }
0xac: {  	[dreg:$0x1] =	wrdreg $0xFFFFFFFF  }
0xad: {  	[dreg:$0x0] =	wrdreg $0x60  }
0xae: {  	[dreg:$0x2] =	wrdreg s24  }
0xaf: {  	[dreg:$0x3] =	wrdreg $0xBA000  }
0xb0: {  	[dreg:$0x4] =	wrdreg $0x9  }
0xb1: {  	_ =	task.clear_ibuf [dreg:s6], $0x5FFFF;
	_ =	strace $0x9000004F  }
0xb2: {  	s29 =	simm.s32 $0x9;
	_ =	strace $0x80000051  }
0xb3: {  	_ =	swait.ge [sflag:s29], $0x1  }
0xb4: {  	[sflag:s29] =	ssyncadd.s32 $0xFFFFFFFF  }
0xb5: {  	_ =	strace $0x90000051  }
0xb6: {  	_ =	sfence  }
0xb7: {  	s30 =	sld [smem:$0x0];
	_ =	sdelay $0x2  }
0xb8: {  	s31 =	sshll.u32 s1, $0xD;
	s1 =	sshrl.u32 s1, $0x2  }
0xb9: {  	s3 =	sand.u32 $0x4000, s31;
	s1 =	sadd.s32 s1, s30  }
0xba: {  	s0 =	sor.u32 s3, s0;
	s1 =	sshll.u32 s1, $0x11  }
0xbb: {  	s0 =	sor.u32 s1, s0  }
0xbc: {  	s0 =	sadd.s32 $0x8F2B, s0  }
0xbd: {  	[sflag:s0] =	ssyncadd.remote.s32 $0x1  }
0xbe: {  	_ =	sfence.sel $0xFFFF  }
0xbf: {  	[dreg:$0x0] =	wrdreg $0xFFFFFFFF;
	(pc) =	sbr.abs _section_cstart, $3  }
0xc0: {  	[dreg:$0x1] =	wrdreg $0xFFFFFFFF  }
0xc1: {  	_ =	task.clear_ibuf [dreg:s6], $0x2FFFF;
	_ =	strace $0x9FFFFFFF  }
0xc2: {  	(tm) =	ssettm $0x7FFFFFFF  }
0xc3: {  	_ =	shalt  }
tec
execute0_lowered:
.L_overlay_start_1:
0x0: {  	(tag) =	ssettag $0x1  }
0x1: {  	s5 =	rddreg [dreg:$0x0]  }
0x2: {  	s2 =	rddreg [dreg:$0x1];
	s0 =	stileid.u32  }
0x3: {  	s4 =	srdreg.scid;
	s3 =	simm.s32 $0x0;
	s16 =	simm.s32 $0x300  }
0x4: {  	s18 =	simm.s32 $0xB;
	s19 =	simm.s32 $0x1;
	s20 =	simm.s32 $0x78  }
0x5: {  	s21 =	simm.s32 $0x600;
	s22 =	simm.s32 $0x2;
	s23 =	simm.s32 $0x4200  }
0x6: {  	s24 =	simm.s32 $0xA;
	s25 =	simm.s32 $0x0;
	s6 =	smul.u32 $0x13C00, s0  }
0x7: {  	s7 =	sand.u32 $0x1, s4;
	[smem:$0x7FF] =	sst s3;
	s12 =	smul.u32 $0x4F000, s0  }
0x8: {  	s4 =	sadd.s32 $0x1C800, s5;
	s13 =	sadd.s32 $0x7000, s5;
	s14 =	smul.u32 $0x5600, s0  }
0x9: {  	s31 =	sshll.u32 s0, $0x6;
	s8 =	smul.u32 $0x13C000, s7;
	_ =	strace $0x80000050  }
0xa: {  	s9 =	sshll.u32 s7, $0x4;
	s26 =	ssub.s32 $0x2, s7;
	s29 =	smul.u32 $0x56000, s7  }
0xb: {  	s9 =	sor.u32 s0, s9;
	s30 =	sshrl.u32 s26, $0x1;
	s12 =	sshrl.u32 s12, $0x2  }
0xc: {  	s8 =	sadd.s32 s6, s8;
	s6 =	sshrl.u32 s6, $0x3;
	s9 =	smul.u32 $0x5600, s9  }
0xd: {  	s15 =	ssub.s32 s26, s30;
	s17 =	sadd.s32 s12, s2;
	s8 =	sshrl.u32 s8, $0x3  }
0xe: {  	s10 =	sadd.s32 s6, s5;
	s12 =	smax.u32 s15, $0x1;
	s15 =	simm.s32 $0x200  }
0xf: {  	s17 =	sshrl.u32 s17, $0x3;
	s28 =	sshrl.u32 s9, $0x3;
	s9 =	sadd.s32 s14, s29  }
0x10: {  	s11 =	sadd.s32 s8, s5;
	s5 =	sadd.s32 s13, s28;
	s14 =	sadd.s32 $0x400, s9  }
0x11: {  	s9 =	sadd.s32 $0x43A00, s10;
	s10 =	sor.u32 $0x1C0B, s31;
	s11 =	sadd.s32 $0x6B200, s11  }
0x12: {  	s6 =	sadd.s32 $0x20, s5;
	s7 =	sadd.s32 $0x40, s5;
	s14 =	sshrl.u32 s14, $0x3  }
0x13: {  	s8 =	sadd.s32 $0x60, s5;
	s13 =	sadd.s32 s14, s13;
	s14 =	simm.s32 $0x100  }
.LBB2_1:
0x14: {  	[tilespmem:s3], [sflag:$0x1] =	stream.linear.gather [hbm4b:s5+s3], $0x100, $0x38;
	[tilespmem:$0x1F600] =	vst v63  }
0x15: {  	_ = 	snop  }
0x16: {  	[tilespmem:s14], [sflag:$0x2] =	stream.linear.gather [hbm4b:s6+s3], $0x100, $0x38;
	[tilespmem:$0x1F600] =	vst v63  }
0x17: {  	_ = 	snop  }
0x18: {  	[tilespmem:s15], [sflag:$0x3] =	stream.linear.gather [hbm4b:s7+s3], $0x100, $0x38;
	[tilespmem:$0x1F600] =	vst v63  }
0x19: {  	_ = 	snop  }
0x1a: {  	[tilespmem:s16], [sflag:$0x4] =	stream.linear.gather [hbm4b:s8+s3], $0x100, $0x38;
	[tilespmem:$0x1F600] =	vst v63  }
0x1b: {  	[spmem:s17], [sflag:s10] =	dma.local [hbm:s9], $0x2780  }
0x1c: {  	_ =	swait.ge [sflag:s18], $0x2780  }
0x1d: {  	[sflag:s18] =	ssyncset.done $0x0  }
0x1e: {  	[sflag:s18] =	ssyncadd.s32 $0xFFFFD880  }
0x1f: {  	[bflag:$0x0] =	sbarrier.arrive $0xFFFF  }
0x20: {  	_ =	swait.ge [sflag:s19], $0x100  }
0x21: {  	[sflag:s19] =	ssyncset.done $0x0  }
0x22: {  	[sflag:s19] =	ssyncadd.s32 $0xFFFFFF00  }
0x23: {  	[tilespmem:s21], [sflag:$0x7] =	stream.indirect.gather [hbm4b:s4+s20], $0x80, s3, s20, $0xb8;
	[tilespmem:$0x1F600] =	vst v63  }
0x24: {  	_ =	swait.ge [sflag:s22], $0x100  }
0x25: {  	[sflag:s22] =	ssyncset.done $0x0  }
0x26: {  	s26 =	smov.u32 s13;
	s28 =	simm.s32 $0x0;
	[sflag:s22] =	ssyncadd.s32 $0xFFFFFF00  }
0x27: {  	[tilespmem:s23], [sflag:$0x8] =	stream.indirect.gather [hbm4b:s4+s20], $0x80, s14, s20, $0xb8;
	[tilespmem:$0x1F600] =	vst v63  }
.LBB2_2:
0x28: {  	s29 =	smul.u32 $0xAB, s28  }
0x29: {  	p0 =	sgt.u32 s28, $0x51  }
0x2a: {  	s0 =	sadd.s32 @!p0 $0x4, s28;
	s30 =	sshrl.u32 s29, $0x9  }
0x2b: {  	s29 =	sshrl.u32 s29, $0xA;
	s1 =	smul.u32 @!p0 $0xAB, s0;
	s30 =	sand.u32 $0x7F, s30  }
0x2c: {  	s29 =	sand.u32 $0x3F, s29;
	s30 =	smul.u32 $0x3, s30  }
0x2d: {  	s29 =	smul.u32 $0x6, s29;
	s1 =	sshrl.u32 @!p0 s1, $0xA  }
0x2e: {  	p1 =	seq.s32 @!p0 s28, $0x0;
	s1 =	sand.u32 @!p0 $0x3F, s1;
	s30 =	ssub.s32 s28, s30  }
0x2f: {  	s29 =	ssub.s32 s28, s29;
	s1 =	smul.u32 @!p0 $0x6, s1;
	s30 =	sand.u32 $0xFF, s30  }
0x30: {  	s29 =	sand.u32 $0xFF, s29;
	s31 =	sadd.s32 $0x7, s30;
	s30 =	smul.u32 $0xF000, s30  }
0x31: {  	s29 =	sshll.u32 s29, $0x8;
	s0 =	ssub.s32 @!p0 s0, s1;
	_ =	swait.ge [sflag:s31], $0x3C00  }
0x32: {  	s29 =	sor.u32 $0x80, s29;
	[sflag:s31] =	ssyncset.done $0x0;
	s30 =	sshrl.u32 s30, $0x2  }
0x33: {  	s0 =	sand.u32 @!p0 $0xFF, s0;
	[sflag:s31] =	ssyncadd.s32 $0xFFFFC400;
	s30 =	sadd.s32 $0x600, s30  }
0x34: {  	[spmem:s2] =	stream.indirect.scatter.add.f32 [tilespmem:s30], [sflag:$0xA], $0x80, s29, s20, $0xb8;
	[tilespmem:$0x1F600] =	vst v63  }
0x35: {  	s1 =	sshll.u32 @!p0 s0, $0x8;
	s0 =	sadd.s32 @!p0 $0x1, s0;
	s29 =	simm.s32 @!p0 $0x0  }
0x36: {  	[tilespmem:s1], [sflag:s0] =	stream.linear.gather @!p0 [hbm4b:s26+s29], $0x100, $0x38;
	[tilespmem:$0x1F600] =	vst v63  }
0x37: {  	p0 =	por p0, !p1  }
0x38: {  	s0 =	simm.s32 @p0 $0xA  }
0x39: {  	p1 =	sgt.u32 @p0 s28, $0x53;
	_ =	swait.ge @p0 [sflag:s0], $0x3C00  }
0x3a: {  	p1 =	por !p0, !p1;
	[sflag:s0] =	ssyncset.done @p0 $0x0  }
0x3b: {  	[sflag:s0] =	ssyncadd.s32 @p0 $0xFFFFC400;
	s0 =	sadd.s32 @p1 $0x2, s28  }
0x3c: {  	s1 =	sand.u32 @p1 $0xFF, s0  }
0x3d: {  	s1 =	smul.u32 @p1 $0xAB, s1;
	_ =	sdelay $0x1  }
0x3e: {  	s29 =	sshrl.u32 @p1 s1, $0xA  }
0x3f: {  	s1 =	sshrl.u32 @p1 s1, $0x9;
	s29 =	smul.u32 @p1 $0x6, s29  }
0x40: {  	s1 =	smul.u32 @p1 $0x3, s1;
	_ =	sdelay $0x1  }
0x41: {  	s29 =	ssub.s32 @p1 s0, s29;
	s0 =	ssub.s32 @p1 s0, s1  }
0x42: {  	s28 =	sadd.s32 $0x1, s28;
	s29 =	sand.u32 @p1 $0xFF, s29;
	s0 =	sand.u32 @p1 $0xFF, s0  }
0x43: {  	p0 =	sne.s32 s28, $0x56;
	s1 =	sadd.s32 @p1 $0x1, s29;
	s30 =	smul.u32 @p1 $0xF000, s0  }
.Ltmp0:
0x44: {  	_ =	swait.ge @p1 [sflag:s1], $0x100;
	(pc) =	sbr.rel @p0 .LBB2_2-.Ltmp0, $4  }
0x45: {  	[sflag:s1] =	ssyncset.done @p1 $0x0  }
0x46: {  	s26 =	sadd.s32 $0x20, s26;
	[sflag:s1] =	ssyncadd.s32 @p1 $0xFFFFFF00;
	s1 =	sshrl.u32 @p1 s30, $0x2  }
0x47: {  	s29 =	sshll.u32 @p1 s29, $0x8;
	s0 =	sadd.s32 @p1 $0x7, s0;
	s1 =	sadd.s32 @p1 $0x600, s1  }
0x48: {  	[tilespmem:s1], [sflag:s0] =	stream.indirect.gather @p1 [hbm4b:s4+s20], $0x80, s29, s20, $0xb8;
	[tilespmem:$0x1F600] =	vst v63  }
0x49: {  	_ =	swait.ge [sflag:s24], $0x3C00  }
0x4a: {  	s25 =	sadd.s32 $0x1, s25;
	[sflag:s24] =	ssyncset.done $0x0  }
0x4b: {  	p0 =	sne.s32 s25, s12;
	[sflag:s24] =	ssyncadd.s32 $0xFFFFC400  }
.Ltmp1:
0x4c: {  	[bflag:$0x0] =	sbarrier.arrive $0xFFFF;
	(pc) =	sbr.rel @p0 .LBB2_1-.Ltmp1, $4  }
0x4d: {  	[hbm:s11], [sflag:s10] =	dma.local [spmem:s17], $0x2780  }
0x4e: {  	_ =	swait.ge [sflag:s18], $0x2780  }
0x4f: {  	[sflag:s18] =	ssyncset.done $0x0  }
0x50: {  	[sflag:s18] =	ssyncadd.s32 $0xFFFFD880  }
0x51: {  	_ =	sfence.sel $0x180000  }
0x52: {  	[bflag:$0x0] =	sbarrier.arrive $0xFFFF  }
0x53: {  	_ =	strace $0x90000050  }
0x54: {  	s0 =	stileid.u32;
	[bflag:$0x2] =	sbarrier.arrive $0xFFFF  }
0x55: {  	p0 =	sne.s32 s0, $0x0;
	s0 =	rddreg [dreg:$0x2]  }
0x56: {  	s0 =	sadd.s32 @!p0 $0x100000, s0  }
0x57: {  	[sflag:s0] =	ssyncadd.tile.s32 @!p0 $0x1;
	_ =	shalt  }
.Lfunc_end2:
_tile_overlayer_lowered:
.L_overlay_start_2:
0x58: {  	(tag) =	ssettag $0x2  }
0x59: {  	s0 =	rddreg [dreg:$0x0];
	s2 =	stileid.u32  }
0x5a: {  	s1 =	rddreg [dreg:$0x1];
	p0 =	sne.s32 s2, $0x0  }
0x5b: {  	s3 =	rddreg [dreg:$0x2];
	[bflag:$0x3] =	sbarrier.arrive $0xFFFF;
	s2 =	simm.s32 @!p0 $0x1C0B  }
0x5c: {  	[timem:s3], [sflag:s2] =	dma.local @!p0 [hbm:s0], s1  }
0x5d: {  	s0 =	simm.s32 @!p0 $0xB  }
0x5e: {  	_ =	swait.ge @!p0 [sflag:s0], s1  }
0x5f: {  	s1 =	ssub.s32 @!p0 $0x0, s1;
	[sflag:s0] =	ssyncset.done @!p0 $0x0  }
0x60: {  	[sflag:s0] =	ssyncadd.s32 @!p0 s1  }
0x61: {  	[bflag:$0x3] =	sbarrier.arrive $0xFFFF  }
0x62: {  	_ =	shalt  }

// kernel: kernel.25.cloned.1.call-start
scs
__scs_entry_jumppad:
0x0: {  	(pc) =	sbr.rel $0x88, $3  }
0x1: {  	(tag) =	ssettag $0x0;
	lr =	simm.s32 $0x1  }
0x2: {  	[smem:$0x3F91] =	sst lr;
	_ =	strace $0xD0000000  }
0x3: {  	_ = 	snop  }
0x4: {  	_ = 	snop  }
0x5: {  	_ = 	snop  }
0x6: {  	_ = 	snop  }
0x7: {  	_ = 	snop  }
__scs_overlays_trampoline_lowered:
0x8: {  	[smem:$0x3FA0] =	sst s0  }
0x9: {  	[smem:$0x3FA1] =	sst s1  }
0xa: {  	[smem:$0x3FA2] =	sst s2  }
0xb: {  	[smem:$0x3FA3] =	sst s3  }
0xc: {  	[smem:$0x3FA4] =	sst s4  }
0xd: {  	[smem:$0x3FA5] =	sst s5  }
0xe: {  	[smem:$0x3FA6] =	sst s6  }
0xf: {  	[smem:$0x3FA7] =	sst s7  }
0x10: {  	[smem:$0x3FA8] =	sst s8  }
0x11: {  	[smem:$0x3FA9] =	sst s9;
	s0 =	simm.s32 @!p0 $0x0  }
0x12: {  	s1 =	sld [smem:$0x3F8F];
	s0 =	simm.s32 @p0 $0x1  }
0x13: {  	[smem:$0x3FAA] =	sst s0;
	s0 =	simm.s32 @!p1 $0x0  }
0x14: {  	s2 =	sld [smem:$0x3F8E];
	s0 =	simm.s32 @p1 $0x1  }
0x15: {  	[smem:$0x3FAB] =	sst s0;
	s0 =	simm.s32 @!p2 $0x0  }
0x16: {  	s3 =	sld [smem:$0x3FDB];
	s0 =	simm.s32 @p2 $0x1  }
0x17: {  	s4 =	simm.s32 $0x1BF5;
	[smem:$0x3FAD] =	sst s0  }
0x18: {  	s0 =	sld [smem:$0x3F90];
	_ =	swait.ge [sflag:s4], $0x0  }
0x19: {  	s7 =	sld [smem:$0x3F91]  }
0x1a: {  	s8 =	sadd.s32 $0xFFFFE003, lr  }
0x1b: {  	s9 =	sadd.s32 $0xFFFFFEF7, lr;
	s5 =	simm.s32 $0xFFFFFFFF;
	p2 =	slt.u32 s8, $0xFFFFF086  }
0x1c: {  	p1 =	slt.u32 s9, $0xF7A;
	s5 =	simm.s32 @!p2 $0x0  }
0x1d: {  	s5 =	simm.s32 @p1 $0x1;
	p0 =	seq.s32 s7, s2  }
0x1e: {  	s7 =	smul.u32 @!p0 $0xF7A, s2;
	p2 =	seq.s32 @!p0 s5, $0x0  }
0x1f: {  	s9 =	smul.u32 $0xF7A, s1;
	s8 =	simm.s32 @!p0 $0x1BF5;
	p2 =	por !p2, p0  }
0x20: {  	[sflag:s8] =	ssyncset.s32 @!p0 $0xFFFFF086;
	s6 =	sadd.s32 @!p0 s3, s7;
	s7 =	simm.s32 @!p0 $0x108  }
0x21: {  	s3 =	sadd.s32 s3, s9;
	s6 =	sadd.s32 @!p0 $0x88, s6;
	s7 =	simm.s32 @p2 $0x1082  }
0x22: {  	[simem:s7], [sflag:s8] =	dma.local @!p0 [hbm:s6], $0xF7A  }
0x23: {  	s9 =	sor.u32 $0xD0000000, s2;
	s6 =	simm.s32 $0x108;
	_ =	swait.ge @!p0 [sflag:s8], $0x0  }
0x24: {  	s3 =	sadd.s32 $0x88, s3;
	s6 =	simm.s32 @!p1 $0x1082;
	[sflag:s4] =	ssyncset.s32 $0xFFFFF086  }
0x25: {  	[simem:s6], [sflag:s4] =	dma.local [hbm:s3], $0xF7A  }
0x26: {  	[smem:$0x3F91] =	sst s1;
	(tag) =	ssettag s2;
	_ =	strace s9  }
0x27: {  	s1 =	sld [smem:$0x3FA1]  }
0x28: {  	s2 =	sld [smem:$0x3FA2]  }
0x29: {  	s4 =	sld [smem:$0x3FA4]  }
0x2a: {  	p0 =	seq.s32 s5, $0x0;
	s5 =	sld [smem:$0x3FA5]  }
0x2b: {  	s6 =	sld [smem:$0x3FA6]  }
0x2c: {  	s7 =	sld [smem:$0x3FA7]  }
0x2d: {  	s3 =	simm.s32 $0x108;
	s8 =	sld [smem:$0x3FA8]  }
0x2e: {  	s3 =	simm.s32 @!p0 $0x1082;
	s9 =	sld [smem:$0x3FA9]  }
0x2f: {  	lr =	sadd.s32 s0, s3;
	s0 =	sld [smem:$0x3FA0]  }
0x30: {  	s3 =	sld [smem:$0x3FA3]  }
0x31: {  	[smem:$0x3FAC] =	sst s10  }
0x32: {  	s10 =	sld [smem:$0x3FAA];
	_ =	sdelay $0x3  }
0x33: {  	p0 =	seq.s32 s10, $0x1;
	s10 =	sld [smem:$0x3FAC];
	_ =	sdelay $0x3  }
0x34: {  	[smem:$0x3FAC] =	sst s10  }
0x35: {  	s10 =	sld [smem:$0x3FAB];
	_ =	sdelay $0x3  }
0x36: {  	p1 =	seq.s32 s10, $0x1;
	s10 =	sld [smem:$0x3FAC];
	_ =	sdelay $0x3  }
0x37: {  	[smem:$0x3FAC] =	sst s10  }
0x38: {  	s10 =	sld [smem:$0x3FAD]  }
0x39: {  	_ = 	snop;
	(pc) =	sbr.ind lr, $3  }
0x3a: {  	_ = 	snop  }
0x3b: {  	_ = 	snop  }
0x3c: {  	p2 =	seq.s32 s10, $0x1;
	s10 =	sld [smem:$0x3FAC]  }
0x3d: {  	_ =	shalt  }
0x3e: {  	_ =	shalt  }
0x3f: {  	_ =	shalt  }
0x40: {  	_ =	shalt  }
0x41: {  	_ =	shalt  }
0x42: {  	_ =	shalt  }
0x43: {  	_ =	shalt  }
0x44: {  	_ =	shalt  }
0x45: {  	_ =	shalt  }
0x46: {  	_ =	shalt  }
0x47: {  	_ =	shalt  }
0x48: {  	_ =	shalt  }
0x49: {  	_ =	shalt  }
0x4a: {  	_ =	shalt  }
0x4b: {  	_ =	shalt  }
0x4c: {  	_ =	shalt  }
0x4d: {  	_ =	shalt  }
0x4e: {  	_ =	shalt  }
0x4f: {  	_ =	shalt  }
0x50: {  	_ =	shalt  }
0x51: {  	_ =	shalt  }
0x52: {  	_ =	shalt  }
0x53: {  	_ =	shalt  }
0x54: {  	_ =	shalt  }
0x55: {  	_ =	shalt  }
0x56: {  	_ =	shalt  }
0x57: {  	_ =	shalt  }
0x58: {  	_ =	shalt  }
0x59: {  	_ =	shalt  }
0x5a: {  	_ =	shalt  }
0x5b: {  	_ =	shalt  }
0x5c: {  	_ =	shalt  }
0x5d: {  	_ =	shalt  }
0x5e: {  	_ =	shalt  }
0x5f: {  	_ =	shalt  }
0x60: {  	_ =	shalt  }
0x61: {  	_ =	shalt  }
0x62: {  	_ =	shalt  }
0x63: {  	_ =	shalt  }
0x64: {  	_ =	shalt  }
0x65: {  	_ =	shalt  }
0x66: {  	_ =	shalt  }
0x67: {  	_ =	shalt  }
0x68: {  	_ =	shalt  }
0x69: {  	_ =	shalt  }
0x6a: {  	_ =	shalt  }
0x6b: {  	_ =	shalt  }
0x6c: {  	_ =	shalt  }
0x6d: {  	_ =	shalt  }
0x6e: {  	_ =	shalt  }
0x6f: {  	_ =	shalt  }
0x70: {  	_ =	shalt  }
0x71: {  	_ =	shalt  }
0x72: {  	_ =	shalt  }
0x73: {  	_ =	shalt  }
0x74: {  	_ =	shalt  }
0x75: {  	_ =	shalt  }
0x76: {  	_ =	shalt  }
0x77: {  	_ =	shalt  }
0x78: {  	_ =	shalt  }
0x79: {  	_ =	shalt  }
0x7a: {  	_ =	shalt  }
0x7b: {  	_ =	shalt  }
0x7c: {  	_ =	shalt  }
0x7d: {  	_ =	shalt  }
0x7e: {  	_ =	shalt  }
0x7f: {  	_ =	shalt  }
0x80: {  	_ =	shalt  }
0x81: {  	_ =	shalt  }
0x82: {  	_ =	shalt  }
0x83: {  	_ =	shalt  }
0x84: {  	_ =	shalt  }
0x85: {  	_ =	shalt  }
0x86: {  	_ =	shalt  }
0x87: {  	_ =	shalt  }
.Lfunc_end0:
.L_simem_size_0:
called_computation.4_lowered:
.L_overlay_start_0:
0x88: {  	s2 =	sld [smem:$0x3FD9]  }
0x89: {  	s3 =	sld [smem:$0x3FFE];
	_ =	sdelay $0x1  }
0x8a: {  	s1 =	srdreg.scid  }
0x8b: {  	s0 =	sand.u32 $0x1, s1  }
0x8c: {  	s16 =	sshll.u32 s0, $0xA;
	s2 =	sadd.s32 s3, s2  }
0x8d: {  	s2 =	sadd.s32 s2, s16  }
0x8e: {  	[smem:$0x3FB8] =	sst s2  }
0x8f: {  	_ = 	snop  }
0x90: {  	(tm) =	ssettm $0x1  }
0x91: {  	s17 =	sld [smem:$0x3FFB];
	_ =	sdelay $0x3  }
0x92: {  	_ =	strace s17  }
0x93: {  	s2 =	sld [smem:$0x3FFC];
	_ =	sdelay $0x3  }
0x94: {  	_ =	strace s2  }
0x95: {  	s2 =	sld [smem:$0x3FFD];
	_ =	sdelay $0x3  }
0x96: {  	_ =	strace s2  }
0x97: {  	_ =	strace $0x8FFFFFFF  }
0x98: {  	s18 =	sld [smem:$0x3FDB];
	_ =	sdelay $0x1  }
0x99: {  	s19 =	simm.s32 $_scs_section_size  }
0x9a: {  	s4 =	simm.s32 $_size__tile_overlayer_lowered;
	s5 =	simm.s32 $_tile_overlayer_lowered  }
0x9b: {  	s22 =	simm.s32 $0x1BFF;
	s21 =	sshll.u32 s5, $0x1;
	s2 =	sadd.s32 s19, s18  }
0x9c: {  	s6 =	simm.s32 $0x0;
	s20 =	sshll.u32 s4, $0x1;
	s4 =	sadd.s32 s21, s2  }
0x9d: {  	[timem:s6], [sflag:s22] =	dma.local [hbm:s4], s20  }
0x9e: {  	_ =	swait.ge [sflag:s22], s20  }
0x9f: {  	s3 =	ssub.s32 $0x0, s20;
	[sflag:s22] =	ssyncset.done $0x0  }
0xa0: {  	[sflag:s22] =	ssyncadd.s32 s3;
	_ =	sdelay $0x1  }
0xa1: {  	s23 =	simm.s32 $0x1B8B  }
0xa2: {  	_ =	swait.ge [sflag:s23], $0x1  }
0xa3: {  	[sflag:s23] =	ssyncset.done $0x0  }
0xa4: {  	s25 =	simm.s32 $0x1B8E;
	s24 =	sld [smem:$0x3FFE];
	[sflag:s23] =	ssyncadd.s32 $0xFFFFFFFF  }
0xa5: {  	s26 =	simm.s32 $execute0_lowered;
	[smem:$0x3FD2] =	sst s25  }
0xa6: {  	s4 =	sshll.u32 s26, $0x1;
	_ =	strace $0x80000052;
	[dreg:$0x1] =	wrdreg $0xFFFFFFFF  }
0xa7: {  	s28 =	simm.s32 $_size_execute0_lowered;
	s2 =	sadd.s32 s2, s4;
	[dreg:$0x0] =	wrdreg $0x0  }
0xa8: {  	s4 =	sshll.u32 s28, $0x1;
	[dreg:$0x2] =	wrdreg s2  }
0xa9: {  	[dreg:$0x3] =	wrdreg s4  }
0xaa: {  	[dreg:$0x4] =	wrdreg $0xC0  }
0xab: {  	_ =	task [dreg:s6], $0x5FFFF  }
0xac: {  	[dreg:$0x1] =	wrdreg $0xFFFFFFFF  }
0xad: {  	[dreg:$0x0] =	wrdreg $0x60  }
0xae: {  	[dreg:$0x2] =	wrdreg s24  }
0xaf: {  	[dreg:$0x3] =	wrdreg $0xBA000  }
0xb0: {  	[dreg:$0x4] =	wrdreg $0x9  }
0xb1: {  	_ =	task.clear_ibuf [dreg:s6], $0x5FFFF;
	_ =	strace $0x90000052  }
0xb2: {  	s29 =	simm.s32 $0x9;
	_ =	strace $0x80000054  }
0xb3: {  	_ =	swait.ge [sflag:s29], $0x1  }
0xb4: {  	[sflag:s29] =	ssyncadd.s32 $0xFFFFFFFF  }
0xb5: {  	_ =	strace $0x90000054  }
0xb6: {  	_ =	sfence  }
0xb7: {  	s30 =	sld [smem:$0x0];
	_ =	sdelay $0x2  }
0xb8: {  	s31 =	sshll.u32 s1, $0xD;
	s1 =	sshrl.u32 s1, $0x2  }
0xb9: {  	s3 =	sand.u32 $0x4000, s31;
	s1 =	sadd.s32 s1, s30  }
0xba: {  	s0 =	sor.u32 s3, s0;
	s1 =	sshll.u32 s1, $0x11  }
0xbb: {  	s0 =	sor.u32 s1, s0  }
0xbc: {  	s0 =	sadd.s32 $0x8F2B, s0  }
0xbd: {  	[sflag:s0] =	ssyncadd.remote.s32 $0x1  }
0xbe: {  	_ =	sfence.sel $0xFFFF  }
0xbf: {  	[dreg:$0x0] =	wrdreg $0xFFFFFFFF;
	(pc) =	sbr.abs _section_cstart, $3  }
0xc0: {  	[dreg:$0x1] =	wrdreg $0xFFFFFFFF  }
0xc1: {  	_ =	task.clear_ibuf [dreg:s6], $0x2FFFF;
	_ =	strace $0x9FFFFFFF  }
0xc2: {  	(tm) =	ssettm $0x7FFFFFFF  }
0xc3: {  	_ =	shalt  }
tec
execute0_lowered:
.L_overlay_start_1:
0x0: {  	(tag) =	ssettag $0x1  }
0x1: {  	s5 =	rddreg [dreg:$0x0]  }
0x2: {  	s2 =	rddreg [dreg:$0x1];
	s0 =	stileid.u32  }
0x3: {  	s4 =	srdreg.scid;
	s3 =	simm.s32 $0x0;
	s16 =	simm.s32 $0x300  }
0x4: {  	s18 =	simm.s32 $0xB;
	s19 =	simm.s32 $0x1;
	s20 =	simm.s32 $0x78  }
0x5: {  	s21 =	simm.s32 $0x600;
	s22 =	simm.s32 $0x2;
	s23 =	simm.s32 $0x4200  }
0x6: {  	s24 =	simm.s32 $0xA;
	s25 =	simm.s32 $0x0;
	s6 =	smul.u32 $0x13C00, s0  }
0x7: {  	s7 =	sand.u32 $0x1, s4;
	[smem:$0x7FF] =	sst s3;
	s12 =	smul.u32 $0x4F000, s0  }
0x8: {  	s4 =	sadd.s32 $0x1C800, s5;
	s13 =	sadd.s32 $0x7000, s5;
	s14 =	smul.u32 $0x5600, s0  }
0x9: {  	s31 =	sshll.u32 s0, $0x6;
	s8 =	smul.u32 $0x13C000, s7;
	_ =	strace $0x80000053  }
0xa: {  	s9 =	sshll.u32 s7, $0x4;
	s26 =	ssub.s32 $0x2, s7;
	s29 =	smul.u32 $0x56000, s7  }
0xb: {  	s9 =	sor.u32 s0, s9;
	s30 =	sshrl.u32 s26, $0x1;
	s12 =	sshrl.u32 s12, $0x2  }
0xc: {  	s8 =	sadd.s32 s6, s8;
	s6 =	sshrl.u32 s6, $0x3;
	s9 =	smul.u32 $0x5600, s9  }
0xd: {  	s15 =	ssub.s32 s26, s30;
	s17 =	sadd.s32 s12, s2;
	s8 =	sshrl.u32 s8, $0x3  }
0xe: {  	s10 =	sadd.s32 s6, s5;
	s12 =	smax.u32 s15, $0x1;
	s15 =	simm.s32 $0x200  }
0xf: {  	s17 =	sshrl.u32 s17, $0x3;
	s28 =	sshrl.u32 s9, $0x3;
	s9 =	sadd.s32 s14, s29  }
0x10: {  	s11 =	sadd.s32 s8, s5;
	s5 =	sadd.s32 s13, s28;
	s14 =	sadd.s32 $0x400, s9  }
0x11: {  	s9 =	sadd.s32 $0x43A00, s10;
	s10 =	sor.u32 $0x1C0B, s31;
	s11 =	sadd.s32 $0x6B200, s11  }
0x12: {  	s6 =	sadd.s32 $0x20, s5;
	s7 =	sadd.s32 $0x40, s5;
	s14 =	sshrl.u32 s14, $0x3  }
0x13: {  	s8 =	sadd.s32 $0x60, s5;
	s13 =	sadd.s32 s14, s13;
	s14 =	simm.s32 $0x100  }
.LBB2_1:
0x14: {  	[tilespmem:s3], [sflag:$0x1] =	stream.linear.gather [hbm4b:s5+s3], $0x100, $0x38;
	[tilespmem:$0x1F600] =	vst v63  }
0x15: {  	_ = 	snop  }
0x16: {  	[tilespmem:s14], [sflag:$0x2] =	stream.linear.gather [hbm4b:s6+s3], $0x100, $0x38;
	[tilespmem:$0x1F600] =	vst v63  }
0x17: {  	_ = 	snop  }
0x18: {  	[tilespmem:s15], [sflag:$0x3] =	stream.linear.gather [hbm4b:s7+s3], $0x100, $0x38;
	[tilespmem:$0x1F600] =	vst v63  }
0x19: {  	_ = 	snop  }
0x1a: {  	[tilespmem:s16], [sflag:$0x4] =	stream.linear.gather [hbm4b:s8+s3], $0x100, $0x38;
	[tilespmem:$0x1F600] =	vst v63  }
0x1b: {  	[spmem:s17], [sflag:s10] =	dma.local [hbm:s9], $0x2780  }
0x1c: {  	_ =	swait.ge [sflag:s18], $0x2780  }
0x1d: {  	[sflag:s18] =	ssyncset.done $0x0  }
0x1e: {  	[sflag:s18] =	ssyncadd.s32 $0xFFFFD880  }
0x1f: {  	[bflag:$0x0] =	sbarrier.arrive $0xFFFF  }
0x20: {  	_ =	swait.ge [sflag:s19], $0x100  }
0x21: {  	[sflag:s19] =	ssyncset.done $0x0  }
0x22: {  	[sflag:s19] =	ssyncadd.s32 $0xFFFFFF00  }
0x23: {  	[tilespmem:s21], [sflag:$0x7] =	stream.indirect.gather [hbm4b:s4+s20], $0x80, s3, s20, $0xb8;
	[tilespmem:$0x1F600] =	vst v63  }
0x24: {  	_ =	swait.ge [sflag:s22], $0x100  }
0x25: {  	[sflag:s22] =	ssyncset.done $0x0  }
0x26: {  	s26 =	smov.u32 s13;
	s28 =	simm.s32 $0x0;
	[sflag:s22] =	ssyncadd.s32 $0xFFFFFF00  }
0x27: {  	[tilespmem:s23], [sflag:$0x8] =	stream.indirect.gather [hbm4b:s4+s20], $0x80, s14, s20, $0xb8;
	[tilespmem:$0x1F600] =	vst v63  }
.LBB2_2:
0x28: {  	s29 =	smul.u32 $0xAB, s28  }
0x29: {  	p0 =	sgt.u32 s28, $0x51  }
0x2a: {  	s0 =	sadd.s32 @!p0 $0x4, s28;
	s30 =	sshrl.u32 s29, $0x9  }
0x2b: {  	s29 =	sshrl.u32 s29, $0xA;
	s1 =	smul.u32 @!p0 $0xAB, s0;
	s30 =	sand.u32 $0x7F, s30  }
0x2c: {  	s29 =	sand.u32 $0x3F, s29;
	s30 =	smul.u32 $0x3, s30  }
0x2d: {  	s29 =	smul.u32 $0x6, s29;
	s1 =	sshrl.u32 @!p0 s1, $0xA  }
0x2e: {  	p1 =	seq.s32 @!p0 s28, $0x0;
	s1 =	sand.u32 @!p0 $0x3F, s1;
	s30 =	ssub.s32 s28, s30  }
0x2f: {  	s29 =	ssub.s32 s28, s29;
	s1 =	smul.u32 @!p0 $0x6, s1;
	s30 =	sand.u32 $0xFF, s30  }
0x30: {  	s29 =	sand.u32 $0xFF, s29;
	s31 =	sadd.s32 $0x7, s30;
	s30 =	smul.u32 $0xF000, s30  }
0x31: {  	s29 =	sshll.u32 s29, $0x8;
	s0 =	ssub.s32 @!p0 s0, s1;
	_ =	swait.ge [sflag:s31], $0x3C00  }
0x32: {  	s29 =	sor.u32 $0x80, s29;
	[sflag:s31] =	ssyncset.done $0x0;
	s30 =	sshrl.u32 s30, $0x2  }
0x33: {  	s0 =	sand.u32 @!p0 $0xFF, s0;
	[sflag:s31] =	ssyncadd.s32 $0xFFFFC400;
	s30 =	sadd.s32 $0x600, s30  }
0x34: {  	[spmem:s2] =	stream.indirect.scatter.add.f32 [tilespmem:s30], [sflag:$0xA], $0x80, s29, s20, $0xb8;
	[tilespmem:$0x1F600] =	vst v63  }
0x35: {  	s1 =	sshll.u32 @!p0 s0, $0x8;
	s0 =	sadd.s32 @!p0 $0x1, s0;
	s29 =	simm.s32 @!p0 $0x0  }
0x36: {  	[tilespmem:s1], [sflag:s0] =	stream.linear.gather @!p0 [hbm4b:s26+s29], $0x100, $0x38;
	[tilespmem:$0x1F600] =	vst v63  }
0x37: {  	p0 =	por p0, !p1  }
0x38: {  	s0 =	simm.s32 @p0 $0xA  }
0x39: {  	p1 =	sgt.u32 @p0 s28, $0x53;
	_ =	swait.ge @p0 [sflag:s0], $0x3C00  }
0x3a: {  	p1 =	por !p0, !p1;
	[sflag:s0] =	ssyncset.done @p0 $0x0  }
0x3b: {  	[sflag:s0] =	ssyncadd.s32 @p0 $0xFFFFC400;
	s0 =	sadd.s32 @p1 $0x2, s28  }
0x3c: {  	s1 =	sand.u32 @p1 $0xFF, s0  }
0x3d: {  	s1 =	smul.u32 @p1 $0xAB, s1;
	_ =	sdelay $0x1  }
0x3e: {  	s29 =	sshrl.u32 @p1 s1, $0xA  }
0x3f: {  	s1 =	sshrl.u32 @p1 s1, $0x9;
	s29 =	smul.u32 @p1 $0x6, s29  }
0x40: {  	s1 =	smul.u32 @p1 $0x3, s1;
	_ =	sdelay $0x1  }
0x41: {  	s29 =	ssub.s32 @p1 s0, s29;
	s0 =	ssub.s32 @p1 s0, s1  }
0x42: {  	s28 =	sadd.s32 $0x1, s28;
	s29 =	sand.u32 @p1 $0xFF, s29;
	s0 =	sand.u32 @p1 $0xFF, s0  }
0x43: {  	p0 =	sne.s32 s28, $0x56;
	s1 =	sadd.s32 @p1 $0x1, s29;
	s30 =	smul.u32 @p1 $0xF000, s0  }
.Ltmp0:
0x44: {  	_ =	swait.ge @p1 [sflag:s1], $0x100;
	(pc) =	sbr.rel @p0 .LBB2_2-.Ltmp0, $4  }
0x45: {  	[sflag:s1] =	ssyncset.done @p1 $0x0  }
0x46: {  	s26 =	sadd.s32 $0x20, s26;
	[sflag:s1] =	ssyncadd.s32 @p1 $0xFFFFFF00;
	s1 =	sshrl.u32 @p1 s30, $0x2  }
0x47: {  	s29 =	sshll.u32 @p1 s29, $0x8;
	s0 =	sadd.s32 @p1 $0x7, s0;
	s1 =	sadd.s32 @p1 $0x600, s1  }
0x48: {  	[tilespmem:s1], [sflag:s0] =	stream.indirect.gather @p1 [hbm4b:s4+s20], $0x80, s29, s20, $0xb8;
	[tilespmem:$0x1F600] =	vst v63  }
0x49: {  	_ =	swait.ge [sflag:s24], $0x3C00  }
0x4a: {  	s25 =	sadd.s32 $0x1, s25;
	[sflag:s24] =	ssyncset.done $0x0  }
0x4b: {  	p0 =	sne.s32 s25, s12;
	[sflag:s24] =	ssyncadd.s32 $0xFFFFC400  }
.Ltmp1:
0x4c: {  	[bflag:$0x0] =	sbarrier.arrive $0xFFFF;
	(pc) =	sbr.rel @p0 .LBB2_1-.Ltmp1, $4  }
0x4d: {  	[hbm:s11], [sflag:s10] =	dma.local [spmem:s17], $0x2780  }
0x4e: {  	_ =	swait.ge [sflag:s18], $0x2780  }
0x4f: {  	[sflag:s18] =	ssyncset.done $0x0  }
0x50: {  	[sflag:s18] =	ssyncadd.s32 $0xFFFFD880  }
0x51: {  	_ =	sfence.sel $0x180000  }
0x52: {  	[bflag:$0x0] =	sbarrier.arrive $0xFFFF  }
0x53: {  	_ =	strace $0x90000053  }
0x54: {  	s0 =	stileid.u32;
	[bflag:$0x2] =	sbarrier.arrive $0xFFFF  }
0x55: {  	p0 =	sne.s32 s0, $0x0;
	s0 =	rddreg [dreg:$0x2]  }
0x56: {  	s0 =	sadd.s32 @!p0 $0x100000, s0  }
0x57: {  	[sflag:s0] =	ssyncadd.tile.s32 @!p0 $0x1;
	_ =	shalt  }
.Lfunc_end2:
_tile_overlayer_lowered:
.L_overlay_start_2:
0x58: {  	(tag) =	ssettag $0x2  }
0x59: {  	s0 =	rddreg [dreg:$0x0];
	s2 =	stileid.u32  }
0x5a: {  	s1 =	rddreg [dreg:$0x1];
	p0 =	sne.s32 s2, $0x0  }
0x5b: {  	s3 =	rddreg [dreg:$0x2];
	[bflag:$0x3] =	sbarrier.arrive $0xFFFF;
	s2 =	simm.s32 @!p0 $0x1C0B  }
0x5c: {  	[timem:s3], [sflag:s2] =	dma.local @!p0 [hbm:s0], s1  }
0x5d: {  	s0 =	simm.s32 @!p0 $0xB  }
0x5e: {  	_ =	swait.ge @!p0 [sflag:s0], s1  }
0x5f: {  	s1 =	ssub.s32 @!p0 $0x0, s1;
	[sflag:s0] =	ssyncset.done @!p0 $0x0  }
0x60: {  	[sflag:s0] =	ssyncadd.s32 @!p0 s1  }
0x61: {  	[bflag:$0x3] =	sbarrier.arrive $0xFFFF  }
0x62: {  	_ =	shalt  }

</sc_bundles>
